<compile_context>
chip_gen: v7x
topology: tpu7x:2x2x1
jax: 0.10.2.dev20260603
libtpu: 0.0.44.dev20260713+nightly
codegen_flags: <defaults>
</compile_context>

<pallas_src>
import jax
import jax.numpy as jnp
from jax import lax
from jax.experimental import pallas as pl
from jax.experimental.pallas import tpu as pltpu
from jax.experimental.pallas import tpu_sc as plsc

NUM_USERS = 1000000
NUM_ITEMS = 1000000
EMBED_DIM = 32
BATCH = 16384

NC, NS, L = 2, 16, 16
NW = NC * NS
B_PER_W = BATCH // NW
C = 64
PASSES = B_PER_W // C


def _body(user_ref, item_ref, ut_ref, it_ref, out_ref,
          idx_u, idx_i, buf_u, buf_i, out_v, sem):
  wid = lax.axis_index("s") * NC + lax.axis_index("c")
  base = wid * B_PER_W

  pltpu.sync_copy(user_ref.at[pl.ds(base, B_PER_W)], idx_u)
  pltpu.sync_copy(item_ref.at[pl.ds(base, B_PER_W)], idx_i)

  lane = lax.iota(jnp.int32, L)

  def one_pass(p, _):
    pb = p * C

    def fire_group(gg, _):
      vu = idx_u[pl.ds(pb + gg * L, L)]
      vi = idx_i[pl.ds(pb + gg * L, L)]
      for t in range(L):
        dst = (gg * L + t) * L
        ru = (vu[t] // L) * L
        ri = (vi[t] // L) * L
        pltpu.async_copy(ut_ref.at[:, :, pl.ds(ru, L)],
                         buf_u.at[:, :, pl.ds(dst, L)], sem)
        pltpu.async_copy(it_ref.at[:, :, pl.ds(ri, L)],
                         buf_i.at[:, :, pl.ds(dst, L)], sem)
      return _

    lax.fori_loop(0, C // L, fire_group, None)

    pltpu.make_async_copy(ut_ref.at[:, :, pl.ds(0, C * L)],
                          buf_u, sem).wait()
    pltpu.make_async_copy(it_ref.at[:, :, pl.ds(0, C * L)],
                          buf_i, sem).wait()

    def block(blk, _):
      b0 = pb + blk * L
      vu = idx_u[pl.ds(b0, L)]
      vi = idx_i[pl.ds(b0, L)]
      lidx_u = (blk * L + lane) * L + (vu % L)
      lidx_i = (blk * L + lane) * L + (vi % L)
      acc = jnp.zeros((L,), jnp.float32)
      for i in range(4):
        ii = jnp.full((L,), i, jnp.int32)
        for s in range(8):
          ss = jnp.full((L,), s, jnp.int32)
          u = plsc.load_gather(buf_u, [ii, ss, lidx_u])
          v = plsc.load_gather(buf_i, [ii, ss, lidx_i])
          acc = acc + u * v
      out_v[pl.ds(b0, L)] = acc
      return _

    lax.fori_loop(0, C // L, block, None)
    return _

  lax.fori_loop(0, PASSES, one_pass, None)

  pltpu.sync_copy(out_v, out_ref.at[pl.ds(base, B_PER_W)])


@jax.jit
def _scores(user_r, item_r, ut3, it3):
  mesh = plsc.VectorSubcoreMesh(core_axis_name="c", subcore_axis_name="s",
                                num_cores=NC, num_subcores=NS)
  return pl.kernel(
      _body,
      out_type=jax.ShapeDtypeStruct((BATCH,), jnp.float32),
      mesh=mesh,
      compiler_params=pltpu.CompilerParams(needs_layout_passes=False,
                                           use_tc_tiling_on_sc=True),
      scratch_types=[
          pltpu.VMEM((B_PER_W,), jnp.int32),
          pltpu.VMEM((B_PER_W,), jnp.int32),
          pltpu.VMEM((4, 8, C * L), jnp.float32),
          pltpu.VMEM((4, 8, C * L), jnp.float32),
          pltpu.VMEM((B_PER_W,), jnp.float32),
          pltpu.SemaphoreType.DMA,
      ],
  )(user_r, item_r, ut3, it3)


def kernel(user, item, user_table, item_table):
  ut3 = user_table.T.reshape(4, 8, NUM_USERS)
  it3 = item_table.T.reshape(4, 8, NUM_ITEMS)
  return _scores(user.astype(jnp.int32), item.astype(jnp.int32), ut3, it3)

# --- scband reference (transcript-rebuilt; emitter-appended) ---
"""Pipeline reference for scband-bprmf-12927851561629 (READ-ONLY COPY).

The authoritative reference and input builder live on the scoring server;
editing this copy changes nothing except your own understanding.
"""

import jax, jax.numpy as jnp
import numpy as np

NUM_USERS = 1000000
NUM_ITEMS = 1000000
EMBED_DIM = 32
BATCH = 16384

def setup_inputs(seed: int = 0) -> dict:
    key = jax.random.key(seed)
    k1, k2, k3, k4 = jax.random.split(key, 4)
    user = jax.random.randint(k1, (BATCH,), 0, NUM_USERS, dtype=jnp.int64 if jax.config.jax_enable_x64 else jnp.int32)
    item = jax.random.randint(k2, (BATCH,), 0, NUM_ITEMS, dtype=jnp.int64 if jax.config.jax_enable_x64 else jnp.int32)
    user_table = jax.random.normal(k3, (NUM_USERS, EMBED_DIM), dtype=jnp.float32) * 0.01
    item_table = jax.random.normal(k4, (NUM_ITEMS, EMBED_DIM), dtype=jnp.float32) * 0.01
    return {"user": user, "item": item, "user_table": user_table, "item_table": item_table}

def reference(user, item, user_table, item_table):
    # BPRMF.forward: embedding lookups + per-row dot product
    user_emb = jnp.take(user_table, user, axis=0)   # [B, D]
    item_emb = jnp.take(item_table, item, axis=0)   # [B, D]
    score = jnp.sum(user_emb * item_emb, axis=1)    # [B]
    return score

if __name__ == "__main__":
    import jax
    _d = setup_inputs()
    print(jax.jit(kernel)(*tuple(_d.values())))

</pallas_src>

<mosaic_0001>
#map = affine_map<(d0, d1) -> (0)>
#map1 = affine_map<(d0, d1) -> (0, 0, 0)>
module attributes {stable_mosaic.version = 14 : i64} {
  func.func @_body(%arg0: i32, %arg1: i32, %arg2: memref<16384xi32, #tpu.memory_space<hbm>>, %arg3: memref<16384xi32, #tpu.memory_space<hbm>>, %arg4: memref<4x8x1000000xf32, #tpu.memory_space<hbm>>, %arg5: memref<4x8x1000000xf32, #tpu.memory_space<hbm>>, %arg6: memref<16384xf32, #tpu.memory_space<hbm>>, %arg7: memref<512xi32, #tpu.memory_space<vmem>>, %arg8: memref<512xi32, #tpu.memory_space<vmem>>, %arg9: memref<4x8x1024xf32, #tpu.memory_space<vmem>>, %arg10: memref<4x8x1024xf32, #tpu.memory_space<vmem>>, %arg11: memref<512xf32, #tpu.memory_space<vmem>>, %arg12: memref<!tpu.dma_semaphore, #tpu.memory_space<semaphore_mem>>) attributes {dimension_semantics = [#tpu.dimension_semantics<core_parallel>, #tpu.dimension_semantics<subcore_parallel>], iteration_bounds = array<i64: 2, 16>, scalar_prefetch = 0 : i64, scratch_operands = 6 : i64, tpu.core_type = #tpu.core_type<sc_vector_subcore>, window_params = [{transform_indices = #map}, {transform_indices = #map}, {transform_indices = #map1}, {transform_indices = #map1}, {transform_indices = #map}]} {
    %mul3A = arith.constant 2 : i32
    %mul3A_0 = arith.muli %arg1, %mul3A : i32
    %add3A = arith.addi %mul3A_0, %arg0 : i32
    %mul3A_1 = arith.constant 512 : i32
    %mul3A_2 = arith.muli %add3A, %mul3A_1 : i32
    "tpu.region"() ({
      %run_scoped3A = tpu.sem_alloc : memref<!tpu.dma_semaphore, #tpu.memory_space<semaphore_mem>>
      %dma_start3A = tpu.memref_slice %arg2[%mul3A_2] : memref<16384xi32, #tpu.memory_space<hbm>> -> memref<512xi32, #tpu.memory_space<hbm>>
      %dma_start3A_7 = tpu.memref_slice %arg2[%mul3A_2] : memref<16384xi32, #tpu.memory_space<hbm>> -> memref<512xi32, #tpu.memory_space<hbm>>
      tpu.enqueue_dma source(%dma_start3A_7 : memref<512xi32, #tpu.memory_space<hbm>>) target(%arg7 : memref<512xi32, #tpu.memory_space<vmem>>) target_semaphore(%run_scoped3A : memref<!tpu.dma_semaphore, #tpu.memory_space<semaphore_mem>>)
      %dma_wait3A = tpu.memref_slice %arg2[%mul3A_2] : memref<16384xi32, #tpu.memory_space<hbm>> -> memref<512xi32, #tpu.memory_space<hbm>>
      %dma_wait3A_8 = tpu.memref_slice %arg2[%mul3A_2] : memref<16384xi32, #tpu.memory_space<hbm>> -> memref<512xi32, #tpu.memory_space<hbm>>
      tpu.wait_dma2 semaphore(%run_scoped3A : memref<!tpu.dma_semaphore, #tpu.memory_space<semaphore_mem>>) src(%dma_wait3A_8 : memref<512xi32, #tpu.memory_space<hbm>>) dst(%arg7 : memref<512xi32, #tpu.memory_space<vmem>>)
      tpu.yield
    }) : () -> ()
    "tpu.region"() ({
      %run_scoped3A = tpu.sem_alloc : memref<!tpu.dma_semaphore, #tpu.memory_space<semaphore_mem>>
      %dma_start3A = tpu.memref_slice %arg3[%mul3A_2] : memref<16384xi32, #tpu.memory_space<hbm>> -> memref<512xi32, #tpu.memory_space<hbm>>
      %dma_start3A_7 = tpu.memref_slice %arg3[%mul3A_2] : memref<16384xi32, #tpu.memory_space<hbm>> -> memref<512xi32, #tpu.memory_space<hbm>>
      tpu.enqueue_dma source(%dma_start3A_7 : memref<512xi32, #tpu.memory_space<hbm>>) target(%arg8 : memref<512xi32, #tpu.memory_space<vmem>>) target_semaphore(%run_scoped3A : memref<!tpu.dma_semaphore, #tpu.memory_space<semaphore_mem>>)
      %dma_wait3A = tpu.memref_slice %arg3[%mul3A_2] : memref<16384xi32, #tpu.memory_space<hbm>> -> memref<512xi32, #tpu.memory_space<hbm>>
      %dma_wait3A_8 = tpu.memref_slice %arg3[%mul3A_2] : memref<16384xi32, #tpu.memory_space<hbm>> -> memref<512xi32, #tpu.memory_space<hbm>>
      tpu.wait_dma2 semaphore(%run_scoped3A : memref<!tpu.dma_semaphore, #tpu.memory_space<semaphore_mem>>) src(%dma_wait3A_8 : memref<512xi32, #tpu.memory_space<hbm>>) dst(%arg8 : memref<512xi32, #tpu.memory_space<vmem>>)
      tpu.yield
    }) : () -> ()
    %iota3A = tpu.iota {dimensions = array<i32: 0>} : vector<16xi32>
    %scan3A = arith.constant 0 : i32
    %scan3A_3 = arith.constant 8 : i32
    %scan3A_4 = arith.addi %scan3A, %scan3A_3 : i32
    %scan3A_5 = arith.constant 1 : i32
    scf.for %scan3A_7 = %scan3A to %scan3A_4 step %scan3A_5  : i32 {
      %mul3A_8 = arith.constant 64 : i32
      %mul3A_9 = arith.muli %scan3A_7, %mul3A_8 : i32
      %scan3A_10 = arith.constant 0 : i32
      %scan3A_11 = arith.constant 4 : i32
      %scan3A_12 = arith.addi %scan3A_10, %scan3A_11 : i32
      %scan3A_13 = arith.constant 1 : i32
      scf.for %scan3A_35 = %scan3A_10 to %scan3A_12 step %scan3A_13  : i32 {
        %mul3A_36 = arith.constant 16 : i32
        %mul3A_37 = arith.muli %scan3A_35, %mul3A_36 : i32
        %add3A_38 = arith.addi %mul3A_9, %mul3A_37 : i32
        %get3A = arith.index_cast %add3A_38 : i32 to index
        %get3A_39 = tpu.vector_load %arg7[%get3A] {strides = array<i32>} : memref<512xi32, #tpu.memory_space<vmem>>, vector<16xi32>,
        %mul3A_40 = arith.constant 16 : i32
        %mul3A_41 = arith.muli %scan3A_35, %mul3A_40 : i32
        %add3A_42 = arith.addi %mul3A_9, %mul3A_41 : i32
        %get3A_43 = arith.index_cast %add3A_42 : i32 to index
        %get3A_44 = tpu.vector_load %arg8[%get3A_43] {strides = array<i32>} : memref<512xi32, #tpu.memory_space<vmem>>, vector<16xi32>,
        %mul3A_45 = arith.constant 16 : i32
        %mul3A_46 = arith.muli %scan3A_35, %mul3A_45 : i32
        %add3A_47 = arith.constant 0 : i32
        %add3A_48 = arith.addi %mul3A_46, %add3A_47 : i32
        %mul3A_49 = arith.constant 16 : i32
        %mul3A_50 = arith.muli %add3A_48, %mul3A_49 : i32
        %slice3A = vector.extract_strided_slice %get3A_39 {offsets = [0], sizes = [1], strides = [1]} : vector<16xi32> to vector<1xi32>
        %squeeze3A = vector.extract %slice3A[0] : i32 from vector<1xi32>
        %jit3A = arith.constant 16 : i32
        %div3A = arith.divsi %squeeze3A, %jit3A : i32
        %sign3A = arith.constant 0 : i32
        %sign3A_51 = arith.cmpi sgt, %squeeze3A, %sign3A : i32
        %sign3A_52 = arith.extui %sign3A_51 : i1 to i32
        %sign3A_53 = arith.constant 0 : i32
        %sign3A_54 = arith.cmpi slt, %squeeze3A, %sign3A_53 : i32
        %sign3A_55 = arith.extui %sign3A_54 : i1 to i32
        %sign3A_56 = arith.subi %sign3A_52, %sign3A_55 : i32
        %sign3A_57 = arith.constant 0 : i32
        %sign3A_58 = arith.cmpi sgt, %jit3A, %sign3A_57 : i32
        %sign3A_59 = arith.extui %sign3A_58 : i1 to i32
        %sign3A_60 = arith.constant 0 : i32
        %sign3A_61 = arith.cmpi slt, %jit3A, %sign3A_60 : i32
        %sign3A_62 = arith.extui %sign3A_61 : i1 to i32
        %sign3A_63 = arith.subi %sign3A_59, %sign3A_62 : i32
        %ne3A = arith.cmpi ne, %sign3A_56, %sign3A_63 : i32
        %rem3A = arith.remsi %squeeze3A, %jit3A : i32
        %ne3A_64 = arith.constant 0 : i32
        %ne3A_65 = arith.cmpi ne, %rem3A, %ne3A_64 : i32
        %and3A = arith.andi %ne3A, %ne3A_65 : i1
        %sub3A = arith.constant 1 : i32
        %sub3A_66 = arith.subi %div3A, %sub3A : i32
        %select_n3A = arith.select %and3A, %sub3A_66, %div3A : i32
        %mul3A_67 = arith.constant 16 : i32
        %mul3A_68 = arith.muli %select_n3A, %mul3A_67 : i32
        %slice3A_69 = vector.extract_strided_slice %get3A_44 {offsets = [0], sizes = [1], strides = [1]} : vector<16xi32> to vector<1xi32>
        %squeeze3A_70 = vector.extract %slice3A_69[0] : i32 from vector<1xi32>
        %jit3A_71 = arith.constant 16 : i32
        %div3A_72 = arith.divsi %squeeze3A_70, %jit3A_71 : i32
        %sign3A_73 = arith.constant 0 : i32
        %sign3A_74 = arith.cmpi sgt, %squeeze3A_70, %sign3A_73 : i32
        %sign3A_75 = arith.extui %sign3A_74 : i1 to i32
        %sign3A_76 = arith.constant 0 : i32
        %sign3A_77 = arith.cmpi slt, %squeeze3A_70, %sign3A_76 : i32
        %sign3A_78 = arith.extui %sign3A_77 : i1 to i32
        %sign3A_79 = arith.subi %sign3A_75, %sign3A_78 : i32
        %sign3A_80 = arith.constant 0 : i32
        %sign3A_81 = arith.cmpi sgt, %jit3A_71, %sign3A_80 : i32
        %sign3A_82 = arith.extui %sign3A_81 : i1 to i32
        %sign3A_83 = arith.constant 0 : i32
        %sign3A_84 = arith.cmpi slt, %jit3A_71, %sign3A_83 : i32
        %sign3A_85 = arith.extui %sign3A_84 : i1 to i32
        %sign3A_86 = arith.subi %sign3A_82, %sign3A_85 : i32
        %ne3A_87 = arith.cmpi ne, %sign3A_79, %sign3A_86 : i32
        %rem3A_88 = arith.remsi %squeeze3A_70, %jit3A_71 : i32
        %ne3A_89 = arith.constant 0 : i32
        %ne3A_90 = arith.cmpi ne, %rem3A_88, %ne3A_89 : i32
        %and3A_91 = arith.andi %ne3A_87, %ne3A_90 : i1
        %sub3A_92 = arith.constant 1 : i32
        %sub3A_93 = arith.subi %div3A_72, %sub3A_92 : i32
        %select_n3A_94 = arith.select %and3A_91, %sub3A_93, %div3A_72 : i32
        %mul3A_95 = arith.constant 16 : i32
        %mul3A_96 = arith.muli %select_n3A_94, %mul3A_95 : i32
        %dma_start3A = arith.constant 0 : i32
        %dma_start3A_97 = arith.constant 0 : i32
        %dma_start3A_98 = tpu.memref_slice %arg9[%dma_start3A, %dma_start3A_97, %mul3A_50] : memref<4x8x1024xf32, #tpu.memory_space<vmem>> -> memref<4x8x16xf32, #tpu.memory_space<vmem>>
        %dma_start3A_99 = arith.constant 0 : i32
        %dma_start3A_100 = arith.constant 0 : i32
        %dma_start3A_101 = tpu.memref_slice %arg4[%dma_start3A_99, %dma_start3A_100, %mul3A_68] : memref<4x8x1000000xf32, #tpu.memory_space<hbm>> -> memref<4x8x16xf32, #tpu.memory_space<hbm>>
        %dma_start3A_102 = arith.constant 0 : i32
        %dma_start3A_103 = arith.constant 0 : i32
        %dma_start3A_104 = tpu.memref_slice %arg9[%dma_start3A_102, %dma_start3A_103, %mul3A_50] : memref<4x8x1024xf32, #tpu.memory_space<vmem>> -> memref<4x8x16xf32, #tpu.memory_space<vmem>>
        %dma_start3A_105 = arith.constant 0 : i32
        %dma_start3A_106 = arith.constant 0 : i32
        %dma_start3A_107 = tpu.memref_slice %arg4[%dma_start3A_105, %dma_start3A_106, %mul3A_68] : memref<4x8x1000000xf32, #tpu.memory_space<hbm>> -> memref<4x8x16xf32, #tpu.memory_space<hbm>>
        tpu.enqueue_dma source(%dma_start3A_107 : memref<4x8x16xf32, #tpu.memory_space<hbm>>) target(%dma_start3A_104 : memref<4x8x16xf32, #tpu.memory_space<vmem>>) target_semaphore(%arg12 : memref<!tpu.dma_semaphore, #tpu.memory_space<semaphore_mem>>)
        %dma_start3A_108 = arith.constant 0 : i32
        %dma_start3A_109 = arith.constant 0 : i32
        %dma_start3A_110 = tpu.memref_slice %arg10[%dma_start3A_108, %dma_start3A_109, %mul3A_50] : memref<4x8x1024xf32, #tpu.memory_space<vmem>> -> memref<4x8x16xf32, #tpu.memory_space<vmem>>
        %dma_start3A_111 = arith.constant 0 : i32
        %dma_start3A_112 = arith.constant 0 : i32
        %dma_start3A_113 = tpu.memref_slice %arg5[%dma_start3A_111, %dma_start3A_112, %mul3A_96] : memref<4x8x1000000xf32, #tpu.memory_space<hbm>> -> memref<4x8x16xf32, #tpu.memory_space<hbm>>
        %dma_start3A_114 = arith.constant 0 : i32
        %dma_start3A_115 = arith.constant 0 : i32
        %dma_start3A_116 = tpu.memref_slice %arg10[%dma_start3A_114, %dma_start3A_115, %mul3A_50] : memref<4x8x1024xf32, #tpu.memory_space<vmem>> -> memref<4x8x16xf32, #tpu.memory_space<vmem>>
        %dma_start3A_117 = arith.constant 0 : i32
        %dma_start3A_118 = arith.constant 0 : i32
        %dma_start3A_119 = tpu.memref_slice %arg5[%dma_start3A_117, %dma_start3A_118, %mul3A_96] : memref<4x8x1000000xf32, #tpu.memory_space<hbm>> -> memref<4x8x16xf32, #tpu.memory_space<hbm>>
        tpu.enqueue_dma source(%dma_start3A_119 : memref<4x8x16xf32, #tpu.memory_space<hbm>>) target(%dma_start3A_116 : memref<4x8x16xf32, #tpu.memory_space<vmem>>) target_semaphore(%arg12 : memref<!tpu.dma_semaphore, #tpu.memory_space<semaphore_mem>>)
        %mul3A_120 = arith.constant 16 : i32
        %mul3A_121 = arith.muli %scan3A_35, %mul3A_120 : i32
        %add3A_122 = arith.constant 1 : i32
        %add3A_123 = arith.addi %mul3A_121, %add3A_122 : i32
        %mul3A_124 = arith.constant 16 : i32
        %mul3A_125 = arith.muli %add3A_123, %mul3A_124 : i32
        %slice3A_126 = vector.extract_strided_slice %get3A_39 {offsets = [1], sizes = [1], strides = [1]} : vector<16xi32> to vector<1xi32>
        %squeeze3A_127 = vector.extract %slice3A_126[0] : i32 from vector<1xi32>
        %jit3A_128 = arith.constant 16 : i32
        %div3A_129 = arith.divsi %squeeze3A_127, %jit3A_128 : i32
        %sign3A_130 = arith.constant 0 : i32
        %sign3A_131 = arith.cmpi sgt, %squeeze3A_127, %sign3A_130 : i32
        %sign3A_132 = arith.extui %sign3A_131 : i1 to i32
        %sign3A_133 = arith.constant 0 : i32
        %sign3A_134 = arith.cmpi slt, %squeeze3A_127, %sign3A_133 : i32
        %sign3A_135 = arith.extui %sign3A_134 : i1 to i32
        %sign3A_136 = arith.subi %sign3A_132, %sign3A_135 : i32
        %sign3A_137 = arith.constant 0 : i32
        %sign3A_138 = arith.cmpi sgt, %jit3A_128, %sign3A_137 : i32
        %sign3A_139 = arith.extui %sign3A_138 : i1 to i32
        %sign3A_140 = arith.constant 0 : i32
        %sign3A_141 = arith.cmpi slt, %jit3A_128, %sign3A_140 : i32
        %sign3A_142 = arith.extui %sign3A_141 : i1 to i32
        %sign3A_143 = arith.subi %sign3A_139, %sign3A_142 : i32
        %ne3A_144 = arith.cmpi ne, %sign3A_136, %sign3A_143 : i32
        %rem3A_145 = arith.remsi %squeeze3A_127, %jit3A_128 : i32
        %ne3A_146 = arith.constant 0 : i32
        %ne3A_147 = arith.cmpi ne, %rem3A_145, %ne3A_146 : i32
        %and3A_148 = arith.andi %ne3A_144, %ne3A_147 : i1
        %sub3A_149 = arith.constant 1 : i32
        %sub3A_150 = arith.subi %div3A_129, %sub3A_149 : i32
        %select_n3A_151 = arith.select %and3A_148, %sub3A_150, %div3A_129 : i32
        %mul3A_152 = arith.constant 16 : i32
        %mul3A_153 = arith.muli %select_n3A_151, %mul3A_152 : i32
        %slice3A_154 = vector.extract_strided_slice %get3A_44 {offsets = [1], sizes = [1], strides = [1]} : vector<16xi32> to vector<1xi32>
        %squeeze3A_155 = vector.extract %slice3A_154[0] : i32 from vector<1xi32>
        %jit3A_156 = arith.constant 16 : i32
        %div3A_157 = arith.divsi %squeeze3A_155, %jit3A_156 : i32
        %sign3A_158 = arith.constant 0 : i32
        %sign3A_159 = arith.cmpi sgt, %squeeze3A_155, %sign3A_158 : i32
        %sign3A_160 = arith.extui %sign3A_159 : i1 to i32
        %sign3A_161 = arith.constant 0 : i32
        %sign3A_162 = arith.cmpi slt, %squeeze3A_155, %sign3A_161 : i32
        %sign3A_163 = arith.extui %sign3A_162 : i1 to i32
        %sign3A_164 = arith.subi %sign3A_160, %sign3A_163 : i32
        %sign3A_165 = arith.constant 0 : i32
        %sign3A_166 = arith.cmpi sgt, %jit3A_156, %sign3A_165 : i32
        %sign3A_167 = arith.extui %sign3A_166 : i1 to i32
        %sign3A_168 = arith.constant 0 : i32
        %sign3A_169 = arith.cmpi slt, %jit3A_156, %sign3A_168 : i32
        %sign3A_170 = arith.extui %sign3A_169 : i1 to i32
        %sign3A_171 = arith.subi %sign3A_167, %sign3A_170 : i32
        %ne3A_172 = arith.cmpi ne, %sign3A_164, %sign3A_171 : i32
        %rem3A_173 = arith.remsi %squeeze3A_155, %jit3A_156 : i32
        %ne3A_174 = arith.constant 0 : i32
        %ne3A_175 = arith.cmpi ne, %rem3A_173, %ne3A_174 : i32
        %and3A_176 = arith.andi %ne3A_172, %ne3A_175 : i1
        %sub3A_177 = arith.constant 1 : i32
        %sub3A_178 = arith.subi %div3A_157, %sub3A_177 : i32
        %select_n3A_179 = arith.select %and3A_176, %sub3A_178, %div3A_157 : i32
        %mul3A_180 = arith.constant 16 : i32
        %mul3A_181 = arith.muli %select_n3A_179, %mul3A_180 : i32
        %dma_start3A_182 = arith.constant 0 : i32
        %dma_start3A_183 = arith.constant 0 : i32
        %dma_start3A_184 = tpu.memref_slice %arg9[%dma_start3A_182, %dma_start3A_183, %mul3A_125] : memref<4x8x1024xf32, #tpu.memory_space<vmem>> -> memref<4x8x16xf32, #tpu.memory_space<vmem>>
        %dma_start3A_185 = arith.constant 0 : i32
        %dma_start3A_186 = arith.constant 0 : i32
        %dma_start3A_187 = tpu.memref_slice %arg4[%dma_start3A_185, %dma_start3A_186, %mul3A_153] : memref<4x8x1000000xf32, #tpu.memory_space<hbm>> -> memref<4x8x16xf32, #tpu.memory_space<hbm>>
        %dma_start3A_188 = arith.constant 0 : i32
        %dma_start3A_189 = arith.constant 0 : i32
        %dma_start3A_190 = tpu.memref_slice %arg9[%dma_start3A_188, %dma_start3A_189, %mul3A_125] : memref<4x8x1024xf32, #tpu.memory_space<vmem>> -> memref<4x8x16xf32, #tpu.memory_space<vmem>>
        %dma_start3A_191 = arith.constant 0 : i32
        %dma_start3A_192 = arith.constant 0 : i32
        %dma_start3A_193 = tpu.memref_slice %arg4[%dma_start3A_191, %dma_start3A_192, %mul3A_153] : memref<4x8x1000000xf32, #tpu.memory_space<hbm>> -> memref<4x8x16xf32, #tpu.memory_space<hbm>>
        tpu.enqueue_dma source(%dma_start3A_193 : memref<4x8x16xf32, #tpu.memory_space<hbm>>) target(%dma_start3A_190 : memref<4x8x16xf32, #tpu.memory_space<vmem>>) target_semaphore(%arg12 : memref<!tpu.dma_semaphore, #tpu.memory_space<semaphore_mem>>)
        %dma_start3A_194 = arith.constant 0 : i32
        %dma_start3A_195 = arith.constant 0 : i32
        %dma_start3A_196 = tpu.memref_slice %arg10[%dma_start3A_194, %dma_start3A_195, %mul3A_125] : memref<4x8x1024xf32, #tpu.memory_space<vmem>> -> memref<4x8x16xf32, #tpu.memory_space<vmem>>
        %dma_start3A_197 = arith.constant 0 : i32
        %dma_start3A_198 = arith.constant 0 : i32
        %dma_start3A_199 = tpu.memref_slice %arg5[%dma_start3A_197, %dma_start3A_198, %mul3A_181] : memref<4x8x1000000xf32, #tpu.memory_space<hbm>> -> memref<4x8x16xf32, #tpu.memory_space<hbm>>
        %dma_start3A_200 = arith.constant 0 : i32
        %dma_start3A_201 = arith.constant 0 : i32
        %dma_start3A_202 = tpu.memref_slice %arg10[%dma_start3A_200, %dma_start3A_201, %mul3A_125] : memref<4x8x1024xf32, #tpu.memory_space<vmem>> -> memref<4x8x16xf32, #tpu.memory_space<vmem>>
        %dma_start3A_203 = arith.constant 0 : i32
        %dma_start3A_204 = arith.constant 0 : i32
        %dma_start3A_205 = tpu.memref_slice %arg5[%dma_start3A_203, %dma_start3A_204, %mul3A_181] : memref<4x8x1000000xf32, #tpu.memory_space<hbm>> -> memref<4x8x16xf32, #tpu.memory_space<hbm>>
        tpu.enqueue_dma source(%dma_start3A_205 : memref<4x8x16xf32, #tpu.memory_space<hbm>>) target(%dma_start3A_202 : memref<4x8x16xf32, #tpu.memory_space<vmem>>) target_semaphore(%arg12 : memref<!tpu.dma_semaphore, #tpu.memory_space<semaphore_mem>>)
        %mul3A_206 = arith.constant 16 : i32
        %mul3A_207 = arith.muli %scan3A_35, %mul3A_206 : i32
        %add3A_208 = arith.constant 2 : i32
        %add3A_209 = arith.addi %mul3A_207, %add3A_208 : i32
        %mul3A_210 = arith.constant 16 : i32
        %mul3A_211 = arith.muli %add3A_209, %mul3A_210 : i32
        %slice3A_212 = vector.extract_strided_slice %get3A_39 {offsets = [2], sizes = [1], strides = [1]} : vector<16xi32> to vector<1xi32>
        %squeeze3A_213 = vector.extract %slice3A_212[0] : i32 from vector<1xi32>
        %jit3A_214 = arith.constant 16 : i32
        %div3A_215 = arith.divsi %squeeze3A_213, %jit3A_214 : i32
        %sign3A_216 = arith.constant 0 : i32
        %sign3A_217 = arith.cmpi sgt, %squeeze3A_213, %sign3A_216 : i32
        %sign3A_218 = arith.extui %sign3A_217 : i1 to i32
        %sign3A_219 = arith.constant 0 : i32
        %sign3A_220 = arith.cmpi slt, %squeeze3A_213, %sign3A_219 : i32
        %sign3A_221 = arith.extui %sign3A_220 : i1 to i32
        %sign3A_222 = arith.subi %sign3A_218, %sign3A_221 : i32
        %sign3A_223 = arith.constant 0 : i32
        %sign3A_224 = arith.cmpi sgt, %jit3A_214, %sign3A_223 : i32
        %sign3A_225 = arith.extui %sign3A_224 : i1 to i32
        %sign3A_226 = arith.constant 0 : i32
        %sign3A_227 = arith.cmpi slt, %jit3A_214, %sign3A_226 : i32
        %sign3A_228 = arith.extui %sign3A_227 : i1 to i32
        %sign3A_229 = arith.subi %sign3A_225, %sign3A_228 : i32
        %ne3A_230 = arith.cmpi ne, %sign3A_222, %sign3A_229 : i32
        %rem3A_231 = arith.remsi %squeeze3A_213, %jit3A_214 : i32
        %ne3A_232 = arith.constant 0 : i32
        %ne3A_233 = arith.cmpi ne, %rem3A_231, %ne3A_232 : i32
        %and3A_234 = arith.andi %ne3A_230, %ne3A_233 : i1
        %sub3A_235 = arith.constant 1 : i32
        %sub3A_236 = arith.subi %div3A_215, %sub3A_235 : i32
        %select_n3A_237 = arith.select %and3A_234, %sub3A_236, %div3A_215 : i32
        %mul3A_238 = arith.constant 16 : i32
        %mul3A_239 = arith.muli %select_n3A_237, %mul3A_238 : i32
        %slice3A_240 = vector.extract_strided_slice %get3A_44 {offsets = [2], sizes = [1], strides = [1]} : vector<16xi32> to vector<1xi32>
        %squeeze3A_241 = vector.extract %slice3A_240[0] : i32 from vector<1xi32>
        %jit3A_242 = arith.constant 16 : i32
        %div3A_243 = arith.divsi %squeeze3A_241, %jit3A_242 : i32
        %sign3A_244 = arith.constant 0 : i32
        %sign3A_245 = arith.cmpi sgt, %squeeze3A_241, %sign3A_244 : i32
        %sign3A_246 = arith.extui %sign3A_245 : i1 to i32
        %sign3A_247 = arith.constant 0 : i32
        %sign3A_248 = arith.cmpi slt, %squeeze3A_241, %sign3A_247 : i32
        %sign3A_249 = arith.extui %sign3A_248 : i1 to i32
        %sign3A_250 = arith.subi %sign3A_246, %sign3A_249 : i32
        %sign3A_251 = arith.constant 0 : i32
        %sign3A_252 = arith.cmpi sgt, %jit3A_242, %sign3A_251 : i32
        %sign3A_253 = arith.extui %sign3A_252 : i1 to i32
        %sign3A_254 = arith.constant 0 : i32
        %sign3A_255 = arith.cmpi slt, %jit3A_242, %sign3A_254 : i32
        %sign3A_256 = arith.extui %sign3A_255 : i1 to i32
        %sign3A_257 = arith.subi %sign3A_253, %sign3A_256 : i32
        %ne3A_258 = arith.cmpi ne, %sign3A_250, %sign3A_257 : i32
        %rem3A_259 = arith.remsi %squeeze3A_241, %jit3A_242 : i32
        %ne3A_260 = arith.constant 0 : i32
        %ne3A_261 = arith.cmpi ne, %rem3A_259, %ne3A_260 : i32
        %and3A_262 = arith.andi %ne3A_258, %ne3A_261 : i1
        %sub3A_263 = arith.constant 1 : i32
        %sub3A_264 = arith.subi %div3A_243, %sub3A_263 : i32
        %select_n3A_265 = arith.select %and3A_262, %sub3A_264, %div3A_243 : i32
        %mul3A_266 = arith.constant 16 : i32
        %mul3A_267 = arith.muli %select_n3A_265, %mul3A_266 : i32
        %dma_start3A_268 = arith.constant 0 : i32
        %dma_start3A_269 = arith.constant 0 : i32
        %dma_start3A_270 = tpu.memref_slice %arg9[%dma_start3A_268, %dma_start3A_269, %mul3A_211] : memref<4x8x1024xf32, #tpu.memory_space<vmem>> -> memref<4x8x16xf32, #tpu.memory_space<vmem>>
        %dma_start3A_271 = arith.constant 0 : i32
        %dma_start3A_272 = arith.constant 0 : i32
        %dma_start3A_273 = tpu.memref_slice %arg4[%dma_start3A_271, %dma_start3A_272, %mul3A_239] : memref<4x8x1000000xf32, #tpu.memory_space<hbm>> -> memref<4x8x16xf32, #tpu.memory_space<hbm>>
        %dma_start3A_274 = arith.constant 0 : i32
        %dma_start3A_275 = arith.constant 0 : i32
        %dma_start3A_276 = tpu.memref_slice %arg9[%dma_start3A_274, %dma_start3A_275, %mul3A_211] : memref<4x8x1024xf32, #tpu.memory_space<vmem>> -> memref<4x8x16xf32, #tpu.memory_space<vmem>>
        %dma_start3A_277 = arith.constant 0 : i32
        %dma_start3A_278 = arith.constant 0 : i32
        %dma_start3A_279 = tpu.memref_slice %arg4[%dma_start3A_277, %dma_start3A_278, %mul3A_239] : memref<4x8x1000000xf32, #tpu.memory_space<hbm>> -> memref<4x8x16xf32, #tpu.memory_space<hbm>>
        tpu.enqueue_dma source(%dma_start3A_279 : memref<4x8x16xf32, #tpu.memory_space<hbm>>) target(%dma_start3A_276 : memref<4x8x16xf32, #tpu.memory_space<vmem>>) target_semaphore(%arg12 : memref<!tpu.dma_semaphore, #tpu.memory_space<semaphore_mem>>)
        %dma_start3A_280 = arith.constant 0 : i32
        %dma_start3A_281 = arith.constant 0 : i32
        %dma_start3A_282 = tpu.memref_slice %arg10[%dma_start3A_280, %dma_start3A_281, %mul3A_211] : memref<4x8x1024xf32, #tpu.memory_space<vmem>> -> memref<4x8x16xf32, #tpu.memory_space<vmem>>
        %dma_start3A_283 = arith.constant 0 : i32
        %dma_start3A_284 = arith.constant 0 : i32
        %dma_start3A_285 = tpu.memref_slice %arg5[%dma_start3A_283, %dma_start3A_284, %mul3A_267] : memref<4x8x1000000xf32, #tpu.memory_space<hbm>> -> memref<4x8x16xf32, #tpu.memory_space<hbm>>
        %dma_start3A_286 = arith.constant 0 : i32
        %dma_start3A_287 = arith.constant 0 : i32
        %dma_start3A_288 = tpu.memref_slice %arg10[%dma_start3A_286, %dma_start3A_287, %mul3A_211] : memref<4x8x1024xf32, #tpu.memory_space<vmem>> -> memref<4x8x16xf32, #tpu.memory_space<vmem>>
        %dma_start3A_289 = arith.constant 0 : i32
        %dma_start3A_290 = arith.constant 0 : i32
        %dma_start3A_291 = tpu.memref_slice %arg5[%dma_start3A_289, %dma_start3A_290, %mul3A_267] : memref<4x8x1000000xf32, #tpu.memory_space<hbm>> -> memref<4x8x16xf32, #tpu.memory_space<hbm>>
        tpu.enqueue_dma source(%dma_start3A_291 : memref<4x8x16xf32, #tpu.memory_space<hbm>>) target(%dma_start3A_288 : memref<4x8x16xf32, #tpu.memory_space<vmem>>) target_semaphore(%arg12 : memref<!tpu.dma_semaphore, #tpu.memory_space<semaphore_mem>>)
        %mul3A_292 = arith.constant 16 : i32
        %mul3A_293 = arith.muli %scan3A_35, %mul3A_292 : i32
        %add3A_294 = arith.constant 3 : i32
        %add3A_295 = arith.addi %mul3A_293, %add3A_294 : i32
        %mul3A_296 = arith.constant 16 : i32
        %mul3A_297 = arith.muli %add3A_295, %mul3A_296 : i32
        %slice3A_298 = vector.extract_strided_slice %get3A_39 {offsets = [3], sizes = [1], strides = [1]} : vector<16xi32> to vector<1xi32>
        %squeeze3A_299 = vector.extract %slice3A_298[0] : i32 from vector<1xi32>
        %jit3A_300 = arith.constant 16 : i32
        %div3A_301 = arith.divsi %squeeze3A_299, %jit3A_300 : i32
        %sign3A_302 = arith.constant 0 : i32
        %sign3A_303 = arith.cmpi sgt, %squeeze3A_299, %sign3A_302 : i32
        %sign3A_304 = arith.extui %sign3A_303 : i1 to i32
        %sign3A_305 = arith.constant 0 : i32
        %sign3A_306 = arith.cmpi slt, %squeeze3A_299, %sign3A_305 : i32
        %sign3A_307 = arith.extui %sign3A_306 : i1 to i32
        %sign3A_308 = arith.subi %sign3A_304, %sign3A_307 : i32
        %sign3A_309 = arith.constant 0 : i32
        %sign3A_310 = arith.cmpi sgt, %jit3A_300, %sign3A_309 : i32
        %sign3A_311 = arith.extui %sign3A_310 : i1 to i32
        %sign3A_312 = arith.constant 0 : i32
        %sign3A_313 = arith.cmpi slt, %jit3A_300, %sign3A_312 : i32
        %sign3A_314 = arith.extui %sign3A_313 : i1 to i32
        %sign3A_315 = arith.subi %sign3A_311, %sign3A_314 : i32
        %ne3A_316 = arith.cmpi ne, %sign3A_308, %sign3A_315 : i32
        %rem3A_317 = arith.remsi %squeeze3A_299, %jit3A_300 : i32
        %ne3A_318 = arith.constant 0 : i32
        %ne3A_319 = arith.cmpi ne, %rem3A_317, %ne3A_318 : i32
        %and3A_320 = arith.andi %ne3A_316, %ne3A_319 : i1
        %sub3A_321 = arith.constant 1 : i32
        %sub3A_322 = arith.subi %div3A_301, %sub3A_321 : i32
        %select_n3A_323 = arith.select %and3A_320, %sub3A_322, %div3A_301 : i32
        %mul3A_324 = arith.constant 16 : i32
        %mul3A_325 = arith.muli %select_n3A_323, %mul3A_324 : i32
        %slice3A_326 = vector.extract_strided_slice %get3A_44 {offsets = [3], sizes = [1], strides = [1]} : vector<16xi32> to vector<1xi32>
        %squeeze3A_327 = vector.extract %slice3A_326[0] : i32 from vector<1xi32>
        %jit3A_328 = arith.constant 16 : i32
        %div3A_329 = arith.divsi %squeeze3A_327, %jit3A_328 : i32
        %sign3A_330 = arith.constant 0 : i32
        %sign3A_331 = arith.cmpi sgt, %squeeze3A_327, %sign3A_330 : i32
        %sign3A_332 = arith.extui %sign3A_331 : i1 to i32
        %sign3A_333 = arith.constant 0 : i32
        %sign3A_334 = arith.cmpi slt, %squeeze3A_327, %sign3A_333 : i32
        %sign3A_335 = arith.extui %sign3A_334 : i1 to i32
        %sign3A_336 = arith.subi %sign3A_332, %sign3A_335 : i32
        %sign3A_337 = arith.constant 0 : i32
        %sign3A_338 = arith.cmpi sgt, %jit3A_328, %sign3A_337 : i32
        %sign3A_339 = arith.extui %sign3A_338 : i1 to i32
        %sign3A_340 = arith.constant 0 : i32
        %sign3A_341 = arith.cmpi slt, %jit3A_328, %sign3A_340 : i32
        %sign3A_342 = arith.extui %sign3A_341 : i1 to i32
        %sign3A_343 = arith.subi %sign3A_339, %sign3A_342 : i32
        %ne3A_344 = arith.cmpi ne, %sign3A_336, %sign3A_343 : i32
        %rem3A_345 = arith.remsi %squeeze3A_327, %jit3A_328 : i32
        %ne3A_346 = arith.constant 0 : i32
        %ne3A_347 = arith.cmpi ne, %rem3A_345, %ne3A_346 : i32
        %and3A_348 = arith.andi %ne3A_344, %ne3A_347 : i1
        %sub3A_349 = arith.constant 1 : i32
        %sub3A_350 = arith.subi %div3A_329, %sub3A_349 : i32
        %select_n3A_351 = arith.select %and3A_348, %sub3A_350, %div3A_329 : i32
        %mul3A_352 = arith.constant 16 : i32
        %mul3A_353 = arith.muli %select_n3A_351, %mul3A_352 : i32
        %dma_start3A_354 = arith.constant 0 : i32
        %dma_start3A_355 = arith.constant 0 : i32
        %dma_start3A_356 = tpu.memref_slice %arg9[%dma_start3A_354, %dma_start3A_355, %mul3A_297] : memref<4x8x1024xf32, #tpu.memory_space<vmem>> -> memref<4x8x16xf32, #tpu.memory_space<vmem>>
        %dma_start3A_357 = arith.constant 0 : i32
        %dma_start3A_358 = arith.constant 0 : i32
        %dma_start3A_359 = tpu.memref_slice %arg4[%dma_start3A_357, %dma_start3A_358, %mul3A_325] : memref<4x8x1000000xf32, #tpu.memory_space<hbm>> -> memref<4x8x16xf32, #tpu.memory_space<hbm>>
        %dma_start3A_360 = arith.constant 0 : i32
        %dma_start3A_361 = arith.constant 0 : i32
        %dma_start3A_362 = tpu.memref_slice %arg9[%dma_start3A_360, %dma_start3A_361, %mul3A_297] : memref<4x8x1024xf32, #tpu.memory_space<vmem>> -> memref<4x8x16xf32, #tpu.memory_space<vmem>>
        %dma_start3A_363 = arith.constant 0 : i32
        %dma_start3A_364 = arith.constant 0 : i32
        %dma_start3A_365 = tpu.memref_slice %arg4[%dma_start3A_363, %dma_start3A_364, %mul3A_325] : memref<4x8x1000000xf32, #tpu.memory_space<hbm>> -> memref<4x8x16xf32, #tpu.memory_space<hbm>>
        tpu.enqueue_dma source(%dma_start3A_365 : memref<4x8x16xf32, #tpu.memory_space<hbm>>) target(%dma_start3A_362 : memref<4x8x16xf32, #tpu.memory_space<vmem>>) target_semaphore(%arg12 : memref<!tpu.dma_semaphore, #tpu.memory_space<semaphore_mem>>)
        %dma_start3A_366 = arith.constant 0 : i32
        %dma_start3A_367 = arith.constant 0 : i32
        %dma_start3A_368 = tpu.memref_slice %arg10[%dma_start3A_366, %dma_start3A_367, %mul3A_297] : memref<4x8x1024xf32, #tpu.memory_space<vmem>> -> memref<4x8x16xf32, #tpu.memory_space<vmem>>
        %dma_start3A_369 = arith.constant 0 : i32
        %dma_start3A_370 = arith.constant 0 : i32
        %dma_start3A_371 = tpu.memref_slice %arg5[%dma_start3A_369, %dma_start3A_370, %mul3A_353] : memref<4x8x1000000xf32, #tpu.memory_space<hbm>> -> memref<4x8x16xf32, #tpu.memory_space<hbm>>
        %dma_start3A_372 = arith.constant 0 : i32
        %dma_start3A_373 = arith.constant 0 : i32
        %dma_start3A_374 = tpu.memref_slice %arg10[%dma_start3A_372, %dma_start3A_373, %mul3A_297] : memref<4x8x1024xf32, #tpu.memory_space<vmem>> -> memref<4x8x16xf32, #tpu.memory_space<vmem>>
        %dma_start3A_375 = arith.constant 0 : i32
        %dma_start3A_376 = arith.constant 0 : i32
        %dma_start3A_377 = tpu.memref_slice %arg5[%dma_start3A_375, %dma_start3A_376, %mul3A_353] : memref<4x8x1000000xf32, #tpu.memory_space<hbm>> -> memref<4x8x16xf32, #tpu.memory_space<hbm>>
        tpu.enqueue_dma source(%dma_start3A_377 : memref<4x8x16xf32, #tpu.memory_space<hbm>>) target(%dma_start3A_374 : memref<4x8x16xf32, #tpu.memory_space<vmem>>) target_semaphore(%arg12 : memref<!tpu.dma_semaphore, #tpu.memory_space<semaphore_mem>>)
        %mul3A_378 = arith.constant 16 : i32
        %mul3A_379 = arith.muli %scan3A_35, %mul3A_378 : i32
        %add3A_380 = arith.constant 4 : i32
        %add3A_381 = arith.addi %mul3A_379, %add3A_380 : i32
        %mul3A_382 = arith.constant 16 : i32
        %mul3A_383 = arith.muli %add3A_381, %mul3A_382 : i32
        %slice3A_384 = vector.extract_strided_slice %get3A_39 {offsets = [4], sizes = [1], strides = [1]} : vector<16xi32> to vector<1xi32>
        %squeeze3A_385 = vector.extract %slice3A_384[0] : i32 from vector<1xi32>
        %jit3A_386 = arith.constant 16 : i32
        %div3A_387 = arith.divsi %squeeze3A_385, %jit3A_386 : i32
        %sign3A_388 = arith.constant 0 : i32
        %sign3A_389 = arith.cmpi sgt, %squeeze3A_385, %sign3A_388 : i32
        %sign3A_390 = arith.extui %sign3A_389 : i1 to i32
        %sign3A_391 = arith.constant 0 : i32
        %sign3A_392 = arith.cmpi slt, %squeeze3A_385, %sign3A_391 : i32
        %sign3A_393 = arith.extui %sign3A_392 : i1 to i32
        %sign3A_394 = arith.subi %sign3A_390, %sign3A_393 : i32
        %sign3A_395 = arith.constant 0 : i32
        %sign3A_396 = arith.cmpi sgt, %jit3A_386, %sign3A_395 : i32
        %sign3A_397 = arith.extui %sign3A_396 : i1 to i32
        %sign3A_398 = arith.constant 0 : i32
        %sign3A_399 = arith.cmpi slt, %jit3A_386, %sign3A_398 : i32
        %sign3A_400 = arith.extui %sign3A_399 : i1 to i32
        %sign3A_401 = arith.subi %sign3A_397, %sign3A_400 : i32
        %ne3A_402 = arith.cmpi ne, %sign3A_394, %sign3A_401 : i32
        %rem3A_403 = arith.remsi %squeeze3A_385, %jit3A_386 : i32
        %ne3A_404 = arith.constant 0 : i32
        %ne3A_405 = arith.cmpi ne, %rem3A_403, %ne3A_404 : i32
        %and3A_406 = arith.andi %ne3A_402, %ne3A_405 : i1
        %sub3A_407 = arith.constant 1 : i32
        %sub3A_408 = arith.subi %div3A_387, %sub3A_407 : i32
        %select_n3A_409 = arith.select %and3A_406, %sub3A_408, %div3A_387 : i32
        %mul3A_410 = arith.constant 16 : i32
        %mul3A_411 = arith.muli %select_n3A_409, %mul3A_410 : i32
        %slice3A_412 = vector.extract_strided_slice %get3A_44 {offsets = [4], sizes = [1], strides = [1]} : vector<16xi32> to vector<1xi32>
        %squeeze3A_413 = vector.extract %slice3A_412[0] : i32 from vector<1xi32>
        %jit3A_414 = arith.constant 16 : i32
        %div3A_415 = arith.divsi %squeeze3A_413, %jit3A_414 : i32
        %sign3A_416 = arith.constant 0 : i32
        %sign3A_417 = arith.cmpi sgt, %squeeze3A_413, %sign3A_416 : i32
        %sign3A_418 = arith.extui %sign3A_417 : i1 to i32
        %sign3A_419 = arith.constant 0 : i32
        %sign3A_420 = arith.cmpi slt, %squeeze3A_413, %sign3A_419 : i32
        %sign3A_421 = arith.extui %sign3A_420 : i1 to i32
        %sign3A_422 = arith.subi %sign3A_418, %sign3A_421 : i32
        %sign3A_423 = arith.constant 0 : i32
        %sign3A_424 = arith.cmpi sgt, %jit3A_414, %sign3A_423 : i32
        %sign3A_425 = arith.extui %sign3A_424 : i1 to i32
        %sign3A_426 = arith.constant 0 : i32
        %sign3A_427 = arith.cmpi slt, %jit3A_414, %sign3A_426 : i32
        %sign3A_428 = arith.extui %sign3A_427 : i1 to i32
        %sign3A_429 = arith.subi %sign3A_425, %sign3A_428 : i32
        %ne3A_430 = arith.cmpi ne, %sign3A_422, %sign3A_429 : i32
        %rem3A_431 = arith.remsi %squeeze3A_413, %jit3A_414 : i32
        %ne3A_432 = arith.constant 0 : i32
        %ne3A_433 = arith.cmpi ne, %rem3A_431, %ne3A_432 : i32
        %and3A_434 = arith.andi %ne3A_430, %ne3A_433 : i1
        %sub3A_435 = arith.constant 1 : i32
        %sub3A_436 = arith.subi %div3A_415, %sub3A_435 : i32
        %select_n3A_437 = arith.select %and3A_434, %sub3A_436, %div3A_415 : i32
        %mul3A_438 = arith.constant 16 : i32
        %mul3A_439 = arith.muli %select_n3A_437, %mul3A_438 : i32
        %dma_start3A_440 = arith.constant 0 : i32
        %dma_start3A_441 = arith.constant 0 : i32
        %dma_start3A_442 = tpu.memref_slice %arg9[%dma_start3A_440, %dma_start3A_441, %mul3A_383] : memref<4x8x1024xf32, #tpu.memory_space<vmem>> -> memref<4x8x16xf32, #tpu.memory_space<vmem>>
        %dma_start3A_443 = arith.constant 0 : i32
        %dma_start3A_444 = arith.constant 0 : i32
        %dma_start3A_445 = tpu.memref_slice %arg4[%dma_start3A_443, %dma_start3A_444, %mul3A_411] : memref<4x8x1000000xf32, #tpu.memory_space<hbm>> -> memref<4x8x16xf32, #tpu.memory_space<hbm>>
        %dma_start3A_446 = arith.constant 0 : i32
        %dma_start3A_447 = arith.constant 0 : i32
        %dma_start3A_448 = tpu.memref_slice %arg9[%dma_start3A_446, %dma_start3A_447, %mul3A_383] : memref<4x8x1024xf32, #tpu.memory_space<vmem>> -> memref<4x8x16xf32, #tpu.memory_space<vmem>>
        %dma_start3A_449 = arith.constant 0 : i32
        %dma_start3A_450 = arith.constant 0 : i32
        %dma_start3A_451 = tpu.memref_slice %arg4[%dma_start3A_449, %dma_start3A_450, %mul3A_411] : memref<4x8x1000000xf32, #tpu.memory_space<hbm>> -> memref<4x8x16xf32, #tpu.memory_space<hbm>>
        tpu.enqueue_dma source(%dma_start3A_451 : memref<4x8x16xf32, #tpu.memory_space<hbm>>) target(%dma_start3A_448 : memref<4x8x16xf32, #tpu.memory_space<vmem>>) target_semaphore(%arg12 : memref<!tpu.dma_semaphore, #tpu.memory_space<semaphore_mem>>)
        %dma_start3A_452 = arith.constant 0 : i32
        %dma_start3A_453 = arith.constant 0 : i32
        %dma_start3A_454 = tpu.memref_slice %arg10[%dma_start3A_452, %dma_start3A_453, %mul3A_383] : memref<4x8x1024xf32, #tpu.memory_space<vmem>> -> memref<4x8x16xf32, #tpu.memory_space<vmem>>
        %dma_start3A_455 = arith.constant 0 : i32
        %dma_start3A_456 = arith.constant 0 : i32
        %dma_start3A_457 = tpu.memref_slice %arg5[%dma_start3A_455, %dma_start3A_456, %mul3A_439] : memref<4x8x1000000xf32, #tpu.memory_space<hbm>> -> memref<4x8x16xf32, #tpu.memory_space<hbm>>
        %dma_start3A_458 = arith.constant 0 : i32
        %dma_start3A_459 = arith.constant 0 : i32
        %dma_start3A_460 = tpu.memref_slice %arg10[%dma_start3A_458, %dma_start3A_459, %mul3A_383] : memref<4x8x1024xf32, #tpu.memory_space<vmem>> -> memref<4x8x16xf32, #tpu.memory_space<vmem>>
        %dma_start3A_461 = arith.constant 0 : i32
        %dma_start3A_462 = arith.constant 0 : i32
        %dma_start3A_463 = tpu.memref_slice %arg5[%dma_start3A_461, %dma_start3A_462, %mul3A_439] : memref<4x8x1000000xf32, #tpu.memory_space<hbm>> -> memref<4x8x16xf32, #tpu.memory_space<hbm>>
        tpu.enqueue_dma source(%dma_start3A_463 : memref<4x8x16xf32, #tpu.memory_space<hbm>>) target(%dma_start3A_460 : memref<4x8x16xf32, #tpu.memory_space<vmem>>) target_semaphore(%arg12 : memref<!tpu.dma_semaphore, #tpu.memory_space<semaphore_mem>>)
        %mul3A_464 = arith.constant 16 : i32
        %mul3A_465 = arith.muli %scan3A_35, %mul3A_464 : i32
        %add3A_466 = arith.constant 5 : i32
        %add3A_467 = arith.addi %mul3A_465, %add3A_466 : i32
        %mul3A_468 = arith.constant 16 : i32
        %mul3A_469 = arith.muli %add3A_467, %mul3A_468 : i32
        %slice3A_470 = vector.extract_strided_slice %get3A_39 {offsets = [5], sizes = [1], strides = [1]} : vector<16xi32> to vector<1xi32>
        %squeeze3A_471 = vector.extract %slice3A_470[0] : i32 from vector<1xi32>
        %jit3A_472 = arith.constant 16 : i32
        %div3A_473 = arith.divsi %squeeze3A_471, %jit3A_472 : i32
        %sign3A_474 = arith.constant 0 : i32
        %sign3A_475 = arith.cmpi sgt, %squeeze3A_471, %sign3A_474 : i32
        %sign3A_476 = arith.extui %sign3A_475 : i1 to i32
        %sign3A_477 = arith.constant 0 : i32
        %sign3A_478 = arith.cmpi slt, %squeeze3A_471, %sign3A_477 : i32
        %sign3A_479 = arith.extui %sign3A_478 : i1 to i32
        %sign3A_480 = arith.subi %sign3A_476, %sign3A_479 : i32
        %sign3A_481 = arith.constant 0 : i32
        %sign3A_482 = arith.cmpi sgt, %jit3A_472, %sign3A_481 : i32
        %sign3A_483 = arith.extui %sign3A_482 : i1 to i32
        %sign3A_484 = arith.constant 0 : i32
        %sign3A_485 = arith.cmpi slt, %jit3A_472, %sign3A_484 : i32
        %sign3A_486 = arith.extui %sign3A_485 : i1 to i32
        %sign3A_487 = arith.subi %sign3A_483, %sign3A_486 : i32
        %ne3A_488 = arith.cmpi ne, %sign3A_480, %sign3A_487 : i32
        %rem3A_489 = arith.remsi %squeeze3A_471, %jit3A_472 : i32
        %ne3A_490 = arith.constant 0 : i32
        %ne3A_491 = arith.cmpi ne, %rem3A_489, %ne3A_490 : i32
        %and3A_492 = arith.andi %ne3A_488, %ne3A_491 : i1
        %sub3A_493 = arith.constant 1 : i32
        %sub3A_494 = arith.subi %div3A_473, %sub3A_493 : i32
        %select_n3A_495 = arith.select %and3A_492, %sub3A_494, %div3A_473 : i32
        %mul3A_496 = arith.constant 16 : i32
        %mul3A_497 = arith.muli %select_n3A_495, %mul3A_496 : i32
        %slice3A_498 = vector.extract_strided_slice %get3A_44 {offsets = [5], sizes = [1], strides = [1]} : vector<16xi32> to vector<1xi32>
        %squeeze3A_499 = vector.extract %slice3A_498[0] : i32 from vector<1xi32>
        %jit3A_500 = arith.constant 16 : i32
        %div3A_501 = arith.divsi %squeeze3A_499, %jit3A_500 : i32
        %sign3A_502 = arith.constant 0 : i32
        %sign3A_503 = arith.cmpi sgt, %squeeze3A_499, %sign3A_502 : i32
        %sign3A_504 = arith.extui %sign3A_503 : i1 to i32
        %sign3A_505 = arith.constant 0 : i32
        %sign3A_506 = arith.cmpi slt, %squeeze3A_499, %sign3A_505 : i32
        %sign3A_507 = arith.extui %sign3A_506 : i1 to i32
        %sign3A_508 = arith.subi %sign3A_504, %sign3A_507 : i32
        %sign3A_509 = arith.constant 0 : i32
        %sign3A_510 = arith.cmpi sgt, %jit3A_500, %sign3A_509 : i32
        %sign3A_511 = arith.extui %sign3A_510 : i1 to i32
        %sign3A_512 = arith.constant 0 : i32
        %sign3A_513 = arith.cmpi slt, %jit3A_500, %sign3A_512 : i32
        %sign3A_514 = arith.extui %sign3A_513 : i1 to i32
        %sign3A_515 = arith.subi %sign3A_511, %sign3A_514 : i32
        %ne3A_516 = arith.cmpi ne, %sign3A_508, %sign3A_515 : i32
        %rem3A_517 = arith.remsi %squeeze3A_499, %jit3A_500 : i32
        %ne3A_518 = arith.constant 0 : i32
        %ne3A_519 = arith.cmpi ne, %rem3A_517, %ne3A_518 : i32
        %and3A_520 = arith.andi %ne3A_516, %ne3A_519 : i1
        %sub3A_521 = arith.constant 1 : i32
        %sub3A_522 = arith.subi %div3A_501, %sub3A_521 : i32
        %select_n3A_523 = arith.select %and3A_520, %sub3A_522, %div3A_501 : i32
        %mul3A_524 = arith.constant 16 : i32
        %mul3A_525 = arith.muli %select_n3A_523, %mul3A_524 : i32
        %dma_start3A_526 = arith.constant 0 : i32
        %dma_start3A_527 = arith.constant 0 : i32
        %dma_start3A_528 = tpu.memref_slice %arg9[%dma_start3A_526, %dma_start3A_527, %mul3A_469] : memref<4x8x1024xf32, #tpu.memory_space<vmem>> -> memref<4x8x16xf32, #tpu.memory_space<vmem>>
        %dma_start3A_529 = arith.constant 0 : i32
        %dma_start3A_530 = arith.constant 0 : i32
        %dma_start3A_531 = tpu.memref_slice %arg4[%dma_start3A_529, %dma_start3A_530, %mul3A_497] : memref<4x8x1000000xf32, #tpu.memory_space<hbm>> -> memref<4x8x16xf32, #tpu.memory_space<hbm>>
        %dma_start3A_532 = arith.constant 0 : i32
        %dma_start3A_533 = arith.constant 0 : i32
        %dma_start3A_534 = tpu.memref_slice %arg9[%dma_start3A_532, %dma_start3A_533, %mul3A_469] : memref<4x8x1024xf32, #tpu.memory_space<vmem>> -> memref<4x8x16xf32, #tpu.memory_space<vmem>>
        %dma_start3A_535 = arith.constant 0 : i32
        %dma_start3A_536 = arith.constant 0 : i32
        %dma_start3A_537 = tpu.memref_slice %arg4[%dma_start3A_535, %dma_start3A_536, %mul3A_497] : memref<4x8x1000000xf32, #tpu.memory_space<hbm>> -> memref<4x8x16xf32, #tpu.memory_space<hbm>>
        tpu.enqueue_dma source(%dma_start3A_537 : memref<4x8x16xf32, #tpu.memory_space<hbm>>) target(%dma_start3A_534 : memref<4x8x16xf32, #tpu.memory_space<vmem>>) target_semaphore(%arg12 : memref<!tpu.dma_semaphore, #tpu.memory_space<semaphore_mem>>)
        %dma_start3A_538 = arith.constant 0 : i32
        %dma_start3A_539 = arith.constant 0 : i32
        %dma_start3A_540 = tpu.memref_slice %arg10[%dma_start3A_538, %dma_start3A_539, %mul3A_469] : memref<4x8x1024xf32, #tpu.memory_space<vmem>> -> memref<4x8x16xf32, #tpu.memory_space<vmem>>
        %dma_start3A_541 = arith.constant 0 : i32
        %dma_start3A_542 = arith.constant 0 : i32
        %dma_start3A_543 = tpu.memref_slice %arg5[%dma_start3A_541, %dma_start3A_542, %mul3A_525] : memref<4x8x1000000xf32, #tpu.memory_space<hbm>> -> memref<4x8x16xf32, #tpu.memory_space<hbm>>
        %dma_start3A_544 = arith.constant 0 : i32
        %dma_start3A_545 = arith.constant 0 : i32
        %dma_start3A_546 = tpu.memref_slice %arg10[%dma_start3A_544, %dma_start3A_545, %mul3A_469] : memref<4x8x1024xf32, #tpu.memory_space<vmem>> -> memref<4x8x16xf32, #tpu.memory_space<vmem>>
        %dma_start3A_547 = arith.constant 0 : i32
        %dma_start3A_548 = arith.constant 0 : i32
        %dma_start3A_549 = tpu.memref_slice %arg5[%dma_start3A_547, %dma_start3A_548, %mul3A_525] : memref<4x8x1000000xf32, #tpu.memory_space<hbm>> -> memref<4x8x16xf32, #tpu.memory_space<hbm>>
        tpu.enqueue_dma source(%dma_start3A_549 : memref<4x8x16xf32, #tpu.memory_space<hbm>>) target(%dma_start3A_546 : memref<4x8x16xf32, #tpu.memory_space<vmem>>) target_semaphore(%arg12 : memref<!tpu.dma_semaphore, #tpu.memory_space<semaphore_mem>>)
        %mul3A_550 = arith.constant 16 : i32
        %mul3A_551 = arith.muli %scan3A_35, %mul3A_550 : i32
        %add3A_552 = arith.constant 6 : i32
        %add3A_553 = arith.addi %mul3A_551, %add3A_552 : i32
        %mul3A_554 = arith.constant 16 : i32
        %mul3A_555 = arith.muli %add3A_553, %mul3A_554 : i32
        %slice3A_556 = vector.extract_strided_slice %get3A_39 {offsets = [6], sizes = [1], strides = [1]} : vector<16xi32> to vector<1xi32>
        %squeeze3A_557 = vector.extract %slice3A_556[0] : i32 from vector<1xi32>
        %jit3A_558 = arith.constant 16 : i32
        %div3A_559 = arith.divsi %squeeze3A_557, %jit3A_558 : i32
        %sign3A_560 = arith.constant 0 : i32
        %sign3A_561 = arith.cmpi sgt, %squeeze3A_557, %sign3A_560 : i32
        %sign3A_562 = arith.extui %sign3A_561 : i1 to i32
        %sign3A_563 = arith.constant 0 : i32
        %sign3A_564 = arith.cmpi slt, %squeeze3A_557, %sign3A_563 : i32
        %sign3A_565 = arith.extui %sign3A_564 : i1 to i32
        %sign3A_566 = arith.subi %sign3A_562, %sign3A_565 : i32
        %sign3A_567 = arith.constant 0 : i32
        %sign3A_568 = arith.cmpi sgt, %jit3A_558, %sign3A_567 : i32
        %sign3A_569 = arith.extui %sign3A_568 : i1 to i32
        %sign3A_570 = arith.constant 0 : i32
        %sign3A_571 = arith.cmpi slt, %jit3A_558, %sign3A_570 : i32
        %sign3A_572 = arith.extui %sign3A_571 : i1 to i32
        %sign3A_573 = arith.subi %sign3A_569, %sign3A_572 : i32
        %ne3A_574 = arith.cmpi ne, %sign3A_566, %sign3A_573 : i32
        %rem3A_575 = arith.remsi %squeeze3A_557, %jit3A_558 : i32
        %ne3A_576 = arith.constant 0 : i32
        %ne3A_577 = arith.cmpi ne, %rem3A_575, %ne3A_576 : i32
        %and3A_578 = arith.andi %ne3A_574, %ne3A_577 : i1
        %sub3A_579 = arith.constant 1 : i32
        %sub3A_580 = arith.subi %div3A_559, %sub3A_579 : i32
        %select_n3A_581 = arith.select %and3A_578, %sub3A_580, %div3A_559 : i32
        %mul3A_582 = arith.constant 16 : i32
        %mul3A_583 = arith.muli %select_n3A_581, %mul3A_582 : i32
        %slice3A_584 = vector.extract_strided_slice %get3A_44 {offsets = [6], sizes = [1], strides = [1]} : vector<16xi32> to vector<1xi32>
        %squeeze3A_585 = vector.extract %slice3A_584[0] : i32 from vector<1xi32>
        %jit3A_586 = arith.constant 16 : i32
        %div3A_587 = arith.divsi %squeeze3A_585, %jit3A_586 : i32
        %sign3A_588 = arith.constant 0 : i32
        %sign3A_589 = arith.cmpi sgt, %squeeze3A_585, %sign3A_588 : i32
        %sign3A_590 = arith.extui %sign3A_589 : i1 to i32
        %sign3A_591 = arith.constant 0 : i32
        %sign3A_592 = arith.cmpi slt, %squeeze3A_585, %sign3A_591 : i32
        %sign3A_593 = arith.extui %sign3A_592 : i1 to i32
        %sign3A_594 = arith.subi %sign3A_590, %sign3A_593 : i32
        %sign3A_595 = arith.constant 0 : i32
        %sign3A_596 = arith.cmpi sgt, %jit3A_586, %sign3A_595 : i32
        %sign3A_597 = arith.extui %sign3A_596 : i1 to i32
        %sign3A_598 = arith.constant 0 : i32
        %sign3A_599 = arith.cmpi slt, %jit3A_586, %sign3A_598 : i32
        %sign3A_600 = arith.extui %sign3A_599 : i1 to i32
        %sign3A_601 = arith.subi %sign3A_597, %sign3A_600 : i32
        %ne3A_602 = arith.cmpi ne, %sign3A_594, %sign3A_601 : i32
        %rem3A_603 = arith.remsi %squeeze3A_585, %jit3A_586 : i32
        %ne3A_604 = arith.constant 0 : i32
        %ne3A_605 = arith.cmpi ne, %rem3A_603, %ne3A_604 : i32
        %and3A_606 = arith.andi %ne3A_602, %ne3A_605 : i1
        %sub3A_607 = arith.constant 1 : i32
        %sub3A_608 = arith.subi %div3A_587, %sub3A_607 : i32
        %select_n3A_609 = arith.select %and3A_606, %sub3A_608, %div3A_587 : i32
        %mul3A_610 = arith.constant 16 : i32
        %mul3A_611 = arith.muli %select_n3A_609, %mul3A_610 : i32
        %dma_start3A_612 = arith.constant 0 : i32
        %dma_start3A_613 = arith.constant 0 : i32
        %dma_start3A_614 = tpu.memref_slice %arg9[%dma_start3A_612, %dma_start3A_613, %mul3A_555] : memref<4x8x1024xf32, #tpu.memory_space<vmem>> -> memref<4x8x16xf32, #tpu.memory_space<vmem>>
        %dma_start3A_615 = arith.constant 0 : i32
        %dma_start3A_616 = arith.constant 0 : i32
        %dma_start3A_617 = tpu.memref_slice %arg4[%dma_start3A_615, %dma_start3A_616, %mul3A_583] : memref<4x8x1000000xf32, #tpu.memory_space<hbm>> -> memref<4x8x16xf32, #tpu.memory_space<hbm>>
        %dma_start3A_618 = arith.constant 0 : i32
        %dma_start3A_619 = arith.constant 0 : i32
        %dma_start3A_620 = tpu.memref_slice %arg9[%dma_start3A_618, %dma_start3A_619, %mul3A_555] : memref<4x8x1024xf32, #tpu.memory_space<vmem>> -> memref<4x8x16xf32, #tpu.memory_space<vmem>>
        %dma_start3A_621 = arith.constant 0 : i32
        %dma_start3A_622 = arith.constant 0 : i32
        %dma_start3A_623 = tpu.memref_slice %arg4[%dma_start3A_621, %dma_start3A_622, %mul3A_583] : memref<4x8x1000000xf32, #tpu.memory_space<hbm>> -> memref<4x8x16xf32, #tpu.memory_space<hbm>>
        tpu.enqueue_dma source(%dma_start3A_623 : memref<4x8x16xf32, #tpu.memory_space<hbm>>) target(%dma_start3A_620 : memref<4x8x16xf32, #tpu.memory_space<vmem>>) target_semaphore(%arg12 : memref<!tpu.dma_semaphore, #tpu.memory_space<semaphore_mem>>)
        %dma_start3A_624 = arith.constant 0 : i32
        %dma_start3A_625 = arith.constant 0 : i32
        %dma_start3A_626 = tpu.memref_slice %arg10[%dma_start3A_624, %dma_start3A_625, %mul3A_555] : memref<4x8x1024xf32, #tpu.memory_space<vmem>> -> memref<4x8x16xf32, #tpu.memory_space<vmem>>
        %dma_start3A_627 = arith.constant 0 : i32
        %dma_start3A_628 = arith.constant 0 : i32
        %dma_start3A_629 = tpu.memref_slice %arg5[%dma_start3A_627, %dma_start3A_628, %mul3A_611] : memref<4x8x1000000xf32, #tpu.memory_space<hbm>> -> memref<4x8x16xf32, #tpu.memory_space<hbm>>
        %dma_start3A_630 = arith.constant 0 : i32
        %dma_start3A_631 = arith.constant 0 : i32
        %dma_start3A_632 = tpu.memref_slice %arg10[%dma_start3A_630, %dma_start3A_631, %mul3A_555] : memref<4x8x1024xf32, #tpu.memory_space<vmem>> -> memref<4x8x16xf32, #tpu.memory_space<vmem>>
        %dma_start3A_633 = arith.constant 0 : i32
        %dma_start3A_634 = arith.constant 0 : i32
        %dma_start3A_635 = tpu.memref_slice %arg5[%dma_start3A_633, %dma_start3A_634, %mul3A_611] : memref<4x8x1000000xf32, #tpu.memory_space<hbm>> -> memref<4x8x16xf32, #tpu.memory_space<hbm>>
        tpu.enqueue_dma source(%dma_start3A_635 : memref<4x8x16xf32, #tpu.memory_space<hbm>>) target(%dma_start3A_632 : memref<4x8x16xf32, #tpu.memory_space<vmem>>) target_semaphore(%arg12 : memref<!tpu.dma_semaphore, #tpu.memory_space<semaphore_mem>>)
        %mul3A_636 = arith.constant 16 : i32
        %mul3A_637 = arith.muli %scan3A_35, %mul3A_636 : i32
        %add3A_638 = arith.constant 7 : i32
        %add3A_639 = arith.addi %mul3A_637, %add3A_638 : i32
        %mul3A_640 = arith.constant 16 : i32
        %mul3A_641 = arith.muli %add3A_639, %mul3A_640 : i32
        %slice3A_642 = vector.extract_strided_slice %get3A_39 {offsets = [7], sizes = [1], strides = [1]} : vector<16xi32> to vector<1xi32>
        %squeeze3A_643 = vector.extract %slice3A_642[0] : i32 from vector<1xi32>
        %jit3A_644 = arith.constant 16 : i32
        %div3A_645 = arith.divsi %squeeze3A_643, %jit3A_644 : i32
        %sign3A_646 = arith.constant 0 : i32
        %sign3A_647 = arith.cmpi sgt, %squeeze3A_643, %sign3A_646 : i32
        %sign3A_648 = arith.extui %sign3A_647 : i1 to i32
        %sign3A_649 = arith.constant 0 : i32
        %sign3A_650 = arith.cmpi slt, %squeeze3A_643, %sign3A_649 : i32
        %sign3A_651 = arith.extui %sign3A_650 : i1 to i32
        %sign3A_652 = arith.subi %sign3A_648, %sign3A_651 : i32
        %sign3A_653 = arith.constant 0 : i32
        %sign3A_654 = arith.cmpi sgt, %jit3A_644, %sign3A_653 : i32
        %sign3A_655 = arith.extui %sign3A_654 : i1 to i32
        %sign3A_656 = arith.constant 0 : i32
        %sign3A_657 = arith.cmpi slt, %jit3A_644, %sign3A_656 : i32
        %sign3A_658 = arith.extui %sign3A_657 : i1 to i32
        %sign3A_659 = arith.subi %sign3A_655, %sign3A_658 : i32
        %ne3A_660 = arith.cmpi ne, %sign3A_652, %sign3A_659 : i32
        %rem3A_661 = arith.remsi %squeeze3A_643, %jit3A_644 : i32
        %ne3A_662 = arith.constant 0 : i32
        %ne3A_663 = arith.cmpi ne, %rem3A_661, %ne3A_662 : i32
        %and3A_664 = arith.andi %ne3A_660, %ne3A_663 : i1
        %sub3A_665 = arith.constant 1 : i32
        %sub3A_666 = arith.subi %div3A_645, %sub3A_665 : i32
        %select_n3A_667 = arith.select %and3A_664, %sub3A_666, %div3A_645 : i32
        %mul3A_668 = arith.constant 16 : i32
        %mul3A_669 = arith.muli %select_n3A_667, %mul3A_668 : i32
        %slice3A_670 = vector.extract_strided_slice %get3A_44 {offsets = [7], sizes = [1], strides = [1]} : vector<16xi32> to vector<1xi32>
        %squeeze3A_671 = vector.extract %slice3A_670[0] : i32 from vector<1xi32>
        %jit3A_672 = arith.constant 16 : i32
        %div3A_673 = arith.divsi %squeeze3A_671, %jit3A_672 : i32
        %sign3A_674 = arith.constant 0 : i32
        %sign3A_675 = arith.cmpi sgt, %squeeze3A_671, %sign3A_674 : i32
        %sign3A_676 = arith.extui %sign3A_675 : i1 to i32
        %sign3A_677 = arith.constant 0 : i32
        %sign3A_678 = arith.cmpi slt, %squeeze3A_671, %sign3A_677 : i32
        %sign3A_679 = arith.extui %sign3A_678 : i1 to i32
        %sign3A_680 = arith.subi %sign3A_676, %sign3A_679 : i32
        %sign3A_681 = arith.constant 0 : i32
        %sign3A_682 = arith.cmpi sgt, %jit3A_672, %sign3A_681 : i32
        %sign3A_683 = arith.extui %sign3A_682 : i1 to i32
        %sign3A_684 = arith.constant 0 : i32
        %sign3A_685 = arith.cmpi slt, %jit3A_672, %sign3A_684 : i32
        %sign3A_686 = arith.extui %sign3A_685 : i1 to i32
        %sign3A_687 = arith.subi %sign3A_683, %sign3A_686 : i32
        %ne3A_688 = arith.cmpi ne, %sign3A_680, %sign3A_687 : i32
        %rem3A_689 = arith.remsi %squeeze3A_671, %jit3A_672 : i32
        %ne3A_690 = arith.constant 0 : i32
        %ne3A_691 = arith.cmpi ne, %rem3A_689, %ne3A_690 : i32
        %and3A_692 = arith.andi %ne3A_688, %ne3A_691 : i1
        %sub3A_693 = arith.constant 1 : i32
        %sub3A_694 = arith.subi %div3A_673, %sub3A_693 : i32
        %select_n3A_695 = arith.select %and3A_692, %sub3A_694, %div3A_673 : i32
        %mul3A_696 = arith.constant 16 : i32
        %mul3A_697 = arith.muli %select_n3A_695, %mul3A_696 : i32
        %dma_start3A_698 = arith.constant 0 : i32
        %dma_start3A_699 = arith.constant 0 : i32
        %dma_start3A_700 = tpu.memref_slice %arg9[%dma_start3A_698, %dma_start3A_699, %mul3A_641] : memref<4x8x1024xf32, #tpu.memory_space<vmem>> -> memref<4x8x16xf32, #tpu.memory_space<vmem>>
        %dma_start3A_701 = arith.constant 0 : i32
        %dma_start3A_702 = arith.constant 0 : i32
        %dma_start3A_703 = tpu.memref_slice %arg4[%dma_start3A_701, %dma_start3A_702, %mul3A_669] : memref<4x8x1000000xf32, #tpu.memory_space<hbm>> -> memref<4x8x16xf32, #tpu.memory_space<hbm>>
        %dma_start3A_704 = arith.constant 0 : i32
        %dma_start3A_705 = arith.constant 0 : i32
        %dma_start3A_706 = tpu.memref_slice %arg9[%dma_start3A_704, %dma_start3A_705, %mul3A_641] : memref<4x8x1024xf32, #tpu.memory_space<vmem>> -> memref<4x8x16xf32, #tpu.memory_space<vmem>>
        %dma_start3A_707 = arith.constant 0 : i32
        %dma_start3A_708 = arith.constant 0 : i32
        %dma_start3A_709 = tpu.memref_slice %arg4[%dma_start3A_707, %dma_start3A_708, %mul3A_669] : memref<4x8x1000000xf32, #tpu.memory_space<hbm>> -> memref<4x8x16xf32, #tpu.memory_space<hbm>>
        tpu.enqueue_dma source(%dma_start3A_709 : memref<4x8x16xf32, #tpu.memory_space<hbm>>) target(%dma_start3A_706 : memref<4x8x16xf32, #tpu.memory_space<vmem>>) target_semaphore(%arg12 : memref<!tpu.dma_semaphore, #tpu.memory_space<semaphore_mem>>)
        %dma_start3A_710 = arith.constant 0 : i32
        %dma_start3A_711 = arith.constant 0 : i32
        %dma_start3A_712 = tpu.memref_slice %arg10[%dma_start3A_710, %dma_start3A_711, %mul3A_641] : memref<4x8x1024xf32, #tpu.memory_space<vmem>> -> memref<4x8x16xf32, #tpu.memory_space<vmem>>
        %dma_start3A_713 = arith.constant 0 : i32
        %dma_start3A_714 = arith.constant 0 : i32
        %dma_start3A_715 = tpu.memref_slice %arg5[%dma_start3A_713, %dma_start3A_714, %mul3A_697] : memref<4x8x1000000xf32, #tpu.memory_space<hbm>> -> memref<4x8x16xf32, #tpu.memory_space<hbm>>
        %dma_start3A_716 = arith.constant 0 : i32
        %dma_start3A_717 = arith.constant 0 : i32
        %dma_start3A_718 = tpu.memref_slice %arg10[%dma_start3A_716, %dma_start3A_717, %mul3A_641] : memref<4x8x1024xf32, #tpu.memory_space<vmem>> -> memref<4x8x16xf32, #tpu.memory_space<vmem>>
        %dma_start3A_719 = arith.constant 0 : i32
        %dma_start3A_720 = arith.constant 0 : i32
        %dma_start3A_721 = tpu.memref_slice %arg5[%dma_start3A_719, %dma_start3A_720, %mul3A_697] : memref<4x8x1000000xf32, #tpu.memory_space<hbm>> -> memref<4x8x16xf32, #tpu.memory_space<hbm>>
        tpu.enqueue_dma source(%dma_start3A_721 : memref<4x8x16xf32, #tpu.memory_space<hbm>>) target(%dma_start3A_718 : memref<4x8x16xf32, #tpu.memory_space<vmem>>) target_semaphore(%arg12 : memref<!tpu.dma_semaphore, #tpu.memory_space<semaphore_mem>>)
        %mul3A_722 = arith.constant 16 : i32
        %mul3A_723 = arith.muli %scan3A_35, %mul3A_722 : i32
        %add3A_724 = arith.constant 8 : i32
        %add3A_725 = arith.addi %mul3A_723, %add3A_724 : i32
        %mul3A_726 = arith.constant 16 : i32
        %mul3A_727 = arith.muli %add3A_725, %mul3A_726 : i32
        %slice3A_728 = vector.extract_strided_slice %get3A_39 {offsets = [8], sizes = [1], strides = [1]} : vector<16xi32> to vector<1xi32>
        %squeeze3A_729 = vector.extract %slice3A_728[0] : i32 from vector<1xi32>
        %jit3A_730 = arith.constant 16 : i32
        %div3A_731 = arith.divsi %squeeze3A_729, %jit3A_730 : i32
        %sign3A_732 = arith.constant 0 : i32
        %sign3A_733 = arith.cmpi sgt, %squeeze3A_729, %sign3A_732 : i32
        %sign3A_734 = arith.extui %sign3A_733 : i1 to i32
        %sign3A_735 = arith.constant 0 : i32
        %sign3A_736 = arith.cmpi slt, %squeeze3A_729, %sign3A_735 : i32
        %sign3A_737 = arith.extui %sign3A_736 : i1 to i32
        %sign3A_738 = arith.subi %sign3A_734, %sign3A_737 : i32
        %sign3A_739 = arith.constant 0 : i32
        %sign3A_740 = arith.cmpi sgt, %jit3A_730, %sign3A_739 : i32
        %sign3A_741 = arith.extui %sign3A_740 : i1 to i32
        %sign3A_742 = arith.constant 0 : i32
        %sign3A_743 = arith.cmpi slt, %jit3A_730, %sign3A_742 : i32
        %sign3A_744 = arith.extui %sign3A_743 : i1 to i32
        %sign3A_745 = arith.subi %sign3A_741, %sign3A_744 : i32
        %ne3A_746 = arith.cmpi ne, %sign3A_738, %sign3A_745 : i32
        %rem3A_747 = arith.remsi %squeeze3A_729, %jit3A_730 : i32
        %ne3A_748 = arith.constant 0 : i32
        %ne3A_749 = arith.cmpi ne, %rem3A_747, %ne3A_748 : i32
        %and3A_750 = arith.andi %ne3A_746, %ne3A_749 : i1
        %sub3A_751 = arith.constant 1 : i32
        %sub3A_752 = arith.subi %div3A_731, %sub3A_751 : i32
        %select_n3A_753 = arith.select %and3A_750, %sub3A_752, %div3A_731 : i32
        %mul3A_754 = arith.constant 16 : i32
        %mul3A_755 = arith.muli %select_n3A_753, %mul3A_754 : i32
        %slice3A_756 = vector.extract_strided_slice %get3A_44 {offsets = [8], sizes = [1], strides = [1]} : vector<16xi32> to vector<1xi32>
        %squeeze3A_757 = vector.extract %slice3A_756[0] : i32 from vector<1xi32>
        %jit3A_758 = arith.constant 16 : i32
        %div3A_759 = arith.divsi %squeeze3A_757, %jit3A_758 : i32
        %sign3A_760 = arith.constant 0 : i32
        %sign3A_761 = arith.cmpi sgt, %squeeze3A_757, %sign3A_760 : i32
        %sign3A_762 = arith.extui %sign3A_761 : i1 to i32
        %sign3A_763 = arith.constant 0 : i32
        %sign3A_764 = arith.cmpi slt, %squeeze3A_757, %sign3A_763 : i32
        %sign3A_765 = arith.extui %sign3A_764 : i1 to i32
        %sign3A_766 = arith.subi %sign3A_762, %sign3A_765 : i32
        %sign3A_767 = arith.constant 0 : i32
        %sign3A_768 = arith.cmpi sgt, %jit3A_758, %sign3A_767 : i32
        %sign3A_769 = arith.extui %sign3A_768 : i1 to i32
        %sign3A_770 = arith.constant 0 : i32
        %sign3A_771 = arith.cmpi slt, %jit3A_758, %sign3A_770 : i32
        %sign3A_772 = arith.extui %sign3A_771 : i1 to i32
        %sign3A_773 = arith.subi %sign3A_769, %sign3A_772 : i32
        %ne3A_774 = arith.cmpi ne, %sign3A_766, %sign3A_773 : i32
        %rem3A_775 = arith.remsi %squeeze3A_757, %jit3A_758 : i32
        %ne3A_776 = arith.constant 0 : i32
        %ne3A_777 = arith.cmpi ne, %rem3A_775, %ne3A_776 : i32
        %and3A_778 = arith.andi %ne3A_774, %ne3A_777 : i1
        %sub3A_779 = arith.constant 1 : i32
        %sub3A_780 = arith.subi %div3A_759, %sub3A_779 : i32
        %select_n3A_781 = arith.select %and3A_778, %sub3A_780, %div3A_759 : i32
        %mul3A_782 = arith.constant 16 : i32
        %mul3A_783 = arith.muli %select_n3A_781, %mul3A_782 : i32
        %dma_start3A_784 = arith.constant 0 : i32
        %dma_start3A_785 = arith.constant 0 : i32
        %dma_start3A_786 = tpu.memref_slice %arg9[%dma_start3A_784, %dma_start3A_785, %mul3A_727] : memref<4x8x1024xf32, #tpu.memory_space<vmem>> -> memref<4x8x16xf32, #tpu.memory_space<vmem>>
        %dma_start3A_787 = arith.constant 0 : i32
        %dma_start3A_788 = arith.constant 0 : i32
        %dma_start3A_789 = tpu.memref_slice %arg4[%dma_start3A_787, %dma_start3A_788, %mul3A_755] : memref<4x8x1000000xf32, #tpu.memory_space<hbm>> -> memref<4x8x16xf32, #tpu.memory_space<hbm>>
        %dma_start3A_790 = arith.constant 0 : i32
        %dma_start3A_791 = arith.constant 0 : i32
        %dma_start3A_792 = tpu.memref_slice %arg9[%dma_start3A_790, %dma_start3A_791, %mul3A_727] : memref<4x8x1024xf32, #tpu.memory_space<vmem>> -> memref<4x8x16xf32, #tpu.memory_space<vmem>>
        %dma_start3A_793 = arith.constant 0 : i32
        %dma_start3A_794 = arith.constant 0 : i32
        %dma_start3A_795 = tpu.memref_slice %arg4[%dma_start3A_793, %dma_start3A_794, %mul3A_755] : memref<4x8x1000000xf32, #tpu.memory_space<hbm>> -> memref<4x8x16xf32, #tpu.memory_space<hbm>>
        tpu.enqueue_dma source(%dma_start3A_795 : memref<4x8x16xf32, #tpu.memory_space<hbm>>) target(%dma_start3A_792 : memref<4x8x16xf32, #tpu.memory_space<vmem>>) target_semaphore(%arg12 : memref<!tpu.dma_semaphore, #tpu.memory_space<semaphore_mem>>)
        %dma_start3A_796 = arith.constant 0 : i32
        %dma_start3A_797 = arith.constant 0 : i32
        %dma_start3A_798 = tpu.memref_slice %arg10[%dma_start3A_796, %dma_start3A_797, %mul3A_727] : memref<4x8x1024xf32, #tpu.memory_space<vmem>> -> memref<4x8x16xf32, #tpu.memory_space<vmem>>
        %dma_start3A_799 = arith.constant 0 : i32
        %dma_start3A_800 = arith.constant 0 : i32
        %dma_start3A_801 = tpu.memref_slice %arg5[%dma_start3A_799, %dma_start3A_800, %mul3A_783] : memref<4x8x1000000xf32, #tpu.memory_space<hbm>> -> memref<4x8x16xf32, #tpu.memory_space<hbm>>
        %dma_start3A_802 = arith.constant 0 : i32
        %dma_start3A_803 = arith.constant 0 : i32
        %dma_start3A_804 = tpu.memref_slice %arg10[%dma_start3A_802, %dma_start3A_803, %mul3A_727] : memref<4x8x1024xf32, #tpu.memory_space<vmem>> -> memref<4x8x16xf32, #tpu.memory_space<vmem>>
        %dma_start3A_805 = arith.constant 0 : i32
        %dma_start3A_806 = arith.constant 0 : i32
        %dma_start3A_807 = tpu.memref_slice %arg5[%dma_start3A_805, %dma_start3A_806, %mul3A_783] : memref<4x8x1000000xf32, #tpu.memory_space<hbm>> -> memref<4x8x16xf32, #tpu.memory_space<hbm>>
        tpu.enqueue_dma source(%dma_start3A_807 : memref<4x8x16xf32, #tpu.memory_space<hbm>>) target(%dma_start3A_804 : memref<4x8x16xf32, #tpu.memory_space<vmem>>) target_semaphore(%arg12 : memref<!tpu.dma_semaphore, #tpu.memory_space<semaphore_mem>>)
        %mul3A_808 = arith.constant 16 : i32
        %mul3A_809 = arith.muli %scan3A_35, %mul3A_808 : i32
        %add3A_810 = arith.constant 9 : i32
        %add3A_811 = arith.addi %mul3A_809, %add3A_810 : i32
        %mul3A_812 = arith.constant 16 : i32
        %mul3A_813 = arith.muli %add3A_811, %mul3A_812 : i32
        %slice3A_814 = vector.extract_strided_slice %get3A_39 {offsets = [9], sizes = [1], strides = [1]} : vector<16xi32> to vector<1xi32>
        %squeeze3A_815 = vector.extract %slice3A_814[0] : i32 from vector<1xi32>
        %jit3A_816 = arith.constant 16 : i32
        %div3A_817 = arith.divsi %squeeze3A_815, %jit3A_816 : i32
        %sign3A_818 = arith.constant 0 : i32
        %sign3A_819 = arith.cmpi sgt, %squeeze3A_815, %sign3A_818 : i32
        %sign3A_820 = arith.extui %sign3A_819 : i1 to i32
        %sign3A_821 = arith.constant 0 : i32
        %sign3A_822 = arith.cmpi slt, %squeeze3A_815, %sign3A_821 : i32
        %sign3A_823 = arith.extui %sign3A_822 : i1 to i32
        %sign3A_824 = arith.subi %sign3A_820, %sign3A_823 : i32
        %sign3A_825 = arith.constant 0 : i32
        %sign3A_826 = arith.cmpi sgt, %jit3A_816, %sign3A_825 : i32
        %sign3A_827 = arith.extui %sign3A_826 : i1 to i32
        %sign3A_828 = arith.constant 0 : i32
        %sign3A_829 = arith.cmpi slt, %jit3A_816, %sign3A_828 : i32
        %sign3A_830 = arith.extui %sign3A_829 : i1 to i32
        %sign3A_831 = arith.subi %sign3A_827, %sign3A_830 : i32
        %ne3A_832 = arith.cmpi ne, %sign3A_824, %sign3A_831 : i32
        %rem3A_833 = arith.remsi %squeeze3A_815, %jit3A_816 : i32
        %ne3A_834 = arith.constant 0 : i32
        %ne3A_835 = arith.cmpi ne, %rem3A_833, %ne3A_834 : i32
        %and3A_836 = arith.andi %ne3A_832, %ne3A_835 : i1
        %sub3A_837 = arith.constant 1 : i32
        %sub3A_838 = arith.subi %div3A_817, %sub3A_837 : i32
        %select_n3A_839 = arith.select %and3A_836, %sub3A_838, %div3A_817 : i32
        %mul3A_840 = arith.constant 16 : i32
        %mul3A_841 = arith.muli %select_n3A_839, %mul3A_840 : i32
        %slice3A_842 = vector.extract_strided_slice %get3A_44 {offsets = [9], sizes = [1], strides = [1]} : vector<16xi32> to vector<1xi32>
        %squeeze3A_843 = vector.extract %slice3A_842[0] : i32 from vector<1xi32>
        %jit3A_844 = arith.constant 16 : i32
        %div3A_845 = arith.divsi %squeeze3A_843, %jit3A_844 : i32
        %sign3A_846 = arith.constant 0 : i32
        %sign3A_847 = arith.cmpi sgt, %squeeze3A_843, %sign3A_846 : i32
        %sign3A_848 = arith.extui %sign3A_847 : i1 to i32
        %sign3A_849 = arith.constant 0 : i32
        %sign3A_850 = arith.cmpi slt, %squeeze3A_843, %sign3A_849 : i32
        %sign3A_851 = arith.extui %sign3A_850 : i1 to i32
        %sign3A_852 = arith.subi %sign3A_848, %sign3A_851 : i32
        %sign3A_853 = arith.constant 0 : i32
        %sign3A_854 = arith.cmpi sgt, %jit3A_844, %sign3A_853 : i32
        %sign3A_855 = arith.extui %sign3A_854 : i1 to i32
        %sign3A_856 = arith.constant 0 : i32
        %sign3A_857 = arith.cmpi slt, %jit3A_844, %sign3A_856 : i32
        %sign3A_858 = arith.extui %sign3A_857 : i1 to i32
        %sign3A_859 = arith.subi %sign3A_855, %sign3A_858 : i32
        %ne3A_860 = arith.cmpi ne, %sign3A_852, %sign3A_859 : i32
        %rem3A_861 = arith.remsi %squeeze3A_843, %jit3A_844 : i32
        %ne3A_862 = arith.constant 0 : i32
        %ne3A_863 = arith.cmpi ne, %rem3A_861, %ne3A_862 : i32
        %and3A_864 = arith.andi %ne3A_860, %ne3A_863 : i1
        %sub3A_865 = arith.constant 1 : i32
        %sub3A_866 = arith.subi %div3A_845, %sub3A_865 : i32
        %select_n3A_867 = arith.select %and3A_864, %sub3A_866, %div3A_845 : i32
        %mul3A_868 = arith.constant 16 : i32
        %mul3A_869 = arith.muli %select_n3A_867, %mul3A_868 : i32
        %dma_start3A_870 = arith.constant 0 : i32
        %dma_start3A_871 = arith.constant 0 : i32
        %dma_start3A_872 = tpu.memref_slice %arg9[%dma_start3A_870, %dma_start3A_871, %mul3A_813] : memref<4x8x1024xf32, #tpu.memory_space<vmem>> -> memref<4x8x16xf32, #tpu.memory_space<vmem>>
        %dma_start3A_873 = arith.constant 0 : i32
        %dma_start3A_874 = arith.constant 0 : i32
        %dma_start3A_875 = tpu.memref_slice %arg4[%dma_start3A_873, %dma_start3A_874, %mul3A_841] : memref<4x8x1000000xf32, #tpu.memory_space<hbm>> -> memref<4x8x16xf32, #tpu.memory_space<hbm>>
        %dma_start3A_876 = arith.constant 0 : i32
        %dma_start3A_877 = arith.constant 0 : i32
        %dma_start3A_878 = tpu.memref_slice %arg9[%dma_start3A_876, %dma_start3A_877, %mul3A_813] : memref<4x8x1024xf32, #tpu.memory_space<vmem>> -> memref<4x8x16xf32, #tpu.memory_space<vmem>>
        %dma_start3A_879 = arith.constant 0 : i32
        %dma_start3A_880 = arith.constant 0 : i32
        %dma_start3A_881 = tpu.memref_slice %arg4[%dma_start3A_879, %dma_start3A_880, %mul3A_841] : memref<4x8x1000000xf32, #tpu.memory_space<hbm>> -> memref<4x8x16xf32, #tpu.memory_space<hbm>>
        tpu.enqueue_dma source(%dma_start3A_881 : memref<4x8x16xf32, #tpu.memory_space<hbm>>) target(%dma_start3A_878 : memref<4x8x16xf32, #tpu.memory_space<vmem>>) target_semaphore(%arg12 : memref<!tpu.dma_semaphore, #tpu.memory_space<semaphore_mem>>)
        %dma_start3A_882 = arith.constant 0 : i32
        %dma_start3A_883 = arith.constant 0 : i32
        %dma_start3A_884 = tpu.memref_slice %arg10[%dma_start3A_882, %dma_start3A_883, %mul3A_813] : memref<4x8x1024xf32, #tpu.memory_space<vmem>> -> memref<4x8x16xf32, #tpu.memory_space<vmem>>
        %dma_start3A_885 = arith.constant 0 : i32
        %dma_start3A_886 = arith.constant 0 : i32
        %dma_start3A_887 = tpu.memref_slice %arg5[%dma_start3A_885, %dma_start3A_886, %mul3A_869] : memref<4x8x1000000xf32, #tpu.memory_space<hbm>> -> memref<4x8x16xf32, #tpu.memory_space<hbm>>
        %dma_start3A_888 = arith.constant 0 : i32
        %dma_start3A_889 = arith.constant 0 : i32
        %dma_start3A_890 = tpu.memref_slice %arg10[%dma_start3A_888, %dma_start3A_889, %mul3A_813] : memref<4x8x1024xf32, #tpu.memory_space<vmem>> -> memref<4x8x16xf32, #tpu.memory_space<vmem>>
        %dma_start3A_891 = arith.constant 0 : i32
        %dma_start3A_892 = arith.constant 0 : i32
        %dma_start3A_893 = tpu.memref_slice %arg5[%dma_start3A_891, %dma_start3A_892, %mul3A_869] : memref<4x8x1000000xf32, #tpu.memory_space<hbm>> -> memref<4x8x16xf32, #tpu.memory_space<hbm>>
        tpu.enqueue_dma source(%dma_start3A_893 : memref<4x8x16xf32, #tpu.memory_space<hbm>>) target(%dma_start3A_890 : memref<4x8x16xf32, #tpu.memory_space<vmem>>) target_semaphore(%arg12 : memref<!tpu.dma_semaphore, #tpu.memory_space<semaphore_mem>>)
        %mul3A_894 = arith.constant 16 : i32
        %mul3A_895 = arith.muli %scan3A_35, %mul3A_894 : i32
        %add3A_896 = arith.constant 10 : i32
        %add3A_897 = arith.addi %mul3A_895, %add3A_896 : i32
        %mul3A_898 = arith.constant 16 : i32
        %mul3A_899 = arith.muli %add3A_897, %mul3A_898 : i32
        %slice3A_900 = vector.extract_strided_slice %get3A_39 {offsets = [10], sizes = [1], strides = [1]} : vector<16xi32> to vector<1xi32>
        %squeeze3A_901 = vector.extract %slice3A_900[0] : i32 from vector<1xi32>
        %jit3A_902 = arith.constant 16 : i32
        %div3A_903 = arith.divsi %squeeze3A_901, %jit3A_902 : i32
        %sign3A_904 = arith.constant 0 : i32
        %sign3A_905 = arith.cmpi sgt, %squeeze3A_901, %sign3A_904 : i32
        %sign3A_906 = arith.extui %sign3A_905 : i1 to i32
        %sign3A_907 = arith.constant 0 : i32
        %sign3A_908 = arith.cmpi slt, %squeeze3A_901, %sign3A_907 : i32
        %sign3A_909 = arith.extui %sign3A_908 : i1 to i32
        %sign3A_910 = arith.subi %sign3A_906, %sign3A_909 : i32
        %sign3A_911 = arith.constant 0 : i32
        %sign3A_912 = arith.cmpi sgt, %jit3A_902, %sign3A_911 : i32
        %sign3A_913 = arith.extui %sign3A_912 : i1 to i32
        %sign3A_914 = arith.constant 0 : i32
        %sign3A_915 = arith.cmpi slt, %jit3A_902, %sign3A_914 : i32
        %sign3A_916 = arith.extui %sign3A_915 : i1 to i32
        %sign3A_917 = arith.subi %sign3A_913, %sign3A_916 : i32
        %ne3A_918 = arith.cmpi ne, %sign3A_910, %sign3A_917 : i32
        %rem3A_919 = arith.remsi %squeeze3A_901, %jit3A_902 : i32
        %ne3A_920 = arith.constant 0 : i32
        %ne3A_921 = arith.cmpi ne, %rem3A_919, %ne3A_920 : i32
        %and3A_922 = arith.andi %ne3A_918, %ne3A_921 : i1
        %sub3A_923 = arith.constant 1 : i32
        %sub3A_924 = arith.subi %div3A_903, %sub3A_923 : i32
        %select_n3A_925 = arith.select %and3A_922, %sub3A_924, %div3A_903 : i32
        %mul3A_926 = arith.constant 16 : i32
        %mul3A_927 = arith.muli %select_n3A_925, %mul3A_926 : i32
        %slice3A_928 = vector.extract_strided_slice %get3A_44 {offsets = [10], sizes = [1], strides = [1]} : vector<16xi32> to vector<1xi32>
        %squeeze3A_929 = vector.extract %slice3A_928[0] : i32 from vector<1xi32>
        %jit3A_930 = arith.constant 16 : i32
        %div3A_931 = arith.divsi %squeeze3A_929, %jit3A_930 : i32
        %sign3A_932 = arith.constant 0 : i32
        %sign3A_933 = arith.cmpi sgt, %squeeze3A_929, %sign3A_932 : i32
        %sign3A_934 = arith.extui %sign3A_933 : i1 to i32
        %sign3A_935 = arith.constant 0 : i32
        %sign3A_936 = arith.cmpi slt, %squeeze3A_929, %sign3A_935 : i32
        %sign3A_937 = arith.extui %sign3A_936 : i1 to i32
        %sign3A_938 = arith.subi %sign3A_934, %sign3A_937 : i32
        %sign3A_939 = arith.constant 0 : i32
        %sign3A_940 = arith.cmpi sgt, %jit3A_930, %sign3A_939 : i32
        %sign3A_941 = arith.extui %sign3A_940 : i1 to i32
        %sign3A_942 = arith.constant 0 : i32
        %sign3A_943 = arith.cmpi slt, %jit3A_930, %sign3A_942 : i32
        %sign3A_944 = arith.extui %sign3A_943 : i1 to i32
        %sign3A_945 = arith.subi %sign3A_941, %sign3A_944 : i32
        %ne3A_946 = arith.cmpi ne, %sign3A_938, %sign3A_945 : i32
        %rem3A_947 = arith.remsi %squeeze3A_929, %jit3A_930 : i32
        %ne3A_948 = arith.constant 0 : i32
        %ne3A_949 = arith.cmpi ne, %rem3A_947, %ne3A_948 : i32
        %and3A_950 = arith.andi %ne3A_946, %ne3A_949 : i1
        %sub3A_951 = arith.constant 1 : i32
        %sub3A_952 = arith.subi %div3A_931, %sub3A_951 : i32
        %select_n3A_953 = arith.select %and3A_950, %sub3A_952, %div3A_931 : i32
        %mul3A_954 = arith.constant 16 : i32
        %mul3A_955 = arith.muli %select_n3A_953, %mul3A_954 : i32
        %dma_start3A_956 = arith.constant 0 : i32
        %dma_start3A_957 = arith.constant 0 : i32
        %dma_start3A_958 = tpu.memref_slice %arg9[%dma_start3A_956, %dma_start3A_957, %mul3A_899] : memref<4x8x1024xf32, #tpu.memory_space<vmem>> -> memref<4x8x16xf32, #tpu.memory_space<vmem>>
        %dma_start3A_959 = arith.constant 0 : i32
        %dma_start3A_960 = arith.constant 0 : i32
        %dma_start3A_961 = tpu.memref_slice %arg4[%dma_start3A_959, %dma_start3A_960, %mul3A_927] : memref<4x8x1000000xf32, #tpu.memory_space<hbm>> -> memref<4x8x16xf32, #tpu.memory_space<hbm>>
        %dma_start3A_962 = arith.constant 0 : i32
        %dma_start3A_963 = arith.constant 0 : i32
        %dma_start3A_964 = tpu.memref_slice %arg9[%dma_start3A_962, %dma_start3A_963, %mul3A_899] : memref<4x8x1024xf32, #tpu.memory_space<vmem>> -> memref<4x8x16xf32, #tpu.memory_space<vmem>>
        %dma_start3A_965 = arith.constant 0 : i32
        %dma_start3A_966 = arith.constant 0 : i32
        %dma_start3A_967 = tpu.memref_slice %arg4[%dma_start3A_965, %dma_start3A_966, %mul3A_927] : memref<4x8x1000000xf32, #tpu.memory_space<hbm>> -> memref<4x8x16xf32, #tpu.memory_space<hbm>>
        tpu.enqueue_dma source(%dma_start3A_967 : memref<4x8x16xf32, #tpu.memory_space<hbm>>) target(%dma_start3A_964 : memref<4x8x16xf32, #tpu.memory_space<vmem>>) target_semaphore(%arg12 : memref<!tpu.dma_semaphore, #tpu.memory_space<semaphore_mem>>)
        %dma_start3A_968 = arith.constant 0 : i32
        %dma_start3A_969 = arith.constant 0 : i32
        %dma_start3A_970 = tpu.memref_slice %arg10[%dma_start3A_968, %dma_start3A_969, %mul3A_899] : memref<4x8x1024xf32, #tpu.memory_space<vmem>> -> memref<4x8x16xf32, #tpu.memory_space<vmem>>
        %dma_start3A_971 = arith.constant 0 : i32
        %dma_start3A_972 = arith.constant 0 : i32
        %dma_start3A_973 = tpu.memref_slice %arg5[%dma_start3A_971, %dma_start3A_972, %mul3A_955] : memref<4x8x1000000xf32, #tpu.memory_space<hbm>> -> memref<4x8x16xf32, #tpu.memory_space<hbm>>
        %dma_start3A_974 = arith.constant 0 : i32
        %dma_start3A_975 = arith.constant 0 : i32
        %dma_start3A_976 = tpu.memref_slice %arg10[%dma_start3A_974, %dma_start3A_975, %mul3A_899] : memref<4x8x1024xf32, #tpu.memory_space<vmem>> -> memref<4x8x16xf32, #tpu.memory_space<vmem>>
        %dma_start3A_977 = arith.constant 0 : i32
        %dma_start3A_978 = arith.constant 0 : i32
        %dma_start3A_979 = tpu.memref_slice %arg5[%dma_start3A_977, %dma_start3A_978, %mul3A_955] : memref<4x8x1000000xf32, #tpu.memory_space<hbm>> -> memref<4x8x16xf32, #tpu.memory_space<hbm>>
        tpu.enqueue_dma source(%dma_start3A_979 : memref<4x8x16xf32, #tpu.memory_space<hbm>>) target(%dma_start3A_976 : memref<4x8x16xf32, #tpu.memory_space<vmem>>) target_semaphore(%arg12 : memref<!tpu.dma_semaphore, #tpu.memory_space<semaphore_mem>>)
        %mul3A_980 = arith.constant 16 : i32
        %mul3A_981 = arith.muli %scan3A_35, %mul3A_980 : i32
        %add3A_982 = arith.constant 11 : i32
        %add3A_983 = arith.addi %mul3A_981, %add3A_982 : i32
        %mul3A_984 = arith.constant 16 : i32
        %mul3A_985 = arith.muli %add3A_983, %mul3A_984 : i32
        %slice3A_986 = vector.extract_strided_slice %get3A_39 {offsets = [11], sizes = [1], strides = [1]} : vector<16xi32> to vector<1xi32>
        %squeeze3A_987 = vector.extract %slice3A_986[0] : i32 from vector<1xi32>
        %jit3A_988 = arith.constant 16 : i32
        %div3A_989 = arith.divsi %squeeze3A_987, %jit3A_988 : i32
        %sign3A_990 = arith.constant 0 : i32
        %sign3A_991 = arith.cmpi sgt, %squeeze3A_987, %sign3A_990 : i32
        %sign3A_992 = arith.extui %sign3A_991 : i1 to i32
        %sign3A_993 = arith.constant 0 : i32
        %sign3A_994 = arith.cmpi slt, %squeeze3A_987, %sign3A_993 : i32
        %sign3A_995 = arith.extui %sign3A_994 : i1 to i32
        %sign3A_996 = arith.subi %sign3A_992, %sign3A_995 : i32
        %sign3A_997 = arith.constant 0 : i32
        %sign3A_998 = arith.cmpi sgt, %jit3A_988, %sign3A_997 : i32
        %sign3A_999 = arith.extui %sign3A_998 : i1 to i32
        %sign3A_1000 = arith.constant 0 : i32
        %sign3A_1001 = arith.cmpi slt, %jit3A_988, %sign3A_1000 : i32
        %sign3A_1002 = arith.extui %sign3A_1001 : i1 to i32
        %sign3A_1003 = arith.subi %sign3A_999, %sign3A_1002 : i32
        %ne3A_1004 = arith.cmpi ne, %sign3A_996, %sign3A_1003 : i32
        %rem3A_1005 = arith.remsi %squeeze3A_987, %jit3A_988 : i32
        %ne3A_1006 = arith.constant 0 : i32
        %ne3A_1007 = arith.cmpi ne, %rem3A_1005, %ne3A_1006 : i32
        %and3A_1008 = arith.andi %ne3A_1004, %ne3A_1007 : i1
        %sub3A_1009 = arith.constant 1 : i32
        %sub3A_1010 = arith.subi %div3A_989, %sub3A_1009 : i32
        %select_n3A_1011 = arith.select %and3A_1008, %sub3A_1010, %div3A_989 : i32
        %mul3A_1012 = arith.constant 16 : i32
        %mul3A_1013 = arith.muli %select_n3A_1011, %mul3A_1012 : i32
        %slice3A_1014 = vector.extract_strided_slice %get3A_44 {offsets = [11], sizes = [1], strides = [1]} : vector<16xi32> to vector<1xi32>
        %squeeze3A_1015 = vector.extract %slice3A_1014[0] : i32 from vector<1xi32>
        %jit3A_1016 = arith.constant 16 : i32
        %div3A_1017 = arith.divsi %squeeze3A_1015, %jit3A_1016 : i32
        %sign3A_1018 = arith.constant 0 : i32
        %sign3A_1019 = arith.cmpi sgt, %squeeze3A_1015, %sign3A_1018 : i32
        %sign3A_1020 = arith.extui %sign3A_1019 : i1 to i32
        %sign3A_1021 = arith.constant 0 : i32
        %sign3A_1022 = arith.cmpi slt, %squeeze3A_1015, %sign3A_1021 : i32
        %sign3A_1023 = arith.extui %sign3A_1022 : i1 to i32
        %sign3A_1024 = arith.subi %sign3A_1020, %sign3A_1023 : i32
        %sign3A_1025 = arith.constant 0 : i32
        %sign3A_1026 = arith.cmpi sgt, %jit3A_1016, %sign3A_1025 : i32
        %sign3A_1027 = arith.extui %sign3A_1026 : i1 to i32
        %sign3A_1028 = arith.constant 0 : i32
        %sign3A_1029 = arith.cmpi slt, %jit3A_1016, %sign3A_1028 : i32
        %sign3A_1030 = arith.extui %sign3A_1029 : i1 to i32
        %sign3A_1031 = arith.subi %sign3A_1027, %sign3A_1030 : i32
        %ne3A_1032 = arith.cmpi ne, %sign3A_1024, %sign3A_1031 : i32
        %rem3A_1033 = arith.remsi %squeeze3A_1015, %jit3A_1016 : i32
        %ne3A_1034 = arith.constant 0 : i32
        %ne3A_1035 = arith.cmpi ne, %rem3A_1033, %ne3A_1034 : i32
        %and3A_1036 = arith.andi %ne3A_1032, %ne3A_1035 : i1
        %sub3A_1037 = arith.constant 1 : i32
        %sub3A_1038 = arith.subi %div3A_1017, %sub3A_1037 : i32
        %select_n3A_1039 = arith.select %and3A_1036, %sub3A_1038, %div3A_1017 : i32
        %mul3A_1040 = arith.constant 16 : i32
        %mul3A_1041 = arith.muli %select_n3A_1039, %mul3A_1040 : i32
        %dma_start3A_1042 = arith.constant 0 : i32
        %dma_start3A_1043 = arith.constant 0 : i32
        %dma_start3A_1044 = tpu.memref_slice %arg9[%dma_start3A_1042, %dma_start3A_1043, %mul3A_985] : memref<4x8x1024xf32, #tpu.memory_space<vmem>> -> memref<4x8x16xf32, #tpu.memory_space<vmem>>
        %dma_start3A_1045 = arith.constant 0 : i32
        %dma_start3A_1046 = arith.constant 0 : i32
        %dma_start3A_1047 = tpu.memref_slice %arg4[%dma_start3A_1045, %dma_start3A_1046, %mul3A_1013] : memref<4x8x1000000xf32, #tpu.memory_space<hbm>> -> memref<4x8x16xf32, #tpu.memory_space<hbm>>
        %dma_start3A_1048 = arith.constant 0 : i32
        %dma_start3A_1049 = arith.constant 0 : i32
        %dma_start3A_1050 = tpu.memref_slice %arg9[%dma_start3A_1048, %dma_start3A_1049, %mul3A_985] : memref<4x8x1024xf32, #tpu.memory_space<vmem>> -> memref<4x8x16xf32, #tpu.memory_space<vmem>>
        %dma_start3A_1051 = arith.constant 0 : i32
        %dma_start3A_1052 = arith.constant 0 : i32
        %dma_start3A_1053 = tpu.memref_slice %arg4[%dma_start3A_1051, %dma_start3A_1052, %mul3A_1013] : memref<4x8x1000000xf32, #tpu.memory_space<hbm>> -> memref<4x8x16xf32, #tpu.memory_space<hbm>>
        tpu.enqueue_dma source(%dma_start3A_1053 : memref<4x8x16xf32, #tpu.memory_space<hbm>>) target(%dma_start3A_1050 : memref<4x8x16xf32, #tpu.memory_space<vmem>>) target_semaphore(%arg12 : memref<!tpu.dma_semaphore, #tpu.memory_space<semaphore_mem>>)
        %dma_start3A_1054 = arith.constant 0 : i32
        %dma_start3A_1055 = arith.constant 0 : i32
        %dma_start3A_1056 = tpu.memref_slice %arg10[%dma_start3A_1054, %dma_start3A_1055, %mul3A_985] : memref<4x8x1024xf32, #tpu.memory_space<vmem>> -> memref<4x8x16xf32, #tpu.memory_space<vmem>>
        %dma_start3A_1057 = arith.constant 0 : i32
        %dma_start3A_1058 = arith.constant 0 : i32
        %dma_start3A_1059 = tpu.memref_slice %arg5[%dma_start3A_1057, %dma_start3A_1058, %mul3A_1041] : memref<4x8x1000000xf32, #tpu.memory_space<hbm>> -> memref<4x8x16xf32, #tpu.memory_space<hbm>>
        %dma_start3A_1060 = arith.constant 0 : i32
        %dma_start3A_1061 = arith.constant 0 : i32
        %dma_start3A_1062 = tpu.memref_slice %arg10[%dma_start3A_1060, %dma_start3A_1061, %mul3A_985] : memref<4x8x1024xf32, #tpu.memory_space<vmem>> -> memref<4x8x16xf32, #tpu.memory_space<vmem>>
        %dma_start3A_1063 = arith.constant 0 : i32
        %dma_start3A_1064 = arith.constant 0 : i32
        %dma_start3A_1065 = tpu.memref_slice %arg5[%dma_start3A_1063, %dma_start3A_1064, %mul3A_1041] : memref<4x8x1000000xf32, #tpu.memory_space<hbm>> -> memref<4x8x16xf32, #tpu.memory_space<hbm>>
        tpu.enqueue_dma source(%dma_start3A_1065 : memref<4x8x16xf32, #tpu.memory_space<hbm>>) target(%dma_start3A_1062 : memref<4x8x16xf32, #tpu.memory_space<vmem>>) target_semaphore(%arg12 : memref<!tpu.dma_semaphore, #tpu.memory_space<semaphore_mem>>)
        %mul3A_1066 = arith.constant 16 : i32
        %mul3A_1067 = arith.muli %scan3A_35, %mul3A_1066 : i32
        %add3A_1068 = arith.constant 12 : i32
        %add3A_1069 = arith.addi %mul3A_1067, %add3A_1068 : i32
        %mul3A_1070 = arith.constant 16 : i32
        %mul3A_1071 = arith.muli %add3A_1069, %mul3A_1070 : i32
        %slice3A_1072 = vector.extract_strided_slice %get3A_39 {offsets = [12], sizes = [1], strides = [1]} : vector<16xi32> to vector<1xi32>
        %squeeze3A_1073 = vector.extract %slice3A_1072[0] : i32 from vector<1xi32>
        %jit3A_1074 = arith.constant 16 : i32
        %div3A_1075 = arith.divsi %squeeze3A_1073, %jit3A_1074 : i32
        %sign3A_1076 = arith.constant 0 : i32
        %sign3A_1077 = arith.cmpi sgt, %squeeze3A_1073, %sign3A_1076 : i32
        %sign3A_1078 = arith.extui %sign3A_1077 : i1 to i32
        %sign3A_1079 = arith.constant 0 : i32
        %sign3A_1080 = arith.cmpi slt, %squeeze3A_1073, %sign3A_1079 : i32
        %sign3A_1081 = arith.extui %sign3A_1080 : i1 to i32
        %sign3A_1082 = arith.subi %sign3A_1078, %sign3A_1081 : i32
        %sign3A_1083 = arith.constant 0 : i32
        %sign3A_1084 = arith.cmpi sgt, %jit3A_1074, %sign3A_1083 : i32
        %sign3A_1085 = arith.extui %sign3A_1084 : i1 to i32
        %sign3A_1086 = arith.constant 0 : i32
        %sign3A_1087 = arith.cmpi slt, %jit3A_1074, %sign3A_1086 : i32
        %sign3A_1088 = arith.extui %sign3A_1087 : i1 to i32
        %sign3A_1089 = arith.subi %sign3A_1085, %sign3A_1088 : i32
        %ne3A_1090 = arith.cmpi ne, %sign3A_1082, %sign3A_1089 : i32
        %rem3A_1091 = arith.remsi %squeeze3A_1073, %jit3A_1074 : i32
        %ne3A_1092 = arith.constant 0 : i32
        %ne3A_1093 = arith.cmpi ne, %rem3A_1091, %ne3A_1092 : i32
        %and3A_1094 = arith.andi %ne3A_1090, %ne3A_1093 : i1
        %sub3A_1095 = arith.constant 1 : i32
        %sub3A_1096 = arith.subi %div3A_1075, %sub3A_1095 : i32
        %select_n3A_1097 = arith.select %and3A_1094, %sub3A_1096, %div3A_1075 : i32
        %mul3A_1098 = arith.constant 16 : i32
        %mul3A_1099 = arith.muli %select_n3A_1097, %mul3A_1098 : i32
        %slice3A_1100 = vector.extract_strided_slice %get3A_44 {offsets = [12], sizes = [1], strides = [1]} : vector<16xi32> to vector<1xi32>
        %squeeze3A_1101 = vector.extract %slice3A_1100[0] : i32 from vector<1xi32>
        %jit3A_1102 = arith.constant 16 : i32
        %div3A_1103 = arith.divsi %squeeze3A_1101, %jit3A_1102 : i32
        %sign3A_1104 = arith.constant 0 : i32
        %sign3A_1105 = arith.cmpi sgt, %squeeze3A_1101, %sign3A_1104 : i32
        %sign3A_1106 = arith.extui %sign3A_1105 : i1 to i32
        %sign3A_1107 = arith.constant 0 : i32
        %sign3A_1108 = arith.cmpi slt, %squeeze3A_1101, %sign3A_1107 : i32
        %sign3A_1109 = arith.extui %sign3A_1108 : i1 to i32
        %sign3A_1110 = arith.subi %sign3A_1106, %sign3A_1109 : i32
        %sign3A_1111 = arith.constant 0 : i32
        %sign3A_1112 = arith.cmpi sgt, %jit3A_1102, %sign3A_1111 : i32
        %sign3A_1113 = arith.extui %sign3A_1112 : i1 to i32
        %sign3A_1114 = arith.constant 0 : i32
        %sign3A_1115 = arith.cmpi slt, %jit3A_1102, %sign3A_1114 : i32
        %sign3A_1116 = arith.extui %sign3A_1115 : i1 to i32
        %sign3A_1117 = arith.subi %sign3A_1113, %sign3A_1116 : i32
        %ne3A_1118 = arith.cmpi ne, %sign3A_1110, %sign3A_1117 : i32
        %rem3A_1119 = arith.remsi %squeeze3A_1101, %jit3A_1102 : i32
        %ne3A_1120 = arith.constant 0 : i32
        %ne3A_1121 = arith.cmpi ne, %rem3A_1119, %ne3A_1120 : i32
        %and3A_1122 = arith.andi %ne3A_1118, %ne3A_1121 : i1
        %sub3A_1123 = arith.constant 1 : i32
        %sub3A_1124 = arith.subi %div3A_1103, %sub3A_1123 : i32
        %select_n3A_1125 = arith.select %and3A_1122, %sub3A_1124, %div3A_1103 : i32
        %mul3A_1126 = arith.constant 16 : i32
        %mul3A_1127 = arith.muli %select_n3A_1125, %mul3A_1126 : i32
        %dma_start3A_1128 = arith.constant 0 : i32
        %dma_start3A_1129 = arith.constant 0 : i32
        %dma_start3A_1130 = tpu.memref_slice %arg9[%dma_start3A_1128, %dma_start3A_1129, %mul3A_1071] : memref<4x8x1024xf32, #tpu.memory_space<vmem>> -> memref<4x8x16xf32, #tpu.memory_space<vmem>>
        %dma_start3A_1131 = arith.constant 0 : i32
        %dma_start3A_1132 = arith.constant 0 : i32
        %dma_start3A_1133 = tpu.memref_slice %arg4[%dma_start3A_1131, %dma_start3A_1132, %mul3A_1099] : memref<4x8x1000000xf32, #tpu.memory_space<hbm>> -> memref<4x8x16xf32, #tpu.memory_space<hbm>>
        %dma_start3A_1134 = arith.constant 0 : i32
        %dma_start3A_1135 = arith.constant 0 : i32
        %dma_start3A_1136 = tpu.memref_slice %arg9[%dma_start3A_1134, %dma_start3A_1135, %mul3A_1071] : memref<4x8x1024xf32, #tpu.memory_space<vmem>> -> memref<4x8x16xf32, #tpu.memory_space<vmem>>
        %dma_start3A_1137 = arith.constant 0 : i32
        %dma_start3A_1138 = arith.constant 0 : i32
        %dma_start3A_1139 = tpu.memref_slice %arg4[%dma_start3A_1137, %dma_start3A_1138, %mul3A_1099] : memref<4x8x1000000xf32, #tpu.memory_space<hbm>> -> memref<4x8x16xf32, #tpu.memory_space<hbm>>
        tpu.enqueue_dma source(%dma_start3A_1139 : memref<4x8x16xf32, #tpu.memory_space<hbm>>) target(%dma_start3A_1136 : memref<4x8x16xf32, #tpu.memory_space<vmem>>) target_semaphore(%arg12 : memref<!tpu.dma_semaphore, #tpu.memory_space<semaphore_mem>>)
        %dma_start3A_1140 = arith.constant 0 : i32
        %dma_start3A_1141 = arith.constant 0 : i32
        %dma_start3A_1142 = tpu.memref_slice %arg10[%dma_start3A_1140, %dma_start3A_1141, %mul3A_1071] : memref<4x8x1024xf32, #tpu.memory_space<vmem>> -> memref<4x8x16xf32, #tpu.memory_space<vmem>>
        %dma_start3A_1143 = arith.constant 0 : i32
        %dma_start3A_1144 = arith.constant 0 : i32
        %dma_start3A_1145 = tpu.memref_slice %arg5[%dma_start3A_1143, %dma_start3A_1144, %mul3A_1127] : memref<4x8x1000000xf32, #tpu.memory_space<hbm>> -> memref<4x8x16xf32, #tpu.memory_space<hbm>>
        %dma_start3A_1146 = arith.constant 0 : i32
        %dma_start3A_1147 = arith.constant 0 : i32
        %dma_start3A_1148 = tpu.memref_slice %arg10[%dma_start3A_1146, %dma_start3A_1147, %mul3A_1071] : memref<4x8x1024xf32, #tpu.memory_space<vmem>> -> memref<4x8x16xf32, #tpu.memory_space<vmem>>
        %dma_start3A_1149 = arith.constant 0 : i32
        %dma_start3A_1150 = arith.constant 0 : i32
        %dma_start3A_1151 = tpu.memref_slice %arg5[%dma_start3A_1149, %dma_start3A_1150, %mul3A_1127] : memref<4x8x1000000xf32, #tpu.memory_space<hbm>> -> memref<4x8x16xf32, #tpu.memory_space<hbm>>
        tpu.enqueue_dma source(%dma_start3A_1151 : memref<4x8x16xf32, #tpu.memory_space<hbm>>) target(%dma_start3A_1148 : memref<4x8x16xf32, #tpu.memory_space<vmem>>) target_semaphore(%arg12 : memref<!tpu.dma_semaphore, #tpu.memory_space<semaphore_mem>>)
        %mul3A_1152 = arith.constant 16 : i32
        %mul3A_1153 = arith.muli %scan3A_35, %mul3A_1152 : i32
        %add3A_1154 = arith.constant 13 : i32
        %add3A_1155 = arith.addi %mul3A_1153, %add3A_1154 : i32
        %mul3A_1156 = arith.constant 16 : i32
        %mul3A_1157 = arith.muli %add3A_1155, %mul3A_1156 : i32
        %slice3A_1158 = vector.extract_strided_slice %get3A_39 {offsets = [13], sizes = [1], strides = [1]} : vector<16xi32> to vector<1xi32>
        %squeeze3A_1159 = vector.extract %slice3A_1158[0] : i32 from vector<1xi32>
        %jit3A_1160 = arith.constant 16 : i32
        %div3A_1161 = arith.divsi %squeeze3A_1159, %jit3A_1160 : i32
        %sign3A_1162 = arith.constant 0 : i32
        %sign3A_1163 = arith.cmpi sgt, %squeeze3A_1159, %sign3A_1162 : i32
        %sign3A_1164 = arith.extui %sign3A_1163 : i1 to i32
        %sign3A_1165 = arith.constant 0 : i32
        %sign3A_1166 = arith.cmpi slt, %squeeze3A_1159, %sign3A_1165 : i32
        %sign3A_1167 = arith.extui %sign3A_1166 : i1 to i32
        %sign3A_1168 = arith.subi %sign3A_1164, %sign3A_1167 : i32
        %sign3A_1169 = arith.constant 0 : i32
        %sign3A_1170 = arith.cmpi sgt, %jit3A_1160, %sign3A_1169 : i32
        %sign3A_1171 = arith.extui %sign3A_1170 : i1 to i32
        %sign3A_1172 = arith.constant 0 : i32
        %sign3A_1173 = arith.cmpi slt, %jit3A_1160, %sign3A_1172 : i32
        %sign3A_1174 = arith.extui %sign3A_1173 : i1 to i32
        %sign3A_1175 = arith.subi %sign3A_1171, %sign3A_1174 : i32
        %ne3A_1176 = arith.cmpi ne, %sign3A_1168, %sign3A_1175 : i32
        %rem3A_1177 = arith.remsi %squeeze3A_1159, %jit3A_1160 : i32
        %ne3A_1178 = arith.constant 0 : i32
        %ne3A_1179 = arith.cmpi ne, %rem3A_1177, %ne3A_1178 : i32
        %and3A_1180 = arith.andi %ne3A_1176, %ne3A_1179 : i1
        %sub3A_1181 = arith.constant 1 : i32
        %sub3A_1182 = arith.subi %div3A_1161, %sub3A_1181 : i32
        %select_n3A_1183 = arith.select %and3A_1180, %sub3A_1182, %div3A_1161 : i32
        %mul3A_1184 = arith.constant 16 : i32
        %mul3A_1185 = arith.muli %select_n3A_1183, %mul3A_1184 : i32
        %slice3A_1186 = vector.extract_strided_slice %get3A_44 {offsets = [13], sizes = [1], strides = [1]} : vector<16xi32> to vector<1xi32>
        %squeeze3A_1187 = vector.extract %slice3A_1186[0] : i32 from vector<1xi32>
        %jit3A_1188 = arith.constant 16 : i32
        %div3A_1189 = arith.divsi %squeeze3A_1187, %jit3A_1188 : i32
        %sign3A_1190 = arith.constant 0 : i32
        %sign3A_1191 = arith.cmpi sgt, %squeeze3A_1187, %sign3A_1190 : i32
        %sign3A_1192 = arith.extui %sign3A_1191 : i1 to i32
        %sign3A_1193 = arith.constant 0 : i32
        %sign3A_1194 = arith.cmpi slt, %squeeze3A_1187, %sign3A_1193 : i32
        %sign3A_1195 = arith.extui %sign3A_1194 : i1 to i32
        %sign3A_1196 = arith.subi %sign3A_1192, %sign3A_1195 : i32
        %sign3A_1197 = arith.constant 0 : i32
        %sign3A_1198 = arith.cmpi sgt, %jit3A_1188, %sign3A_1197 : i32
        %sign3A_1199 = arith.extui %sign3A_1198 : i1 to i32
        %sign3A_1200 = arith.constant 0 : i32
        %sign3A_1201 = arith.cmpi slt, %jit3A_1188, %sign3A_1200 : i32
        %sign3A_1202 = arith.extui %sign3A_1201 : i1 to i32
        %sign3A_1203 = arith.subi %sign3A_1199, %sign3A_1202 : i32
        %ne3A_1204 = arith.cmpi ne, %sign3A_1196, %sign3A_1203 : i32
        %rem3A_1205 = arith.remsi %squeeze3A_1187, %jit3A_1188 : i32
        %ne3A_1206 = arith.constant 0 : i32
        %ne3A_1207 = arith.cmpi ne, %rem3A_1205, %ne3A_1206 : i32
        %and3A_1208 = arith.andi %ne3A_1204, %ne3A_1207 : i1
        %sub3A_1209 = arith.constant 1 : i32
        %sub3A_1210 = arith.subi %div3A_1189, %sub3A_1209 : i32
        %select_n3A_1211 = arith.select %and3A_1208, %sub3A_1210, %div3A_1189 : i32
        %mul3A_1212 = arith.constant 16 : i32
        %mul3A_1213 = arith.muli %select_n3A_1211, %mul3A_1212 : i32
        %dma_start3A_1214 = arith.constant 0 : i32
        %dma_start3A_1215 = arith.constant 0 : i32
        %dma_start3A_1216 = tpu.memref_slice %arg9[%dma_start3A_1214, %dma_start3A_1215, %mul3A_1157] : memref<4x8x1024xf32, #tpu.memory_space<vmem>> -> memref<4x8x16xf32, #tpu.memory_space<vmem>>
        %dma_start3A_1217 = arith.constant 0 : i32
        %dma_start3A_1218 = arith.constant 0 : i32
        %dma_start3A_1219 = tpu.memref_slice %arg4[%dma_start3A_1217, %dma_start3A_1218, %mul3A_1185] : memref<4x8x1000000xf32, #tpu.memory_space<hbm>> -> memref<4x8x16xf32, #tpu.memory_space<hbm>>
        %dma_start3A_1220 = arith.constant 0 : i32
        %dma_start3A_1221 = arith.constant 0 : i32
        %dma_start3A_1222 = tpu.memref_slice %arg9[%dma_start3A_1220, %dma_start3A_1221, %mul3A_1157] : memref<4x8x1024xf32, #tpu.memory_space<vmem>> -> memref<4x8x16xf32, #tpu.memory_space<vmem>>
        %dma_start3A_1223 = arith.constant 0 : i32
        %dma_start3A_1224 = arith.constant 0 : i32
        %dma_start3A_1225 = tpu.memref_slice %arg4[%dma_start3A_1223, %dma_start3A_1224, %mul3A_1185] : memref<4x8x1000000xf32, #tpu.memory_space<hbm>> -> memref<4x8x16xf32, #tpu.memory_space<hbm>>
        tpu.enqueue_dma source(%dma_start3A_1225 : memref<4x8x16xf32, #tpu.memory_space<hbm>>) target(%dma_start3A_1222 : memref<4x8x16xf32, #tpu.memory_space<vmem>>) target_semaphore(%arg12 : memref<!tpu.dma_semaphore, #tpu.memory_space<semaphore_mem>>)
        %dma_start3A_1226 = arith.constant 0 : i32
        %dma_start3A_1227 = arith.constant 0 : i32
        %dma_start3A_1228 = tpu.memref_slice %arg10[%dma_start3A_1226, %dma_start3A_1227, %mul3A_1157] : memref<4x8x1024xf32, #tpu.memory_space<vmem>> -> memref<4x8x16xf32, #tpu.memory_space<vmem>>
        %dma_start3A_1229 = arith.constant 0 : i32
        %dma_start3A_1230 = arith.constant 0 : i32
        %dma_start3A_1231 = tpu.memref_slice %arg5[%dma_start3A_1229, %dma_start3A_1230, %mul3A_1213] : memref<4x8x1000000xf32, #tpu.memory_space<hbm>> -> memref<4x8x16xf32, #tpu.memory_space<hbm>>
        %dma_start3A_1232 = arith.constant 0 : i32
        %dma_start3A_1233 = arith.constant 0 : i32
        %dma_start3A_1234 = tpu.memref_slice %arg10[%dma_start3A_1232, %dma_start3A_1233, %mul3A_1157] : memref<4x8x1024xf32, #tpu.memory_space<vmem>> -> memref<4x8x16xf32, #tpu.memory_space<vmem>>
        %dma_start3A_1235 = arith.constant 0 : i32
        %dma_start3A_1236 = arith.constant 0 : i32
        %dma_start3A_1237 = tpu.memref_slice %arg5[%dma_start3A_1235, %dma_start3A_1236, %mul3A_1213] : memref<4x8x1000000xf32, #tpu.memory_space<hbm>> -> memref<4x8x16xf32, #tpu.memory_space<hbm>>
        tpu.enqueue_dma source(%dma_start3A_1237 : memref<4x8x16xf32, #tpu.memory_space<hbm>>) target(%dma_start3A_1234 : memref<4x8x16xf32, #tpu.memory_space<vmem>>) target_semaphore(%arg12 : memref<!tpu.dma_semaphore, #tpu.memory_space<semaphore_mem>>)
        %mul3A_1238 = arith.constant 16 : i32
        %mul3A_1239 = arith.muli %scan3A_35, %mul3A_1238 : i32
        %add3A_1240 = arith.constant 14 : i32
        %add3A_1241 = arith.addi %mul3A_1239, %add3A_1240 : i32
        %mul3A_1242 = arith.constant 16 : i32
        %mul3A_1243 = arith.muli %add3A_1241, %mul3A_1242 : i32
        %slice3A_1244 = vector.extract_strided_slice %get3A_39 {offsets = [14], sizes = [1], strides = [1]} : vector<16xi32> to vector<1xi32>
        %squeeze3A_1245 = vector.extract %slice3A_1244[0] : i32 from vector<1xi32>
        %jit3A_1246 = arith.constant 16 : i32
        %div3A_1247 = arith.divsi %squeeze3A_1245, %jit3A_1246 : i32
        %sign3A_1248 = arith.constant 0 : i32
        %sign3A_1249 = arith.cmpi sgt, %squeeze3A_1245, %sign3A_1248 : i32
        %sign3A_1250 = arith.extui %sign3A_1249 : i1 to i32
        %sign3A_1251 = arith.constant 0 : i32
        %sign3A_1252 = arith.cmpi slt, %squeeze3A_1245, %sign3A_1251 : i32
        %sign3A_1253 = arith.extui %sign3A_1252 : i1 to i32
        %sign3A_1254 = arith.subi %sign3A_1250, %sign3A_1253 : i32
        %sign3A_1255 = arith.constant 0 : i32
        %sign3A_1256 = arith.cmpi sgt, %jit3A_1246, %sign3A_1255 : i32
        %sign3A_1257 = arith.extui %sign3A_1256 : i1 to i32
        %sign3A_1258 = arith.constant 0 : i32
        %sign3A_1259 = arith.cmpi slt, %jit3A_1246, %sign3A_1258 : i32
        %sign3A_1260 = arith.extui %sign3A_1259 : i1 to i32
        %sign3A_1261 = arith.subi %sign3A_1257, %sign3A_1260 : i32
        %ne3A_1262 = arith.cmpi ne, %sign3A_1254, %sign3A_1261 : i32
        %rem3A_1263 = arith.remsi %squeeze3A_1245, %jit3A_1246 : i32
        %ne3A_1264 = arith.constant 0 : i32
        %ne3A_1265 = arith.cmpi ne, %rem3A_1263, %ne3A_1264 : i32
        %and3A_1266 = arith.andi %ne3A_1262, %ne3A_1265 : i1
        %sub3A_1267 = arith.constant 1 : i32
        %sub3A_1268 = arith.subi %div3A_1247, %sub3A_1267 : i32
        %select_n3A_1269 = arith.select %and3A_1266, %sub3A_1268, %div3A_1247 : i32
        %mul3A_1270 = arith.constant 16 : i32
        %mul3A_1271 = arith.muli %select_n3A_1269, %mul3A_1270 : i32
        %slice3A_1272 = vector.extract_strided_slice %get3A_44 {offsets = [14], sizes = [1], strides = [1]} : vector<16xi32> to vector<1xi32>
        %squeeze3A_1273 = vector.extract %slice3A_1272[0] : i32 from vector<1xi32>
        %jit3A_1274 = arith.constant 16 : i32
        %div3A_1275 = arith.divsi %squeeze3A_1273, %jit3A_1274 : i32
        %sign3A_1276 = arith.constant 0 : i32
        %sign3A_1277 = arith.cmpi sgt, %squeeze3A_1273, %sign3A_1276 : i32
        %sign3A_1278 = arith.extui %sign3A_1277 : i1 to i32
        %sign3A_1279 = arith.constant 0 : i32
        %sign3A_1280 = arith.cmpi slt, %squeeze3A_1273, %sign3A_1279 : i32
        %sign3A_1281 = arith.extui %sign3A_1280 : i1 to i32
        %sign3A_1282 = arith.subi %sign3A_1278, %sign3A_1281 : i32
        %sign3A_1283 = arith.constant 0 : i32
        %sign3A_1284 = arith.cmpi sgt, %jit3A_1274, %sign3A_1283 : i32
        %sign3A_1285 = arith.extui %sign3A_1284 : i1 to i32
        %sign3A_1286 = arith.constant 0 : i32
        %sign3A_1287 = arith.cmpi slt, %jit3A_1274, %sign3A_1286 : i32
        %sign3A_1288 = arith.extui %sign3A_1287 : i1 to i32
        %sign3A_1289 = arith.subi %sign3A_1285, %sign3A_1288 : i32
        %ne3A_1290 = arith.cmpi ne, %sign3A_1282, %sign3A_1289 : i32
        %rem3A_1291 = arith.remsi %squeeze3A_1273, %jit3A_1274 : i32
        %ne3A_1292 = arith.constant 0 : i32
        %ne3A_1293 = arith.cmpi ne, %rem3A_1291, %ne3A_1292 : i32
        %and3A_1294 = arith.andi %ne3A_1290, %ne3A_1293 : i1
        %sub3A_1295 = arith.constant 1 : i32
        %sub3A_1296 = arith.subi %div3A_1275, %sub3A_1295 : i32
        %select_n3A_1297 = arith.select %and3A_1294, %sub3A_1296, %div3A_1275 : i32
        %mul3A_1298 = arith.constant 16 : i32
        %mul3A_1299 = arith.muli %select_n3A_1297, %mul3A_1298 : i32
        %dma_start3A_1300 = arith.constant 0 : i32
        %dma_start3A_1301 = arith.constant 0 : i32
        %dma_start3A_1302 = tpu.memref_slice %arg9[%dma_start3A_1300, %dma_start3A_1301, %mul3A_1243] : memref<4x8x1024xf32, #tpu.memory_space<vmem>> -> memref<4x8x16xf32, #tpu.memory_space<vmem>>
        %dma_start3A_1303 = arith.constant 0 : i32
        %dma_start3A_1304 = arith.constant 0 : i32
        %dma_start3A_1305 = tpu.memref_slice %arg4[%dma_start3A_1303, %dma_start3A_1304, %mul3A_1271] : memref<4x8x1000000xf32, #tpu.memory_space<hbm>> -> memref<4x8x16xf32, #tpu.memory_space<hbm>>
        %dma_start3A_1306 = arith.constant 0 : i32
        %dma_start3A_1307 = arith.constant 0 : i32
        %dma_start3A_1308 = tpu.memref_slice %arg9[%dma_start3A_1306, %dma_start3A_1307, %mul3A_1243] : memref<4x8x1024xf32, #tpu.memory_space<vmem>> -> memref<4x8x16xf32, #tpu.memory_space<vmem>>
        %dma_start3A_1309 = arith.constant 0 : i32
        %dma_start3A_1310 = arith.constant 0 : i32
        %dma_start3A_1311 = tpu.memref_slice %arg4[%dma_start3A_1309, %dma_start3A_1310, %mul3A_1271] : memref<4x8x1000000xf32, #tpu.memory_space<hbm>> -> memref<4x8x16xf32, #tpu.memory_space<hbm>>
        tpu.enqueue_dma source(%dma_start3A_1311 : memref<4x8x16xf32, #tpu.memory_space<hbm>>) target(%dma_start3A_1308 : memref<4x8x16xf32, #tpu.memory_space<vmem>>) target_semaphore(%arg12 : memref<!tpu.dma_semaphore, #tpu.memory_space<semaphore_mem>>)
        %dma_start3A_1312 = arith.constant 0 : i32
        %dma_start3A_1313 = arith.constant 0 : i32
        %dma_start3A_1314 = tpu.memref_slice %arg10[%dma_start3A_1312, %dma_start3A_1313, %mul3A_1243] : memref<4x8x1024xf32, #tpu.memory_space<vmem>> -> memref<4x8x16xf32, #tpu.memory_space<vmem>>
        %dma_start3A_1315 = arith.constant 0 : i32
        %dma_start3A_1316 = arith.constant 0 : i32
        %dma_start3A_1317 = tpu.memref_slice %arg5[%dma_start3A_1315, %dma_start3A_1316, %mul3A_1299] : memref<4x8x1000000xf32, #tpu.memory_space<hbm>> -> memref<4x8x16xf32, #tpu.memory_space<hbm>>
        %dma_start3A_1318 = arith.constant 0 : i32
        %dma_start3A_1319 = arith.constant 0 : i32
        %dma_start3A_1320 = tpu.memref_slice %arg10[%dma_start3A_1318, %dma_start3A_1319, %mul3A_1243] : memref<4x8x1024xf32, #tpu.memory_space<vmem>> -> memref<4x8x16xf32, #tpu.memory_space<vmem>>
        %dma_start3A_1321 = arith.constant 0 : i32
        %dma_start3A_1322 = arith.constant 0 : i32
        %dma_start3A_1323 = tpu.memref_slice %arg5[%dma_start3A_1321, %dma_start3A_1322, %mul3A_1299] : memref<4x8x1000000xf32, #tpu.memory_space<hbm>> -> memref<4x8x16xf32, #tpu.memory_space<hbm>>
        tpu.enqueue_dma source(%dma_start3A_1323 : memref<4x8x16xf32, #tpu.memory_space<hbm>>) target(%dma_start3A_1320 : memref<4x8x16xf32, #tpu.memory_space<vmem>>) target_semaphore(%arg12 : memref<!tpu.dma_semaphore, #tpu.memory_space<semaphore_mem>>)
        %mul3A_1324 = arith.constant 16 : i32
        %mul3A_1325 = arith.muli %scan3A_35, %mul3A_1324 : i32
        %add3A_1326 = arith.constant 15 : i32
        %add3A_1327 = arith.addi %mul3A_1325, %add3A_1326 : i32
        %mul3A_1328 = arith.constant 16 : i32
        %mul3A_1329 = arith.muli %add3A_1327, %mul3A_1328 : i32
        %slice3A_1330 = vector.extract_strided_slice %get3A_39 {offsets = [15], sizes = [1], strides = [1]} : vector<16xi32> to vector<1xi32>
        %squeeze3A_1331 = vector.extract %slice3A_1330[0] : i32 from vector<1xi32>
        %jit3A_1332 = arith.constant 16 : i32
        %div3A_1333 = arith.divsi %squeeze3A_1331, %jit3A_1332 : i32
        %sign3A_1334 = arith.constant 0 : i32
        %sign3A_1335 = arith.cmpi sgt, %squeeze3A_1331, %sign3A_1334 : i32
        %sign3A_1336 = arith.extui %sign3A_1335 : i1 to i32
        %sign3A_1337 = arith.constant 0 : i32
        %sign3A_1338 = arith.cmpi slt, %squeeze3A_1331, %sign3A_1337 : i32
        %sign3A_1339 = arith.extui %sign3A_1338 : i1 to i32
        %sign3A_1340 = arith.subi %sign3A_1336, %sign3A_1339 : i32
        %sign3A_1341 = arith.constant 0 : i32
        %sign3A_1342 = arith.cmpi sgt, %jit3A_1332, %sign3A_1341 : i32
        %sign3A_1343 = arith.extui %sign3A_1342 : i1 to i32
        %sign3A_1344 = arith.constant 0 : i32
        %sign3A_1345 = arith.cmpi slt, %jit3A_1332, %sign3A_1344 : i32
        %sign3A_1346 = arith.extui %sign3A_1345 : i1 to i32
        %sign3A_1347 = arith.subi %sign3A_1343, %sign3A_1346 : i32
        %ne3A_1348 = arith.cmpi ne, %sign3A_1340, %sign3A_1347 : i32
        %rem3A_1349 = arith.remsi %squeeze3A_1331, %jit3A_1332 : i32
        %ne3A_1350 = arith.constant 0 : i32
        %ne3A_1351 = arith.cmpi ne, %rem3A_1349, %ne3A_1350 : i32
        %and3A_1352 = arith.andi %ne3A_1348, %ne3A_1351 : i1
        %sub3A_1353 = arith.constant 1 : i32
        %sub3A_1354 = arith.subi %div3A_1333, %sub3A_1353 : i32
        %select_n3A_1355 = arith.select %and3A_1352, %sub3A_1354, %div3A_1333 : i32
        %mul3A_1356 = arith.constant 16 : i32
        %mul3A_1357 = arith.muli %select_n3A_1355, %mul3A_1356 : i32
        %slice3A_1358 = vector.extract_strided_slice %get3A_44 {offsets = [15], sizes = [1], strides = [1]} : vector<16xi32> to vector<1xi32>
        %squeeze3A_1359 = vector.extract %slice3A_1358[0] : i32 from vector<1xi32>
        %jit3A_1360 = arith.constant 16 : i32
        %div3A_1361 = arith.divsi %squeeze3A_1359, %jit3A_1360 : i32
        %sign3A_1362 = arith.constant 0 : i32
        %sign3A_1363 = arith.cmpi sgt, %squeeze3A_1359, %sign3A_1362 : i32
        %sign3A_1364 = arith.extui %sign3A_1363 : i1 to i32
        %sign3A_1365 = arith.constant 0 : i32
        %sign3A_1366 = arith.cmpi slt, %squeeze3A_1359, %sign3A_1365 : i32
        %sign3A_1367 = arith.extui %sign3A_1366 : i1 to i32
        %sign3A_1368 = arith.subi %sign3A_1364, %sign3A_1367 : i32
        %sign3A_1369 = arith.constant 0 : i32
        %sign3A_1370 = arith.cmpi sgt, %jit3A_1360, %sign3A_1369 : i32
        %sign3A_1371 = arith.extui %sign3A_1370 : i1 to i32
        %sign3A_1372 = arith.constant 0 : i32
        %sign3A_1373 = arith.cmpi slt, %jit3A_1360, %sign3A_1372 : i32
        %sign3A_1374 = arith.extui %sign3A_1373 : i1 to i32
        %sign3A_1375 = arith.subi %sign3A_1371, %sign3A_1374 : i32
        %ne3A_1376 = arith.cmpi ne, %sign3A_1368, %sign3A_1375 : i32
        %rem3A_1377 = arith.remsi %squeeze3A_1359, %jit3A_1360 : i32
        %ne3A_1378 = arith.constant 0 : i32
        %ne3A_1379 = arith.cmpi ne, %rem3A_1377, %ne3A_1378 : i32
        %and3A_1380 = arith.andi %ne3A_1376, %ne3A_1379 : i1
        %sub3A_1381 = arith.constant 1 : i32
        %sub3A_1382 = arith.subi %div3A_1361, %sub3A_1381 : i32
        %select_n3A_1383 = arith.select %and3A_1380, %sub3A_1382, %div3A_1361 : i32
        %mul3A_1384 = arith.constant 16 : i32
        %mul3A_1385 = arith.muli %select_n3A_1383, %mul3A_1384 : i32
        %dma_start3A_1386 = arith.constant 0 : i32
        %dma_start3A_1387 = arith.constant 0 : i32
        %dma_start3A_1388 = tpu.memref_slice %arg9[%dma_start3A_1386, %dma_start3A_1387, %mul3A_1329] : memref<4x8x1024xf32, #tpu.memory_space<vmem>> -> memref<4x8x16xf32, #tpu.memory_space<vmem>>
        %dma_start3A_1389 = arith.constant 0 : i32
        %dma_start3A_1390 = arith.constant 0 : i32
        %dma_start3A_1391 = tpu.memref_slice %arg4[%dma_start3A_1389, %dma_start3A_1390, %mul3A_1357] : memref<4x8x1000000xf32, #tpu.memory_space<hbm>> -> memref<4x8x16xf32, #tpu.memory_space<hbm>>
        %dma_start3A_1392 = arith.constant 0 : i32
        %dma_start3A_1393 = arith.constant 0 : i32
        %dma_start3A_1394 = tpu.memref_slice %arg9[%dma_start3A_1392, %dma_start3A_1393, %mul3A_1329] : memref<4x8x1024xf32, #tpu.memory_space<vmem>> -> memref<4x8x16xf32, #tpu.memory_space<vmem>>
        %dma_start3A_1395 = arith.constant 0 : i32
        %dma_start3A_1396 = arith.constant 0 : i32
        %dma_start3A_1397 = tpu.memref_slice %arg4[%dma_start3A_1395, %dma_start3A_1396, %mul3A_1357] : memref<4x8x1000000xf32, #tpu.memory_space<hbm>> -> memref<4x8x16xf32, #tpu.memory_space<hbm>>
        tpu.enqueue_dma source(%dma_start3A_1397 : memref<4x8x16xf32, #tpu.memory_space<hbm>>) target(%dma_start3A_1394 : memref<4x8x16xf32, #tpu.memory_space<vmem>>) target_semaphore(%arg12 : memref<!tpu.dma_semaphore, #tpu.memory_space<semaphore_mem>>)
        %dma_start3A_1398 = arith.constant 0 : i32
        %dma_start3A_1399 = arith.constant 0 : i32
        %dma_start3A_1400 = tpu.memref_slice %arg10[%dma_start3A_1398, %dma_start3A_1399, %mul3A_1329] : memref<4x8x1024xf32, #tpu.memory_space<vmem>> -> memref<4x8x16xf32, #tpu.memory_space<vmem>>
        %dma_start3A_1401 = arith.constant 0 : i32
        %dma_start3A_1402 = arith.constant 0 : i32
        %dma_start3A_1403 = tpu.memref_slice %arg5[%dma_start3A_1401, %dma_start3A_1402, %mul3A_1385] : memref<4x8x1000000xf32, #tpu.memory_space<hbm>> -> memref<4x8x16xf32, #tpu.memory_space<hbm>>
        %dma_start3A_1404 = arith.constant 0 : i32
        %dma_start3A_1405 = arith.constant 0 : i32
        %dma_start3A_1406 = tpu.memref_slice %arg10[%dma_start3A_1404, %dma_start3A_1405, %mul3A_1329] : memref<4x8x1024xf32, #tpu.memory_space<vmem>> -> memref<4x8x16xf32, #tpu.memory_space<vmem>>
        %dma_start3A_1407 = arith.constant 0 : i32
        %dma_start3A_1408 = arith.constant 0 : i32
        %dma_start3A_1409 = tpu.memref_slice %arg5[%dma_start3A_1407, %dma_start3A_1408, %mul3A_1385] : memref<4x8x1000000xf32, #tpu.memory_space<hbm>> -> memref<4x8x16xf32, #tpu.memory_space<hbm>>
        tpu.enqueue_dma source(%dma_start3A_1409 : memref<4x8x16xf32, #tpu.memory_space<hbm>>) target(%dma_start3A_1406 : memref<4x8x16xf32, #tpu.memory_space<vmem>>) target_semaphore(%arg12 : memref<!tpu.dma_semaphore, #tpu.memory_space<semaphore_mem>>)
      }
      %scan3A_14 = arith.constant 4 : i32
      %dma_wait3A = arith.constant 0 : i32
      %dma_wait3A_15 = arith.constant 0 : i32
      %dma_wait3A_16 = arith.constant 0 : i32
      %dma_wait3A_17 = tpu.memref_slice %arg4[%dma_wait3A, %dma_wait3A_15, %dma_wait3A_16] : memref<4x8x1000000xf32, #tpu.memory_space<hbm>> -> memref<4x8x1024xf32, #tpu.memory_space<hbm>>
      %dma_wait3A_18 = arith.constant 0 : i32
      %dma_wait3A_19 = arith.constant 0 : i32
      %dma_wait3A_20 = arith.constant 0 : i32
      %dma_wait3A_21 = tpu.memref_slice %arg4[%dma_wait3A_18, %dma_wait3A_19, %dma_wait3A_20] : memref<4x8x1000000xf32, #tpu.memory_space<hbm>> -> memref<4x8x1024xf32, #tpu.memory_space<hbm>>
      tpu.wait_dma2 semaphore(%arg12 : memref<!tpu.dma_semaphore, #tpu.memory_space<semaphore_mem>>) src(%dma_wait3A_21 : memref<4x8x1024xf32, #tpu.memory_space<hbm>>) dst(%arg9 : memref<4x8x1024xf32, #tpu.memory_space<vmem>>)
      %dma_wait3A_22 = arith.constant 0 : i32
      %dma_wait3A_23 = arith.constant 0 : i32
      %dma_wait3A_24 = arith.constant 0 : i32
      %dma_wait3A_25 = tpu.memref_slice %arg5[%dma_wait3A_22, %dma_wait3A_23, %dma_wait3A_24] : memref<4x8x1000000xf32, #tpu.memory_space<hbm>> -> memref<4x8x1024xf32, #tpu.memory_space<hbm>>
      %dma_wait3A_26 = arith.constant 0 : i32
      %dma_wait3A_27 = arith.constant 0 : i32
      %dma_wait3A_28 = arith.constant 0 : i32
      %dma_wait3A_29 = tpu.memref_slice %arg5[%dma_wait3A_26, %dma_wait3A_27, %dma_wait3A_28] : memref<4x8x1000000xf32, #tpu.memory_space<hbm>> -> memref<4x8x1024xf32, #tpu.memory_space<hbm>>
      tpu.wait_dma2 semaphore(%arg12 : memref<!tpu.dma_semaphore, #tpu.memory_space<semaphore_mem>>) src(%dma_wait3A_29 : memref<4x8x1024xf32, #tpu.memory_space<hbm>>) dst(%arg10 : memref<4x8x1024xf32, #tpu.memory_space<vmem>>)
      %scan3A_30 = arith.constant 0 : i32
      %scan3A_31 = arith.constant 4 : i32
      %scan3A_32 = arith.addi %scan3A_30, %scan3A_31 : i32
      %scan3A_33 = arith.constant 1 : i32
      scf.for %scan3A_35 = %scan3A_30 to %scan3A_32 step %scan3A_33  : i32 {
        %mul3A_36 = arith.constant 16 : i32
        %mul3A_37 = arith.muli %scan3A_35, %mul3A_36 : i32
        %add3A_38 = arith.addi %mul3A_9, %mul3A_37 : i32
        %get3A = arith.index_cast %add3A_38 : i32 to index
        %get3A_39 = tpu.vector_load %arg7[%get3A] {strides = array<i32>} : memref<512xi32, #tpu.memory_space<vmem>>, vector<16xi32>,
        %get3A_40 = arith.index_cast %add3A_38 : i32 to index
        %get3A_41 = tpu.vector_load %arg8[%get3A_40] {strides = array<i32>} : memref<512xi32, #tpu.memory_space<vmem>>, vector<16xi32>,
        %mul3A_42 = arith.constant 16 : i32
        %mul3A_43 = arith.muli %scan3A_35, %mul3A_42 : i32
        %add3A_44 = vector.broadcast %mul3A_43 : i32 to vector<16xi32>
        %add3A_45 = arith.addi %add3A_44, %iota3A : vector<16xi32>
        %mul3A_46 = arith.constant 16 : i32
        %mul3A_47 = vector.broadcast %mul3A_46 : i32 to vector<16xi32>
        %mul3A_48 = arith.muli %add3A_45, %mul3A_47 : vector<16xi32>
        %jit3A = arith.constant 16 : i32
        %eq3A = arith.constant 0 : i32
        %eq3A_49 = arith.cmpi eq, %jit3A, %eq3A : i32
        %jit3A_50 = arith.constant 1 : i32
        %select_n3A = arith.select %eq3A_49, %jit3A_50, %jit3A : i32
        %rem3A = vector.broadcast %select_n3A : i32 to vector<16xi32>
        %rem3A_51 = arith.remsi %get3A_39, %rem3A : vector<16xi32>
        %ne3A = arith.constant 0 : i32
        %ne3A_52 = vector.broadcast %ne3A : i32 to vector<16xi32>
        %ne3A_53 = arith.cmpi ne, %rem3A_51, %ne3A_52 : vector<16xi32>
        %lt3A = arith.constant 0 : i32
        %lt3A_54 = vector.broadcast %lt3A : i32 to vector<16xi32>
        %lt3A_55 = arith.cmpi slt, %rem3A_51, %lt3A_54 : vector<16xi32>
        %lt3A_56 = arith.constant 0 : i32
        %lt3A_57 = arith.cmpi slt, %select_n3A, %lt3A_56 : i32
        %ne3A_58 = vector.broadcast %lt3A_57 : i1 to vector<16xi1>
        %ne3A_59 = vector.broadcast %ne3A_58 : vector<16xi1> to vector<16xi1>
        %ne3A_60 = arith.xori %lt3A_55, %ne3A_59 : vector<16xi1>
        %and3A = arith.andi %ne3A_60, %ne3A_53 : vector<16xi1>
        %add3A_61 = vector.broadcast %select_n3A : i32 to vector<16xi32>
        %add3A_62 = arith.addi %rem3A_51, %add3A_61 : vector<16xi32>
        %select_n3A_63 = arith.select %and3A, %add3A_62, %rem3A_51 : vector<16xi1>, vector<16xi32>
        %add3A_64 = arith.addi %mul3A_48, %select_n3A_63 : vector<16xi32>
        %mul3A_65 = arith.constant 16 : i32
        %mul3A_66 = arith.muli %scan3A_35, %mul3A_65 : i32
        %add3A_67 = vector.broadcast %mul3A_66 : i32 to vector<16xi32>
        %add3A_68 = arith.addi %add3A_67, %iota3A : vector<16xi32>
        %mul3A_69 = arith.constant 16 : i32
        %mul3A_70 = vector.broadcast %mul3A_69 : i32 to vector<16xi32>
        %mul3A_71 = arith.muli %add3A_68, %mul3A_70 : vector<16xi32>
        %jit3A_72 = arith.constant 16 : i32
        %eq3A_73 = arith.constant 0 : i32
        %eq3A_74 = arith.cmpi eq, %jit3A_72, %eq3A_73 : i32
        %jit3A_75 = arith.constant 1 : i32
        %select_n3A_76 = arith.select %eq3A_74, %jit3A_75, %jit3A_72 : i32
        %rem3A_77 = vector.broadcast %select_n3A_76 : i32 to vector<16xi32>
        %rem3A_78 = arith.remsi %get3A_41, %rem3A_77 : vector<16xi32>
        %ne3A_79 = arith.constant 0 : i32
        %ne3A_80 = vector.broadcast %ne3A_79 : i32 to vector<16xi32>
        %ne3A_81 = arith.cmpi ne, %rem3A_78, %ne3A_80 : vector<16xi32>
        %lt3A_82 = arith.constant 0 : i32
        %lt3A_83 = vector.broadcast %lt3A_82 : i32 to vector<16xi32>
        %lt3A_84 = arith.cmpi slt, %rem3A_78, %lt3A_83 : vector<16xi32>
        %lt3A_85 = arith.constant 0 : i32
        %lt3A_86 = arith.cmpi slt, %select_n3A_76, %lt3A_85 : i32
        %ne3A_87 = vector.broadcast %lt3A_86 : i1 to vector<16xi1>
        %ne3A_88 = vector.broadcast %ne3A_87 : vector<16xi1> to vector<16xi1>
        %ne3A_89 = arith.xori %lt3A_84, %ne3A_88 : vector<16xi1>
        %and3A_90 = arith.andi %ne3A_89, %ne3A_81 : vector<16xi1>
        %add3A_91 = vector.broadcast %select_n3A_76 : i32 to vector<16xi32>
        %add3A_92 = arith.addi %rem3A_78, %add3A_91 : vector<16xi32>
        %select_n3A_93 = arith.select %and3A_90, %add3A_92, %rem3A_78 : vector<16xi1>, vector<16xi32>
        %add3A_94 = arith.addi %mul3A_71, %select_n3A_93 : vector<16xi32>
        %broadcast_in_dim3A = arith.constant 0.000000e+00 : f32
        %broadcast_in_dim3A_95 = vector.broadcast %broadcast_in_dim3A : f32 to vector<16xf32>
        %broadcast_in_dim3A_96 = arith.constant 0 : i32
        %broadcast_in_dim3A_97 = vector.broadcast %broadcast_in_dim3A_96 : i32 to vector<16xi32>
        %broadcast_in_dim3A_98 = arith.constant 0 : i32
        %broadcast_in_dim3A_99 = vector.broadcast %broadcast_in_dim3A_98 : i32 to vector<16xi32>
        %gather3A = tpu.vector_load_idx %arg9[%broadcast_in_dim3A_97, %broadcast_in_dim3A_99, %add3A_64] : memref<4x8x1024xf32, #tpu.memory_space<vmem>>[vector<16xi32>, vector<16xi32>, vector<16xi32>], vector<16xf32>,
        %gather3A_100 = tpu.vector_load_idx %arg10[%broadcast_in_dim3A_97, %broadcast_in_dim3A_99, %add3A_94] : memref<4x8x1024xf32, #tpu.memory_space<vmem>>[vector<16xi32>, vector<16xi32>, vector<16xi32>], vector<16xf32>,
        %mul3A_101 = arith.mulf %gather3A, %gather3A_100 : vector<16xf32>
        %add3A_102 = arith.addf %broadcast_in_dim3A_95, %mul3A_101 : vector<16xf32>
        %broadcast_in_dim3A_103 = arith.constant 1 : i32
        %broadcast_in_dim3A_104 = vector.broadcast %broadcast_in_dim3A_103 : i32 to vector<16xi32>
        %gather3A_105 = tpu.vector_load_idx %arg9[%broadcast_in_dim3A_97, %broadcast_in_dim3A_104, %add3A_64] : memref<4x8x1024xf32, #tpu.memory_space<vmem>>[vector<16xi32>, vector<16xi32>, vector<16xi32>], vector<16xf32>,
        %gather3A_106 = tpu.vector_load_idx %arg10[%broadcast_in_dim3A_97, %broadcast_in_dim3A_104, %add3A_94] : memref<4x8x1024xf32, #tpu.memory_space<vmem>>[vector<16xi32>, vector<16xi32>, vector<16xi32>], vector<16xf32>,
        %mul3A_107 = arith.mulf %gather3A_105, %gather3A_106 : vector<16xf32>
        %add3A_108 = arith.addf %add3A_102, %mul3A_107 : vector<16xf32>
        %broadcast_in_dim3A_109 = arith.constant 2 : i32
        %broadcast_in_dim3A_110 = vector.broadcast %broadcast_in_dim3A_109 : i32 to vector<16xi32>
        %gather3A_111 = tpu.vector_load_idx %arg9[%broadcast_in_dim3A_97, %broadcast_in_dim3A_110, %add3A_64] : memref<4x8x1024xf32, #tpu.memory_space<vmem>>[vector<16xi32>, vector<16xi32>, vector<16xi32>], vector<16xf32>,
        %gather3A_112 = tpu.vector_load_idx %arg10[%broadcast_in_dim3A_97, %broadcast_in_dim3A_110, %add3A_94] : memref<4x8x1024xf32, #tpu.memory_space<vmem>>[vector<16xi32>, vector<16xi32>, vector<16xi32>], vector<16xf32>,
        %mul3A_113 = arith.mulf %gather3A_111, %gather3A_112 : vector<16xf32>
        %add3A_114 = arith.addf %add3A_108, %mul3A_113 : vector<16xf32>
        %broadcast_in_dim3A_115 = arith.constant 3 : i32
        %broadcast_in_dim3A_116 = vector.broadcast %broadcast_in_dim3A_115 : i32 to vector<16xi32>
        %gather3A_117 = tpu.vector_load_idx %arg9[%broadcast_in_dim3A_97, %broadcast_in_dim3A_116, %add3A_64] : memref<4x8x1024xf32, #tpu.memory_space<vmem>>[vector<16xi32>, vector<16xi32>, vector<16xi32>], vector<16xf32>,
        %gather3A_118 = tpu.vector_load_idx %arg10[%broadcast_in_dim3A_97, %broadcast_in_dim3A_116, %add3A_94] : memref<4x8x1024xf32, #tpu.memory_space<vmem>>[vector<16xi32>, vector<16xi32>, vector<16xi32>], vector<16xf32>,
        %mul3A_119 = arith.mulf %gather3A_117, %gather3A_118 : vector<16xf32>
        %add3A_120 = arith.addf %add3A_114, %mul3A_119 : vector<16xf32>
        %broadcast_in_dim3A_121 = arith.constant 4 : i32
        %broadcast_in_dim3A_122 = vector.broadcast %broadcast_in_dim3A_121 : i32 to vector<16xi32>
        %gather3A_123 = tpu.vector_load_idx %arg9[%broadcast_in_dim3A_97, %broadcast_in_dim3A_122, %add3A_64] : memref<4x8x1024xf32, #tpu.memory_space<vmem>>[vector<16xi32>, vector<16xi32>, vector<16xi32>], vector<16xf32>,
        %gather3A_124 = tpu.vector_load_idx %arg10[%broadcast_in_dim3A_97, %broadcast_in_dim3A_122, %add3A_94] : memref<4x8x1024xf32, #tpu.memory_space<vmem>>[vector<16xi32>, vector<16xi32>, vector<16xi32>], vector<16xf32>,
        %mul3A_125 = arith.mulf %gather3A_123, %gather3A_124 : vector<16xf32>
        %add3A_126 = arith.addf %add3A_120, %mul3A_125 : vector<16xf32>
        %broadcast_in_dim3A_127 = arith.constant 5 : i32
        %broadcast_in_dim3A_128 = vector.broadcast %broadcast_in_dim3A_127 : i32 to vector<16xi32>
        %gather3A_129 = tpu.vector_load_idx %arg9[%broadcast_in_dim3A_97, %broadcast_in_dim3A_128, %add3A_64] : memref<4x8x1024xf32, #tpu.memory_space<vmem>>[vector<16xi32>, vector<16xi32>, vector<16xi32>], vector<16xf32>,
        %gather3A_130 = tpu.vector_load_idx %arg10[%broadcast_in_dim3A_97, %broadcast_in_dim3A_128, %add3A_94] : memref<4x8x1024xf32, #tpu.memory_space<vmem>>[vector<16xi32>, vector<16xi32>, vector<16xi32>], vector<16xf32>,
        %mul3A_131 = arith.mulf %gather3A_129, %gather3A_130 : vector<16xf32>
        %add3A_132 = arith.addf %add3A_126, %mul3A_131 : vector<16xf32>
        %broadcast_in_dim3A_133 = arith.constant 6 : i32
        %broadcast_in_dim3A_134 = vector.broadcast %broadcast_in_dim3A_133 : i32 to vector<16xi32>
        %gather3A_135 = tpu.vector_load_idx %arg9[%broadcast_in_dim3A_97, %broadcast_in_dim3A_134, %add3A_64] : memref<4x8x1024xf32, #tpu.memory_space<vmem>>[vector<16xi32>, vector<16xi32>, vector<16xi32>], vector<16xf32>,
        %gather3A_136 = tpu.vector_load_idx %arg10[%broadcast_in_dim3A_97, %broadcast_in_dim3A_134, %add3A_94] : memref<4x8x1024xf32, #tpu.memory_space<vmem>>[vector<16xi32>, vector<16xi32>, vector<16xi32>], vector<16xf32>,
        %mul3A_137 = arith.mulf %gather3A_135, %gather3A_136 : vector<16xf32>
        %add3A_138 = arith.addf %add3A_132, %mul3A_137 : vector<16xf32>
        %broadcast_in_dim3A_139 = arith.constant 7 : i32
        %broadcast_in_dim3A_140 = vector.broadcast %broadcast_in_dim3A_139 : i32 to vector<16xi32>
        %gather3A_141 = tpu.vector_load_idx %arg9[%broadcast_in_dim3A_97, %broadcast_in_dim3A_140, %add3A_64] : memref<4x8x1024xf32, #tpu.memory_space<vmem>>[vector<16xi32>, vector<16xi32>, vector<16xi32>], vector<16xf32>,
        %gather3A_142 = tpu.vector_load_idx %arg10[%broadcast_in_dim3A_97, %broadcast_in_dim3A_140, %add3A_94] : memref<4x8x1024xf32, #tpu.memory_space<vmem>>[vector<16xi32>, vector<16xi32>, vector<16xi32>], vector<16xf32>,
        %mul3A_143 = arith.mulf %gather3A_141, %gather3A_142 : vector<16xf32>
        %add3A_144 = arith.addf %add3A_138, %mul3A_143 : vector<16xf32>
        %broadcast_in_dim3A_145 = arith.constant 1 : i32
        %broadcast_in_dim3A_146 = vector.broadcast %broadcast_in_dim3A_145 : i32 to vector<16xi32>
        %broadcast_in_dim3A_147 = arith.constant 0 : i32
        %broadcast_in_dim3A_148 = vector.broadcast %broadcast_in_dim3A_147 : i32 to vector<16xi32>
        %gather3A_149 = tpu.vector_load_idx %arg9[%broadcast_in_dim3A_146, %broadcast_in_dim3A_148, %add3A_64] : memref<4x8x1024xf32, #tpu.memory_space<vmem>>[vector<16xi32>, vector<16xi32>, vector<16xi32>], vector<16xf32>,
        %gather3A_150 = tpu.vector_load_idx %arg10[%broadcast_in_dim3A_146, %broadcast_in_dim3A_148, %add3A_94] : memref<4x8x1024xf32, #tpu.memory_space<vmem>>[vector<16xi32>, vector<16xi32>, vector<16xi32>], vector<16xf32>,
        %mul3A_151 = arith.mulf %gather3A_149, %gather3A_150 : vector<16xf32>
        %add3A_152 = arith.addf %add3A_144, %mul3A_151 : vector<16xf32>
        %broadcast_in_dim3A_153 = arith.constant 1 : i32
        %broadcast_in_dim3A_154 = vector.broadcast %broadcast_in_dim3A_153 : i32 to vector<16xi32>
        %gather3A_155 = tpu.vector_load_idx %arg9[%broadcast_in_dim3A_146, %broadcast_in_dim3A_154, %add3A_64] : memref<4x8x1024xf32, #tpu.memory_space<vmem>>[vector<16xi32>, vector<16xi32>, vector<16xi32>], vector<16xf32>,
        %gather3A_156 = tpu.vector_load_idx %arg10[%broadcast_in_dim3A_146, %broadcast_in_dim3A_154, %add3A_94] : memref<4x8x1024xf32, #tpu.memory_space<vmem>>[vector<16xi32>, vector<16xi32>, vector<16xi32>], vector<16xf32>,
        %mul3A_157 = arith.mulf %gather3A_155, %gather3A_156 : vector<16xf32>
        %add3A_158 = arith.addf %add3A_152, %mul3A_157 : vector<16xf32>
        %broadcast_in_dim3A_159 = arith.constant 2 : i32
        %broadcast_in_dim3A_160 = vector.broadcast %broadcast_in_dim3A_159 : i32 to vector<16xi32>
        %gather3A_161 = tpu.vector_load_idx %arg9[%broadcast_in_dim3A_146, %broadcast_in_dim3A_160, %add3A_64] : memref<4x8x1024xf32, #tpu.memory_space<vmem>>[vector<16xi32>, vector<16xi32>, vector<16xi32>], vector<16xf32>,
        %gather3A_162 = tpu.vector_load_idx %arg10[%broadcast_in_dim3A_146, %broadcast_in_dim3A_160, %add3A_94] : memref<4x8x1024xf32, #tpu.memory_space<vmem>>[vector<16xi32>, vector<16xi32>, vector<16xi32>], vector<16xf32>,
        %mul3A_163 = arith.mulf %gather3A_161, %gather3A_162 : vector<16xf32>
        %add3A_164 = arith.addf %add3A_158, %mul3A_163 : vector<16xf32>
        %broadcast_in_dim3A_165 = arith.constant 3 : i32
        %broadcast_in_dim3A_166 = vector.broadcast %broadcast_in_dim3A_165 : i32 to vector<16xi32>
        %gather3A_167 = tpu.vector_load_idx %arg9[%broadcast_in_dim3A_146, %broadcast_in_dim3A_166, %add3A_64] : memref<4x8x1024xf32, #tpu.memory_space<vmem>>[vector<16xi32>, vector<16xi32>, vector<16xi32>], vector<16xf32>,
        %gather3A_168 = tpu.vector_load_idx %arg10[%broadcast_in_dim3A_146, %broadcast_in_dim3A_166, %add3A_94] : memref<4x8x1024xf32, #tpu.memory_space<vmem>>[vector<16xi32>, vector<16xi32>, vector<16xi32>], vector<16xf32>,
        %mul3A_169 = arith.mulf %gather3A_167, %gather3A_168 : vector<16xf32>
        %add3A_170 = arith.addf %add3A_164, %mul3A_169 : vector<16xf32>
        %broadcast_in_dim3A_171 = arith.constant 4 : i32
        %broadcast_in_dim3A_172 = vector.broadcast %broadcast_in_dim3A_171 : i32 to vector<16xi32>
        %gather3A_173 = tpu.vector_load_idx %arg9[%broadcast_in_dim3A_146, %broadcast_in_dim3A_172, %add3A_64] : memref<4x8x1024xf32, #tpu.memory_space<vmem>>[vector<16xi32>, vector<16xi32>, vector<16xi32>], vector<16xf32>,
        %gather3A_174 = tpu.vector_load_idx %arg10[%broadcast_in_dim3A_146, %broadcast_in_dim3A_172, %add3A_94] : memref<4x8x1024xf32, #tpu.memory_space<vmem>>[vector<16xi32>, vector<16xi32>, vector<16xi32>], vector<16xf32>,
        %mul3A_175 = arith.mulf %gather3A_173, %gather3A_174 : vector<16xf32>
        %add3A_176 = arith.addf %add3A_170, %mul3A_175 : vector<16xf32>
        %broadcast_in_dim3A_177 = arith.constant 5 : i32
        %broadcast_in_dim3A_178 = vector.broadcast %broadcast_in_dim3A_177 : i32 to vector<16xi32>
        %gather3A_179 = tpu.vector_load_idx %arg9[%broadcast_in_dim3A_146, %broadcast_in_dim3A_178, %add3A_64] : memref<4x8x1024xf32, #tpu.memory_space<vmem>>[vector<16xi32>, vector<16xi32>, vector<16xi32>], vector<16xf32>,
        %gather3A_180 = tpu.vector_load_idx %arg10[%broadcast_in_dim3A_146, %broadcast_in_dim3A_178, %add3A_94] : memref<4x8x1024xf32, #tpu.memory_space<vmem>>[vector<16xi32>, vector<16xi32>, vector<16xi32>], vector<16xf32>,
        %mul3A_181 = arith.mulf %gather3A_179, %gather3A_180 : vector<16xf32>
        %add3A_182 = arith.addf %add3A_176, %mul3A_181 : vector<16xf32>
        %broadcast_in_dim3A_183 = arith.constant 6 : i32
        %broadcast_in_dim3A_184 = vector.broadcast %broadcast_in_dim3A_183 : i32 to vector<16xi32>
        %gather3A_185 = tpu.vector_load_idx %arg9[%broadcast_in_dim3A_146, %broadcast_in_dim3A_184, %add3A_64] : memref<4x8x1024xf32, #tpu.memory_space<vmem>>[vector<16xi32>, vector<16xi32>, vector<16xi32>], vector<16xf32>,
        %gather3A_186 = tpu.vector_load_idx %arg10[%broadcast_in_dim3A_146, %broadcast_in_dim3A_184, %add3A_94] : memref<4x8x1024xf32, #tpu.memory_space<vmem>>[vector<16xi32>, vector<16xi32>, vector<16xi32>], vector<16xf32>,
        %mul3A_187 = arith.mulf %gather3A_185, %gather3A_186 : vector<16xf32>
        %add3A_188 = arith.addf %add3A_182, %mul3A_187 : vector<16xf32>
        %broadcast_in_dim3A_189 = arith.constant 7 : i32
        %broadcast_in_dim3A_190 = vector.broadcast %broadcast_in_dim3A_189 : i32 to vector<16xi32>
        %gather3A_191 = tpu.vector_load_idx %arg9[%broadcast_in_dim3A_146, %broadcast_in_dim3A_190, %add3A_64] : memref<4x8x1024xf32, #tpu.memory_space<vmem>>[vector<16xi32>, vector<16xi32>, vector<16xi32>], vector<16xf32>,
        %gather3A_192 = tpu.vector_load_idx %arg10[%broadcast_in_dim3A_146, %broadcast_in_dim3A_190, %add3A_94] : memref<4x8x1024xf32, #tpu.memory_space<vmem>>[vector<16xi32>, vector<16xi32>, vector<16xi32>], vector<16xf32>,
        %mul3A_193 = arith.mulf %gather3A_191, %gather3A_192 : vector<16xf32>
        %add3A_194 = arith.addf %add3A_188, %mul3A_193 : vector<16xf32>
        %broadcast_in_dim3A_195 = arith.constant 2 : i32
        %broadcast_in_dim3A_196 = vector.broadcast %broadcast_in_dim3A_195 : i32 to vector<16xi32>
        %broadcast_in_dim3A_197 = arith.constant 0 : i32
        %broadcast_in_dim3A_198 = vector.broadcast %broadcast_in_dim3A_197 : i32 to vector<16xi32>
        %gather3A_199 = tpu.vector_load_idx %arg9[%broadcast_in_dim3A_196, %broadcast_in_dim3A_198, %add3A_64] : memref<4x8x1024xf32, #tpu.memory_space<vmem>>[vector<16xi32>, vector<16xi32>, vector<16xi32>], vector<16xf32>,
        %gather3A_200 = tpu.vector_load_idx %arg10[%broadcast_in_dim3A_196, %broadcast_in_dim3A_198, %add3A_94] : memref<4x8x1024xf32, #tpu.memory_space<vmem>>[vector<16xi32>, vector<16xi32>, vector<16xi32>], vector<16xf32>,
        %mul3A_201 = arith.mulf %gather3A_199, %gather3A_200 : vector<16xf32>
        %add3A_202 = arith.addf %add3A_194, %mul3A_201 : vector<16xf32>
        %broadcast_in_dim3A_203 = arith.constant 1 : i32
        %broadcast_in_dim3A_204 = vector.broadcast %broadcast_in_dim3A_203 : i32 to vector<16xi32>
        %gather3A_205 = tpu.vector_load_idx %arg9[%broadcast_in_dim3A_196, %broadcast_in_dim3A_204, %add3A_64] : memref<4x8x1024xf32, #tpu.memory_space<vmem>>[vector<16xi32>, vector<16xi32>, vector<16xi32>], vector<16xf32>,
        %gather3A_206 = tpu.vector_load_idx %arg10[%broadcast_in_dim3A_196, %broadcast_in_dim3A_204, %add3A_94] : memref<4x8x1024xf32, #tpu.memory_space<vmem>>[vector<16xi32>, vector<16xi32>, vector<16xi32>], vector<16xf32>,
        %mul3A_207 = arith.mulf %gather3A_205, %gather3A_206 : vector<16xf32>
        %add3A_208 = arith.addf %add3A_202, %mul3A_207 : vector<16xf32>
        %broadcast_in_dim3A_209 = arith.constant 2 : i32
        %broadcast_in_dim3A_210 = vector.broadcast %broadcast_in_dim3A_209 : i32 to vector<16xi32>
        %gather3A_211 = tpu.vector_load_idx %arg9[%broadcast_in_dim3A_196, %broadcast_in_dim3A_210, %add3A_64] : memref<4x8x1024xf32, #tpu.memory_space<vmem>>[vector<16xi32>, vector<16xi32>, vector<16xi32>], vector<16xf32>,
        %gather3A_212 = tpu.vector_load_idx %arg10[%broadcast_in_dim3A_196, %broadcast_in_dim3A_210, %add3A_94] : memref<4x8x1024xf32, #tpu.memory_space<vmem>>[vector<16xi32>, vector<16xi32>, vector<16xi32>], vector<16xf32>,
        %mul3A_213 = arith.mulf %gather3A_211, %gather3A_212 : vector<16xf32>
        %add3A_214 = arith.addf %add3A_208, %mul3A_213 : vector<16xf32>
        %broadcast_in_dim3A_215 = arith.constant 3 : i32
        %broadcast_in_dim3A_216 = vector.broadcast %broadcast_in_dim3A_215 : i32 to vector<16xi32>
        %gather3A_217 = tpu.vector_load_idx %arg9[%broadcast_in_dim3A_196, %broadcast_in_dim3A_216, %add3A_64] : memref<4x8x1024xf32, #tpu.memory_space<vmem>>[vector<16xi32>, vector<16xi32>, vector<16xi32>], vector<16xf32>,
        %gather3A_218 = tpu.vector_load_idx %arg10[%broadcast_in_dim3A_196, %broadcast_in_dim3A_216, %add3A_94] : memref<4x8x1024xf32, #tpu.memory_space<vmem>>[vector<16xi32>, vector<16xi32>, vector<16xi32>], vector<16xf32>,
        %mul3A_219 = arith.mulf %gather3A_217, %gather3A_218 : vector<16xf32>
        %add3A_220 = arith.addf %add3A_214, %mul3A_219 : vector<16xf32>
        %broadcast_in_dim3A_221 = arith.constant 4 : i32
        %broadcast_in_dim3A_222 = vector.broadcast %broadcast_in_dim3A_221 : i32 to vector<16xi32>
        %gather3A_223 = tpu.vector_load_idx %arg9[%broadcast_in_dim3A_196, %broadcast_in_dim3A_222, %add3A_64] : memref<4x8x1024xf32, #tpu.memory_space<vmem>>[vector<16xi32>, vector<16xi32>, vector<16xi32>], vector<16xf32>,
        %gather3A_224 = tpu.vector_load_idx %arg10[%broadcast_in_dim3A_196, %broadcast_in_dim3A_222, %add3A_94] : memref<4x8x1024xf32, #tpu.memory_space<vmem>>[vector<16xi32>, vector<16xi32>, vector<16xi32>], vector<16xf32>,
        %mul3A_225 = arith.mulf %gather3A_223, %gather3A_224 : vector<16xf32>
        %add3A_226 = arith.addf %add3A_220, %mul3A_225 : vector<16xf32>
        %broadcast_in_dim3A_227 = arith.constant 5 : i32
        %broadcast_in_dim3A_228 = vector.broadcast %broadcast_in_dim3A_227 : i32 to vector<16xi32>
        %gather3A_229 = tpu.vector_load_idx %arg9[%broadcast_in_dim3A_196, %broadcast_in_dim3A_228, %add3A_64] : memref<4x8x1024xf32, #tpu.memory_space<vmem>>[vector<16xi32>, vector<16xi32>, vector<16xi32>], vector<16xf32>,
        %gather3A_230 = tpu.vector_load_idx %arg10[%broadcast_in_dim3A_196, %broadcast_in_dim3A_228, %add3A_94] : memref<4x8x1024xf32, #tpu.memory_space<vmem>>[vector<16xi32>, vector<16xi32>, vector<16xi32>], vector<16xf32>,
        %mul3A_231 = arith.mulf %gather3A_229, %gather3A_230 : vector<16xf32>
        %add3A_232 = arith.addf %add3A_226, %mul3A_231 : vector<16xf32>
        %broadcast_in_dim3A_233 = arith.constant 6 : i32
        %broadcast_in_dim3A_234 = vector.broadcast %broadcast_in_dim3A_233 : i32 to vector<16xi32>
        %gather3A_235 = tpu.vector_load_idx %arg9[%broadcast_in_dim3A_196, %broadcast_in_dim3A_234, %add3A_64] : memref<4x8x1024xf32, #tpu.memory_space<vmem>>[vector<16xi32>, vector<16xi32>, vector<16xi32>], vector<16xf32>,
        %gather3A_236 = tpu.vector_load_idx %arg10[%broadcast_in_dim3A_196, %broadcast_in_dim3A_234, %add3A_94] : memref<4x8x1024xf32, #tpu.memory_space<vmem>>[vector<16xi32>, vector<16xi32>, vector<16xi32>], vector<16xf32>,
        %mul3A_237 = arith.mulf %gather3A_235, %gather3A_236 : vector<16xf32>
        %add3A_238 = arith.addf %add3A_232, %mul3A_237 : vector<16xf32>
        %broadcast_in_dim3A_239 = arith.constant 7 : i32
        %broadcast_in_dim3A_240 = vector.broadcast %broadcast_in_dim3A_239 : i32 to vector<16xi32>
        %gather3A_241 = tpu.vector_load_idx %arg9[%broadcast_in_dim3A_196, %broadcast_in_dim3A_240, %add3A_64] : memref<4x8x1024xf32, #tpu.memory_space<vmem>>[vector<16xi32>, vector<16xi32>, vector<16xi32>], vector<16xf32>,
        %gather3A_242 = tpu.vector_load_idx %arg10[%broadcast_in_dim3A_196, %broadcast_in_dim3A_240, %add3A_94] : memref<4x8x1024xf32, #tpu.memory_space<vmem>>[vector<16xi32>, vector<16xi32>, vector<16xi32>], vector<16xf32>,
        %mul3A_243 = arith.mulf %gather3A_241, %gather3A_242 : vector<16xf32>
        %add3A_244 = arith.addf %add3A_238, %mul3A_243 : vector<16xf32>
        %broadcast_in_dim3A_245 = arith.constant 3 : i32
        %broadcast_in_dim3A_246 = vector.broadcast %broadcast_in_dim3A_245 : i32 to vector<16xi32>
        %broadcast_in_dim3A_247 = arith.constant 0 : i32
        %broadcast_in_dim3A_248 = vector.broadcast %broadcast_in_dim3A_247 : i32 to vector<16xi32>
        %gather3A_249 = tpu.vector_load_idx %arg9[%broadcast_in_dim3A_246, %broadcast_in_dim3A_248, %add3A_64] : memref<4x8x1024xf32, #tpu.memory_space<vmem>>[vector<16xi32>, vector<16xi32>, vector<16xi32>], vector<16xf32>,
        %gather3A_250 = tpu.vector_load_idx %arg10[%broadcast_in_dim3A_246, %broadcast_in_dim3A_248, %add3A_94] : memref<4x8x1024xf32, #tpu.memory_space<vmem>>[vector<16xi32>, vector<16xi32>, vector<16xi32>], vector<16xf32>,
        %mul3A_251 = arith.mulf %gather3A_249, %gather3A_250 : vector<16xf32>
        %add3A_252 = arith.addf %add3A_244, %mul3A_251 : vector<16xf32>
        %broadcast_in_dim3A_253 = arith.constant 1 : i32
        %broadcast_in_dim3A_254 = vector.broadcast %broadcast_in_dim3A_253 : i32 to vector<16xi32>
        %gather3A_255 = tpu.vector_load_idx %arg9[%broadcast_in_dim3A_246, %broadcast_in_dim3A_254, %add3A_64] : memref<4x8x1024xf32, #tpu.memory_space<vmem>>[vector<16xi32>, vector<16xi32>, vector<16xi32>], vector<16xf32>,
        %gather3A_256 = tpu.vector_load_idx %arg10[%broadcast_in_dim3A_246, %broadcast_in_dim3A_254, %add3A_94] : memref<4x8x1024xf32, #tpu.memory_space<vmem>>[vector<16xi32>, vector<16xi32>, vector<16xi32>], vector<16xf32>,
        %mul3A_257 = arith.mulf %gather3A_255, %gather3A_256 : vector<16xf32>
        %add3A_258 = arith.addf %add3A_252, %mul3A_257 : vector<16xf32>
        %broadcast_in_dim3A_259 = arith.constant 2 : i32
        %broadcast_in_dim3A_260 = vector.broadcast %broadcast_in_dim3A_259 : i32 to vector<16xi32>
        %gather3A_261 = tpu.vector_load_idx %arg9[%broadcast_in_dim3A_246, %broadcast_in_dim3A_260, %add3A_64] : memref<4x8x1024xf32, #tpu.memory_space<vmem>>[vector<16xi32>, vector<16xi32>, vector<16xi32>], vector<16xf32>,
        %gather3A_262 = tpu.vector_load_idx %arg10[%broadcast_in_dim3A_246, %broadcast_in_dim3A_260, %add3A_94] : memref<4x8x1024xf32, #tpu.memory_space<vmem>>[vector<16xi32>, vector<16xi32>, vector<16xi32>], vector<16xf32>,
        %mul3A_263 = arith.mulf %gather3A_261, %gather3A_262 : vector<16xf32>
        %add3A_264 = arith.addf %add3A_258, %mul3A_263 : vector<16xf32>
        %broadcast_in_dim3A_265 = arith.constant 3 : i32
        %broadcast_in_dim3A_266 = vector.broadcast %broadcast_in_dim3A_265 : i32 to vector<16xi32>
        %gather3A_267 = tpu.vector_load_idx %arg9[%broadcast_in_dim3A_246, %broadcast_in_dim3A_266, %add3A_64] : memref<4x8x1024xf32, #tpu.memory_space<vmem>>[vector<16xi32>, vector<16xi32>, vector<16xi32>], vector<16xf32>,
        %gather3A_268 = tpu.vector_load_idx %arg10[%broadcast_in_dim3A_246, %broadcast_in_dim3A_266, %add3A_94] : memref<4x8x1024xf32, #tpu.memory_space<vmem>>[vector<16xi32>, vector<16xi32>, vector<16xi32>], vector<16xf32>,
        %mul3A_269 = arith.mulf %gather3A_267, %gather3A_268 : vector<16xf32>
        %add3A_270 = arith.addf %add3A_264, %mul3A_269 : vector<16xf32>
        %broadcast_in_dim3A_271 = arith.constant 4 : i32
        %broadcast_in_dim3A_272 = vector.broadcast %broadcast_in_dim3A_271 : i32 to vector<16xi32>
        %gather3A_273 = tpu.vector_load_idx %arg9[%broadcast_in_dim3A_246, %broadcast_in_dim3A_272, %add3A_64] : memref<4x8x1024xf32, #tpu.memory_space<vmem>>[vector<16xi32>, vector<16xi32>, vector<16xi32>], vector<16xf32>,
        %gather3A_274 = tpu.vector_load_idx %arg10[%broadcast_in_dim3A_246, %broadcast_in_dim3A_272, %add3A_94] : memref<4x8x1024xf32, #tpu.memory_space<vmem>>[vector<16xi32>, vector<16xi32>, vector<16xi32>], vector<16xf32>,
        %mul3A_275 = arith.mulf %gather3A_273, %gather3A_274 : vector<16xf32>
        %add3A_276 = arith.addf %add3A_270, %mul3A_275 : vector<16xf32>
        %broadcast_in_dim3A_277 = arith.constant 5 : i32
        %broadcast_in_dim3A_278 = vector.broadcast %broadcast_in_dim3A_277 : i32 to vector<16xi32>
        %gather3A_279 = tpu.vector_load_idx %arg9[%broadcast_in_dim3A_246, %broadcast_in_dim3A_278, %add3A_64] : memref<4x8x1024xf32, #tpu.memory_space<vmem>>[vector<16xi32>, vector<16xi32>, vector<16xi32>], vector<16xf32>,
        %gather3A_280 = tpu.vector_load_idx %arg10[%broadcast_in_dim3A_246, %broadcast_in_dim3A_278, %add3A_94] : memref<4x8x1024xf32, #tpu.memory_space<vmem>>[vector<16xi32>, vector<16xi32>, vector<16xi32>], vector<16xf32>,
        %mul3A_281 = arith.mulf %gather3A_279, %gather3A_280 : vector<16xf32>
        %add3A_282 = arith.addf %add3A_276, %mul3A_281 : vector<16xf32>
        %broadcast_in_dim3A_283 = arith.constant 6 : i32
        %broadcast_in_dim3A_284 = vector.broadcast %broadcast_in_dim3A_283 : i32 to vector<16xi32>
        %gather3A_285 = tpu.vector_load_idx %arg9[%broadcast_in_dim3A_246, %broadcast_in_dim3A_284, %add3A_64] : memref<4x8x1024xf32, #tpu.memory_space<vmem>>[vector<16xi32>, vector<16xi32>, vector<16xi32>], vector<16xf32>,
        %gather3A_286 = tpu.vector_load_idx %arg10[%broadcast_in_dim3A_246, %broadcast_in_dim3A_284, %add3A_94] : memref<4x8x1024xf32, #tpu.memory_space<vmem>>[vector<16xi32>, vector<16xi32>, vector<16xi32>], vector<16xf32>,
        %mul3A_287 = arith.mulf %gather3A_285, %gather3A_286 : vector<16xf32>
        %add3A_288 = arith.addf %add3A_282, %mul3A_287 : vector<16xf32>
        %broadcast_in_dim3A_289 = arith.constant 7 : i32
        %broadcast_in_dim3A_290 = vector.broadcast %broadcast_in_dim3A_289 : i32 to vector<16xi32>
        %gather3A_291 = tpu.vector_load_idx %arg9[%broadcast_in_dim3A_246, %broadcast_in_dim3A_290, %add3A_64] : memref<4x8x1024xf32, #tpu.memory_space<vmem>>[vector<16xi32>, vector<16xi32>, vector<16xi32>], vector<16xf32>,
        %gather3A_292 = tpu.vector_load_idx %arg10[%broadcast_in_dim3A_246, %broadcast_in_dim3A_290, %add3A_94] : memref<4x8x1024xf32, #tpu.memory_space<vmem>>[vector<16xi32>, vector<16xi32>, vector<16xi32>], vector<16xf32>,
        %mul3A_293 = arith.mulf %gather3A_291, %gather3A_292 : vector<16xf32>
        %add3A_294 = arith.addf %add3A_288, %mul3A_293 : vector<16xf32>
        %swap3A = arith.index_cast %add3A_38 : i32 to index
        %swap3A_295 = tpu.vector_load %arg11[%swap3A] {strides = array<i32>} : memref<512xf32, #tpu.memory_space<vmem>>, vector<16xf32>,
        tpu.vector_store %arg11[%swap3A], %add3A_294 {strides = array<i32>} : memref<512xf32, #tpu.memory_space<vmem>>, vector<16xf32>,
      }
      %scan3A_34 = arith.constant 4 : i32
    }
    %scan3A_6 = arith.constant 8 : i32
    "tpu.region"() ({
      %run_scoped3A = tpu.sem_alloc : memref<!tpu.dma_semaphore, #tpu.memory_space<semaphore_mem>>
      %dma_start3A = tpu.memref_slice %arg6[%mul3A_2] : memref<16384xf32, #tpu.memory_space<hbm>> -> memref<512xf32, #tpu.memory_space<hbm>>
      %dma_start3A_7 = tpu.memref_slice %arg6[%mul3A_2] : memref<16384xf32, #tpu.memory_space<hbm>> -> memref<512xf32, #tpu.memory_space<hbm>>
      tpu.enqueue_dma source(%arg11 : memref<512xf32, #tpu.memory_space<vmem>>) target(%dma_start3A_7 : memref<512xf32, #tpu.memory_space<hbm>>) target_semaphore(%run_scoped3A : memref<!tpu.dma_semaphore, #tpu.memory_space<semaphore_mem>>)
      %dma_wait3A = tpu.memref_slice %arg6[%mul3A_2] : memref<16384xf32, #tpu.memory_space<hbm>> -> memref<512xf32, #tpu.memory_space<hbm>>
      %dma_wait3A_8 = tpu.memref_slice %arg6[%mul3A_2] : memref<16384xf32, #tpu.memory_space<hbm>> -> memref<512xf32, #tpu.memory_space<hbm>>
      tpu.wait_dma2 semaphore(%run_scoped3A : memref<!tpu.dma_semaphore, #tpu.memory_space<semaphore_mem>>) src(%arg11 : memref<512xf32, #tpu.memory_space<vmem>>) dst(%dma_wait3A_8 : memref<512xf32, #tpu.memory_space<hbm>>)
      tpu.yield
    }) : () -> ()
    return
  }
}

</mosaic_0001>

<sc_bundles>
// kernel: _scores.3.cloned.1.call-start
scs
__scs_entry_jumppad:
0x0: {  	(pc) =	sbr.rel $0x88, $3  }
0x1: {  	(tag) =	ssettag $0x0;
	lr =	simm.s32 $0x1  }
0x2: {  	[smem:$0x3F9D] =	sst lr;
	_ =	strace $0xD0000000  }
0x3: {  	_ = 	snop  }
0x4: {  	_ = 	snop  }
0x5: {  	_ = 	snop  }
0x6: {  	_ = 	snop  }
0x7: {  	_ = 	snop  }
__scs_overlays_trampoline_lowered:
0x8: {  	[smem:$0x3FAC] =	sst s0  }
0x9: {  	[smem:$0x3FAD] =	sst s1  }
0xa: {  	[smem:$0x3FAE] =	sst s2  }
0xb: {  	[smem:$0x3FAF] =	sst s3  }
0xc: {  	[smem:$0x3FB0] =	sst s4  }
0xd: {  	[smem:$0x3FB1] =	sst s5  }
0xe: {  	[smem:$0x3FB2] =	sst s6  }
0xf: {  	[smem:$0x3FB3] =	sst s7  }
0x10: {  	[smem:$0x3FB4] =	sst s8  }
0x11: {  	[smem:$0x3FB5] =	sst s9;
	s0 =	simm.s32 @!p0 $0x0  }
0x12: {  	s1 =	sld [smem:$0x3F9B];
	s0 =	simm.s32 @p0 $0x1  }
0x13: {  	[smem:$0x3FB6] =	sst s0;
	s0 =	simm.s32 @!p1 $0x0  }
0x14: {  	s2 =	sld [smem:$0x3F9A];
	s0 =	simm.s32 @p1 $0x1  }
0x15: {  	[smem:$0x3FB7] =	sst s0;
	s0 =	simm.s32 @!p2 $0x0  }
0x16: {  	s3 =	sld [smem:$0x3FDB];
	s0 =	simm.s32 @p2 $0x1  }
0x17: {  	s4 =	simm.s32 $0x1BF5;
	[smem:$0x3FB9] =	sst s0  }
0x18: {  	s0 =	sld [smem:$0x3F9C];
	_ =	swait.ge [sflag:s4], $0x0  }
0x19: {  	s7 =	sld [smem:$0x3F9D]  }
0x1a: {  	s8 =	sadd.s32 $0xFFFFE003, lr  }
0x1b: {  	s9 =	sadd.s32 $0xFFFFFEF7, lr;
	s5 =	simm.s32 $0xFFFFFFFF;
	p2 =	slt.u32 s8, $0xFFFFF086  }
0x1c: {  	p1 =	slt.u32 s9, $0xF7A;
	s5 =	simm.s32 @!p2 $0x0  }
0x1d: {  	s5 =	simm.s32 @p1 $0x1;
	p0 =	seq.s32 s7, s2  }
0x1e: {  	s7 =	smul.u32 @!p0 $0xF7A, s2;
	p2 =	seq.s32 @!p0 s5, $0x0  }
0x1f: {  	s9 =	smul.u32 $0xF7A, s1;
	s8 =	simm.s32 @!p0 $0x1BF5;
	p2 =	por !p2, p0  }
0x20: {  	[sflag:s8] =	ssyncset.s32 @!p0 $0xFFFFF086;
	s6 =	sadd.s32 @!p0 s3, s7;
	s7 =	simm.s32 @!p0 $0x108  }
0x21: {  	s3 =	sadd.s32 s3, s9;
	s6 =	sadd.s32 @!p0 $0x88, s6;
	s7 =	simm.s32 @p2 $0x1082  }
0x22: {  	[simem:s7], [sflag:s8] =	dma.local @!p0 [hbm:s6], $0xF7A  }
0x23: {  	s9 =	sor.u32 $0xD0000000, s2;
	s6 =	simm.s32 $0x108;
	_ =	swait.ge @!p0 [sflag:s8], $0x0  }
0x24: {  	s3 =	sadd.s32 $0x88, s3;
	s6 =	simm.s32 @!p1 $0x1082;
	[sflag:s4] =	ssyncset.s32 $0xFFFFF086  }
0x25: {  	[simem:s6], [sflag:s4] =	dma.local [hbm:s3], $0xF7A  }
0x26: {  	[smem:$0x3F9D] =	sst s1;
	(tag) =	ssettag s2;
	_ =	strace s9  }
0x27: {  	s1 =	sld [smem:$0x3FAD]  }
0x28: {  	s2 =	sld [smem:$0x3FAE]  }
0x29: {  	s4 =	sld [smem:$0x3FB0]  }
0x2a: {  	p0 =	seq.s32 s5, $0x0;
	s5 =	sld [smem:$0x3FB1]  }
0x2b: {  	s6 =	sld [smem:$0x3FB2]  }
0x2c: {  	s7 =	sld [smem:$0x3FB3]  }
0x2d: {  	s3 =	simm.s32 $0x108;
	s8 =	sld [smem:$0x3FB4]  }
0x2e: {  	s3 =	simm.s32 @!p0 $0x1082;
	s9 =	sld [smem:$0x3FB5]  }
0x2f: {  	lr =	sadd.s32 s0, s3;
	s0 =	sld [smem:$0x3FAC]  }
0x30: {  	s3 =	sld [smem:$0x3FAF]  }
0x31: {  	[smem:$0x3FB8] =	sst s10  }
0x32: {  	s10 =	sld [smem:$0x3FB6];
	_ =	sdelay $0x3  }
0x33: {  	p0 =	seq.s32 s10, $0x1;
	s10 =	sld [smem:$0x3FB8];
	_ =	sdelay $0x3  }
0x34: {  	[smem:$0x3FB8] =	sst s10  }
0x35: {  	s10 =	sld [smem:$0x3FB7];
	_ =	sdelay $0x3  }
0x36: {  	p1 =	seq.s32 s10, $0x1;
	s10 =	sld [smem:$0x3FB8];
	_ =	sdelay $0x3  }
0x37: {  	[smem:$0x3FB8] =	sst s10  }
0x38: {  	s10 =	sld [smem:$0x3FB9]  }
0x39: {  	_ = 	snop;
	(pc) =	sbr.ind lr, $3  }
0x3a: {  	_ = 	snop  }
0x3b: {  	_ = 	snop  }
0x3c: {  	p2 =	seq.s32 s10, $0x1;
	s10 =	sld [smem:$0x3FB8]  }
0x3d: {  	_ =	shalt  }
0x3e: {  	_ =	shalt  }
0x3f: {  	_ =	shalt  }
0x40: {  	_ =	shalt  }
0x41: {  	_ =	shalt  }
0x42: {  	_ =	shalt  }
0x43: {  	_ =	shalt  }
0x44: {  	_ =	shalt  }
0x45: {  	_ =	shalt  }
0x46: {  	_ =	shalt  }
0x47: {  	_ =	shalt  }
0x48: {  	_ =	shalt  }
0x49: {  	_ =	shalt  }
0x4a: {  	_ =	shalt  }
0x4b: {  	_ =	shalt  }
0x4c: {  	_ =	shalt  }
0x4d: {  	_ =	shalt  }
0x4e: {  	_ =	shalt  }
0x4f: {  	_ =	shalt  }
0x50: {  	_ =	shalt  }
0x51: {  	_ =	shalt  }
0x52: {  	_ =	shalt  }
0x53: {  	_ =	shalt  }
0x54: {  	_ =	shalt  }
0x55: {  	_ =	shalt  }
0x56: {  	_ =	shalt  }
0x57: {  	_ =	shalt  }
0x58: {  	_ =	shalt  }
0x59: {  	_ =	shalt  }
0x5a: {  	_ =	shalt  }
0x5b: {  	_ =	shalt  }
0x5c: {  	_ =	shalt  }
0x5d: {  	_ =	shalt  }
0x5e: {  	_ =	shalt  }
0x5f: {  	_ =	shalt  }
0x60: {  	_ =	shalt  }
0x61: {  	_ =	shalt  }
0x62: {  	_ =	shalt  }
0x63: {  	_ =	shalt  }
0x64: {  	_ =	shalt  }
0x65: {  	_ =	shalt  }
0x66: {  	_ =	shalt  }
0x67: {  	_ =	shalt  }
0x68: {  	_ =	shalt  }
0x69: {  	_ =	shalt  }
0x6a: {  	_ =	shalt  }
0x6b: {  	_ =	shalt  }
0x6c: {  	_ =	shalt  }
0x6d: {  	_ =	shalt  }
0x6e: {  	_ =	shalt  }
0x6f: {  	_ =	shalt  }
0x70: {  	_ =	shalt  }
0x71: {  	_ =	shalt  }
0x72: {  	_ =	shalt  }
0x73: {  	_ =	shalt  }
0x74: {  	_ =	shalt  }
0x75: {  	_ =	shalt  }
0x76: {  	_ =	shalt  }
0x77: {  	_ =	shalt  }
0x78: {  	_ =	shalt  }
0x79: {  	_ =	shalt  }
0x7a: {  	_ =	shalt  }
0x7b: {  	_ =	shalt  }
0x7c: {  	_ =	shalt  }
0x7d: {  	_ =	shalt  }
0x7e: {  	_ =	shalt  }
0x7f: {  	_ =	shalt  }
0x80: {  	_ =	shalt  }
0x81: {  	_ =	shalt  }
0x82: {  	_ =	shalt  }
0x83: {  	_ =	shalt  }
0x84: {  	_ =	shalt  }
0x85: {  	_ =	shalt  }
0x86: {  	_ =	shalt  }
0x87: {  	_ =	shalt  }
.Lfunc_end0:
.L_simem_size_0:
called_computation_lowered:
.L_overlay_start_0:
0x88: {  	s2 =	sld [smem:$0x3FD9]  }
0x89: {  	s3 =	sld [smem:$0x3FFE];
	_ =	sdelay $0x1  }
0x8a: {  	s1 =	srdreg.scid  }
0x8b: {  	s0 =	sand.u32 $0x1, s1  }
0x8c: {  	s18 =	sshll.u32 s0, $0xA;
	s2 =	sadd.s32 s3, s2  }
0x8d: {  	s2 =	sadd.s32 s2, s18  }
0x8e: {  	[smem:$0x3FC4] =	sst s2  }
0x8f: {  	_ = 	snop  }
0x90: {  	s2 =	sld [smem:$0x3FC9]  }
0x91: {  	s19 =	sld [smem:$0x3FC8]  }
0x92: {  	s4 =	sld [smem:$0x3FC7]  }
0x93: {  	s5 =	sld [smem:$0x3FC6]  }
0x94: {  	s6 =	sld [smem:$0x3FD0];
	(tm) =	ssettm $0x1  }
0x95: {  	s7 =	sld [smem:$0x3FFB];
	_ =	sdelay $0x3  }
0x96: {  	_ =	strace s7  }
0x97: {  	s7 =	sld [smem:$0x3FFC];
	_ =	sdelay $0x3  }
0x98: {  	_ =	strace s7  }
0x99: {  	s7 =	sld [smem:$0x3FFD];
	_ =	sdelay $0x3  }
0x9a: {  	_ =	strace s7  }
0x9b: {  	_ =	strace $0x8FFFFFFF  }
0x9c: {  	s20 =	sld [smem:$0x3FDB];
	_ =	sdelay $0x1  }
0x9d: {  	s8 =	simm.s32 $_scs_section_size  }
0x9e: {  	s9 =	simm.s32 $_size__tile_overlayer_lowered;
	s10 =	simm.s32 $_tile_overlayer_lowered  }
0x9f: {  	s23 =	simm.s32 $0x1BFF;
	s22 =	sshll.u32 s10, $0x1;
	s7 =	sadd.s32 s8, s20  }
0xa0: {  	s11 =	simm.s32 $0x0;
	s21 =	sshll.u32 s9, $0x1;
	s9 =	sadd.s32 s22, s7  }
0xa1: {  	[timem:s11], [sflag:s23] =	dma.local [hbm:s9], s21  }
0xa2: {  	_ =	swait.ge [sflag:s23], s21  }
0xa3: {  	s8 =	ssub.s32 $0x0, s21;
	[sflag:s23] =	ssyncset.done $0x0  }
0xa4: {  	[sflag:s23] =	ssyncadd.s32 s8;
	_ =	sdelay $0x1  }
0xa5: {  	s24 =	simm.s32 $0x1B8B  }
0xa6: {  	_ =	swait.ge [sflag:s24], $0x1  }
0xa7: {  	[sflag:s24] =	ssyncset.done $0x0  }
0xa8: {  	s25 =	simm.s32 $0x1B8E;
	[sflag:s24] =	ssyncadd.s32 $0xFFFFFFFF  }
0xa9: {  	s26 =	simm.s32 $execute0_lowered;
	[smem:$0x3FD2] =	sst s25  }
0xaa: {  	s8 =	sshll.u32 s26, $0x1;
	_ =	strace $0x80000046;
	[dreg:$0x1] =	wrdreg $0xFFFFFFFF  }
0xab: {  	s28 =	simm.s32 $_size_execute0_lowered;
	s7 =	sadd.s32 s7, s8;
	[dreg:$0x0] =	wrdreg $0x0  }
0xac: {  	s8 =	sshll.u32 s28, $0x1;
	[dreg:$0x2] =	wrdreg s7  }
0xad: {  	[dreg:$0x3] =	wrdreg s8  }
0xae: {  	[dreg:$0x4] =	wrdreg $0xC0  }
0xaf: {  	_ =	task [dreg:s11], $0x5FFFF  }
0xb0: {  	[dreg:$0x1] =	wrdreg $0xFFFFFFFF  }
0xb1: {  	[dreg:$0x0] =	wrdreg $0x60  }
0xb2: {  	[dreg:$0x2] =	wrdreg s2  }
0xb3: {  	[dreg:$0x3] =	wrdreg s19  }
0xb4: {  	[dreg:$0x4] =	wrdreg s4  }
0xb5: {  	[dreg:$0x5] =	wrdreg s5  }
0xb6: {  	[dreg:$0x6] =	wrdreg s6  }
0xb7: {  	[dreg:$0x7] =	wrdreg $0x9  }
0xb8: {  	_ =	task.clear_ibuf [dreg:s11], $0x8FFFF;
	_ =	strace $0x90000046  }
0xb9: {  	s29 =	simm.s32 $0x9;
	_ =	strace $0x80000048  }
0xba: {  	_ =	swait.ge [sflag:s29], $0x1  }
0xbb: {  	[sflag:s29] =	ssyncadd.s32 $0xFFFFFFFF  }
0xbc: {  	_ =	strace $0x90000048  }
0xbd: {  	_ =	sfence  }
0xbe: {  	s30 =	sld [smem:$0x0];
	_ =	sdelay $0x2  }
0xbf: {  	s31 =	sshll.u32 s1, $0xD;
	s1 =	sshrl.u32 s1, $0x2  }
0xc0: {  	s3 =	sand.u32 $0x4000, s31;
	s1 =	sadd.s32 s1, s30  }
0xc1: {  	s0 =	sor.u32 s3, s0;
	s1 =	sshll.u32 s1, $0x11  }
0xc2: {  	s0 =	sor.u32 s1, s0  }
0xc3: {  	s0 =	sadd.s32 $0x8F2B, s0  }
0xc4: {  	[sflag:s0] =	ssyncadd.remote.s32 $0x1  }
0xc5: {  	_ =	sfence.sel $0xFFFF  }
0xc6: {  	[dreg:$0x0] =	wrdreg $0xFFFFFFFF;
	(pc) =	sbr.abs _section_cstart, $3  }
0xc7: {  	[dreg:$0x1] =	wrdreg $0xFFFFFFFF  }
0xc8: {  	_ =	task.clear_ibuf [dreg:s11], $0x2FFFF;
	_ =	strace $0x9FFFFFFF  }
0xc9: {  	(tm) =	ssettm $0x7FFFFFFF  }
tec
execute0_lowered:
.L_overlay_start_1:
0x0: {  	(tag) =	ssettag $0x1  }
0x1: {  	s5 =	rddreg [dreg:$0x0]  }
0x2: {  	s6 =	rddreg [dreg:$0x1]  }
0x3: {  	s1 =	rddreg [dreg:$0x2]  }
0x4: {  	s2 =	rddreg [dreg:$0x3]  }
0x5: {  	s7 =	rddreg [dreg:$0x4]  }
0x6: {  	s0 =	rddreg [dreg:$0x5];
	s8 =	srdreg.scid  }
0x7: {  	s4 =	simm.s32 $0x0;
	s3 =	stileid.u32;
	s12 =	simm.s32 $0x8400  }
0x8: {  	s13 =	simm.s32 $0x10400;
	s14 =	simm.s32 $0x0;
	s8 =	sand.u32 $0x1, s8  }
0x9: {  	s10 =	sshll.u32 s3, $0x7;
	[smem:$0x7FF] =	sst s4;
	s9 =	ssub.s32 $0x2, s8  }
0xa: {  	s8 =	sshll.u32 s8, $0x6;
	_ =	strace $0x80000047;
	s11 =	sshrl.u32 s9, $0x1  }
0xb: {  	v1 =	vlaneseq.u32;
	s8 =	sor.u32 s8, s10;
	s10 =	simm.s32 $0x1;
	s9 =	ssub.s32 s9, s11  }
0xc: {  	v0 =	vand.u32 $0x7, v1;
	s5 =	sadd.s32 s5, s8;
	s6 =	sadd.s32 s6, s8;
	s7 =	sadd.s32 s7, s8  }
0xd: {  	v1 =	vmul.u32 $0x80, v1;
	v0 =	vmul.u32 $0x10, v0;
	s11 =	simm.s32 $0x400;
	s8 =	smax.u32 s9, $0x1;
	s9 =	simm.s32 $0x2  }
.LBB2_1:
0xe: {  	[tilespmem:s4], [sflag:$0x2] =	stream.linear.gather [hbm4b:s5+s4], $0x200, $0x38;
	[tilespmem:$0x10600] =	vst v63  }
0xf: {  	_ =	swait.ge [sflag:s9], $0x200  }
0x10: {  	[sflag:s9] =	ssyncset.done $0x0  }
0x11: {  	s15 =	simm.s32 $0x200;
	[sflag:s9] =	ssyncadd.s32 $0xFFFFFE00  }
0x12: {  	[tilespmem:s15], [sflag:$0x2] =	stream.linear.gather [hbm4b:s6+s4], $0x200, $0x38;
	[tilespmem:$0x10600] =	vst v63  }
0x13: {  	_ =	swait.ge [sflag:s9], $0x200  }
0x14: {  	s16 =	simm.s32 $0x0;
	[sflag:s9] =	ssyncset.done $0x0  }
0x15: {  	s17 =	simm.s32 $0x10400;
	s18 =	simm.s32 $0x0;
	[sflag:s9] =	ssyncadd.s32 $0xFFFFFE00  }
.LBB2_2:
0x16: {  	s22 =	sshll.u32 s18, $0x6  }
0x17: {  	s19 =	simm.s32 $0x0;
	s20 =	simm.s32 $0x400;
	s21 =	simm.s32 $0x8400;
	v2 =	vmov s22  }
.LBB2_3:
0x18: {  	_ =	sdelay $0x2  }
0x19: {  	s22 =	sshll.u32 s19, $0x4  }
0x1a: {  	v4 =	vld.idx.msk [tilespmem:v2+s22+$0x0 ss:$0x1], $0xffff;
	_ =	sdelay $0x4  }
0x1b: {  	(v2sf) =	vpush v4, $0x0;
	_ =	sdelay $0xe  }
0x1c: {  	s23 =	spop (v2sf)  }
0x1d: {  	s24 =	sand.u32 $0xF, s23  }
0x1e: {  	s25 =	sshra.s32 s23, $0x1F;
	p0 =	slt.s32 s23, $0x1;
	p1 =	sne.s32 s24, $0x0  }
0x1f: {  	s31 =	sshrl.u32 s25, $0x1C;
	p0 =	por !p0, !p1  }
0x20: {  	s24 =	simm.s32 $0x1;
	s23 =	sadd.s32 s31, s23;
	p0 =	por !p0, !p0  }
0x21: {  	s23 =	sshra.s32 s23, $0x4;
	s24 =	simm.s32 @!p0 $0x0  }
0x22: {  	s23 =	ssub.s32 s23, s24  }
0x23: {  	s24 =	sshll.u32 s23, $0x7;
	s23 =	sshll.u32 s23, $0x4  }
0x24: {  	s24 =	sand.u32 $0xFFFFFC00, s24;
	s23 =	sand.u32 $0x70, s23  }
0x25: {  	s23 =	sor.u32 s23, s24  }
0x26: {  	s23 =	sshrl.u32 s23, $0x3  }
0x27: {  	s26 =	sadd.s32 $0x0, s20;
	v3 =	vld.idx.msk [tilespmem:v2+s22+$0x200 ss:$0x1], $0xffff;
	s22 =	sadd.s32 s1, s23  }
0x28: {  	[tilespmem:s26], [sflag:$0x1] =	stream.linear.gather [hbm4b:s22+s4], $0x10, $0x38;
	[tilespmem:$0x10600] =	vst v63  }
0x29: {  	s25 =	sadd.s32 $0x80, s26;
	s23 =	sadd.s32 $0x10, s22  }
0x2a: {  	[tilespmem:s25], [sflag:$0x1] =	stream.linear.gather [hbm4b:s23+s4], $0x10, $0x38;
	[tilespmem:$0x10600] =	vst v63  }
0x2b: {  	s29 =	sadd.s32 $0x100, s26;
	s31 =	sadd.s32 $0x180, s26;
	s28 =	sadd.s32 $0x20, s22  }
0x2c: {  	[tilespmem:s29], [sflag:$0x1] =	stream.linear.gather [hbm4b:s28+s4], $0x10, $0x38;
	[tilespmem:$0x10600] =	vst v63  }
0x2d: {  	s30 =	sadd.s32 $0x30, s22;
	s24 =	sadd.s32 $0x40, s22;
	s25 =	sadd.s32 $0x200, s26  }
0x2e: {  	[tilespmem:s31], [sflag:$0x1] =	stream.linear.gather [hbm4b:s30+s4], $0x10, $0x38;
	[tilespmem:$0x10600] =	vst v63  }
0x2f: {  	s23 =	simm.s32 $0x2000;
	s28 =	sadd.s32 $0x50, s22;
	s29 =	sadd.s32 $0x280, s26  }
0x30: {  	[tilespmem:s25], [sflag:$0x1] =	stream.linear.gather [hbm4b:s24+s4], $0x10, $0x38;
	[tilespmem:$0x10600] =	vst v63  }
0x31: {  	s30 =	sadd.s32 $0x60, s22;
	s31 =	sadd.s32 $0x300, s26;
	s26 =	sadd.s32 $0x380, s26  }
0x32: {  	[tilespmem:s29], [sflag:$0x1] =	stream.linear.gather [hbm4b:s28+s4], $0x10, $0x38;
	[tilespmem:$0x10600] =	vst v63  }
0x33: {  	s24 =	simm.s32 $0x10000;
	s25 =	sadd.s32 $0x70, s22;
	s22 =	sadd.s32 $0xF4280, s22  }
0x34: {  	[tilespmem:s31], [sflag:$0x1] =	stream.linear.gather [hbm4b:s30+s4], $0x10, $0x38;
	[tilespmem:$0x10600] =	vst v63  }
.LBB2_4:
0x35: {  	[tilespmem:s26], [sflag:$0x1] =	stream.linear.gather [hbm4b:s25+s4], $0x10, $0x38;
	[tilespmem:$0x10600] =	vst v63  }
0x36: {  	s25 =	smov.u32 s24  }
0x37: {  	s28 =	sadd.s32 $0x8000, s24;
	s26 =	sadd.s32 s23, s20;
	s23 =	sshra.s32 s25, $0x2  }
0x38: {  	[tilespmem:s26], [sflag:$0x1] =	stream.linear.gather [hbm4b:s22+s4], $0x10, $0x38;
	[tilespmem:$0x10600] =	vst v63  }
0x39: {  	p0 =	sne.s32 s24, $0x18000;
	s24 =	sadd.s32 $0x10, s22;
	s25 =	sadd.s32 $0x80, s26  }
0x3a: {  	[tilespmem:s25], [sflag:$0x1] =	stream.linear.gather [hbm4b:s24+s4], $0x10, $0x38;
	[tilespmem:$0x10600] =	vst v63  }
0x3b: {  	s24 =	sadd.s32 $0x20, s22;
	s25 =	sadd.s32 $0x100, s26  }
0x3c: {  	[tilespmem:s25], [sflag:$0x1] =	stream.linear.gather [hbm4b:s24+s4], $0x10, $0x38;
	[tilespmem:$0x10600] =	vst v63  }
0x3d: {  	s24 =	sadd.s32 $0x30, s22;
	s25 =	sadd.s32 $0x180, s26  }
0x3e: {  	[tilespmem:s25], [sflag:$0x1] =	stream.linear.gather [hbm4b:s24+s4], $0x10, $0x38;
	[tilespmem:$0x10600] =	vst v63  }
0x3f: {  	s24 =	sadd.s32 $0x40, s22;
	s25 =	sadd.s32 $0x200, s26  }
0x40: {  	[tilespmem:s25], [sflag:$0x1] =	stream.linear.gather [hbm4b:s24+s4], $0x10, $0x38;
	[tilespmem:$0x10600] =	vst v63  }
.Ltmp0:
0x41: {  	s24 =	sadd.s32 $0x50, s22;
	s25 =	sadd.s32 $0x280, s26;
	(pc) =	sbr.rel @p0 .LBB2_4-.Ltmp0, $4  }
0x42: {  	[tilespmem:s25], [sflag:$0x1] =	stream.linear.gather [hbm4b:s24+s4], $0x10, $0x38;
	[tilespmem:$0x10600] =	vst v63  }
0x43: {  	s24 =	sadd.s32 $0x60, s22;
	s25 =	sadd.s32 $0x300, s26;
	s26 =	sadd.s32 $0x380, s26  }
0x44: {  	[tilespmem:s25], [sflag:$0x1] =	stream.linear.gather [hbm4b:s24+s4], $0x10, $0x38;
	[tilespmem:$0x10600] =	vst v63  }
0x45: {  	s25 =	sadd.s32 $0x70, s22;
	s22 =	sadd.s32 $0xF4280, s22;
	s24 =	smov.u32 s28  }
0x46: {  	[tilespmem:s26], [sflag:$0x1] =	stream.linear.gather [hbm4b:s25+s4], $0x10, $0x38;
	(v2sf) =	vpush v3, $0x0;
	[tilespmem:$0x10600] =	vst v63  }
0x47: {  	s23 =	sadd.s32 s23, s20  }
0x48: {  	[tilespmem:s23], [sflag:$0x1] =	stream.linear.gather [hbm4b:s22+s4], $0x10, $0x38;
	[tilespmem:$0x10600] =	vst v63  }
0x49: {  	s24 =	sadd.s32 $0x10, s22;
	s26 =	sadd.s32 $0x80, s23  }
0x4a: {  	[tilespmem:s26], [sflag:$0x1] =	stream.linear.gather [hbm4b:s24+s4], $0x10, $0x38;
	[tilespmem:$0x10600] =	vst v63  }
0x4b: {  	s28 =	sadd.s32 $0x20, s22;
	s29 =	sadd.s32 $0x100, s23  }
0x4c: {  	[tilespmem:s29], [sflag:$0x1] =	stream.linear.gather [hbm4b:s28+s4], $0x10, $0x38;
	[tilespmem:$0x10600] =	vst v63  }
0x4d: {  	s30 =	sadd.s32 $0x30, s22;
	s31 =	sadd.s32 $0x180, s23  }
0x4e: {  	[tilespmem:s31], [sflag:$0x1] =	stream.linear.gather [hbm4b:s30+s4], $0x10, $0x38;
	[tilespmem:$0x10600] =	vst v63  }
0x4f: {  	s25 =	sadd.s32 $0x40, s22;
	s26 =	sadd.s32 $0x200, s23  }
0x50: {  	[tilespmem:s26], [sflag:$0x1] =	stream.linear.gather [hbm4b:s25+s4], $0x10, $0x38;
	[tilespmem:$0x10600] =	vst v63  }
0x51: {  	s28 =	sadd.s32 $0x50, s22;
	s29 =	sadd.s32 $0x280, s23  }
0x52: {  	[tilespmem:s29], [sflag:$0x1] =	stream.linear.gather [hbm4b:s28+s4], $0x10, $0x38;
	[tilespmem:$0x10600] =	vst v63  }
0x53: {  	s30 =	sadd.s32 $0x60, s22;
	s31 =	sadd.s32 $0x300, s23  }
0x54: {  	[tilespmem:s31], [sflag:$0x1] =	stream.linear.gather [hbm4b:s30+s4], $0x10, $0x38;
	[tilespmem:$0x10600] =	vst v63  }
0x55: {  	s23 =	sadd.s32 $0x380, s23;
	s26 =	sadd.s32 $0x70, s22;
	s28 =	spop (v2sf)  }
0x56: {  	[tilespmem:s23], [sflag:$0x1] =	stream.linear.gather [hbm4b:s26+s4], $0x10, $0x38;
	[tilespmem:$0x10600] =	vst v63  }
0x57: {  	s29 =	sand.u32 $0xF, s28  }
0x58: {  	s30 =	sshra.s32 s28, $0x1F;
	p0 =	slt.s32 s28, $0x1;
	p1 =	sne.s32 s29, $0x0  }
0x59: {  	s31 =	sshrl.u32 s30, $0x1C;
	p0 =	por !p0, !p1  }
0x5a: {  	s23 =	simm.s32 $0x1;
	s22 =	sadd.s32 s31, s28;
	p0 =	por !p0, !p0  }
0x5b: {  	s22 =	sshra.s32 s22, $0x4;
	s23 =	simm.s32 @!p0 $0x0  }
0x5c: {  	s22 =	ssub.s32 s22, s23  }
0x5d: {  	s23 =	sshll.u32 s22, $0x4;
	s22 =	sshll.u32 s22, $0x7  }
0x5e: {  	s22 =	sand.u32 $0xFFFFFC00, s22;
	s23 =	sand.u32 $0x70, s23  }
0x5f: {  	s22 =	sor.u32 s23, s22  }
0x60: {  	s22 =	sshrl.u32 s22, $0x3  }
0x61: {  	s26 =	sadd.s32 $0x0, s21;
	s22 =	sadd.s32 s2, s22  }
0x62: {  	[tilespmem:s26], [sflag:$0x1] =	stream.linear.gather [hbm4b:s22+s4], $0x10, $0x38;
	[tilespmem:$0x10600] =	vst v63  }
0x63: {  	s25 =	sadd.s32 $0x80, s26;
	s24 =	sadd.s32 $0x10, s22  }
0x64: {  	[tilespmem:s25], [sflag:$0x1] =	stream.linear.gather [hbm4b:s24+s4], $0x10, $0x38;
	[tilespmem:$0x10600] =	vst v63  }
0x65: {  	s29 =	sadd.s32 $0x100, s26;
	s31 =	sadd.s32 $0x180, s26;
	s28 =	sadd.s32 $0x20, s22  }
0x66: {  	[tilespmem:s29], [sflag:$0x1] =	stream.linear.gather [hbm4b:s28+s4], $0x10, $0x38;
	[tilespmem:$0x10600] =	vst v63  }
0x67: {  	s23 =	simm.s32 $0x2000;
	s30 =	sadd.s32 $0x30, s22;
	s24 =	sadd.s32 $0x40, s22  }
0x68: {  	[tilespmem:s31], [sflag:$0x1] =	stream.linear.gather [hbm4b:s30+s4], $0x10, $0x38;
	[tilespmem:$0x10600] =	vst v63  }
0x69: {  	s25 =	sadd.s32 $0x200, s26;
	s28 =	sadd.s32 $0x50, s22;
	s29 =	sadd.s32 $0x280, s26  }
0x6a: {  	[tilespmem:s25], [sflag:$0x1] =	stream.linear.gather [hbm4b:s24+s4], $0x10, $0x38;
	[tilespmem:$0x10600] =	vst v63  }
0x6b: {  	s30 =	sadd.s32 $0x60, s22;
	s31 =	sadd.s32 $0x300, s26;
	s26 =	sadd.s32 $0x380, s26  }
0x6c: {  	[tilespmem:s29], [sflag:$0x1] =	stream.linear.gather [hbm4b:s28+s4], $0x10, $0x38;
	[tilespmem:$0x10600] =	vst v63  }
0x6d: {  	s24 =	simm.s32 $0x10000;
	s25 =	sadd.s32 $0x70, s22;
	s22 =	sadd.s32 $0xF4280, s22  }
0x6e: {  	[tilespmem:s31], [sflag:$0x1] =	stream.linear.gather [hbm4b:s30+s4], $0x10, $0x38;
	[tilespmem:$0x10600] =	vst v63  }
.LBB2_6:
0x6f: {  	[tilespmem:s26], [sflag:$0x1] =	stream.linear.gather [hbm4b:s25+s4], $0x10, $0x38;
	[tilespmem:$0x10600] =	vst v63  }
0x70: {  	s25 =	smov.u32 s24  }
0x71: {  	s28 =	sadd.s32 $0x8000, s24;
	s26 =	sadd.s32 s23, s21;
	s23 =	sshra.s32 s25, $0x2  }
0x72: {  	[tilespmem:s26], [sflag:$0x1] =	stream.linear.gather [hbm4b:s22+s4], $0x10, $0x38;
	[tilespmem:$0x10600] =	vst v63  }
0x73: {  	p0 =	sne.s32 s24, $0x18000;
	s24 =	sadd.s32 $0x10, s22;
	s25 =	sadd.s32 $0x80, s26  }
0x74: {  	[tilespmem:s25], [sflag:$0x1] =	stream.linear.gather [hbm4b:s24+s4], $0x10, $0x38;
	[tilespmem:$0x10600] =	vst v63  }
0x75: {  	s24 =	sadd.s32 $0x20, s22;
	s25 =	sadd.s32 $0x100, s26  }
0x76: {  	[tilespmem:s25], [sflag:$0x1] =	stream.linear.gather [hbm4b:s24+s4], $0x10, $0x38;
	[tilespmem:$0x10600] =	vst v63  }
0x77: {  	s24 =	sadd.s32 $0x30, s22;
	s25 =	sadd.s32 $0x180, s26  }
0x78: {  	[tilespmem:s25], [sflag:$0x1] =	stream.linear.gather [hbm4b:s24+s4], $0x10, $0x38;
	[tilespmem:$0x10600] =	vst v63  }
0x79: {  	s24 =	sadd.s32 $0x40, s22;
	s25 =	sadd.s32 $0x200, s26  }
0x7a: {  	[tilespmem:s25], [sflag:$0x1] =	stream.linear.gather [hbm4b:s24+s4], $0x10, $0x38;
	[tilespmem:$0x10600] =	vst v63  }
.Ltmp1:
0x7b: {  	s24 =	sadd.s32 $0x50, s22;
	s25 =	sadd.s32 $0x280, s26;
	(pc) =	sbr.rel @p0 .LBB2_6-.Ltmp1, $4  }
0x7c: {  	[tilespmem:s25], [sflag:$0x1] =	stream.linear.gather [hbm4b:s24+s4], $0x10, $0x38;
	[tilespmem:$0x10600] =	vst v63  }
0x7d: {  	s24 =	sadd.s32 $0x60, s22;
	s25 =	sadd.s32 $0x300, s26;
	s26 =	sadd.s32 $0x380, s26  }
0x7e: {  	[tilespmem:s25], [sflag:$0x1] =	stream.linear.gather [hbm4b:s24+s4], $0x10, $0x38;
	[tilespmem:$0x10600] =	vst v63  }
0x7f: {  	s25 =	sadd.s32 $0x70, s22;
	s22 =	sadd.s32 $0xF4280, s22;
	s24 =	smov.u32 s28  }
0x80: {  	[tilespmem:s26], [sflag:$0x1] =	stream.linear.gather [hbm4b:s25+s4], $0x10, $0x38;
	(v2sf) =	vpush v4, $0x1;
	[tilespmem:$0x10600] =	vst v63  }
0x81: {  	s23 =	sadd.s32 s23, s21  }
0x82: {  	[tilespmem:s23], [sflag:$0x1] =	stream.linear.gather [hbm4b:s22+s4], $0x10, $0x38;
	[tilespmem:$0x10600] =	vst v63  }
0x83: {  	s24 =	sadd.s32 $0x10, s22;
	s26 =	sadd.s32 $0x80, s23  }
0x84: {  	[tilespmem:s26], [sflag:$0x1] =	stream.linear.gather [hbm4b:s24+s4], $0x10, $0x38;
	[tilespmem:$0x10600] =	vst v63  }
0x85: {  	s28 =	sadd.s32 $0x20, s22;
	s29 =	sadd.s32 $0x100, s23  }
0x86: {  	[tilespmem:s29], [sflag:$0x1] =	stream.linear.gather [hbm4b:s28+s4], $0x10, $0x38;
	[tilespmem:$0x10600] =	vst v63  }
0x87: {  	s30 =	sadd.s32 $0x30, s22;
	s31 =	sadd.s32 $0x180, s23  }
0x88: {  	[tilespmem:s31], [sflag:$0x1] =	stream.linear.gather [hbm4b:s30+s4], $0x10, $0x38;
	[tilespmem:$0x10600] =	vst v63  }
0x89: {  	s25 =	sadd.s32 $0x40, s22;
	s26 =	sadd.s32 $0x200, s23  }
0x8a: {  	[tilespmem:s26], [sflag:$0x1] =	stream.linear.gather [hbm4b:s25+s4], $0x10, $0x38;
	[tilespmem:$0x10600] =	vst v63  }
0x8b: {  	s28 =	sadd.s32 $0x50, s22;
	s29 =	sadd.s32 $0x280, s23  }
0x8c: {  	[tilespmem:s29], [sflag:$0x1] =	stream.linear.gather [hbm4b:s28+s4], $0x10, $0x38;
	[tilespmem:$0x10600] =	vst v63  }
0x8d: {  	s30 =	sadd.s32 $0x60, s22;
	s31 =	sadd.s32 $0x300, s23  }
0x8e: {  	[tilespmem:s31], [sflag:$0x1] =	stream.linear.gather [hbm4b:s30+s4], $0x10, $0x38;
	[tilespmem:$0x10600] =	vst v63  }
0x8f: {  	s23 =	sadd.s32 $0x380, s23;
	s25 =	sadd.s32 $0x70, s22;
	s26 =	spop (v2sf)  }
0x90: {  	[tilespmem:s23], [sflag:$0x1] =	stream.linear.gather [hbm4b:s25+s4], $0x10, $0x38;
	[tilespmem:$0x10600] =	vst v63  }
0x91: {  	s28 =	sand.u32 $0xF, s26  }
0x92: {  	s29 =	sshra.s32 s26, $0x1F;
	p0 =	slt.s32 s26, $0x1;
	p1 =	sne.s32 s28, $0x0  }
0x93: {  	s30 =	sshrl.u32 s29, $0x1C;
	p0 =	por !p0, !p1  }
0x94: {  	s23 =	simm.s32 $0x1;
	s22 =	sadd.s32 s30, s26;
	p0 =	por !p0, !p0  }
0x95: {  	s22 =	sshra.s32 s22, $0x4;
	s23 =	simm.s32 @!p0 $0x0  }
0x96: {  	s22 =	ssub.s32 s22, s23  }
0x97: {  	s23 =	sshll.u32 s22, $0x7;
	s22 =	sshll.u32 s22, $0x4  }
0x98: {  	s23 =	sand.u32 $0xFFFFFC00, s23;
	s22 =	sand.u32 $0x70, s22  }
0x99: {  	s22 =	sor.u32 s22, s23  }
0x9a: {  	s26 =	sadd.s32 $0x0, s20;
	s22 =	sshrl.u32 s22, $0x3  }
0x9b: {  	s31 =	sadd.s32 $0x10, s26;
	s22 =	sadd.s32 s1, s22  }
0x9c: {  	[tilespmem:s31], [sflag:$0x1] =	stream.linear.gather [hbm4b:s22+s4], $0x10, $0x38;
	[tilespmem:$0x10600] =	vst v63  }
0x9d: {  	s25 =	sadd.s32 $0x90, s26;
	s24 =	sadd.s32 $0x10, s22  }
0x9e: {  	[tilespmem:s25], [sflag:$0x1] =	stream.linear.gather [hbm4b:s24+s4], $0x10, $0x38;
	[tilespmem:$0x10600] =	vst v63  }
0x9f: {  	s29 =	sadd.s32 $0x110, s26;
	s23 =	simm.s32 $0x2000;
	s28 =	sadd.s32 $0x20, s22  }
0xa0: {  	[tilespmem:s29], [sflag:$0x1] =	stream.linear.gather [hbm4b:s28+s4], $0x10, $0x38;
	[tilespmem:$0x10600] =	vst v63  }
0xa1: {  	s30 =	sadd.s32 $0x30, s22;
	s31 =	sadd.s32 $0x190, s26;
	s24 =	sadd.s32 $0x40, s22  }
0xa2: {  	[tilespmem:s31], [sflag:$0x1] =	stream.linear.gather [hbm4b:s30+s4], $0x10, $0x38;
	[tilespmem:$0x10600] =	vst v63  }
0xa3: {  	s25 =	sadd.s32 $0x210, s26;
	s28 =	sadd.s32 $0x50, s22;
	s29 =	sadd.s32 $0x290, s26  }
0xa4: {  	[tilespmem:s25], [sflag:$0x1] =	stream.linear.gather [hbm4b:s24+s4], $0x10, $0x38;
	[tilespmem:$0x10600] =	vst v63  }
0xa5: {  	s30 =	sadd.s32 $0x60, s22;
	s31 =	sadd.s32 $0x310, s26;
	s26 =	sadd.s32 $0x390, s26  }
0xa6: {  	[tilespmem:s29], [sflag:$0x1] =	stream.linear.gather [hbm4b:s28+s4], $0x10, $0x38;
	[tilespmem:$0x10600] =	vst v63  }
0xa7: {  	s24 =	simm.s32 $0x10000;
	s25 =	sadd.s32 $0x70, s22;
	s22 =	sadd.s32 $0xF4280, s22  }
0xa8: {  	[tilespmem:s31], [sflag:$0x1] =	stream.linear.gather [hbm4b:s30+s4], $0x10, $0x38;
	[tilespmem:$0x10600] =	vst v63  }
.LBB2_8:
0xa9: {  	[tilespmem:s26], [sflag:$0x1] =	stream.linear.gather [hbm4b:s25+s4], $0x10, $0x38;
	[tilespmem:$0x10600] =	vst v63  }
0xaa: {  	s25 =	smov.u32 s24  }
0xab: {  	s28 =	sadd.s32 $0x8000, s24;
	s26 =	sadd.s32 s23, s20;
	s23 =	sshra.s32 s25, $0x2  }
0xac: {  	p0 =	sne.s32 s24, $0x18000;
	s24 =	sadd.s32 $0x10, s26  }
0xad: {  	[tilespmem:s24], [sflag:$0x1] =	stream.linear.gather [hbm4b:s22+s4], $0x10, $0x38;
	[tilespmem:$0x10600] =	vst v63  }
0xae: {  	s25 =	sadd.s32 $0x90, s26;
	s24 =	sadd.s32 $0x10, s22  }
0xaf: {  	[tilespmem:s25], [sflag:$0x1] =	stream.linear.gather [hbm4b:s24+s4], $0x10, $0x38;
	[tilespmem:$0x10600] =	vst v63  }
0xb0: {  	s24 =	sadd.s32 $0x20, s22;
	s25 =	sadd.s32 $0x110, s26  }
0xb1: {  	[tilespmem:s25], [sflag:$0x1] =	stream.linear.gather [hbm4b:s24+s4], $0x10, $0x38;
	[tilespmem:$0x10600] =	vst v63  }
0xb2: {  	s24 =	sadd.s32 $0x30, s22;
	s25 =	sadd.s32 $0x190, s26  }
0xb3: {  	[tilespmem:s25], [sflag:$0x1] =	stream.linear.gather [hbm4b:s24+s4], $0x10, $0x38;
	[tilespmem:$0x10600] =	vst v63  }
0xb4: {  	s24 =	sadd.s32 $0x40, s22;
	s25 =	sadd.s32 $0x210, s26  }
0xb5: {  	[tilespmem:s25], [sflag:$0x1] =	stream.linear.gather [hbm4b:s24+s4], $0x10, $0x38;
	[tilespmem:$0x10600] =	vst v63  }
.Ltmp2:
0xb6: {  	s24 =	sadd.s32 $0x50, s22;
	s25 =	sadd.s32 $0x290, s26;
	(pc) =	sbr.rel @p0 .LBB2_8-.Ltmp2, $4  }
0xb7: {  	[tilespmem:s25], [sflag:$0x1] =	stream.linear.gather [hbm4b:s24+s4], $0x10, $0x38;
	[tilespmem:$0x10600] =	vst v63  }
0xb8: {  	s24 =	sadd.s32 $0x60, s22;
	s25 =	sadd.s32 $0x310, s26;
	s26 =	sadd.s32 $0x390, s26  }
0xb9: {  	[tilespmem:s25], [sflag:$0x1] =	stream.linear.gather [hbm4b:s24+s4], $0x10, $0x38;
	[tilespmem:$0x10600] =	vst v63  }
0xba: {  	s25 =	sadd.s32 $0x70, s22;
	s22 =	sadd.s32 $0xF4280, s22;
	s24 =	smov.u32 s28  }
0xbb: {  	[tilespmem:s26], [sflag:$0x1] =	stream.linear.gather [hbm4b:s25+s4], $0x10, $0x38;
	[tilespmem:$0x10600] =	vst v63  }
0xbc: {  	s23 =	sadd.s32 s23, s20;
	(v2sf) =	vpush v3, $0x1  }
0xbd: {  	s24 =	sadd.s32 $0x10, s23  }
0xbe: {  	[tilespmem:s24], [sflag:$0x1] =	stream.linear.gather [hbm4b:s22+s4], $0x10, $0x38;
	[tilespmem:$0x10600] =	vst v63  }
0xbf: {  	s25 =	sadd.s32 $0x10, s22;
	s26 =	sadd.s32 $0x90, s23  }
0xc0: {  	[tilespmem:s26], [sflag:$0x1] =	stream.linear.gather [hbm4b:s25+s4], $0x10, $0x38;
	[tilespmem:$0x10600] =	vst v63  }
0xc1: {  	s28 =	sadd.s32 $0x20, s22;
	s29 =	sadd.s32 $0x110, s23  }
0xc2: {  	[tilespmem:s29], [sflag:$0x1] =	stream.linear.gather [hbm4b:s28+s4], $0x10, $0x38;
	[tilespmem:$0x10600] =	vst v63  }
0xc3: {  	s30 =	sadd.s32 $0x30, s22;
	s31 =	sadd.s32 $0x190, s23  }
0xc4: {  	[tilespmem:s31], [sflag:$0x1] =	stream.linear.gather [hbm4b:s30+s4], $0x10, $0x38;
	[tilespmem:$0x10600] =	vst v63  }
0xc5: {  	s25 =	sadd.s32 $0x40, s22;
	s26 =	sadd.s32 $0x210, s23  }
0xc6: {  	[tilespmem:s26], [sflag:$0x1] =	stream.linear.gather [hbm4b:s25+s4], $0x10, $0x38;
	[tilespmem:$0x10600] =	vst v63  }
0xc7: {  	s28 =	sadd.s32 $0x50, s22;
	s29 =	sadd.s32 $0x290, s23  }
0xc8: {  	[tilespmem:s29], [sflag:$0x1] =	stream.linear.gather [hbm4b:s28+s4], $0x10, $0x38;
	[tilespmem:$0x10600] =	vst v63  }
0xc9: {  	s30 =	sadd.s32 $0x60, s22;
	s31 =	sadd.s32 $0x310, s23  }
0xca: {  	[tilespmem:s31], [sflag:$0x1] =	stream.linear.gather [hbm4b:s30+s4], $0x10, $0x38;
	[tilespmem:$0x10600] =	vst v63  }
0xcb: {  	s23 =	sadd.s32 $0x390, s23;
	s25 =	sadd.s32 $0x70, s22;
	s26 =	spop (v2sf)  }
0xcc: {  	[tilespmem:s23], [sflag:$0x1] =	stream.linear.gather [hbm4b:s25+s4], $0x10, $0x38;
	[tilespmem:$0x10600] =	vst v63  }
0xcd: {  	s28 =	sand.u32 $0xF, s26  }
0xce: {  	s29 =	sshra.s32 s26, $0x1F;
	p0 =	slt.s32 s26, $0x1;
	p1 =	sne.s32 s28, $0x0  }
0xcf: {  	s30 =	sshrl.u32 s29, $0x1C;
	p0 =	por !p0, !p1  }
0xd0: {  	s23 =	simm.s32 $0x1;
	s22 =	sadd.s32 s30, s26;
	p0 =	por !p0, !p0  }
0xd1: {  	s22 =	sshra.s32 s22, $0x4;
	s23 =	simm.s32 @!p0 $0x0  }
0xd2: {  	s22 =	ssub.s32 s22, s23  }
0xd3: {  	s23 =	sshll.u32 s22, $0x4;
	s22 =	sshll.u32 s22, $0x7  }
0xd4: {  	s22 =	sand.u32 $0xFFFFFC00, s22;
	s23 =	sand.u32 $0x70, s23  }
0xd5: {  	s22 =	sor.u32 s23, s22  }
0xd6: {  	s26 =	sadd.s32 $0x0, s21;
	s22 =	sshrl.u32 s22, $0x3  }
0xd7: {  	s31 =	sadd.s32 $0x10, s26;
	s22 =	sadd.s32 s2, s22  }
0xd8: {  	[tilespmem:s31], [sflag:$0x1] =	stream.linear.gather [hbm4b:s22+s4], $0x10, $0x38;
	[tilespmem:$0x10600] =	vst v63  }
0xd9: {  	s25 =	sadd.s32 $0x90, s26;
	s24 =	sadd.s32 $0x10, s22  }
0xda: {  	[tilespmem:s25], [sflag:$0x1] =	stream.linear.gather [hbm4b:s24+s4], $0x10, $0x38;
	[tilespmem:$0x10600] =	vst v63  }
0xdb: {  	s29 =	sadd.s32 $0x110, s26;
	s23 =	simm.s32 $0x2000;
	s28 =	sadd.s32 $0x20, s22  }
0xdc: {  	[tilespmem:s29], [sflag:$0x1] =	stream.linear.gather [hbm4b:s28+s4], $0x10, $0x38;
	[tilespmem:$0x10600] =	vst v63  }
0xdd: {  	s30 =	sadd.s32 $0x30, s22;
	s31 =	sadd.s32 $0x190, s26;
	s24 =	sadd.s32 $0x40, s22  }
0xde: {  	[tilespmem:s31], [sflag:$0x1] =	stream.linear.gather [hbm4b:s30+s4], $0x10, $0x38;
	[tilespmem:$0x10600] =	vst v63  }
0xdf: {  	s25 =	sadd.s32 $0x210, s26;
	s28 =	sadd.s32 $0x50, s22;
	s29 =	sadd.s32 $0x290, s26  }
0xe0: {  	[tilespmem:s25], [sflag:$0x1] =	stream.linear.gather [hbm4b:s24+s4], $0x10, $0x38;
	[tilespmem:$0x10600] =	vst v63  }
0xe1: {  	s30 =	sadd.s32 $0x60, s22;
	s31 =	sadd.s32 $0x310, s26;
	s26 =	sadd.s32 $0x390, s26  }
0xe2: {  	[tilespmem:s29], [sflag:$0x1] =	stream.linear.gather [hbm4b:s28+s4], $0x10, $0x38;
	[tilespmem:$0x10600] =	vst v63  }
0xe3: {  	s24 =	simm.s32 $0x10000;
	s25 =	sadd.s32 $0x70, s22;
	s22 =	sadd.s32 $0xF4280, s22  }
0xe4: {  	[tilespmem:s31], [sflag:$0x1] =	stream.linear.gather [hbm4b:s30+s4], $0x10, $0x38;
	[tilespmem:$0x10600] =	vst v63  }
.LBB2_10:
0xe5: {  	[tilespmem:s26], [sflag:$0x1] =	stream.linear.gather [hbm4b:s25+s4], $0x10, $0x38;
	[tilespmem:$0x10600] =	vst v63  }
0xe6: {  	s25 =	smov.u32 s24  }
0xe7: {  	s28 =	sadd.s32 $0x8000, s24;
	s26 =	sadd.s32 s23, s21;
	s23 =	sshra.s32 s25, $0x2  }
0xe8: {  	p0 =	sne.s32 s24, $0x18000;
	s24 =	sadd.s32 $0x10, s26  }
0xe9: {  	[tilespmem:s24], [sflag:$0x1] =	stream.linear.gather [hbm4b:s22+s4], $0x10, $0x38;
	[tilespmem:$0x10600] =	vst v63  }
0xea: {  	s25 =	sadd.s32 $0x90, s26;
	s24 =	sadd.s32 $0x10, s22  }
0xeb: {  	[tilespmem:s25], [sflag:$0x1] =	stream.linear.gather [hbm4b:s24+s4], $0x10, $0x38;
	[tilespmem:$0x10600] =	vst v63  }
0xec: {  	s24 =	sadd.s32 $0x20, s22;
	s25 =	sadd.s32 $0x110, s26  }
0xed: {  	[tilespmem:s25], [sflag:$0x1] =	stream.linear.gather [hbm4b:s24+s4], $0x10, $0x38;
	[tilespmem:$0x10600] =	vst v63  }
0xee: {  	s24 =	sadd.s32 $0x30, s22;
	s25 =	sadd.s32 $0x190, s26  }
0xef: {  	[tilespmem:s25], [sflag:$0x1] =	stream.linear.gather [hbm4b:s24+s4], $0x10, $0x38;
	[tilespmem:$0x10600] =	vst v63  }
0xf0: {  	s24 =	sadd.s32 $0x40, s22;
	s25 =	sadd.s32 $0x210, s26  }
0xf1: {  	[tilespmem:s25], [sflag:$0x1] =	stream.linear.gather [hbm4b:s24+s4], $0x10, $0x38;
	[tilespmem:$0x10600] =	vst v63  }
.Ltmp3:
0xf2: {  	s24 =	sadd.s32 $0x50, s22;
	s25 =	sadd.s32 $0x290, s26;
	(pc) =	sbr.rel @p0 .LBB2_10-.Ltmp3, $4  }
0xf3: {  	[tilespmem:s25], [sflag:$0x1] =	stream.linear.gather [hbm4b:s24+s4], $0x10, $0x38;
	[tilespmem:$0x10600] =	vst v63  }
0xf4: {  	s24 =	sadd.s32 $0x60, s22;
	s25 =	sadd.s32 $0x310, s26;
	s26 =	sadd.s32 $0x390, s26  }
0xf5: {  	[tilespmem:s25], [sflag:$0x1] =	stream.linear.gather [hbm4b:s24+s4], $0x10, $0x38;
	[tilespmem:$0x10600] =	vst v63  }
0xf6: {  	s25 =	sadd.s32 $0x70, s22;
	s22 =	sadd.s32 $0xF4280, s22;
	s24 =	smov.u32 s28  }
0xf7: {  	[tilespmem:s26], [sflag:$0x1] =	stream.linear.gather [hbm4b:s25+s4], $0x10, $0x38;
	[tilespmem:$0x10600] =	vst v63  }
0xf8: {  	s23 =	sadd.s32 s23, s21;
	(v2sf) =	vpush v4, $0x2  }
0xf9: {  	s24 =	sadd.s32 $0x10, s23  }
0xfa: {  	[tilespmem:s24], [sflag:$0x1] =	stream.linear.gather [hbm4b:s22+s4], $0x10, $0x38;
	[tilespmem:$0x10600] =	vst v63  }
0xfb: {  	s25 =	sadd.s32 $0x10, s22;
	s26 =	sadd.s32 $0x90, s23  }
0xfc: {  	[tilespmem:s26], [sflag:$0x1] =	stream.linear.gather [hbm4b:s25+s4], $0x10, $0x38;
	[tilespmem:$0x10600] =	vst v63  }
0xfd: {  	s28 =	sadd.s32 $0x20, s22;
	s29 =	sadd.s32 $0x110, s23  }
0xfe: {  	[tilespmem:s29], [sflag:$0x1] =	stream.linear.gather [hbm4b:s28+s4], $0x10, $0x38;
	[tilespmem:$0x10600] =	vst v63  }
0xff: {  	s30 =	sadd.s32 $0x30, s22;
	s31 =	sadd.s32 $0x190, s23  }
0x100: {  	[tilespmem:s31], [sflag:$0x1] =	stream.linear.gather [hbm4b:s30+s4], $0x10, $0x38;
	[tilespmem:$0x10600] =	vst v63  }
0x101: {  	s25 =	sadd.s32 $0x40, s22;
	s26 =	sadd.s32 $0x210, s23  }
0x102: {  	[tilespmem:s26], [sflag:$0x1] =	stream.linear.gather [hbm4b:s25+s4], $0x10, $0x38;
	[tilespmem:$0x10600] =	vst v63  }
0x103: {  	s28 =	sadd.s32 $0x50, s22;
	s29 =	sadd.s32 $0x290, s23  }
0x104: {  	[tilespmem:s29], [sflag:$0x1] =	stream.linear.gather [hbm4b:s28+s4], $0x10, $0x38;
	[tilespmem:$0x10600] =	vst v63  }
0x105: {  	s30 =	sadd.s32 $0x60, s22;
	s31 =	sadd.s32 $0x310, s23  }
0x106: {  	[tilespmem:s31], [sflag:$0x1] =	stream.linear.gather [hbm4b:s30+s4], $0x10, $0x38;
	[tilespmem:$0x10600] =	vst v63  }
0x107: {  	s23 =	sadd.s32 $0x390, s23;
	s25 =	sadd.s32 $0x70, s22;
	s26 =	spop (v2sf)  }
0x108: {  	[tilespmem:s23], [sflag:$0x1] =	stream.linear.gather [hbm4b:s25+s4], $0x10, $0x38;
	[tilespmem:$0x10600] =	vst v63  }
0x109: {  	s28 =	sand.u32 $0xF, s26  }
0x10a: {  	s29 =	sshra.s32 s26, $0x1F;
	p0 =	slt.s32 s26, $0x1;
	p1 =	sne.s32 s28, $0x0  }
0x10b: {  	s30 =	sshrl.u32 s29, $0x1C;
	p0 =	por !p0, !p1  }
0x10c: {  	s23 =	simm.s32 $0x1;
	s22 =	sadd.s32 s30, s26;
	p0 =	por !p0, !p0  }
0x10d: {  	s22 =	sshra.s32 s22, $0x4;
	s23 =	simm.s32 @!p0 $0x0  }
0x10e: {  	s22 =	ssub.s32 s22, s23  }
0x10f: {  	s23 =	sshll.u32 s22, $0x7;
	s22 =	sshll.u32 s22, $0x4  }
0x110: {  	s23 =	sand.u32 $0xFFFFFC00, s23;
	s22 =	sand.u32 $0x70, s22  }
0x111: {  	s22 =	sor.u32 s22, s23  }
0x112: {  	s26 =	sadd.s32 $0x0, s20;
	s22 =	sshrl.u32 s22, $0x3  }
0x113: {  	s31 =	sadd.s32 $0x20, s26;
	s22 =	sadd.s32 s1, s22  }
0x114: {  	[tilespmem:s31], [sflag:$0x1] =	stream.linear.gather [hbm4b:s22+s4], $0x10, $0x38;
	[tilespmem:$0x10600] =	vst v63  }
0x115: {  	s25 =	sadd.s32 $0xA0, s26;
	s24 =	sadd.s32 $0x10, s22  }
0x116: {  	[tilespmem:s25], [sflag:$0x1] =	stream.linear.gather [hbm4b:s24+s4], $0x10, $0x38;
	[tilespmem:$0x10600] =	vst v63  }
0x117: {  	s29 =	sadd.s32 $0x120, s26;
	s23 =	simm.s32 $0x2000;
	s28 =	sadd.s32 $0x20, s22  }
0x118: {  	[tilespmem:s29], [sflag:$0x1] =	stream.linear.gather [hbm4b:s28+s4], $0x10, $0x38;
	[tilespmem:$0x10600] =	vst v63  }
0x119: {  	s30 =	sadd.s32 $0x30, s22;
	s31 =	sadd.s32 $0x1A0, s26;
	s24 =	sadd.s32 $0x40, s22  }
0x11a: {  	[tilespmem:s31], [sflag:$0x1] =	stream.linear.gather [hbm4b:s30+s4], $0x10, $0x38;
	[tilespmem:$0x10600] =	vst v63  }
0x11b: {  	s25 =	sadd.s32 $0x220, s26;
	s28 =	sadd.s32 $0x50, s22;
	s29 =	sadd.s32 $0x2A0, s26  }
0x11c: {  	[tilespmem:s25], [sflag:$0x1] =	stream.linear.gather [hbm4b:s24+s4], $0x10, $0x38;
	[tilespmem:$0x10600] =	vst v63  }
0x11d: {  	s30 =	sadd.s32 $0x60, s22;
	s31 =	sadd.s32 $0x320, s26;
	s26 =	sadd.s32 $0x3A0, s26  }
0x11e: {  	[tilespmem:s29], [sflag:$0x1] =	stream.linear.gather [hbm4b:s28+s4], $0x10, $0x38;
	[tilespmem:$0x10600] =	vst v63  }
0x11f: {  	s24 =	simm.s32 $0x10000;
	s25 =	sadd.s32 $0x70, s22;
	s22 =	sadd.s32 $0xF4280, s22  }
0x120: {  	[tilespmem:s31], [sflag:$0x1] =	stream.linear.gather [hbm4b:s30+s4], $0x10, $0x38;
	[tilespmem:$0x10600] =	vst v63  }
.LBB2_12:
0x121: {  	[tilespmem:s26], [sflag:$0x1] =	stream.linear.gather [hbm4b:s25+s4], $0x10, $0x38;
	[tilespmem:$0x10600] =	vst v63  }
0x122: {  	s25 =	smov.u32 s24  }
0x123: {  	s28 =	sadd.s32 $0x8000, s24;
	s26 =	sadd.s32 s23, s20;
	s23 =	sshra.s32 s25, $0x2  }
0x124: {  	p0 =	sne.s32 s24, $0x18000;
	s24 =	sadd.s32 $0x20, s26  }
0x125: {  	[tilespmem:s24], [sflag:$0x1] =	stream.linear.gather [hbm4b:s22+s4], $0x10, $0x38;
	[tilespmem:$0x10600] =	vst v63  }
0x126: {  	s25 =	sadd.s32 $0xA0, s26;
	s24 =	sadd.s32 $0x10, s22  }
0x127: {  	[tilespmem:s25], [sflag:$0x1] =	stream.linear.gather [hbm4b:s24+s4], $0x10, $0x38;
	[tilespmem:$0x10600] =	vst v63  }
0x128: {  	s24 =	sadd.s32 $0x20, s22;
	s25 =	sadd.s32 $0x120, s26  }
0x129: {  	[tilespmem:s25], [sflag:$0x1] =	stream.linear.gather [hbm4b:s24+s4], $0x10, $0x38;
	[tilespmem:$0x10600] =	vst v63  }
0x12a: {  	s24 =	sadd.s32 $0x30, s22;
	s25 =	sadd.s32 $0x1A0, s26  }
0x12b: {  	[tilespmem:s25], [sflag:$0x1] =	stream.linear.gather [hbm4b:s24+s4], $0x10, $0x38;
	[tilespmem:$0x10600] =	vst v63  }
0x12c: {  	s24 =	sadd.s32 $0x40, s22;
	s25 =	sadd.s32 $0x220, s26  }
0x12d: {  	[tilespmem:s25], [sflag:$0x1] =	stream.linear.gather [hbm4b:s24+s4], $0x10, $0x38;
	[tilespmem:$0x10600] =	vst v63  }
.Ltmp4:
0x12e: {  	s24 =	sadd.s32 $0x50, s22;
	s25 =	sadd.s32 $0x2A0, s26;
	(pc) =	sbr.rel @p0 .LBB2_12-.Ltmp4, $4  }
0x12f: {  	[tilespmem:s25], [sflag:$0x1] =	stream.linear.gather [hbm4b:s24+s4], $0x10, $0x38;
	[tilespmem:$0x10600] =	vst v63  }
0x130: {  	s24 =	sadd.s32 $0x60, s22;
	s25 =	sadd.s32 $0x320, s26;
	s26 =	sadd.s32 $0x3A0, s26  }
0x131: {  	[tilespmem:s25], [sflag:$0x1] =	stream.linear.gather [hbm4b:s24+s4], $0x10, $0x38;
	[tilespmem:$0x10600] =	vst v63  }
0x132: {  	s25 =	sadd.s32 $0x70, s22;
	s22 =	sadd.s32 $0xF4280, s22;
	s24 =	smov.u32 s28  }
0x133: {  	[tilespmem:s26], [sflag:$0x1] =	stream.linear.gather [hbm4b:s25+s4], $0x10, $0x38;
	[tilespmem:$0x10600] =	vst v63  }
0x134: {  	s23 =	sadd.s32 s23, s20;
	(v2sf) =	vpush v3, $0x2  }
0x135: {  	s24 =	sadd.s32 $0x20, s23  }
0x136: {  	[tilespmem:s24], [sflag:$0x1] =	stream.linear.gather [hbm4b:s22+s4], $0x10, $0x38;
	[tilespmem:$0x10600] =	vst v63  }
0x137: {  	s25 =	sadd.s32 $0x10, s22;
	s26 =	sadd.s32 $0xA0, s23  }
0x138: {  	[tilespmem:s26], [sflag:$0x1] =	stream.linear.gather [hbm4b:s25+s4], $0x10, $0x38;
	[tilespmem:$0x10600] =	vst v63  }
0x139: {  	s28 =	sadd.s32 $0x20, s22;
	s29 =	sadd.s32 $0x120, s23  }
0x13a: {  	[tilespmem:s29], [sflag:$0x1] =	stream.linear.gather [hbm4b:s28+s4], $0x10, $0x38;
	[tilespmem:$0x10600] =	vst v63  }
0x13b: {  	s30 =	sadd.s32 $0x30, s22;
	s31 =	sadd.s32 $0x1A0, s23  }
0x13c: {  	[tilespmem:s31], [sflag:$0x1] =	stream.linear.gather [hbm4b:s30+s4], $0x10, $0x38;
	[tilespmem:$0x10600] =	vst v63  }
0x13d: {  	s25 =	sadd.s32 $0x40, s22;
	s26 =	sadd.s32 $0x220, s23  }
0x13e: {  	[tilespmem:s26], [sflag:$0x1] =	stream.linear.gather [hbm4b:s25+s4], $0x10, $0x38;
	[tilespmem:$0x10600] =	vst v63  }
0x13f: {  	s28 =	sadd.s32 $0x50, s22;
	s29 =	sadd.s32 $0x2A0, s23  }
0x140: {  	[tilespmem:s29], [sflag:$0x1] =	stream.linear.gather [hbm4b:s28+s4], $0x10, $0x38;
	[tilespmem:$0x10600] =	vst v63  }
0x141: {  	s30 =	sadd.s32 $0x60, s22;
	s31 =	sadd.s32 $0x320, s23  }
0x142: {  	[tilespmem:s31], [sflag:$0x1] =	stream.linear.gather [hbm4b:s30+s4], $0x10, $0x38;
	[tilespmem:$0x10600] =	vst v63  }
0x143: {  	s23 =	sadd.s32 $0x3A0, s23;
	s25 =	sadd.s32 $0x70, s22;
	s26 =	spop (v2sf)  }
0x144: {  	[tilespmem:s23], [sflag:$0x1] =	stream.linear.gather [hbm4b:s25+s4], $0x10, $0x38;
	[tilespmem:$0x10600] =	vst v63  }
0x145: {  	s28 =	sand.u32 $0xF, s26  }
0x146: {  	s29 =	sshra.s32 s26, $0x1F;
	p0 =	slt.s32 s26, $0x1;
	p1 =	sne.s32 s28, $0x0  }
0x147: {  	s30 =	sshrl.u32 s29, $0x1C;
	p0 =	por !p0, !p1  }
0x148: {  	s23 =	simm.s32 $0x1;
	s22 =	sadd.s32 s30, s26;
	p0 =	por !p0, !p0  }
0x149: {  	s22 =	sshra.s32 s22, $0x4;
	s23 =	simm.s32 @!p0 $0x0  }
0x14a: {  	s22 =	ssub.s32 s22, s23  }
0x14b: {  	s23 =	sshll.u32 s22, $0x4;
	s22 =	sshll.u32 s22, $0x7  }
0x14c: {  	s22 =	sand.u32 $0xFFFFFC00, s22;
	s23 =	sand.u32 $0x70, s23  }
0x14d: {  	s22 =	sor.u32 s23, s22  }
0x14e: {  	s26 =	sadd.s32 $0x0, s21;
	s22 =	sshrl.u32 s22, $0x3  }
0x14f: {  	s31 =	sadd.s32 $0x20, s26;
	s22 =	sadd.s32 s2, s22  }
0x150: {  	[tilespmem:s31], [sflag:$0x1] =	stream.linear.gather [hbm4b:s22+s4], $0x10, $0x38;
	[tilespmem:$0x10600] =	vst v63  }
0x151: {  	s25 =	sadd.s32 $0xA0, s26;
	s24 =	sadd.s32 $0x10, s22  }
0x152: {  	[tilespmem:s25], [sflag:$0x1] =	stream.linear.gather [hbm4b:s24+s4], $0x10, $0x38;
	[tilespmem:$0x10600] =	vst v63  }
0x153: {  	s29 =	sadd.s32 $0x120, s26;
	s23 =	simm.s32 $0x2000;
	s28 =	sadd.s32 $0x20, s22  }
0x154: {  	[tilespmem:s29], [sflag:$0x1] =	stream.linear.gather [hbm4b:s28+s4], $0x10, $0x38;
	[tilespmem:$0x10600] =	vst v63  }
0x155: {  	s30 =	sadd.s32 $0x30, s22;
	s31 =	sadd.s32 $0x1A0, s26;
	s24 =	sadd.s32 $0x40, s22  }
0x156: {  	[tilespmem:s31], [sflag:$0x1] =	stream.linear.gather [hbm4b:s30+s4], $0x10, $0x38;
	[tilespmem:$0x10600] =	vst v63  }
0x157: {  	s25 =	sadd.s32 $0x220, s26;
	s28 =	sadd.s32 $0x50, s22;
	s29 =	sadd.s32 $0x2A0, s26  }
0x158: {  	[tilespmem:s25], [sflag:$0x1] =	stream.linear.gather [hbm4b:s24+s4], $0x10, $0x38;
	[tilespmem:$0x10600] =	vst v63  }
0x159: {  	s30 =	sadd.s32 $0x60, s22;
	s31 =	sadd.s32 $0x320, s26;
	s26 =	sadd.s32 $0x3A0, s26  }
0x15a: {  	[tilespmem:s29], [sflag:$0x1] =	stream.linear.gather [hbm4b:s28+s4], $0x10, $0x38;
	[tilespmem:$0x10600] =	vst v63  }
0x15b: {  	s24 =	simm.s32 $0x10000;
	s25 =	sadd.s32 $0x70, s22;
	s22 =	sadd.s32 $0xF4280, s22  }
0x15c: {  	[tilespmem:s31], [sflag:$0x1] =	stream.linear.gather [hbm4b:s30+s4], $0x10, $0x38;
	[tilespmem:$0x10600] =	vst v63  }
.LBB2_14:
0x15d: {  	[tilespmem:s26], [sflag:$0x1] =	stream.linear.gather [hbm4b:s25+s4], $0x10, $0x38;
	[tilespmem:$0x10600] =	vst v63  }
0x15e: {  	s25 =	smov.u32 s24  }
0x15f: {  	s28 =	sadd.s32 $0x8000, s24;
	s26 =	sadd.s32 s23, s21;
	s23 =	sshra.s32 s25, $0x2  }
0x160: {  	p0 =	sne.s32 s24, $0x18000;
	s24 =	sadd.s32 $0x20, s26  }
0x161: {  	[tilespmem:s24], [sflag:$0x1] =	stream.linear.gather [hbm4b:s22+s4], $0x10, $0x38;
	[tilespmem:$0x10600] =	vst v63  }
0x162: {  	s25 =	sadd.s32 $0xA0, s26;
	s24 =	sadd.s32 $0x10, s22  }
0x163: {  	[tilespmem:s25], [sflag:$0x1] =	stream.linear.gather [hbm4b:s24+s4], $0x10, $0x38;
	[tilespmem:$0x10600] =	vst v63  }
0x164: {  	s24 =	sadd.s32 $0x20, s22;
	s25 =	sadd.s32 $0x120, s26  }
0x165: {  	[tilespmem:s25], [sflag:$0x1] =	stream.linear.gather [hbm4b:s24+s4], $0x10, $0x38;
	[tilespmem:$0x10600] =	vst v63  }
0x166: {  	s24 =	sadd.s32 $0x30, s22;
	s25 =	sadd.s32 $0x1A0, s26  }
0x167: {  	[tilespmem:s25], [sflag:$0x1] =	stream.linear.gather [hbm4b:s24+s4], $0x10, $0x38;
	[tilespmem:$0x10600] =	vst v63  }
0x168: {  	s24 =	sadd.s32 $0x40, s22;
	s25 =	sadd.s32 $0x220, s26  }
0x169: {  	[tilespmem:s25], [sflag:$0x1] =	stream.linear.gather [hbm4b:s24+s4], $0x10, $0x38;
	[tilespmem:$0x10600] =	vst v63  }
.Ltmp5:
0x16a: {  	s24 =	sadd.s32 $0x50, s22;
	s25 =	sadd.s32 $0x2A0, s26;
	(pc) =	sbr.rel @p0 .LBB2_14-.Ltmp5, $4  }
0x16b: {  	[tilespmem:s25], [sflag:$0x1] =	stream.linear.gather [hbm4b:s24+s4], $0x10, $0x38;
	[tilespmem:$0x10600] =	vst v63  }
0x16c: {  	s24 =	sadd.s32 $0x60, s22;
	s25 =	sadd.s32 $0x320, s26;
	s26 =	sadd.s32 $0x3A0, s26  }
0x16d: {  	[tilespmem:s25], [sflag:$0x1] =	stream.linear.gather [hbm4b:s24+s4], $0x10, $0x38;
	[tilespmem:$0x10600] =	vst v63  }
0x16e: {  	s25 =	sadd.s32 $0x70, s22;
	s22 =	sadd.s32 $0xF4280, s22;
	s24 =	smov.u32 s28  }
0x16f: {  	[tilespmem:s26], [sflag:$0x1] =	stream.linear.gather [hbm4b:s25+s4], $0x10, $0x38;
	[tilespmem:$0x10600] =	vst v63  }
0x170: {  	s23 =	sadd.s32 s23, s21;
	(v2sf) =	vpush v4, $0x3  }
0x171: {  	s24 =	sadd.s32 $0x20, s23  }
0x172: {  	[tilespmem:s24], [sflag:$0x1] =	stream.linear.gather [hbm4b:s22+s4], $0x10, $0x38;
	[tilespmem:$0x10600] =	vst v63  }
0x173: {  	s25 =	sadd.s32 $0x10, s22;
	s26 =	sadd.s32 $0xA0, s23  }
0x174: {  	[tilespmem:s26], [sflag:$0x1] =	stream.linear.gather [hbm4b:s25+s4], $0x10, $0x38;
	[tilespmem:$0x10600] =	vst v63  }
0x175: {  	s28 =	sadd.s32 $0x20, s22;
	s29 =	sadd.s32 $0x120, s23  }
0x176: {  	[tilespmem:s29], [sflag:$0x1] =	stream.linear.gather [hbm4b:s28+s4], $0x10, $0x38;
	[tilespmem:$0x10600] =	vst v63  }
0x177: {  	s30 =	sadd.s32 $0x30, s22;
	s31 =	sadd.s32 $0x1A0, s23  }
0x178: {  	[tilespmem:s31], [sflag:$0x1] =	stream.linear.gather [hbm4b:s30+s4], $0x10, $0x38;
	[tilespmem:$0x10600] =	vst v63  }
0x179: {  	s25 =	sadd.s32 $0x40, s22;
	s26 =	sadd.s32 $0x220, s23  }
0x17a: {  	[tilespmem:s26], [sflag:$0x1] =	stream.linear.gather [hbm4b:s25+s4], $0x10, $0x38;
	[tilespmem:$0x10600] =	vst v63  }
0x17b: {  	s28 =	sadd.s32 $0x50, s22;
	s29 =	sadd.s32 $0x2A0, s23  }
0x17c: {  	[tilespmem:s29], [sflag:$0x1] =	stream.linear.gather [hbm4b:s28+s4], $0x10, $0x38;
	[tilespmem:$0x10600] =	vst v63  }
0x17d: {  	s30 =	sadd.s32 $0x60, s22;
	s31 =	sadd.s32 $0x320, s23  }
0x17e: {  	[tilespmem:s31], [sflag:$0x1] =	stream.linear.gather [hbm4b:s30+s4], $0x10, $0x38;
	[tilespmem:$0x10600] =	vst v63  }
0x17f: {  	s23 =	sadd.s32 $0x3A0, s23;
	s25 =	sadd.s32 $0x70, s22;
	s26 =	spop (v2sf)  }
0x180: {  	[tilespmem:s23], [sflag:$0x1] =	stream.linear.gather [hbm4b:s25+s4], $0x10, $0x38;
	[tilespmem:$0x10600] =	vst v63  }
0x181: {  	s28 =	sand.u32 $0xF, s26  }
0x182: {  	s29 =	sshra.s32 s26, $0x1F;
	p0 =	slt.s32 s26, $0x1;
	p1 =	sne.s32 s28, $0x0  }
0x183: {  	s30 =	sshrl.u32 s29, $0x1C;
	p0 =	por !p0, !p1  }
0x184: {  	s23 =	simm.s32 $0x1;
	s22 =	sadd.s32 s30, s26;
	p0 =	por !p0, !p0  }
0x185: {  	s22 =	sshra.s32 s22, $0x4;
	s23 =	simm.s32 @!p0 $0x0  }
0x186: {  	s22 =	ssub.s32 s22, s23  }
0x187: {  	s23 =	sshll.u32 s22, $0x7;
	s22 =	sshll.u32 s22, $0x4  }
0x188: {  	s23 =	sand.u32 $0xFFFFFC00, s23;
	s22 =	sand.u32 $0x70, s22  }
0x189: {  	s22 =	sor.u32 s22, s23  }
0x18a: {  	s26 =	sadd.s32 $0x0, s20;
	s22 =	sshrl.u32 s22, $0x3  }
0x18b: {  	s31 =	sadd.s32 $0x30, s26;
	s22 =	sadd.s32 s1, s22  }
0x18c: {  	[tilespmem:s31], [sflag:$0x1] =	stream.linear.gather [hbm4b:s22+s4], $0x10, $0x38;
	[tilespmem:$0x10600] =	vst v63  }
0x18d: {  	s25 =	sadd.s32 $0xB0, s26;
	s24 =	sadd.s32 $0x10, s22  }
0x18e: {  	[tilespmem:s25], [sflag:$0x1] =	stream.linear.gather [hbm4b:s24+s4], $0x10, $0x38;
	[tilespmem:$0x10600] =	vst v63  }
0x18f: {  	s29 =	sadd.s32 $0x130, s26;
	s23 =	simm.s32 $0x2000;
	s28 =	sadd.s32 $0x20, s22  }
0x190: {  	[tilespmem:s29], [sflag:$0x1] =	stream.linear.gather [hbm4b:s28+s4], $0x10, $0x38;
	[tilespmem:$0x10600] =	vst v63  }
0x191: {  	s30 =	sadd.s32 $0x30, s22;
	s31 =	sadd.s32 $0x1B0, s26;
	s24 =	sadd.s32 $0x40, s22  }
0x192: {  	[tilespmem:s31], [sflag:$0x1] =	stream.linear.gather [hbm4b:s30+s4], $0x10, $0x38;
	[tilespmem:$0x10600] =	vst v63  }
0x193: {  	s25 =	sadd.s32 $0x230, s26;
	s28 =	sadd.s32 $0x50, s22;
	s29 =	sadd.s32 $0x2B0, s26  }
0x194: {  	[tilespmem:s25], [sflag:$0x1] =	stream.linear.gather [hbm4b:s24+s4], $0x10, $0x38;
	[tilespmem:$0x10600] =	vst v63  }
0x195: {  	s30 =	sadd.s32 $0x60, s22;
	s31 =	sadd.s32 $0x330, s26;
	s26 =	sadd.s32 $0x3B0, s26  }
0x196: {  	[tilespmem:s29], [sflag:$0x1] =	stream.linear.gather [hbm4b:s28+s4], $0x10, $0x38;
	[tilespmem:$0x10600] =	vst v63  }
0x197: {  	s24 =	simm.s32 $0x10000;
	s25 =	sadd.s32 $0x70, s22;
	s22 =	sadd.s32 $0xF4280, s22  }
0x198: {  	[tilespmem:s31], [sflag:$0x1] =	stream.linear.gather [hbm4b:s30+s4], $0x10, $0x38;
	[tilespmem:$0x10600] =	vst v63  }
.LBB2_16:
0x199: {  	[tilespmem:s26], [sflag:$0x1] =	stream.linear.gather [hbm4b:s25+s4], $0x10, $0x38;
	[tilespmem:$0x10600] =	vst v63  }
0x19a: {  	s25 =	smov.u32 s24  }
0x19b: {  	s28 =	sadd.s32 $0x8000, s24;
	s26 =	sadd.s32 s23, s20;
	s23 =	sshra.s32 s25, $0x2  }
0x19c: {  	p0 =	sne.s32 s24, $0x18000;
	s24 =	sadd.s32 $0x30, s26  }
0x19d: {  	[tilespmem:s24], [sflag:$0x1] =	stream.linear.gather [hbm4b:s22+s4], $0x10, $0x38;
	[tilespmem:$0x10600] =	vst v63  }
0x19e: {  	s25 =	sadd.s32 $0xB0, s26;
	s24 =	sadd.s32 $0x10, s22  }
0x19f: {  	[tilespmem:s25], [sflag:$0x1] =	stream.linear.gather [hbm4b:s24+s4], $0x10, $0x38;
	[tilespmem:$0x10600] =	vst v63  }
0x1a0: {  	s24 =	sadd.s32 $0x20, s22;
	s25 =	sadd.s32 $0x130, s26  }
0x1a1: {  	[tilespmem:s25], [sflag:$0x1] =	stream.linear.gather [hbm4b:s24+s4], $0x10, $0x38;
	[tilespmem:$0x10600] =	vst v63  }
0x1a2: {  	s24 =	sadd.s32 $0x30, s22;
	s25 =	sadd.s32 $0x1B0, s26  }
0x1a3: {  	[tilespmem:s25], [sflag:$0x1] =	stream.linear.gather [hbm4b:s24+s4], $0x10, $0x38;
	[tilespmem:$0x10600] =	vst v63  }
0x1a4: {  	s24 =	sadd.s32 $0x40, s22;
	s25 =	sadd.s32 $0x230, s26  }
0x1a5: {  	[tilespmem:s25], [sflag:$0x1] =	stream.linear.gather [hbm4b:s24+s4], $0x10, $0x38;
	[tilespmem:$0x10600] =	vst v63  }
.Ltmp6:
0x1a6: {  	s24 =	sadd.s32 $0x50, s22;
	s25 =	sadd.s32 $0x2B0, s26;
	(pc) =	sbr.rel @p0 .LBB2_16-.Ltmp6, $4  }
0x1a7: {  	[tilespmem:s25], [sflag:$0x1] =	stream.linear.gather [hbm4b:s24+s4], $0x10, $0x38;
	[tilespmem:$0x10600] =	vst v63  }
0x1a8: {  	s24 =	sadd.s32 $0x60, s22;
	s25 =	sadd.s32 $0x330, s26;
	s26 =	sadd.s32 $0x3B0, s26  }
0x1a9: {  	[tilespmem:s25], [sflag:$0x1] =	stream.linear.gather [hbm4b:s24+s4], $0x10, $0x38;
	[tilespmem:$0x10600] =	vst v63  }
0x1aa: {  	s25 =	sadd.s32 $0x70, s22;
	s22 =	sadd.s32 $0xF4280, s22;
	s24 =	smov.u32 s28  }
0x1ab: {  	[tilespmem:s26], [sflag:$0x1] =	stream.linear.gather [hbm4b:s25+s4], $0x10, $0x38;
	[tilespmem:$0x10600] =	vst v63  }
0x1ac: {  	s23 =	sadd.s32 s23, s20;
	(v2sf) =	vpush v3, $0x3  }
0x1ad: {  	s24 =	sadd.s32 $0x30, s23  }
0x1ae: {  	[tilespmem:s24], [sflag:$0x1] =	stream.linear.gather [hbm4b:s22+s4], $0x10, $0x38;
	[tilespmem:$0x10600] =	vst v63  }
0x1af: {  	s25 =	sadd.s32 $0x10, s22;
	s26 =	sadd.s32 $0xB0, s23  }
0x1b0: {  	[tilespmem:s26], [sflag:$0x1] =	stream.linear.gather [hbm4b:s25+s4], $0x10, $0x38;
	[tilespmem:$0x10600] =	vst v63  }
0x1b1: {  	s28 =	sadd.s32 $0x20, s22;
	s29 =	sadd.s32 $0x130, s23  }
0x1b2: {  	[tilespmem:s29], [sflag:$0x1] =	stream.linear.gather [hbm4b:s28+s4], $0x10, $0x38;
	[tilespmem:$0x10600] =	vst v63  }
0x1b3: {  	s30 =	sadd.s32 $0x30, s22;
	s31 =	sadd.s32 $0x1B0, s23  }
0x1b4: {  	[tilespmem:s31], [sflag:$0x1] =	stream.linear.gather [hbm4b:s30+s4], $0x10, $0x38;
	[tilespmem:$0x10600] =	vst v63  }
0x1b5: {  	s25 =	sadd.s32 $0x40, s22;
	s26 =	sadd.s32 $0x230, s23  }
0x1b6: {  	[tilespmem:s26], [sflag:$0x1] =	stream.linear.gather [hbm4b:s25+s4], $0x10, $0x38;
	[tilespmem:$0x10600] =	vst v63  }
0x1b7: {  	s28 =	sadd.s32 $0x50, s22;
	s29 =	sadd.s32 $0x2B0, s23  }
0x1b8: {  	[tilespmem:s29], [sflag:$0x1] =	stream.linear.gather [hbm4b:s28+s4], $0x10, $0x38;
	[tilespmem:$0x10600] =	vst v63  }
0x1b9: {  	s30 =	sadd.s32 $0x60, s22;
	s31 =	sadd.s32 $0x330, s23  }
0x1ba: {  	[tilespmem:s31], [sflag:$0x1] =	stream.linear.gather [hbm4b:s30+s4], $0x10, $0x38;
	[tilespmem:$0x10600] =	vst v63  }
0x1bb: {  	s23 =	sadd.s32 $0x3B0, s23;
	s25 =	sadd.s32 $0x70, s22;
	s26 =	spop (v2sf)  }
0x1bc: {  	[tilespmem:s23], [sflag:$0x1] =	stream.linear.gather [hbm4b:s25+s4], $0x10, $0x38;
	[tilespmem:$0x10600] =	vst v63  }
0x1bd: {  	s28 =	sand.u32 $0xF, s26  }
0x1be: {  	s29 =	sshra.s32 s26, $0x1F;
	p0 =	slt.s32 s26, $0x1;
	p1 =	sne.s32 s28, $0x0  }
0x1bf: {  	s30 =	sshrl.u32 s29, $0x1C;
	p0 =	por !p0, !p1  }
0x1c0: {  	s23 =	simm.s32 $0x1;
	s22 =	sadd.s32 s30, s26;
	p0 =	por !p0, !p0  }
0x1c1: {  	s22 =	sshra.s32 s22, $0x4;
	s23 =	simm.s32 @!p0 $0x0  }
0x1c2: {  	s22 =	ssub.s32 s22, s23  }
0x1c3: {  	s23 =	sshll.u32 s22, $0x4;
	s22 =	sshll.u32 s22, $0x7  }
0x1c4: {  	s22 =	sand.u32 $0xFFFFFC00, s22;
	s23 =	sand.u32 $0x70, s23  }
0x1c5: {  	s22 =	sor.u32 s23, s22  }
0x1c6: {  	s26 =	sadd.s32 $0x0, s21;
	s22 =	sshrl.u32 s22, $0x3  }
0x1c7: {  	s31 =	sadd.s32 $0x30, s26;
	s22 =	sadd.s32 s2, s22  }
0x1c8: {  	[tilespmem:s31], [sflag:$0x1] =	stream.linear.gather [hbm4b:s22+s4], $0x10, $0x38;
	[tilespmem:$0x10600] =	vst v63  }
0x1c9: {  	s25 =	sadd.s32 $0xB0, s26;
	s24 =	sadd.s32 $0x10, s22  }
0x1ca: {  	[tilespmem:s25], [sflag:$0x1] =	stream.linear.gather [hbm4b:s24+s4], $0x10, $0x38;
	[tilespmem:$0x10600] =	vst v63  }
0x1cb: {  	s29 =	sadd.s32 $0x130, s26;
	s23 =	simm.s32 $0x2000;
	s28 =	sadd.s32 $0x20, s22  }
0x1cc: {  	[tilespmem:s29], [sflag:$0x1] =	stream.linear.gather [hbm4b:s28+s4], $0x10, $0x38;
	[tilespmem:$0x10600] =	vst v63  }
0x1cd: {  	s30 =	sadd.s32 $0x30, s22;
	s31 =	sadd.s32 $0x1B0, s26;
	s24 =	sadd.s32 $0x40, s22  }
0x1ce: {  	[tilespmem:s31], [sflag:$0x1] =	stream.linear.gather [hbm4b:s30+s4], $0x10, $0x38;
	[tilespmem:$0x10600] =	vst v63  }
0x1cf: {  	s25 =	sadd.s32 $0x230, s26;
	s28 =	sadd.s32 $0x50, s22;
	s29 =	sadd.s32 $0x2B0, s26  }
0x1d0: {  	[tilespmem:s25], [sflag:$0x1] =	stream.linear.gather [hbm4b:s24+s4], $0x10, $0x38;
	[tilespmem:$0x10600] =	vst v63  }
0x1d1: {  	s30 =	sadd.s32 $0x60, s22;
	s31 =	sadd.s32 $0x330, s26;
	s26 =	sadd.s32 $0x3B0, s26  }
0x1d2: {  	[tilespmem:s29], [sflag:$0x1] =	stream.linear.gather [hbm4b:s28+s4], $0x10, $0x38;
	[tilespmem:$0x10600] =	vst v63  }
0x1d3: {  	s24 =	simm.s32 $0x10000;
	s25 =	sadd.s32 $0x70, s22;
	s22 =	sadd.s32 $0xF4280, s22  }
0x1d4: {  	[tilespmem:s31], [sflag:$0x1] =	stream.linear.gather [hbm4b:s30+s4], $0x10, $0x38;
	[tilespmem:$0x10600] =	vst v63  }
.LBB2_18:
0x1d5: {  	[tilespmem:s26], [sflag:$0x1] =	stream.linear.gather [hbm4b:s25+s4], $0x10, $0x38;
	[tilespmem:$0x10600] =	vst v63  }
0x1d6: {  	s25 =	smov.u32 s24  }
0x1d7: {  	s28 =	sadd.s32 $0x8000, s24;
	s26 =	sadd.s32 s23, s21;
	s23 =	sshra.s32 s25, $0x2  }
0x1d8: {  	p0 =	sne.s32 s24, $0x18000;
	s24 =	sadd.s32 $0x30, s26  }
0x1d9: {  	[tilespmem:s24], [sflag:$0x1] =	stream.linear.gather [hbm4b:s22+s4], $0x10, $0x38;
	[tilespmem:$0x10600] =	vst v63  }
0x1da: {  	s25 =	sadd.s32 $0xB0, s26;
	s24 =	sadd.s32 $0x10, s22  }
0x1db: {  	[tilespmem:s25], [sflag:$0x1] =	stream.linear.gather [hbm4b:s24+s4], $0x10, $0x38;
	[tilespmem:$0x10600] =	vst v63  }
0x1dc: {  	s24 =	sadd.s32 $0x20, s22;
	s25 =	sadd.s32 $0x130, s26  }
0x1dd: {  	[tilespmem:s25], [sflag:$0x1] =	stream.linear.gather [hbm4b:s24+s4], $0x10, $0x38;
	[tilespmem:$0x10600] =	vst v63  }
0x1de: {  	s24 =	sadd.s32 $0x30, s22;
	s25 =	sadd.s32 $0x1B0, s26  }
0x1df: {  	[tilespmem:s25], [sflag:$0x1] =	stream.linear.gather [hbm4b:s24+s4], $0x10, $0x38;
	[tilespmem:$0x10600] =	vst v63  }
0x1e0: {  	s24 =	sadd.s32 $0x40, s22;
	s25 =	sadd.s32 $0x230, s26  }
0x1e1: {  	[tilespmem:s25], [sflag:$0x1] =	stream.linear.gather [hbm4b:s24+s4], $0x10, $0x38;
	[tilespmem:$0x10600] =	vst v63  }
.Ltmp7:
0x1e2: {  	s24 =	sadd.s32 $0x50, s22;
	s25 =	sadd.s32 $0x2B0, s26;
	(pc) =	sbr.rel @p0 .LBB2_18-.Ltmp7, $4  }
0x1e3: {  	[tilespmem:s25], [sflag:$0x1] =	stream.linear.gather [hbm4b:s24+s4], $0x10, $0x38;
	[tilespmem:$0x10600] =	vst v63  }
0x1e4: {  	s24 =	sadd.s32 $0x60, s22;
	s25 =	sadd.s32 $0x330, s26;
	s26 =	sadd.s32 $0x3B0, s26  }
0x1e5: {  	[tilespmem:s25], [sflag:$0x1] =	stream.linear.gather [hbm4b:s24+s4], $0x10, $0x38;
	[tilespmem:$0x10600] =	vst v63  }
0x1e6: {  	s25 =	sadd.s32 $0x70, s22;
	s22 =	sadd.s32 $0xF4280, s22;
	s24 =	smov.u32 s28  }
0x1e7: {  	[tilespmem:s26], [sflag:$0x1] =	stream.linear.gather [hbm4b:s25+s4], $0x10, $0x38;
	[tilespmem:$0x10600] =	vst v63  }
0x1e8: {  	s23 =	sadd.s32 s23, s21;
	(v2sf) =	vpush v4, $0x4  }
0x1e9: {  	s24 =	sadd.s32 $0x30, s23  }
0x1ea: {  	[tilespmem:s24], [sflag:$0x1] =	stream.linear.gather [hbm4b:s22+s4], $0x10, $0x38;
	[tilespmem:$0x10600] =	vst v63  }
0x1eb: {  	s25 =	sadd.s32 $0x10, s22;
	s26 =	sadd.s32 $0xB0, s23  }
0x1ec: {  	[tilespmem:s26], [sflag:$0x1] =	stream.linear.gather [hbm4b:s25+s4], $0x10, $0x38;
	[tilespmem:$0x10600] =	vst v63  }
0x1ed: {  	s28 =	sadd.s32 $0x20, s22;
	s29 =	sadd.s32 $0x130, s23  }
0x1ee: {  	[tilespmem:s29], [sflag:$0x1] =	stream.linear.gather [hbm4b:s28+s4], $0x10, $0x38;
	[tilespmem:$0x10600] =	vst v63  }
0x1ef: {  	s30 =	sadd.s32 $0x30, s22;
	s31 =	sadd.s32 $0x1B0, s23  }
0x1f0: {  	[tilespmem:s31], [sflag:$0x1] =	stream.linear.gather [hbm4b:s30+s4], $0x10, $0x38;
	[tilespmem:$0x10600] =	vst v63  }
0x1f1: {  	s25 =	sadd.s32 $0x40, s22;
	s26 =	sadd.s32 $0x230, s23  }
0x1f2: {  	[tilespmem:s26], [sflag:$0x1] =	stream.linear.gather [hbm4b:s25+s4], $0x10, $0x38;
	[tilespmem:$0x10600] =	vst v63  }
0x1f3: {  	s28 =	sadd.s32 $0x50, s22;
	s29 =	sadd.s32 $0x2B0, s23  }
0x1f4: {  	[tilespmem:s29], [sflag:$0x1] =	stream.linear.gather [hbm4b:s28+s4], $0x10, $0x38;
	[tilespmem:$0x10600] =	vst v63  }
0x1f5: {  	s30 =	sadd.s32 $0x60, s22;
	s31 =	sadd.s32 $0x330, s23  }
0x1f6: {  	[tilespmem:s31], [sflag:$0x1] =	stream.linear.gather [hbm4b:s30+s4], $0x10, $0x38;
	[tilespmem:$0x10600] =	vst v63  }
0x1f7: {  	s23 =	sadd.s32 $0x3B0, s23;
	s25 =	sadd.s32 $0x70, s22;
	s26 =	spop (v2sf)  }
0x1f8: {  	[tilespmem:s23], [sflag:$0x1] =	stream.linear.gather [hbm4b:s25+s4], $0x10, $0x38;
	[tilespmem:$0x10600] =	vst v63  }
0x1f9: {  	s28 =	sand.u32 $0xF, s26  }
0x1fa: {  	s29 =	sshra.s32 s26, $0x1F;
	p0 =	slt.s32 s26, $0x1;
	p1 =	sne.s32 s28, $0x0  }
0x1fb: {  	s30 =	sshrl.u32 s29, $0x1C;
	p0 =	por !p0, !p1  }
0x1fc: {  	s23 =	simm.s32 $0x1;
	s22 =	sadd.s32 s30, s26;
	p0 =	por !p0, !p0  }
0x1fd: {  	s22 =	sshra.s32 s22, $0x4;
	s23 =	simm.s32 @!p0 $0x0  }
0x1fe: {  	s22 =	ssub.s32 s22, s23  }
0x1ff: {  	s23 =	sshll.u32 s22, $0x7;
	s22 =	sshll.u32 s22, $0x4  }
0x200: {  	s23 =	sand.u32 $0xFFFFFC00, s23;
	s22 =	sand.u32 $0x70, s22  }
0x201: {  	s22 =	sor.u32 s22, s23  }
0x202: {  	s26 =	sadd.s32 $0x0, s20;
	s22 =	sshrl.u32 s22, $0x3  }
0x203: {  	s31 =	sadd.s32 $0x40, s26;
	s22 =	sadd.s32 s1, s22  }
0x204: {  	[tilespmem:s31], [sflag:$0x1] =	stream.linear.gather [hbm4b:s22+s4], $0x10, $0x38;
	[tilespmem:$0x10600] =	vst v63  }
0x205: {  	s25 =	sadd.s32 $0xC0, s26;
	s24 =	sadd.s32 $0x10, s22  }
0x206: {  	[tilespmem:s25], [sflag:$0x1] =	stream.linear.gather [hbm4b:s24+s4], $0x10, $0x38;
	[tilespmem:$0x10600] =	vst v63  }
0x207: {  	s29 =	sadd.s32 $0x140, s26;
	s23 =	simm.s32 $0x2000;
	s28 =	sadd.s32 $0x20, s22  }
0x208: {  	[tilespmem:s29], [sflag:$0x1] =	stream.linear.gather [hbm4b:s28+s4], $0x10, $0x38;
	[tilespmem:$0x10600] =	vst v63  }
0x209: {  	s30 =	sadd.s32 $0x30, s22;
	s31 =	sadd.s32 $0x1C0, s26;
	s24 =	sadd.s32 $0x40, s22  }
0x20a: {  	[tilespmem:s31], [sflag:$0x1] =	stream.linear.gather [hbm4b:s30+s4], $0x10, $0x38;
	[tilespmem:$0x10600] =	vst v63  }
0x20b: {  	s25 =	sadd.s32 $0x240, s26;
	s28 =	sadd.s32 $0x50, s22;
	s29 =	sadd.s32 $0x2C0, s26  }
0x20c: {  	[tilespmem:s25], [sflag:$0x1] =	stream.linear.gather [hbm4b:s24+s4], $0x10, $0x38;
	[tilespmem:$0x10600] =	vst v63  }
0x20d: {  	s30 =	sadd.s32 $0x60, s22;
	s31 =	sadd.s32 $0x340, s26;
	s26 =	sadd.s32 $0x3C0, s26  }
0x20e: {  	[tilespmem:s29], [sflag:$0x1] =	stream.linear.gather [hbm4b:s28+s4], $0x10, $0x38;
	[tilespmem:$0x10600] =	vst v63  }
0x20f: {  	s24 =	simm.s32 $0x10000;
	s25 =	sadd.s32 $0x70, s22;
	s22 =	sadd.s32 $0xF4280, s22  }
0x210: {  	[tilespmem:s31], [sflag:$0x1] =	stream.linear.gather [hbm4b:s30+s4], $0x10, $0x38;
	[tilespmem:$0x10600] =	vst v63  }
.LBB2_20:
0x211: {  	[tilespmem:s26], [sflag:$0x1] =	stream.linear.gather [hbm4b:s25+s4], $0x10, $0x38;
	[tilespmem:$0x10600] =	vst v63  }
0x212: {  	s25 =	smov.u32 s24  }
0x213: {  	s28 =	sadd.s32 $0x8000, s24;
	s26 =	sadd.s32 s23, s20;
	s23 =	sshra.s32 s25, $0x2  }
0x214: {  	p0 =	sne.s32 s24, $0x18000;
	s24 =	sadd.s32 $0x40, s26  }
0x215: {  	[tilespmem:s24], [sflag:$0x1] =	stream.linear.gather [hbm4b:s22+s4], $0x10, $0x38;
	[tilespmem:$0x10600] =	vst v63  }
0x216: {  	s25 =	sadd.s32 $0xC0, s26;
	s24 =	sadd.s32 $0x10, s22  }
0x217: {  	[tilespmem:s25], [sflag:$0x1] =	stream.linear.gather [hbm4b:s24+s4], $0x10, $0x38;
	[tilespmem:$0x10600] =	vst v63  }
0x218: {  	s24 =	sadd.s32 $0x20, s22;
	s25 =	sadd.s32 $0x140, s26  }
0x219: {  	[tilespmem:s25], [sflag:$0x1] =	stream.linear.gather [hbm4b:s24+s4], $0x10, $0x38;
	[tilespmem:$0x10600] =	vst v63  }
0x21a: {  	s24 =	sadd.s32 $0x30, s22;
	s25 =	sadd.s32 $0x1C0, s26  }
0x21b: {  	[tilespmem:s25], [sflag:$0x1] =	stream.linear.gather [hbm4b:s24+s4], $0x10, $0x38;
	[tilespmem:$0x10600] =	vst v63  }
0x21c: {  	s24 =	sadd.s32 $0x40, s22;
	s25 =	sadd.s32 $0x240, s26  }
0x21d: {  	[tilespmem:s25], [sflag:$0x1] =	stream.linear.gather [hbm4b:s24+s4], $0x10, $0x38;
	[tilespmem:$0x10600] =	vst v63  }
.Ltmp8:
0x21e: {  	s24 =	sadd.s32 $0x50, s22;
	s25 =	sadd.s32 $0x2C0, s26;
	(pc) =	sbr.rel @p0 .LBB2_20-.Ltmp8, $4  }
0x21f: {  	[tilespmem:s25], [sflag:$0x1] =	stream.linear.gather [hbm4b:s24+s4], $0x10, $0x38;
	[tilespmem:$0x10600] =	vst v63  }
0x220: {  	s24 =	sadd.s32 $0x60, s22;
	s25 =	sadd.s32 $0x340, s26;
	s26 =	sadd.s32 $0x3C0, s26  }
0x221: {  	[tilespmem:s25], [sflag:$0x1] =	stream.linear.gather [hbm4b:s24+s4], $0x10, $0x38;
	[tilespmem:$0x10600] =	vst v63  }
0x222: {  	s25 =	sadd.s32 $0x70, s22;
	s22 =	sadd.s32 $0xF4280, s22;
	s24 =	smov.u32 s28  }
0x223: {  	[tilespmem:s26], [sflag:$0x1] =	stream.linear.gather [hbm4b:s25+s4], $0x10, $0x38;
	[tilespmem:$0x10600] =	vst v63  }
0x224: {  	s23 =	sadd.s32 s23, s20;
	(v2sf) =	vpush v3, $0x4  }
0x225: {  	s24 =	sadd.s32 $0x40, s23  }
0x226: {  	[tilespmem:s24], [sflag:$0x1] =	stream.linear.gather [hbm4b:s22+s4], $0x10, $0x38;
	[tilespmem:$0x10600] =	vst v63  }
0x227: {  	s25 =	sadd.s32 $0x10, s22;
	s26 =	sadd.s32 $0xC0, s23  }
0x228: {  	[tilespmem:s26], [sflag:$0x1] =	stream.linear.gather [hbm4b:s25+s4], $0x10, $0x38;
	[tilespmem:$0x10600] =	vst v63  }
0x229: {  	s28 =	sadd.s32 $0x20, s22;
	s29 =	sadd.s32 $0x140, s23  }
0x22a: {  	[tilespmem:s29], [sflag:$0x1] =	stream.linear.gather [hbm4b:s28+s4], $0x10, $0x38;
	[tilespmem:$0x10600] =	vst v63  }
0x22b: {  	s30 =	sadd.s32 $0x30, s22;
	s31 =	sadd.s32 $0x1C0, s23  }
0x22c: {  	[tilespmem:s31], [sflag:$0x1] =	stream.linear.gather [hbm4b:s30+s4], $0x10, $0x38;
	[tilespmem:$0x10600] =	vst v63  }
0x22d: {  	s25 =	sadd.s32 $0x40, s22;
	s26 =	sadd.s32 $0x240, s23  }
0x22e: {  	[tilespmem:s26], [sflag:$0x1] =	stream.linear.gather [hbm4b:s25+s4], $0x10, $0x38;
	[tilespmem:$0x10600] =	vst v63  }
0x22f: {  	s28 =	sadd.s32 $0x50, s22;
	s29 =	sadd.s32 $0x2C0, s23  }
0x230: {  	[tilespmem:s29], [sflag:$0x1] =	stream.linear.gather [hbm4b:s28+s4], $0x10, $0x38;
	[tilespmem:$0x10600] =	vst v63  }
0x231: {  	s30 =	sadd.s32 $0x60, s22;
	s31 =	sadd.s32 $0x340, s23  }
0x232: {  	[tilespmem:s31], [sflag:$0x1] =	stream.linear.gather [hbm4b:s30+s4], $0x10, $0x38;
	[tilespmem:$0x10600] =	vst v63  }
0x233: {  	s23 =	sadd.s32 $0x3C0, s23;
	s25 =	sadd.s32 $0x70, s22;
	s26 =	spop (v2sf)  }
0x234: {  	[tilespmem:s23], [sflag:$0x1] =	stream.linear.gather [hbm4b:s25+s4], $0x10, $0x38;
	[tilespmem:$0x10600] =	vst v63  }
0x235: {  	s28 =	sand.u32 $0xF, s26  }
0x236: {  	s29 =	sshra.s32 s26, $0x1F;
	p0 =	slt.s32 s26, $0x1;
	p1 =	sne.s32 s28, $0x0  }
0x237: {  	s30 =	sshrl.u32 s29, $0x1C;
	p0 =	por !p0, !p1  }
0x238: {  	s23 =	simm.s32 $0x1;
	s22 =	sadd.s32 s30, s26;
	p0 =	por !p0, !p0  }
0x239: {  	s22 =	sshra.s32 s22, $0x4;
	s23 =	simm.s32 @!p0 $0x0  }
0x23a: {  	s22 =	ssub.s32 s22, s23  }
0x23b: {  	s23 =	sshll.u32 s22, $0x4;
	s22 =	sshll.u32 s22, $0x7  }
0x23c: {  	s22 =	sand.u32 $0xFFFFFC00, s22;
	s23 =	sand.u32 $0x70, s23  }
0x23d: {  	s22 =	sor.u32 s23, s22  }
0x23e: {  	s26 =	sadd.s32 $0x0, s21;
	s22 =	sshrl.u32 s22, $0x3  }
0x23f: {  	s31 =	sadd.s32 $0x40, s26;
	s22 =	sadd.s32 s2, s22  }
0x240: {  	[tilespmem:s31], [sflag:$0x1] =	stream.linear.gather [hbm4b:s22+s4], $0x10, $0x38;
	[tilespmem:$0x10600] =	vst v63  }
0x241: {  	s25 =	sadd.s32 $0xC0, s26;
	s24 =	sadd.s32 $0x10, s22  }
0x242: {  	[tilespmem:s25], [sflag:$0x1] =	stream.linear.gather [hbm4b:s24+s4], $0x10, $0x38;
	[tilespmem:$0x10600] =	vst v63  }
0x243: {  	s29 =	sadd.s32 $0x140, s26;
	s23 =	simm.s32 $0x2000;
	s28 =	sadd.s32 $0x20, s22  }
0x244: {  	[tilespmem:s29], [sflag:$0x1] =	stream.linear.gather [hbm4b:s28+s4], $0x10, $0x38;
	[tilespmem:$0x10600] =	vst v63  }
0x245: {  	s30 =	sadd.s32 $0x30, s22;
	s31 =	sadd.s32 $0x1C0, s26;
	s24 =	sadd.s32 $0x40, s22  }
0x246: {  	[tilespmem:s31], [sflag:$0x1] =	stream.linear.gather [hbm4b:s30+s4], $0x10, $0x38;
	[tilespmem:$0x10600] =	vst v63  }
0x247: {  	s25 =	sadd.s32 $0x240, s26;
	s28 =	sadd.s32 $0x50, s22;
	s29 =	sadd.s32 $0x2C0, s26  }
0x248: {  	[tilespmem:s25], [sflag:$0x1] =	stream.linear.gather [hbm4b:s24+s4], $0x10, $0x38;
	[tilespmem:$0x10600] =	vst v63  }
0x249: {  	s30 =	sadd.s32 $0x60, s22;
	s31 =	sadd.s32 $0x340, s26;
	s26 =	sadd.s32 $0x3C0, s26  }
0x24a: {  	[tilespmem:s29], [sflag:$0x1] =	stream.linear.gather [hbm4b:s28+s4], $0x10, $0x38;
	[tilespmem:$0x10600] =	vst v63  }
0x24b: {  	s24 =	simm.s32 $0x10000;
	s25 =	sadd.s32 $0x70, s22;
	s22 =	sadd.s32 $0xF4280, s22  }
0x24c: {  	[tilespmem:s31], [sflag:$0x1] =	stream.linear.gather [hbm4b:s30+s4], $0x10, $0x38;
	[tilespmem:$0x10600] =	vst v63  }
.LBB2_22:
0x24d: {  	[tilespmem:s26], [sflag:$0x1] =	stream.linear.gather [hbm4b:s25+s4], $0x10, $0x38;
	[tilespmem:$0x10600] =	vst v63  }
0x24e: {  	s25 =	smov.u32 s24  }
0x24f: {  	s28 =	sadd.s32 $0x8000, s24;
	s26 =	sadd.s32 s23, s21;
	s23 =	sshra.s32 s25, $0x2  }
0x250: {  	p0 =	sne.s32 s24, $0x18000;
	s24 =	sadd.s32 $0x40, s26  }
0x251: {  	[tilespmem:s24], [sflag:$0x1] =	stream.linear.gather [hbm4b:s22+s4], $0x10, $0x38;
	[tilespmem:$0x10600] =	vst v63  }
0x252: {  	s25 =	sadd.s32 $0xC0, s26;
	s24 =	sadd.s32 $0x10, s22  }
0x253: {  	[tilespmem:s25], [sflag:$0x1] =	stream.linear.gather [hbm4b:s24+s4], $0x10, $0x38;
	[tilespmem:$0x10600] =	vst v63  }
0x254: {  	s24 =	sadd.s32 $0x20, s22;
	s25 =	sadd.s32 $0x140, s26  }
0x255: {  	[tilespmem:s25], [sflag:$0x1] =	stream.linear.gather [hbm4b:s24+s4], $0x10, $0x38;
	[tilespmem:$0x10600] =	vst v63  }
0x256: {  	s24 =	sadd.s32 $0x30, s22;
	s25 =	sadd.s32 $0x1C0, s26  }
0x257: {  	[tilespmem:s25], [sflag:$0x1] =	stream.linear.gather [hbm4b:s24+s4], $0x10, $0x38;
	[tilespmem:$0x10600] =	vst v63  }
0x258: {  	s24 =	sadd.s32 $0x40, s22;
	s25 =	sadd.s32 $0x240, s26  }
0x259: {  	[tilespmem:s25], [sflag:$0x1] =	stream.linear.gather [hbm4b:s24+s4], $0x10, $0x38;
	[tilespmem:$0x10600] =	vst v63  }
.Ltmp9:
0x25a: {  	s24 =	sadd.s32 $0x50, s22;
	s25 =	sadd.s32 $0x2C0, s26;
	(pc) =	sbr.rel @p0 .LBB2_22-.Ltmp9, $4  }
0x25b: {  	[tilespmem:s25], [sflag:$0x1] =	stream.linear.gather [hbm4b:s24+s4], $0x10, $0x38;
	[tilespmem:$0x10600] =	vst v63  }
0x25c: {  	s24 =	sadd.s32 $0x60, s22;
	s25 =	sadd.s32 $0x340, s26;
	s26 =	sadd.s32 $0x3C0, s26  }
0x25d: {  	[tilespmem:s25], [sflag:$0x1] =	stream.linear.gather [hbm4b:s24+s4], $0x10, $0x38;
	[tilespmem:$0x10600] =	vst v63  }
0x25e: {  	s25 =	sadd.s32 $0x70, s22;
	s22 =	sadd.s32 $0xF4280, s22;
	s24 =	smov.u32 s28  }
0x25f: {  	[tilespmem:s26], [sflag:$0x1] =	stream.linear.gather [hbm4b:s25+s4], $0x10, $0x38;
	[tilespmem:$0x10600] =	vst v63  }
0x260: {  	s23 =	sadd.s32 s23, s21;
	(v2sf) =	vpush v4, $0x5  }
0x261: {  	s24 =	sadd.s32 $0x40, s23  }
0x262: {  	[tilespmem:s24], [sflag:$0x1] =	stream.linear.gather [hbm4b:s22+s4], $0x10, $0x38;
	[tilespmem:$0x10600] =	vst v63  }
0x263: {  	s25 =	sadd.s32 $0x10, s22;
	s26 =	sadd.s32 $0xC0, s23  }
0x264: {  	[tilespmem:s26], [sflag:$0x1] =	stream.linear.gather [hbm4b:s25+s4], $0x10, $0x38;
	[tilespmem:$0x10600] =	vst v63  }
0x265: {  	s28 =	sadd.s32 $0x20, s22;
	s29 =	sadd.s32 $0x140, s23  }
0x266: {  	[tilespmem:s29], [sflag:$0x1] =	stream.linear.gather [hbm4b:s28+s4], $0x10, $0x38;
	[tilespmem:$0x10600] =	vst v63  }
0x267: {  	s30 =	sadd.s32 $0x30, s22;
	s31 =	sadd.s32 $0x1C0, s23  }
0x268: {  	[tilespmem:s31], [sflag:$0x1] =	stream.linear.gather [hbm4b:s30+s4], $0x10, $0x38;
	[tilespmem:$0x10600] =	vst v63  }
0x269: {  	s25 =	sadd.s32 $0x40, s22;
	s26 =	sadd.s32 $0x240, s23  }
0x26a: {  	[tilespmem:s26], [sflag:$0x1] =	stream.linear.gather [hbm4b:s25+s4], $0x10, $0x38;
	[tilespmem:$0x10600] =	vst v63  }
0x26b: {  	s28 =	sadd.s32 $0x50, s22;
	s29 =	sadd.s32 $0x2C0, s23  }
0x26c: {  	[tilespmem:s29], [sflag:$0x1] =	stream.linear.gather [hbm4b:s28+s4], $0x10, $0x38;
	[tilespmem:$0x10600] =	vst v63  }
0x26d: {  	s30 =	sadd.s32 $0x60, s22;
	s31 =	sadd.s32 $0x340, s23  }
0x26e: {  	[tilespmem:s31], [sflag:$0x1] =	stream.linear.gather [hbm4b:s30+s4], $0x10, $0x38;
	[tilespmem:$0x10600] =	vst v63  }
0x26f: {  	s23 =	sadd.s32 $0x3C0, s23;
	s25 =	sadd.s32 $0x70, s22;
	s26 =	spop (v2sf)  }
0x270: {  	[tilespmem:s23], [sflag:$0x1] =	stream.linear.gather [hbm4b:s25+s4], $0x10, $0x38;
	[tilespmem:$0x10600] =	vst v63  }
0x271: {  	s28 =	sand.u32 $0xF, s26  }
0x272: {  	s29 =	sshra.s32 s26, $0x1F;
	p0 =	slt.s32 s26, $0x1;
	p1 =	sne.s32 s28, $0x0  }
0x273: {  	s30 =	sshrl.u32 s29, $0x1C;
	p0 =	por !p0, !p1  }
0x274: {  	s23 =	simm.s32 $0x1;
	s22 =	sadd.s32 s30, s26;
	p0 =	por !p0, !p0  }
0x275: {  	s22 =	sshra.s32 s22, $0x4;
	s23 =	simm.s32 @!p0 $0x0  }
0x276: {  	s22 =	ssub.s32 s22, s23  }
0x277: {  	s23 =	sshll.u32 s22, $0x7;
	s22 =	sshll.u32 s22, $0x4  }
0x278: {  	s23 =	sand.u32 $0xFFFFFC00, s23;
	s22 =	sand.u32 $0x70, s22  }
0x279: {  	s22 =	sor.u32 s22, s23  }
0x27a: {  	s26 =	sadd.s32 $0x0, s20;
	s22 =	sshrl.u32 s22, $0x3  }
0x27b: {  	s31 =	sadd.s32 $0x50, s26;
	s22 =	sadd.s32 s1, s22  }
0x27c: {  	[tilespmem:s31], [sflag:$0x1] =	stream.linear.gather [hbm4b:s22+s4], $0x10, $0x38;
	[tilespmem:$0x10600] =	vst v63  }
0x27d: {  	s25 =	sadd.s32 $0xD0, s26;
	s24 =	sadd.s32 $0x10, s22  }
0x27e: {  	[tilespmem:s25], [sflag:$0x1] =	stream.linear.gather [hbm4b:s24+s4], $0x10, $0x38;
	[tilespmem:$0x10600] =	vst v63  }
0x27f: {  	s29 =	sadd.s32 $0x150, s26;
	s23 =	simm.s32 $0x2000;
	s28 =	sadd.s32 $0x20, s22  }
0x280: {  	[tilespmem:s29], [sflag:$0x1] =	stream.linear.gather [hbm4b:s28+s4], $0x10, $0x38;
	[tilespmem:$0x10600] =	vst v63  }
0x281: {  	s30 =	sadd.s32 $0x30, s22;
	s31 =	sadd.s32 $0x1D0, s26;
	s24 =	sadd.s32 $0x40, s22  }
0x282: {  	[tilespmem:s31], [sflag:$0x1] =	stream.linear.gather [hbm4b:s30+s4], $0x10, $0x38;
	[tilespmem:$0x10600] =	vst v63  }
0x283: {  	s25 =	sadd.s32 $0x250, s26;
	s28 =	sadd.s32 $0x50, s22;
	s29 =	sadd.s32 $0x2D0, s26  }
0x284: {  	[tilespmem:s25], [sflag:$0x1] =	stream.linear.gather [hbm4b:s24+s4], $0x10, $0x38;
	[tilespmem:$0x10600] =	vst v63  }
0x285: {  	s30 =	sadd.s32 $0x60, s22;
	s31 =	sadd.s32 $0x350, s26;
	s26 =	sadd.s32 $0x3D0, s26  }
0x286: {  	[tilespmem:s29], [sflag:$0x1] =	stream.linear.gather [hbm4b:s28+s4], $0x10, $0x38;
	[tilespmem:$0x10600] =	vst v63  }
0x287: {  	s24 =	simm.s32 $0x10000;
	s25 =	sadd.s32 $0x70, s22;
	s22 =	sadd.s32 $0xF4280, s22  }
0x288: {  	[tilespmem:s31], [sflag:$0x1] =	stream.linear.gather [hbm4b:s30+s4], $0x10, $0x38;
	[tilespmem:$0x10600] =	vst v63  }
.LBB2_24:
0x289: {  	[tilespmem:s26], [sflag:$0x1] =	stream.linear.gather [hbm4b:s25+s4], $0x10, $0x38;
	[tilespmem:$0x10600] =	vst v63  }
0x28a: {  	s25 =	smov.u32 s24  }
0x28b: {  	s28 =	sadd.s32 $0x8000, s24;
	s26 =	sadd.s32 s23, s20;
	s23 =	sshra.s32 s25, $0x2  }
0x28c: {  	p0 =	sne.s32 s24, $0x18000;
	s24 =	sadd.s32 $0x50, s26  }
0x28d: {  	[tilespmem:s24], [sflag:$0x1] =	stream.linear.gather [hbm4b:s22+s4], $0x10, $0x38;
	[tilespmem:$0x10600] =	vst v63  }
0x28e: {  	s25 =	sadd.s32 $0xD0, s26;
	s24 =	sadd.s32 $0x10, s22  }
0x28f: {  	[tilespmem:s25], [sflag:$0x1] =	stream.linear.gather [hbm4b:s24+s4], $0x10, $0x38;
	[tilespmem:$0x10600] =	vst v63  }
0x290: {  	s24 =	sadd.s32 $0x20, s22;
	s25 =	sadd.s32 $0x150, s26  }
0x291: {  	[tilespmem:s25], [sflag:$0x1] =	stream.linear.gather [hbm4b:s24+s4], $0x10, $0x38;
	[tilespmem:$0x10600] =	vst v63  }
0x292: {  	s24 =	sadd.s32 $0x30, s22;
	s25 =	sadd.s32 $0x1D0, s26  }
0x293: {  	[tilespmem:s25], [sflag:$0x1] =	stream.linear.gather [hbm4b:s24+s4], $0x10, $0x38;
	[tilespmem:$0x10600] =	vst v63  }
0x294: {  	s24 =	sadd.s32 $0x40, s22;
	s25 =	sadd.s32 $0x250, s26  }
0x295: {  	[tilespmem:s25], [sflag:$0x1] =	stream.linear.gather [hbm4b:s24+s4], $0x10, $0x38;
	[tilespmem:$0x10600] =	vst v63  }
.Ltmp10:
0x296: {  	s24 =	sadd.s32 $0x50, s22;
	s25 =	sadd.s32 $0x2D0, s26;
	(pc) =	sbr.rel @p0 .LBB2_24-.Ltmp10, $4  }
0x297: {  	[tilespmem:s25], [sflag:$0x1] =	stream.linear.gather [hbm4b:s24+s4], $0x10, $0x38;
	[tilespmem:$0x10600] =	vst v63  }
0x298: {  	s24 =	sadd.s32 $0x60, s22;
	s25 =	sadd.s32 $0x350, s26;
	s26 =	sadd.s32 $0x3D0, s26  }
0x299: {  	[tilespmem:s25], [sflag:$0x1] =	stream.linear.gather [hbm4b:s24+s4], $0x10, $0x38;
	[tilespmem:$0x10600] =	vst v63  }
0x29a: {  	s25 =	sadd.s32 $0x70, s22;
	s22 =	sadd.s32 $0xF4280, s22;
	s24 =	smov.u32 s28  }
0x29b: {  	[tilespmem:s26], [sflag:$0x1] =	stream.linear.gather [hbm4b:s25+s4], $0x10, $0x38;
	[tilespmem:$0x10600] =	vst v63  }
0x29c: {  	s23 =	sadd.s32 s23, s20;
	(v2sf) =	vpush v3, $0x5  }
0x29d: {  	s24 =	sadd.s32 $0x50, s23  }
0x29e: {  	[tilespmem:s24], [sflag:$0x1] =	stream.linear.gather [hbm4b:s22+s4], $0x10, $0x38;
	[tilespmem:$0x10600] =	vst v63  }
0x29f: {  	s25 =	sadd.s32 $0x10, s22;
	s26 =	sadd.s32 $0xD0, s23  }
0x2a0: {  	[tilespmem:s26], [sflag:$0x1] =	stream.linear.gather [hbm4b:s25+s4], $0x10, $0x38;
	[tilespmem:$0x10600] =	vst v63  }
0x2a1: {  	s28 =	sadd.s32 $0x20, s22;
	s29 =	sadd.s32 $0x150, s23  }
0x2a2: {  	[tilespmem:s29], [sflag:$0x1] =	stream.linear.gather [hbm4b:s28+s4], $0x10, $0x38;
	[tilespmem:$0x10600] =	vst v63  }
0x2a3: {  	s30 =	sadd.s32 $0x30, s22;
	s31 =	sadd.s32 $0x1D0, s23  }
0x2a4: {  	[tilespmem:s31], [sflag:$0x1] =	stream.linear.gather [hbm4b:s30+s4], $0x10, $0x38;
	[tilespmem:$0x10600] =	vst v63  }
0x2a5: {  	s25 =	sadd.s32 $0x40, s22;
	s26 =	sadd.s32 $0x250, s23  }
0x2a6: {  	[tilespmem:s26], [sflag:$0x1] =	stream.linear.gather [hbm4b:s25+s4], $0x10, $0x38;
	[tilespmem:$0x10600] =	vst v63  }
0x2a7: {  	s28 =	sadd.s32 $0x50, s22;
	s29 =	sadd.s32 $0x2D0, s23  }
0x2a8: {  	[tilespmem:s29], [sflag:$0x1] =	stream.linear.gather [hbm4b:s28+s4], $0x10, $0x38;
	[tilespmem:$0x10600] =	vst v63  }
0x2a9: {  	s30 =	sadd.s32 $0x60, s22;
	s31 =	sadd.s32 $0x350, s23  }
0x2aa: {  	[tilespmem:s31], [sflag:$0x1] =	stream.linear.gather [hbm4b:s30+s4], $0x10, $0x38;
	[tilespmem:$0x10600] =	vst v63  }
0x2ab: {  	s23 =	sadd.s32 $0x3D0, s23;
	s25 =	sadd.s32 $0x70, s22;
	s26 =	spop (v2sf)  }
0x2ac: {  	[tilespmem:s23], [sflag:$0x1] =	stream.linear.gather [hbm4b:s25+s4], $0x10, $0x38;
	[tilespmem:$0x10600] =	vst v63  }
0x2ad: {  	s28 =	sand.u32 $0xF, s26  }
0x2ae: {  	s29 =	sshra.s32 s26, $0x1F;
	p0 =	slt.s32 s26, $0x1;
	p1 =	sne.s32 s28, $0x0  }
0x2af: {  	s30 =	sshrl.u32 s29, $0x1C;
	p0 =	por !p0, !p1  }
0x2b0: {  	s23 =	simm.s32 $0x1;
	s22 =	sadd.s32 s30, s26;
	p0 =	por !p0, !p0  }
0x2b1: {  	s22 =	sshra.s32 s22, $0x4;
	s23 =	simm.s32 @!p0 $0x0  }
0x2b2: {  	s22 =	ssub.s32 s22, s23  }
0x2b3: {  	s23 =	sshll.u32 s22, $0x4;
	s22 =	sshll.u32 s22, $0x7  }
0x2b4: {  	s22 =	sand.u32 $0xFFFFFC00, s22;
	s23 =	sand.u32 $0x70, s23  }
0x2b5: {  	s22 =	sor.u32 s23, s22  }
0x2b6: {  	s26 =	sadd.s32 $0x0, s21;
	s22 =	sshrl.u32 s22, $0x3  }
0x2b7: {  	s31 =	sadd.s32 $0x50, s26;
	s22 =	sadd.s32 s2, s22  }
0x2b8: {  	[tilespmem:s31], [sflag:$0x1] =	stream.linear.gather [hbm4b:s22+s4], $0x10, $0x38;
	[tilespmem:$0x10600] =	vst v63  }
0x2b9: {  	s25 =	sadd.s32 $0xD0, s26;
	s24 =	sadd.s32 $0x10, s22  }
0x2ba: {  	[tilespmem:s25], [sflag:$0x1] =	stream.linear.gather [hbm4b:s24+s4], $0x10, $0x38;
	[tilespmem:$0x10600] =	vst v63  }
0x2bb: {  	s29 =	sadd.s32 $0x150, s26;
	s23 =	simm.s32 $0x2000;
	s28 =	sadd.s32 $0x20, s22  }
0x2bc: {  	[tilespmem:s29], [sflag:$0x1] =	stream.linear.gather [hbm4b:s28+s4], $0x10, $0x38;
	[tilespmem:$0x10600] =	vst v63  }
0x2bd: {  	s30 =	sadd.s32 $0x30, s22;
	s31 =	sadd.s32 $0x1D0, s26;
	s24 =	sadd.s32 $0x40, s22  }
0x2be: {  	[tilespmem:s31], [sflag:$0x1] =	stream.linear.gather [hbm4b:s30+s4], $0x10, $0x38;
	[tilespmem:$0x10600] =	vst v63  }
0x2bf: {  	s25 =	sadd.s32 $0x250, s26;
	s28 =	sadd.s32 $0x50, s22;
	s29 =	sadd.s32 $0x2D0, s26  }
0x2c0: {  	[tilespmem:s25], [sflag:$0x1] =	stream.linear.gather [hbm4b:s24+s4], $0x10, $0x38;
	[tilespmem:$0x10600] =	vst v63  }
0x2c1: {  	s30 =	sadd.s32 $0x60, s22;
	s31 =	sadd.s32 $0x350, s26;
	s26 =	sadd.s32 $0x3D0, s26  }
0x2c2: {  	[tilespmem:s29], [sflag:$0x1] =	stream.linear.gather [hbm4b:s28+s4], $0x10, $0x38;
	[tilespmem:$0x10600] =	vst v63  }
0x2c3: {  	s24 =	simm.s32 $0x10000;
	s25 =	sadd.s32 $0x70, s22;
	s22 =	sadd.s32 $0xF4280, s22  }
0x2c4: {  	[tilespmem:s31], [sflag:$0x1] =	stream.linear.gather [hbm4b:s30+s4], $0x10, $0x38;
	[tilespmem:$0x10600] =	vst v63  }
.LBB2_26:
0x2c5: {  	[tilespmem:s26], [sflag:$0x1] =	stream.linear.gather [hbm4b:s25+s4], $0x10, $0x38;
	[tilespmem:$0x10600] =	vst v63  }
0x2c6: {  	s25 =	smov.u32 s24  }
0x2c7: {  	s28 =	sadd.s32 $0x8000, s24;
	s26 =	sadd.s32 s23, s21;
	s23 =	sshra.s32 s25, $0x2  }
0x2c8: {  	p0 =	sne.s32 s24, $0x18000;
	s24 =	sadd.s32 $0x50, s26  }
0x2c9: {  	[tilespmem:s24], [sflag:$0x1] =	stream.linear.gather [hbm4b:s22+s4], $0x10, $0x38;
	[tilespmem:$0x10600] =	vst v63  }
0x2ca: {  	s25 =	sadd.s32 $0xD0, s26;
	s24 =	sadd.s32 $0x10, s22  }
0x2cb: {  	[tilespmem:s25], [sflag:$0x1] =	stream.linear.gather [hbm4b:s24+s4], $0x10, $0x38;
	[tilespmem:$0x10600] =	vst v63  }
0x2cc: {  	s24 =	sadd.s32 $0x20, s22;
	s25 =	sadd.s32 $0x150, s26  }
0x2cd: {  	[tilespmem:s25], [sflag:$0x1] =	stream.linear.gather [hbm4b:s24+s4], $0x10, $0x38;
	[tilespmem:$0x10600] =	vst v63  }
0x2ce: {  	s24 =	sadd.s32 $0x30, s22;
	s25 =	sadd.s32 $0x1D0, s26  }
0x2cf: {  	[tilespmem:s25], [sflag:$0x1] =	stream.linear.gather [hbm4b:s24+s4], $0x10, $0x38;
	[tilespmem:$0x10600] =	vst v63  }
0x2d0: {  	s24 =	sadd.s32 $0x40, s22;
	s25 =	sadd.s32 $0x250, s26  }
0x2d1: {  	[tilespmem:s25], [sflag:$0x1] =	stream.linear.gather [hbm4b:s24+s4], $0x10, $0x38;
	[tilespmem:$0x10600] =	vst v63  }
.Ltmp11:
0x2d2: {  	s24 =	sadd.s32 $0x50, s22;
	s25 =	sadd.s32 $0x2D0, s26;
	(pc) =	sbr.rel @p0 .LBB2_26-.Ltmp11, $4  }
0x2d3: {  	[tilespmem:s25], [sflag:$0x1] =	stream.linear.gather [hbm4b:s24+s4], $0x10, $0x38;
	[tilespmem:$0x10600] =	vst v63  }
0x2d4: {  	s24 =	sadd.s32 $0x60, s22;
	s25 =	sadd.s32 $0x350, s26;
	s26 =	sadd.s32 $0x3D0, s26  }
0x2d5: {  	[tilespmem:s25], [sflag:$0x1] =	stream.linear.gather [hbm4b:s24+s4], $0x10, $0x38;
	[tilespmem:$0x10600] =	vst v63  }
0x2d6: {  	s25 =	sadd.s32 $0x70, s22;
	s22 =	sadd.s32 $0xF4280, s22;
	s24 =	smov.u32 s28  }
0x2d7: {  	[tilespmem:s26], [sflag:$0x1] =	stream.linear.gather [hbm4b:s25+s4], $0x10, $0x38;
	[tilespmem:$0x10600] =	vst v63  }
0x2d8: {  	s23 =	sadd.s32 s23, s21;
	(v2sf) =	vpush v4, $0x6  }
0x2d9: {  	s24 =	sadd.s32 $0x50, s23  }
0x2da: {  	[tilespmem:s24], [sflag:$0x1] =	stream.linear.gather [hbm4b:s22+s4], $0x10, $0x38;
	[tilespmem:$0x10600] =	vst v63  }
0x2db: {  	s25 =	sadd.s32 $0x10, s22;
	s26 =	sadd.s32 $0xD0, s23  }
0x2dc: {  	[tilespmem:s26], [sflag:$0x1] =	stream.linear.gather [hbm4b:s25+s4], $0x10, $0x38;
	[tilespmem:$0x10600] =	vst v63  }
0x2dd: {  	s28 =	sadd.s32 $0x20, s22;
	s29 =	sadd.s32 $0x150, s23  }
0x2de: {  	[tilespmem:s29], [sflag:$0x1] =	stream.linear.gather [hbm4b:s28+s4], $0x10, $0x38;
	[tilespmem:$0x10600] =	vst v63  }
0x2df: {  	s30 =	sadd.s32 $0x30, s22;
	s31 =	sadd.s32 $0x1D0, s23  }
0x2e0: {  	[tilespmem:s31], [sflag:$0x1] =	stream.linear.gather [hbm4b:s30+s4], $0x10, $0x38;
	[tilespmem:$0x10600] =	vst v63  }
0x2e1: {  	s25 =	sadd.s32 $0x40, s22;
	s26 =	sadd.s32 $0x250, s23  }
0x2e2: {  	[tilespmem:s26], [sflag:$0x1] =	stream.linear.gather [hbm4b:s25+s4], $0x10, $0x38;
	[tilespmem:$0x10600] =	vst v63  }
0x2e3: {  	s28 =	sadd.s32 $0x50, s22;
	s29 =	sadd.s32 $0x2D0, s23  }
0x2e4: {  	[tilespmem:s29], [sflag:$0x1] =	stream.linear.gather [hbm4b:s28+s4], $0x10, $0x38;
	[tilespmem:$0x10600] =	vst v63  }
0x2e5: {  	s30 =	sadd.s32 $0x60, s22;
	s31 =	sadd.s32 $0x350, s23  }
0x2e6: {  	[tilespmem:s31], [sflag:$0x1] =	stream.linear.gather [hbm4b:s30+s4], $0x10, $0x38;
	[tilespmem:$0x10600] =	vst v63  }
0x2e7: {  	s23 =	sadd.s32 $0x3D0, s23;
	s25 =	sadd.s32 $0x70, s22;
	s26 =	spop (v2sf)  }
0x2e8: {  	[tilespmem:s23], [sflag:$0x1] =	stream.linear.gather [hbm4b:s25+s4], $0x10, $0x38;
	[tilespmem:$0x10600] =	vst v63  }
0x2e9: {  	s28 =	sand.u32 $0xF, s26  }
0x2ea: {  	s29 =	sshra.s32 s26, $0x1F;
	p0 =	slt.s32 s26, $0x1;
	p1 =	sne.s32 s28, $0x0  }
0x2eb: {  	s30 =	sshrl.u32 s29, $0x1C;
	p0 =	por !p0, !p1  }
0x2ec: {  	s23 =	simm.s32 $0x1;
	s22 =	sadd.s32 s30, s26;
	p0 =	por !p0, !p0  }
0x2ed: {  	s22 =	sshra.s32 s22, $0x4;
	s23 =	simm.s32 @!p0 $0x0  }
0x2ee: {  	s22 =	ssub.s32 s22, s23  }
0x2ef: {  	s23 =	sshll.u32 s22, $0x7;
	s22 =	sshll.u32 s22, $0x4  }
0x2f0: {  	s23 =	sand.u32 $0xFFFFFC00, s23;
	s22 =	sand.u32 $0x70, s22  }
0x2f1: {  	s22 =	sor.u32 s22, s23  }
0x2f2: {  	s26 =	sadd.s32 $0x0, s20;
	s22 =	sshrl.u32 s22, $0x3  }
0x2f3: {  	s31 =	sadd.s32 $0x60, s26;
	s22 =	sadd.s32 s1, s22  }
0x2f4: {  	[tilespmem:s31], [sflag:$0x1] =	stream.linear.gather [hbm4b:s22+s4], $0x10, $0x38;
	[tilespmem:$0x10600] =	vst v63  }
0x2f5: {  	s25 =	sadd.s32 $0xE0, s26;
	s24 =	sadd.s32 $0x10, s22  }
0x2f6: {  	[tilespmem:s25], [sflag:$0x1] =	stream.linear.gather [hbm4b:s24+s4], $0x10, $0x38;
	[tilespmem:$0x10600] =	vst v63  }
0x2f7: {  	s29 =	sadd.s32 $0x160, s26;
	s23 =	simm.s32 $0x2000;
	s28 =	sadd.s32 $0x20, s22  }
0x2f8: {  	[tilespmem:s29], [sflag:$0x1] =	stream.linear.gather [hbm4b:s28+s4], $0x10, $0x38;
	[tilespmem:$0x10600] =	vst v63  }
0x2f9: {  	s30 =	sadd.s32 $0x30, s22;
	s31 =	sadd.s32 $0x1E0, s26;
	s24 =	sadd.s32 $0x40, s22  }
0x2fa: {  	[tilespmem:s31], [sflag:$0x1] =	stream.linear.gather [hbm4b:s30+s4], $0x10, $0x38;
	[tilespmem:$0x10600] =	vst v63  }
0x2fb: {  	s25 =	sadd.s32 $0x260, s26;
	s28 =	sadd.s32 $0x50, s22;
	s29 =	sadd.s32 $0x2E0, s26  }
0x2fc: {  	[tilespmem:s25], [sflag:$0x1] =	stream.linear.gather [hbm4b:s24+s4], $0x10, $0x38;
	[tilespmem:$0x10600] =	vst v63  }
0x2fd: {  	s30 =	sadd.s32 $0x60, s22;
	s31 =	sadd.s32 $0x360, s26;
	s26 =	sadd.s32 $0x3E0, s26  }
0x2fe: {  	[tilespmem:s29], [sflag:$0x1] =	stream.linear.gather [hbm4b:s28+s4], $0x10, $0x38;
	[tilespmem:$0x10600] =	vst v63  }
0x2ff: {  	s24 =	simm.s32 $0x10000;
	s25 =	sadd.s32 $0x70, s22;
	s22 =	sadd.s32 $0xF4280, s22  }
0x300: {  	[tilespmem:s31], [sflag:$0x1] =	stream.linear.gather [hbm4b:s30+s4], $0x10, $0x38;
	[tilespmem:$0x10600] =	vst v63  }
.LBB2_28:
0x301: {  	[tilespmem:s26], [sflag:$0x1] =	stream.linear.gather [hbm4b:s25+s4], $0x10, $0x38;
	[tilespmem:$0x10600] =	vst v63  }
0x302: {  	s25 =	smov.u32 s24  }
0x303: {  	s28 =	sadd.s32 $0x8000, s24;
	s26 =	sadd.s32 s23, s20;
	s23 =	sshra.s32 s25, $0x2  }
0x304: {  	p0 =	sne.s32 s24, $0x18000;
	s24 =	sadd.s32 $0x60, s26  }
0x305: {  	[tilespmem:s24], [sflag:$0x1] =	stream.linear.gather [hbm4b:s22+s4], $0x10, $0x38;
	[tilespmem:$0x10600] =	vst v63  }
0x306: {  	s25 =	sadd.s32 $0xE0, s26;
	s24 =	sadd.s32 $0x10, s22  }
0x307: {  	[tilespmem:s25], [sflag:$0x1] =	stream.linear.gather [hbm4b:s24+s4], $0x10, $0x38;
	[tilespmem:$0x10600] =	vst v63  }
0x308: {  	s24 =	sadd.s32 $0x20, s22;
	s25 =	sadd.s32 $0x160, s26  }
0x309: {  	[tilespmem:s25], [sflag:$0x1] =	stream.linear.gather [hbm4b:s24+s4], $0x10, $0x38;
	[tilespmem:$0x10600] =	vst v63  }
0x30a: {  	s24 =	sadd.s32 $0x30, s22;
	s25 =	sadd.s32 $0x1E0, s26  }
0x30b: {  	[tilespmem:s25], [sflag:$0x1] =	stream.linear.gather [hbm4b:s24+s4], $0x10, $0x38;
	[tilespmem:$0x10600] =	vst v63  }
0x30c: {  	s24 =	sadd.s32 $0x40, s22;
	s25 =	sadd.s32 $0x260, s26  }
0x30d: {  	[tilespmem:s25], [sflag:$0x1] =	stream.linear.gather [hbm4b:s24+s4], $0x10, $0x38;
	[tilespmem:$0x10600] =	vst v63  }
.Ltmp12:
0x30e: {  	s24 =	sadd.s32 $0x50, s22;
	s25 =	sadd.s32 $0x2E0, s26;
	(pc) =	sbr.rel @p0 .LBB2_28-.Ltmp12, $4  }
0x30f: {  	[tilespmem:s25], [sflag:$0x1] =	stream.linear.gather [hbm4b:s24+s4], $0x10, $0x38;
	[tilespmem:$0x10600] =	vst v63  }
0x310: {  	s24 =	sadd.s32 $0x60, s22;
	s25 =	sadd.s32 $0x360, s26;
	s26 =	sadd.s32 $0x3E0, s26  }
0x311: {  	[tilespmem:s25], [sflag:$0x1] =	stream.linear.gather [hbm4b:s24+s4], $0x10, $0x38;
	[tilespmem:$0x10600] =	vst v63  }
0x312: {  	s25 =	sadd.s32 $0x70, s22;
	s22 =	sadd.s32 $0xF4280, s22;
	s24 =	smov.u32 s28  }
0x313: {  	[tilespmem:s26], [sflag:$0x1] =	stream.linear.gather [hbm4b:s25+s4], $0x10, $0x38;
	[tilespmem:$0x10600] =	vst v63  }
0x314: {  	s23 =	sadd.s32 s23, s20;
	(v2sf) =	vpush v3, $0x6  }
0x315: {  	s24 =	sadd.s32 $0x60, s23  }
0x316: {  	[tilespmem:s24], [sflag:$0x1] =	stream.linear.gather [hbm4b:s22+s4], $0x10, $0x38;
	[tilespmem:$0x10600] =	vst v63  }
0x317: {  	s25 =	sadd.s32 $0x10, s22;
	s26 =	sadd.s32 $0xE0, s23  }
0x318: {  	[tilespmem:s26], [sflag:$0x1] =	stream.linear.gather [hbm4b:s25+s4], $0x10, $0x38;
	[tilespmem:$0x10600] =	vst v63  }
0x319: {  	s28 =	sadd.s32 $0x20, s22;
	s29 =	sadd.s32 $0x160, s23  }
0x31a: {  	[tilespmem:s29], [sflag:$0x1] =	stream.linear.gather [hbm4b:s28+s4], $0x10, $0x38;
	[tilespmem:$0x10600] =	vst v63  }
0x31b: {  	s30 =	sadd.s32 $0x30, s22;
	s31 =	sadd.s32 $0x1E0, s23  }
0x31c: {  	[tilespmem:s31], [sflag:$0x1] =	stream.linear.gather [hbm4b:s30+s4], $0x10, $0x38;
	[tilespmem:$0x10600] =	vst v63  }
0x31d: {  	s25 =	sadd.s32 $0x40, s22;
	s26 =	sadd.s32 $0x260, s23  }
0x31e: {  	[tilespmem:s26], [sflag:$0x1] =	stream.linear.gather [hbm4b:s25+s4], $0x10, $0x38;
	[tilespmem:$0x10600] =	vst v63  }
0x31f: {  	s28 =	sadd.s32 $0x50, s22;
	s29 =	sadd.s32 $0x2E0, s23  }
0x320: {  	[tilespmem:s29], [sflag:$0x1] =	stream.linear.gather [hbm4b:s28+s4], $0x10, $0x38;
	[tilespmem:$0x10600] =	vst v63  }
0x321: {  	s30 =	sadd.s32 $0x60, s22;
	s31 =	sadd.s32 $0x360, s23  }
0x322: {  	[tilespmem:s31], [sflag:$0x1] =	stream.linear.gather [hbm4b:s30+s4], $0x10, $0x38;
	[tilespmem:$0x10600] =	vst v63  }
0x323: {  	s23 =	sadd.s32 $0x3E0, s23;
	s25 =	sadd.s32 $0x70, s22;
	s26 =	spop (v2sf)  }
0x324: {  	[tilespmem:s23], [sflag:$0x1] =	stream.linear.gather [hbm4b:s25+s4], $0x10, $0x38;
	[tilespmem:$0x10600] =	vst v63  }
0x325: {  	s28 =	sand.u32 $0xF, s26  }
0x326: {  	s29 =	sshra.s32 s26, $0x1F;
	p0 =	slt.s32 s26, $0x1;
	p1 =	sne.s32 s28, $0x0  }
0x327: {  	s30 =	sshrl.u32 s29, $0x1C;
	p0 =	por !p0, !p1  }
0x328: {  	s23 =	simm.s32 $0x1;
	s22 =	sadd.s32 s30, s26;
	p0 =	por !p0, !p0  }
0x329: {  	s22 =	sshra.s32 s22, $0x4;
	s23 =	simm.s32 @!p0 $0x0  }
0x32a: {  	s22 =	ssub.s32 s22, s23  }
0x32b: {  	s23 =	sshll.u32 s22, $0x4;
	s22 =	sshll.u32 s22, $0x7  }
0x32c: {  	s22 =	sand.u32 $0xFFFFFC00, s22;
	s23 =	sand.u32 $0x70, s23  }
0x32d: {  	s22 =	sor.u32 s23, s22  }
0x32e: {  	s26 =	sadd.s32 $0x0, s21;
	s22 =	sshrl.u32 s22, $0x3  }
0x32f: {  	s31 =	sadd.s32 $0x60, s26;
	s22 =	sadd.s32 s2, s22  }
0x330: {  	[tilespmem:s31], [sflag:$0x1] =	stream.linear.gather [hbm4b:s22+s4], $0x10, $0x38;
	[tilespmem:$0x10600] =	vst v63  }
0x331: {  	s25 =	sadd.s32 $0xE0, s26;
	s24 =	sadd.s32 $0x10, s22  }
0x332: {  	[tilespmem:s25], [sflag:$0x1] =	stream.linear.gather [hbm4b:s24+s4], $0x10, $0x38;
	[tilespmem:$0x10600] =	vst v63  }
0x333: {  	s29 =	sadd.s32 $0x160, s26;
	s23 =	simm.s32 $0x2000;
	s28 =	sadd.s32 $0x20, s22  }
0x334: {  	[tilespmem:s29], [sflag:$0x1] =	stream.linear.gather [hbm4b:s28+s4], $0x10, $0x38;
	[tilespmem:$0x10600] =	vst v63  }
0x335: {  	s30 =	sadd.s32 $0x30, s22;
	s31 =	sadd.s32 $0x1E0, s26;
	s24 =	sadd.s32 $0x40, s22  }
0x336: {  	[tilespmem:s31], [sflag:$0x1] =	stream.linear.gather [hbm4b:s30+s4], $0x10, $0x38;
	[tilespmem:$0x10600] =	vst v63  }
0x337: {  	s25 =	sadd.s32 $0x260, s26;
	s28 =	sadd.s32 $0x50, s22;
	s29 =	sadd.s32 $0x2E0, s26  }
0x338: {  	[tilespmem:s25], [sflag:$0x1] =	stream.linear.gather [hbm4b:s24+s4], $0x10, $0x38;
	[tilespmem:$0x10600] =	vst v63  }
0x339: {  	s30 =	sadd.s32 $0x60, s22;
	s31 =	sadd.s32 $0x360, s26;
	s26 =	sadd.s32 $0x3E0, s26  }
0x33a: {  	[tilespmem:s29], [sflag:$0x1] =	stream.linear.gather [hbm4b:s28+s4], $0x10, $0x38;
	[tilespmem:$0x10600] =	vst v63  }
0x33b: {  	s24 =	simm.s32 $0x10000;
	s25 =	sadd.s32 $0x70, s22;
	s22 =	sadd.s32 $0xF4280, s22  }
0x33c: {  	[tilespmem:s31], [sflag:$0x1] =	stream.linear.gather [hbm4b:s30+s4], $0x10, $0x38;
	[tilespmem:$0x10600] =	vst v63  }
.LBB2_30:
0x33d: {  	[tilespmem:s26], [sflag:$0x1] =	stream.linear.gather [hbm4b:s25+s4], $0x10, $0x38;
	[tilespmem:$0x10600] =	vst v63  }
0x33e: {  	s25 =	smov.u32 s24  }
0x33f: {  	s28 =	sadd.s32 $0x8000, s24;
	s26 =	sadd.s32 s23, s21;
	s23 =	sshra.s32 s25, $0x2  }
0x340: {  	p0 =	sne.s32 s24, $0x18000;
	s24 =	sadd.s32 $0x60, s26  }
0x341: {  	[tilespmem:s24], [sflag:$0x1] =	stream.linear.gather [hbm4b:s22+s4], $0x10, $0x38;
	[tilespmem:$0x10600] =	vst v63  }
0x342: {  	s25 =	sadd.s32 $0xE0, s26;
	s24 =	sadd.s32 $0x10, s22  }
0x343: {  	[tilespmem:s25], [sflag:$0x1] =	stream.linear.gather [hbm4b:s24+s4], $0x10, $0x38;
	[tilespmem:$0x10600] =	vst v63  }
0x344: {  	s24 =	sadd.s32 $0x20, s22;
	s25 =	sadd.s32 $0x160, s26  }
0x345: {  	[tilespmem:s25], [sflag:$0x1] =	stream.linear.gather [hbm4b:s24+s4], $0x10, $0x38;
	[tilespmem:$0x10600] =	vst v63  }
0x346: {  	s24 =	sadd.s32 $0x30, s22;
	s25 =	sadd.s32 $0x1E0, s26  }
0x347: {  	[tilespmem:s25], [sflag:$0x1] =	stream.linear.gather [hbm4b:s24+s4], $0x10, $0x38;
	[tilespmem:$0x10600] =	vst v63  }
0x348: {  	s24 =	sadd.s32 $0x40, s22;
	s25 =	sadd.s32 $0x260, s26  }
0x349: {  	[tilespmem:s25], [sflag:$0x1] =	stream.linear.gather [hbm4b:s24+s4], $0x10, $0x38;
	[tilespmem:$0x10600] =	vst v63  }
.Ltmp13:
0x34a: {  	s24 =	sadd.s32 $0x50, s22;
	s25 =	sadd.s32 $0x2E0, s26;
	(pc) =	sbr.rel @p0 .LBB2_30-.Ltmp13, $4  }
0x34b: {  	[tilespmem:s25], [sflag:$0x1] =	stream.linear.gather [hbm4b:s24+s4], $0x10, $0x38;
	[tilespmem:$0x10600] =	vst v63  }
0x34c: {  	s24 =	sadd.s32 $0x60, s22;
	s25 =	sadd.s32 $0x360, s26;
	s26 =	sadd.s32 $0x3E0, s26  }
0x34d: {  	[tilespmem:s25], [sflag:$0x1] =	stream.linear.gather [hbm4b:s24+s4], $0x10, $0x38;
	[tilespmem:$0x10600] =	vst v63  }
0x34e: {  	s25 =	sadd.s32 $0x70, s22;
	s22 =	sadd.s32 $0xF4280, s22;
	s24 =	smov.u32 s28  }
0x34f: {  	[tilespmem:s26], [sflag:$0x1] =	stream.linear.gather [hbm4b:s25+s4], $0x10, $0x38;
	[tilespmem:$0x10600] =	vst v63  }
0x350: {  	s23 =	sadd.s32 s23, s21;
	(v2sf) =	vpush v4, $0x7  }
0x351: {  	s24 =	sadd.s32 $0x60, s23  }
0x352: {  	[tilespmem:s24], [sflag:$0x1] =	stream.linear.gather [hbm4b:s22+s4], $0x10, $0x38;
	[tilespmem:$0x10600] =	vst v63  }
0x353: {  	s25 =	sadd.s32 $0x10, s22;
	s26 =	sadd.s32 $0xE0, s23  }
0x354: {  	[tilespmem:s26], [sflag:$0x1] =	stream.linear.gather [hbm4b:s25+s4], $0x10, $0x38;
	[tilespmem:$0x10600] =	vst v63  }
0x355: {  	s28 =	sadd.s32 $0x20, s22;
	s29 =	sadd.s32 $0x160, s23  }
0x356: {  	[tilespmem:s29], [sflag:$0x1] =	stream.linear.gather [hbm4b:s28+s4], $0x10, $0x38;
	[tilespmem:$0x10600] =	vst v63  }
0x357: {  	s30 =	sadd.s32 $0x30, s22;
	s31 =	sadd.s32 $0x1E0, s23  }
0x358: {  	[tilespmem:s31], [sflag:$0x1] =	stream.linear.gather [hbm4b:s30+s4], $0x10, $0x38;
	[tilespmem:$0x10600] =	vst v63  }
0x359: {  	s25 =	sadd.s32 $0x40, s22;
	s26 =	sadd.s32 $0x260, s23  }
0x35a: {  	[tilespmem:s26], [sflag:$0x1] =	stream.linear.gather [hbm4b:s25+s4], $0x10, $0x38;
	[tilespmem:$0x10600] =	vst v63  }
0x35b: {  	s28 =	sadd.s32 $0x50, s22;
	s29 =	sadd.s32 $0x2E0, s23  }
0x35c: {  	[tilespmem:s29], [sflag:$0x1] =	stream.linear.gather [hbm4b:s28+s4], $0x10, $0x38;
	[tilespmem:$0x10600] =	vst v63  }
0x35d: {  	s30 =	sadd.s32 $0x60, s22;
	s31 =	sadd.s32 $0x360, s23  }
0x35e: {  	[tilespmem:s31], [sflag:$0x1] =	stream.linear.gather [hbm4b:s30+s4], $0x10, $0x38;
	[tilespmem:$0x10600] =	vst v63  }
0x35f: {  	s23 =	sadd.s32 $0x3E0, s23;
	s25 =	sadd.s32 $0x70, s22;
	s26 =	spop (v2sf)  }
0x360: {  	[tilespmem:s23], [sflag:$0x1] =	stream.linear.gather [hbm4b:s25+s4], $0x10, $0x38;
	[tilespmem:$0x10600] =	vst v63  }
0x361: {  	s28 =	sand.u32 $0xF, s26  }
0x362: {  	s29 =	sshra.s32 s26, $0x1F;
	p0 =	slt.s32 s26, $0x1;
	p1 =	sne.s32 s28, $0x0  }
0x363: {  	s30 =	sshrl.u32 s29, $0x1C;
	p0 =	por !p0, !p1  }
0x364: {  	s23 =	simm.s32 $0x1;
	s22 =	sadd.s32 s30, s26;
	p0 =	por !p0, !p0  }
0x365: {  	s22 =	sshra.s32 s22, $0x4;
	s23 =	simm.s32 @!p0 $0x0  }
0x366: {  	s22 =	ssub.s32 s22, s23  }
0x367: {  	s23 =	sshll.u32 s22, $0x7;
	s22 =	sshll.u32 s22, $0x4  }
0x368: {  	s23 =	sand.u32 $0xFFFFFC00, s23;
	s22 =	sand.u32 $0x70, s22  }
0x369: {  	s22 =	sor.u32 s22, s23  }
0x36a: {  	s26 =	sadd.s32 $0x0, s20;
	s22 =	sshrl.u32 s22, $0x3  }
0x36b: {  	s31 =	sadd.s32 $0x70, s26;
	s22 =	sadd.s32 s1, s22  }
0x36c: {  	[tilespmem:s31], [sflag:$0x1] =	stream.linear.gather [hbm4b:s22+s4], $0x10, $0x38;
	[tilespmem:$0x10600] =	vst v63  }
0x36d: {  	s25 =	sadd.s32 $0xF0, s26;
	s24 =	sadd.s32 $0x10, s22  }
0x36e: {  	[tilespmem:s25], [sflag:$0x1] =	stream.linear.gather [hbm4b:s24+s4], $0x10, $0x38;
	[tilespmem:$0x10600] =	vst v63  }
0x36f: {  	s29 =	sadd.s32 $0x170, s26;
	s23 =	simm.s32 $0x2000;
	s28 =	sadd.s32 $0x20, s22  }
0x370: {  	[tilespmem:s29], [sflag:$0x1] =	stream.linear.gather [hbm4b:s28+s4], $0x10, $0x38;
	[tilespmem:$0x10600] =	vst v63  }
0x371: {  	s30 =	sadd.s32 $0x30, s22;
	s31 =	sadd.s32 $0x1F0, s26;
	s24 =	sadd.s32 $0x40, s22  }
0x372: {  	[tilespmem:s31], [sflag:$0x1] =	stream.linear.gather [hbm4b:s30+s4], $0x10, $0x38;
	[tilespmem:$0x10600] =	vst v63  }
0x373: {  	s25 =	sadd.s32 $0x270, s26;
	s28 =	sadd.s32 $0x50, s22;
	s29 =	sadd.s32 $0x2F0, s26  }
0x374: {  	[tilespmem:s25], [sflag:$0x1] =	stream.linear.gather [hbm4b:s24+s4], $0x10, $0x38;
	[tilespmem:$0x10600] =	vst v63  }
0x375: {  	s30 =	sadd.s32 $0x60, s22;
	s31 =	sadd.s32 $0x370, s26;
	s26 =	sadd.s32 $0x3F0, s26  }
0x376: {  	[tilespmem:s29], [sflag:$0x1] =	stream.linear.gather [hbm4b:s28+s4], $0x10, $0x38;
	[tilespmem:$0x10600] =	vst v63  }
0x377: {  	s24 =	simm.s32 $0x10000;
	s25 =	sadd.s32 $0x70, s22;
	s22 =	sadd.s32 $0xF4280, s22  }
0x378: {  	[tilespmem:s31], [sflag:$0x1] =	stream.linear.gather [hbm4b:s30+s4], $0x10, $0x38;
	[tilespmem:$0x10600] =	vst v63  }
.LBB2_32:
0x379: {  	[tilespmem:s26], [sflag:$0x1] =	stream.linear.gather [hbm4b:s25+s4], $0x10, $0x38;
	[tilespmem:$0x10600] =	vst v63  }
0x37a: {  	s25 =	smov.u32 s24  }
0x37b: {  	s28 =	sadd.s32 $0x8000, s24;
	s26 =	sadd.s32 s23, s20;
	s23 =	sshra.s32 s25, $0x2  }
0x37c: {  	p0 =	sne.s32 s24, $0x18000;
	s24 =	sadd.s32 $0x70, s26  }
0x37d: {  	[tilespmem:s24], [sflag:$0x1] =	stream.linear.gather [hbm4b:s22+s4], $0x10, $0x38;
	[tilespmem:$0x10600] =	vst v63  }
0x37e: {  	s25 =	sadd.s32 $0xF0, s26;
	s24 =	sadd.s32 $0x10, s22  }
0x37f: {  	[tilespmem:s25], [sflag:$0x1] =	stream.linear.gather [hbm4b:s24+s4], $0x10, $0x38;
	[tilespmem:$0x10600] =	vst v63  }
0x380: {  	s24 =	sadd.s32 $0x20, s22;
	s25 =	sadd.s32 $0x170, s26  }
0x381: {  	[tilespmem:s25], [sflag:$0x1] =	stream.linear.gather [hbm4b:s24+s4], $0x10, $0x38;
	[tilespmem:$0x10600] =	vst v63  }
0x382: {  	s24 =	sadd.s32 $0x30, s22;
	s25 =	sadd.s32 $0x1F0, s26  }
0x383: {  	[tilespmem:s25], [sflag:$0x1] =	stream.linear.gather [hbm4b:s24+s4], $0x10, $0x38;
	[tilespmem:$0x10600] =	vst v63  }
0x384: {  	s24 =	sadd.s32 $0x40, s22;
	s25 =	sadd.s32 $0x270, s26  }
0x385: {  	[tilespmem:s25], [sflag:$0x1] =	stream.linear.gather [hbm4b:s24+s4], $0x10, $0x38;
	[tilespmem:$0x10600] =	vst v63  }
.Ltmp14:
0x386: {  	s24 =	sadd.s32 $0x50, s22;
	s25 =	sadd.s32 $0x2F0, s26;
	(pc) =	sbr.rel @p0 .LBB2_32-.Ltmp14, $4  }
0x387: {  	[tilespmem:s25], [sflag:$0x1] =	stream.linear.gather [hbm4b:s24+s4], $0x10, $0x38;
	[tilespmem:$0x10600] =	vst v63  }
0x388: {  	s24 =	sadd.s32 $0x60, s22;
	s25 =	sadd.s32 $0x370, s26;
	s26 =	sadd.s32 $0x3F0, s26  }
0x389: {  	[tilespmem:s25], [sflag:$0x1] =	stream.linear.gather [hbm4b:s24+s4], $0x10, $0x38;
	[tilespmem:$0x10600] =	vst v63  }
0x38a: {  	s25 =	sadd.s32 $0x70, s22;
	s22 =	sadd.s32 $0xF4280, s22;
	s24 =	smov.u32 s28  }
0x38b: {  	[tilespmem:s26], [sflag:$0x1] =	stream.linear.gather [hbm4b:s25+s4], $0x10, $0x38;
	[tilespmem:$0x10600] =	vst v63  }
0x38c: {  	s23 =	sadd.s32 s23, s20;
	(v2sf) =	vpush v3, $0x7  }
0x38d: {  	s24 =	sadd.s32 $0x70, s23  }
0x38e: {  	[tilespmem:s24], [sflag:$0x1] =	stream.linear.gather [hbm4b:s22+s4], $0x10, $0x38;
	[tilespmem:$0x10600] =	vst v63  }
0x38f: {  	s25 =	sadd.s32 $0x10, s22;
	s26 =	sadd.s32 $0xF0, s23  }
0x390: {  	[tilespmem:s26], [sflag:$0x1] =	stream.linear.gather [hbm4b:s25+s4], $0x10, $0x38;
	[tilespmem:$0x10600] =	vst v63  }
0x391: {  	s28 =	sadd.s32 $0x20, s22;
	s29 =	sadd.s32 $0x170, s23  }
0x392: {  	[tilespmem:s29], [sflag:$0x1] =	stream.linear.gather [hbm4b:s28+s4], $0x10, $0x38;
	[tilespmem:$0x10600] =	vst v63  }
0x393: {  	s30 =	sadd.s32 $0x30, s22;
	s31 =	sadd.s32 $0x1F0, s23  }
0x394: {  	[tilespmem:s31], [sflag:$0x1] =	stream.linear.gather [hbm4b:s30+s4], $0x10, $0x38;
	[tilespmem:$0x10600] =	vst v63  }
0x395: {  	s25 =	sadd.s32 $0x40, s22;
	s26 =	sadd.s32 $0x270, s23  }
0x396: {  	[tilespmem:s26], [sflag:$0x1] =	stream.linear.gather [hbm4b:s25+s4], $0x10, $0x38;
	[tilespmem:$0x10600] =	vst v63  }
0x397: {  	s28 =	sadd.s32 $0x50, s22;
	s29 =	sadd.s32 $0x2F0, s23  }
0x398: {  	[tilespmem:s29], [sflag:$0x1] =	stream.linear.gather [hbm4b:s28+s4], $0x10, $0x38;
	[tilespmem:$0x10600] =	vst v63  }
0x399: {  	s30 =	sadd.s32 $0x60, s22;
	s31 =	sadd.s32 $0x370, s23  }
0x39a: {  	[tilespmem:s31], [sflag:$0x1] =	stream.linear.gather [hbm4b:s30+s4], $0x10, $0x38;
	[tilespmem:$0x10600] =	vst v63  }
0x39b: {  	s23 =	sadd.s32 $0x3F0, s23;
	s25 =	sadd.s32 $0x70, s22;
	s26 =	spop (v2sf)  }
0x39c: {  	[tilespmem:s23], [sflag:$0x1] =	stream.linear.gather [hbm4b:s25+s4], $0x10, $0x38;
	[tilespmem:$0x10600] =	vst v63  }
0x39d: {  	s28 =	sand.u32 $0xF, s26  }
0x39e: {  	s29 =	sshra.s32 s26, $0x1F;
	p0 =	slt.s32 s26, $0x1;
	p1 =	sne.s32 s28, $0x0  }
0x39f: {  	s30 =	sshrl.u32 s29, $0x1C;
	p0 =	por !p0, !p1  }
0x3a0: {  	s23 =	simm.s32 $0x1;
	s22 =	sadd.s32 s30, s26;
	p0 =	por !p0, !p0  }
0x3a1: {  	s22 =	sshra.s32 s22, $0x4;
	s23 =	simm.s32 @!p0 $0x0  }
0x3a2: {  	s22 =	ssub.s32 s22, s23  }
0x3a3: {  	s23 =	sshll.u32 s22, $0x4;
	s22 =	sshll.u32 s22, $0x7  }
0x3a4: {  	s22 =	sand.u32 $0xFFFFFC00, s22;
	s23 =	sand.u32 $0x70, s23  }
0x3a5: {  	s22 =	sor.u32 s23, s22  }
0x3a6: {  	s26 =	sadd.s32 $0x0, s21;
	s22 =	sshrl.u32 s22, $0x3  }
0x3a7: {  	s31 =	sadd.s32 $0x70, s26;
	s22 =	sadd.s32 s2, s22  }
0x3a8: {  	[tilespmem:s31], [sflag:$0x1] =	stream.linear.gather [hbm4b:s22+s4], $0x10, $0x38;
	[tilespmem:$0x10600] =	vst v63  }
0x3a9: {  	s25 =	sadd.s32 $0xF0, s26;
	s24 =	sadd.s32 $0x10, s22  }
0x3aa: {  	[tilespmem:s25], [sflag:$0x1] =	stream.linear.gather [hbm4b:s24+s4], $0x10, $0x38;
	[tilespmem:$0x10600] =	vst v63  }
0x3ab: {  	s29 =	sadd.s32 $0x170, s26;
	s23 =	simm.s32 $0x2000;
	s28 =	sadd.s32 $0x20, s22  }
0x3ac: {  	[tilespmem:s29], [sflag:$0x1] =	stream.linear.gather [hbm4b:s28+s4], $0x10, $0x38;
	[tilespmem:$0x10600] =	vst v63  }
0x3ad: {  	s30 =	sadd.s32 $0x30, s22;
	s31 =	sadd.s32 $0x1F0, s26;
	s24 =	sadd.s32 $0x40, s22  }
0x3ae: {  	[tilespmem:s31], [sflag:$0x1] =	stream.linear.gather [hbm4b:s30+s4], $0x10, $0x38;
	[tilespmem:$0x10600] =	vst v63  }
0x3af: {  	s25 =	sadd.s32 $0x270, s26;
	s28 =	sadd.s32 $0x50, s22;
	s29 =	sadd.s32 $0x2F0, s26  }
0x3b0: {  	[tilespmem:s25], [sflag:$0x1] =	stream.linear.gather [hbm4b:s24+s4], $0x10, $0x38;
	[tilespmem:$0x10600] =	vst v63  }
0x3b1: {  	s30 =	sadd.s32 $0x60, s22;
	s31 =	sadd.s32 $0x370, s26;
	s26 =	sadd.s32 $0x3F0, s26  }
0x3b2: {  	[tilespmem:s29], [sflag:$0x1] =	stream.linear.gather [hbm4b:s28+s4], $0x10, $0x38;
	[tilespmem:$0x10600] =	vst v63  }
0x3b3: {  	s24 =	simm.s32 $0x10000;
	s25 =	sadd.s32 $0x70, s22;
	s22 =	sadd.s32 $0xF4280, s22  }
0x3b4: {  	[tilespmem:s31], [sflag:$0x1] =	stream.linear.gather [hbm4b:s30+s4], $0x10, $0x38;
	[tilespmem:$0x10600] =	vst v63  }
.LBB2_34:
0x3b5: {  	[tilespmem:s26], [sflag:$0x1] =	stream.linear.gather [hbm4b:s25+s4], $0x10, $0x38;
	[tilespmem:$0x10600] =	vst v63  }
0x3b6: {  	s25 =	smov.u32 s24  }
0x3b7: {  	s28 =	sadd.s32 $0x8000, s24;
	s26 =	sadd.s32 s23, s21;
	s23 =	sshra.s32 s25, $0x2  }
0x3b8: {  	p0 =	sne.s32 s24, $0x18000;
	s24 =	sadd.s32 $0x70, s26  }
0x3b9: {  	[tilespmem:s24], [sflag:$0x1] =	stream.linear.gather [hbm4b:s22+s4], $0x10, $0x38;
	[tilespmem:$0x10600] =	vst v63  }
0x3ba: {  	s25 =	sadd.s32 $0xF0, s26;
	s24 =	sadd.s32 $0x10, s22  }
0x3bb: {  	[tilespmem:s25], [sflag:$0x1] =	stream.linear.gather [hbm4b:s24+s4], $0x10, $0x38;
	[tilespmem:$0x10600] =	vst v63  }
0x3bc: {  	s24 =	sadd.s32 $0x20, s22;
	s25 =	sadd.s32 $0x170, s26  }
0x3bd: {  	[tilespmem:s25], [sflag:$0x1] =	stream.linear.gather [hbm4b:s24+s4], $0x10, $0x38;
	[tilespmem:$0x10600] =	vst v63  }
0x3be: {  	s24 =	sadd.s32 $0x30, s22;
	s25 =	sadd.s32 $0x1F0, s26  }
0x3bf: {  	[tilespmem:s25], [sflag:$0x1] =	stream.linear.gather [hbm4b:s24+s4], $0x10, $0x38;
	[tilespmem:$0x10600] =	vst v63  }
0x3c0: {  	s24 =	sadd.s32 $0x40, s22;
	s25 =	sadd.s32 $0x270, s26  }
0x3c1: {  	[tilespmem:s25], [sflag:$0x1] =	stream.linear.gather [hbm4b:s24+s4], $0x10, $0x38;
	[tilespmem:$0x10600] =	vst v63  }
.Ltmp15:
0x3c2: {  	s24 =	sadd.s32 $0x50, s22;
	s25 =	sadd.s32 $0x2F0, s26;
	(pc) =	sbr.rel @p0 .LBB2_34-.Ltmp15, $4  }
0x3c3: {  	[tilespmem:s25], [sflag:$0x1] =	stream.linear.gather [hbm4b:s24+s4], $0x10, $0x38;
	[tilespmem:$0x10600] =	vst v63  }
0x3c4: {  	s24 =	sadd.s32 $0x60, s22;
	s25 =	sadd.s32 $0x370, s26;
	s26 =	sadd.s32 $0x3F0, s26  }
0x3c5: {  	[tilespmem:s25], [sflag:$0x1] =	stream.linear.gather [hbm4b:s24+s4], $0x10, $0x38;
	[tilespmem:$0x10600] =	vst v63  }
0x3c6: {  	s25 =	sadd.s32 $0x70, s22;
	s22 =	sadd.s32 $0xF4280, s22;
	s24 =	smov.u32 s28  }
0x3c7: {  	[tilespmem:s26], [sflag:$0x1] =	stream.linear.gather [hbm4b:s25+s4], $0x10, $0x38;
	[tilespmem:$0x10600] =	vst v63  }
0x3c8: {  	s23 =	sadd.s32 s23, s21;
	(v2sf) =	vpush v4, $0x8  }
0x3c9: {  	s24 =	sadd.s32 $0x70, s23  }
0x3ca: {  	[tilespmem:s24], [sflag:$0x1] =	stream.linear.gather [hbm4b:s22+s4], $0x10, $0x38;
	[tilespmem:$0x10600] =	vst v63  }
0x3cb: {  	s25 =	sadd.s32 $0x10, s22;
	s26 =	sadd.s32 $0xF0, s23  }
0x3cc: {  	[tilespmem:s26], [sflag:$0x1] =	stream.linear.gather [hbm4b:s25+s4], $0x10, $0x38;
	[tilespmem:$0x10600] =	vst v63  }
0x3cd: {  	s28 =	sadd.s32 $0x20, s22;
	s29 =	sadd.s32 $0x170, s23  }
0x3ce: {  	[tilespmem:s29], [sflag:$0x1] =	stream.linear.gather [hbm4b:s28+s4], $0x10, $0x38;
	[tilespmem:$0x10600] =	vst v63  }
0x3cf: {  	s30 =	sadd.s32 $0x30, s22;
	s31 =	sadd.s32 $0x1F0, s23  }
0x3d0: {  	[tilespmem:s31], [sflag:$0x1] =	stream.linear.gather [hbm4b:s30+s4], $0x10, $0x38;
	[tilespmem:$0x10600] =	vst v63  }
0x3d1: {  	s25 =	sadd.s32 $0x40, s22;
	s26 =	sadd.s32 $0x270, s23  }
0x3d2: {  	[tilespmem:s26], [sflag:$0x1] =	stream.linear.gather [hbm4b:s25+s4], $0x10, $0x38;
	[tilespmem:$0x10600] =	vst v63  }
0x3d3: {  	s28 =	sadd.s32 $0x50, s22;
	s29 =	sadd.s32 $0x2F0, s23  }
0x3d4: {  	[tilespmem:s29], [sflag:$0x1] =	stream.linear.gather [hbm4b:s28+s4], $0x10, $0x38;
	[tilespmem:$0x10600] =	vst v63  }
0x3d5: {  	s30 =	sadd.s32 $0x60, s22;
	s31 =	sadd.s32 $0x370, s23  }
0x3d6: {  	[tilespmem:s31], [sflag:$0x1] =	stream.linear.gather [hbm4b:s30+s4], $0x10, $0x38;
	[tilespmem:$0x10600] =	vst v63  }
0x3d7: {  	s23 =	sadd.s32 $0x3F0, s23;
	s25 =	sadd.s32 $0x70, s22;
	s26 =	spop (v2sf)  }
0x3d8: {  	[tilespmem:s23], [sflag:$0x1] =	stream.linear.gather [hbm4b:s25+s4], $0x10, $0x38;
	[tilespmem:$0x10600] =	vst v63  }
0x3d9: {  	s28 =	sand.u32 $0xF, s26  }
0x3da: {  	s29 =	sshra.s32 s26, $0x1F;
	p0 =	slt.s32 s26, $0x1;
	p1 =	sne.s32 s28, $0x0  }
0x3db: {  	s30 =	sshrl.u32 s29, $0x1C;
	p0 =	por !p0, !p1  }
0x3dc: {  	s23 =	simm.s32 $0x1;
	s22 =	sadd.s32 s30, s26;
	p0 =	por !p0, !p0  }
0x3dd: {  	s22 =	sshra.s32 s22, $0x4;
	s23 =	simm.s32 @!p0 $0x0  }
0x3de: {  	s22 =	ssub.s32 s22, s23  }
0x3df: {  	s23 =	sshll.u32 s22, $0x7;
	s22 =	sshll.u32 s22, $0x4  }
0x3e0: {  	s23 =	sand.u32 $0xFFFFFC00, s23;
	s22 =	sand.u32 $0x70, s22  }
0x3e1: {  	s22 =	sor.u32 s22, s23  }
0x3e2: {  	s26 =	sadd.s32 $0x0, s20;
	s22 =	sshrl.u32 s22, $0x3  }
0x3e3: {  	s31 =	sadd.s32 $0x400, s26;
	s22 =	sadd.s32 s1, s22  }
0x3e4: {  	[tilespmem:s31], [sflag:$0x1] =	stream.linear.gather [hbm4b:s22+s4], $0x10, $0x38;
	[tilespmem:$0x10600] =	vst v63  }
0x3e5: {  	s25 =	sadd.s32 $0x480, s26;
	s24 =	sadd.s32 $0x10, s22  }
0x3e6: {  	[tilespmem:s25], [sflag:$0x1] =	stream.linear.gather [hbm4b:s24+s4], $0x10, $0x38;
	[tilespmem:$0x10600] =	vst v63  }
0x3e7: {  	s29 =	sadd.s32 $0x500, s26;
	s23 =	simm.s32 $0x2000;
	s28 =	sadd.s32 $0x20, s22  }
0x3e8: {  	[tilespmem:s29], [sflag:$0x1] =	stream.linear.gather [hbm4b:s28+s4], $0x10, $0x38;
	[tilespmem:$0x10600] =	vst v63  }
0x3e9: {  	s30 =	sadd.s32 $0x30, s22;
	s31 =	sadd.s32 $0x580, s26;
	s24 =	sadd.s32 $0x40, s22  }
0x3ea: {  	[tilespmem:s31], [sflag:$0x1] =	stream.linear.gather [hbm4b:s30+s4], $0x10, $0x38;
	[tilespmem:$0x10600] =	vst v63  }
0x3eb: {  	s25 =	sadd.s32 $0x600, s26;
	s28 =	sadd.s32 $0x50, s22;
	s29 =	sadd.s32 $0x680, s26  }
0x3ec: {  	[tilespmem:s25], [sflag:$0x1] =	stream.linear.gather [hbm4b:s24+s4], $0x10, $0x38;
	[tilespmem:$0x10600] =	vst v63  }
0x3ed: {  	s30 =	sadd.s32 $0x60, s22;
	s31 =	sadd.s32 $0x700, s26;
	s26 =	sadd.s32 $0x780, s26  }
0x3ee: {  	[tilespmem:s29], [sflag:$0x1] =	stream.linear.gather [hbm4b:s28+s4], $0x10, $0x38;
	[tilespmem:$0x10600] =	vst v63  }
0x3ef: {  	s24 =	simm.s32 $0x10000;
	s25 =	sadd.s32 $0x70, s22;
	s22 =	sadd.s32 $0xF4280, s22  }
0x3f0: {  	[tilespmem:s31], [sflag:$0x1] =	stream.linear.gather [hbm4b:s30+s4], $0x10, $0x38;
	[tilespmem:$0x10600] =	vst v63  }
.LBB2_36:
0x3f1: {  	[tilespmem:s26], [sflag:$0x1] =	stream.linear.gather [hbm4b:s25+s4], $0x10, $0x38;
	[tilespmem:$0x10600] =	vst v63  }
0x3f2: {  	s25 =	smov.u32 s24  }
0x3f3: {  	s28 =	sadd.s32 $0x8000, s24;
	s26 =	sadd.s32 s23, s20;
	s23 =	sshra.s32 s25, $0x2  }
0x3f4: {  	p0 =	sne.s32 s24, $0x18000;
	s24 =	sadd.s32 $0x400, s26  }
0x3f5: {  	[tilespmem:s24], [sflag:$0x1] =	stream.linear.gather [hbm4b:s22+s4], $0x10, $0x38;
	[tilespmem:$0x10600] =	vst v63  }
0x3f6: {  	s25 =	sadd.s32 $0x480, s26;
	s24 =	sadd.s32 $0x10, s22  }
0x3f7: {  	[tilespmem:s25], [sflag:$0x1] =	stream.linear.gather [hbm4b:s24+s4], $0x10, $0x38;
	[tilespmem:$0x10600] =	vst v63  }
0x3f8: {  	s24 =	sadd.s32 $0x20, s22;
	s25 =	sadd.s32 $0x500, s26  }
0x3f9: {  	[tilespmem:s25], [sflag:$0x1] =	stream.linear.gather [hbm4b:s24+s4], $0x10, $0x38;
	[tilespmem:$0x10600] =	vst v63  }
0x3fa: {  	s24 =	sadd.s32 $0x30, s22;
	s25 =	sadd.s32 $0x580, s26  }
0x3fb: {  	[tilespmem:s25], [sflag:$0x1] =	stream.linear.gather [hbm4b:s24+s4], $0x10, $0x38;
	[tilespmem:$0x10600] =	vst v63  }
0x3fc: {  	s24 =	sadd.s32 $0x40, s22;
	s25 =	sadd.s32 $0x600, s26  }
0x3fd: {  	[tilespmem:s25], [sflag:$0x1] =	stream.linear.gather [hbm4b:s24+s4], $0x10, $0x38;
	[tilespmem:$0x10600] =	vst v63  }
.Ltmp16:
0x3fe: {  	s24 =	sadd.s32 $0x50, s22;
	s25 =	sadd.s32 $0x680, s26;
	(pc) =	sbr.rel @p0 .LBB2_36-.Ltmp16, $4  }
0x3ff: {  	[tilespmem:s25], [sflag:$0x1] =	stream.linear.gather [hbm4b:s24+s4], $0x10, $0x38;
	[tilespmem:$0x10600] =	vst v63  }
0x400: {  	s24 =	sadd.s32 $0x60, s22;
	s25 =	sadd.s32 $0x700, s26;
	s26 =	sadd.s32 $0x780, s26  }
0x401: {  	[tilespmem:s25], [sflag:$0x1] =	stream.linear.gather [hbm4b:s24+s4], $0x10, $0x38;
	[tilespmem:$0x10600] =	vst v63  }
0x402: {  	s25 =	sadd.s32 $0x70, s22;
	s22 =	sadd.s32 $0xF4280, s22;
	s24 =	smov.u32 s28  }
0x403: {  	[tilespmem:s26], [sflag:$0x1] =	stream.linear.gather [hbm4b:s25+s4], $0x10, $0x38;
	[tilespmem:$0x10600] =	vst v63  }
0x404: {  	s23 =	sadd.s32 s23, s20;
	(v2sf) =	vpush v3, $0x8  }
0x405: {  	s24 =	sadd.s32 $0x400, s23  }
0x406: {  	[tilespmem:s24], [sflag:$0x1] =	stream.linear.gather [hbm4b:s22+s4], $0x10, $0x38;
	[tilespmem:$0x10600] =	vst v63  }
0x407: {  	s25 =	sadd.s32 $0x10, s22;
	s26 =	sadd.s32 $0x480, s23  }
0x408: {  	[tilespmem:s26], [sflag:$0x1] =	stream.linear.gather [hbm4b:s25+s4], $0x10, $0x38;
	[tilespmem:$0x10600] =	vst v63  }
0x409: {  	s28 =	sadd.s32 $0x20, s22;
	s29 =	sadd.s32 $0x500, s23  }
0x40a: {  	[tilespmem:s29], [sflag:$0x1] =	stream.linear.gather [hbm4b:s28+s4], $0x10, $0x38;
	[tilespmem:$0x10600] =	vst v63  }
0x40b: {  	s30 =	sadd.s32 $0x30, s22;
	s31 =	sadd.s32 $0x580, s23  }
0x40c: {  	[tilespmem:s31], [sflag:$0x1] =	stream.linear.gather [hbm4b:s30+s4], $0x10, $0x38;
	[tilespmem:$0x10600] =	vst v63  }
0x40d: {  	s25 =	sadd.s32 $0x40, s22;
	s26 =	sadd.s32 $0x600, s23  }
0x40e: {  	[tilespmem:s26], [sflag:$0x1] =	stream.linear.gather [hbm4b:s25+s4], $0x10, $0x38;
	[tilespmem:$0x10600] =	vst v63  }
0x40f: {  	s28 =	sadd.s32 $0x50, s22;
	s29 =	sadd.s32 $0x680, s23  }
0x410: {  	[tilespmem:s29], [sflag:$0x1] =	stream.linear.gather [hbm4b:s28+s4], $0x10, $0x38;
	[tilespmem:$0x10600] =	vst v63  }
0x411: {  	s30 =	sadd.s32 $0x60, s22;
	s31 =	sadd.s32 $0x700, s23  }
0x412: {  	[tilespmem:s31], [sflag:$0x1] =	stream.linear.gather [hbm4b:s30+s4], $0x10, $0x38;
	[tilespmem:$0x10600] =	vst v63  }
0x413: {  	s23 =	sadd.s32 $0x780, s23;
	s25 =	sadd.s32 $0x70, s22;
	s26 =	spop (v2sf)  }
0x414: {  	[tilespmem:s23], [sflag:$0x1] =	stream.linear.gather [hbm4b:s25+s4], $0x10, $0x38;
	[tilespmem:$0x10600] =	vst v63  }
0x415: {  	s28 =	sand.u32 $0xF, s26  }
0x416: {  	s29 =	sshra.s32 s26, $0x1F;
	p0 =	slt.s32 s26, $0x1;
	p1 =	sne.s32 s28, $0x0  }
0x417: {  	s30 =	sshrl.u32 s29, $0x1C;
	p0 =	por !p0, !p1  }
0x418: {  	s23 =	simm.s32 $0x1;
	s22 =	sadd.s32 s30, s26;
	p0 =	por !p0, !p0  }
0x419: {  	s22 =	sshra.s32 s22, $0x4;
	s23 =	simm.s32 @!p0 $0x0  }
0x41a: {  	s22 =	ssub.s32 s22, s23  }
0x41b: {  	s23 =	sshll.u32 s22, $0x4;
	s22 =	sshll.u32 s22, $0x7  }
0x41c: {  	s22 =	sand.u32 $0xFFFFFC00, s22;
	s23 =	sand.u32 $0x70, s23  }
0x41d: {  	s22 =	sor.u32 s23, s22  }
0x41e: {  	s26 =	sadd.s32 $0x0, s21;
	s22 =	sshrl.u32 s22, $0x3  }
0x41f: {  	s31 =	sadd.s32 $0x400, s26;
	s22 =	sadd.s32 s2, s22  }
0x420: {  	[tilespmem:s31], [sflag:$0x1] =	stream.linear.gather [hbm4b:s22+s4], $0x10, $0x38;
	[tilespmem:$0x10600] =	vst v63  }
0x421: {  	s25 =	sadd.s32 $0x480, s26;
	s24 =	sadd.s32 $0x10, s22  }
0x422: {  	[tilespmem:s25], [sflag:$0x1] =	stream.linear.gather [hbm4b:s24+s4], $0x10, $0x38;
	[tilespmem:$0x10600] =	vst v63  }
0x423: {  	s29 =	sadd.s32 $0x500, s26;
	s23 =	simm.s32 $0x2000;
	s28 =	sadd.s32 $0x20, s22  }
0x424: {  	[tilespmem:s29], [sflag:$0x1] =	stream.linear.gather [hbm4b:s28+s4], $0x10, $0x38;
	[tilespmem:$0x10600] =	vst v63  }
0x425: {  	s30 =	sadd.s32 $0x30, s22;
	s31 =	sadd.s32 $0x580, s26;
	s24 =	sadd.s32 $0x40, s22  }
0x426: {  	[tilespmem:s31], [sflag:$0x1] =	stream.linear.gather [hbm4b:s30+s4], $0x10, $0x38;
	[tilespmem:$0x10600] =	vst v63  }
0x427: {  	s25 =	sadd.s32 $0x600, s26;
	s28 =	sadd.s32 $0x50, s22;
	s29 =	sadd.s32 $0x680, s26  }
0x428: {  	[tilespmem:s25], [sflag:$0x1] =	stream.linear.gather [hbm4b:s24+s4], $0x10, $0x38;
	[tilespmem:$0x10600] =	vst v63  }
0x429: {  	s30 =	sadd.s32 $0x60, s22;
	s31 =	sadd.s32 $0x700, s26;
	s26 =	sadd.s32 $0x780, s26  }
0x42a: {  	[tilespmem:s29], [sflag:$0x1] =	stream.linear.gather [hbm4b:s28+s4], $0x10, $0x38;
	[tilespmem:$0x10600] =	vst v63  }
0x42b: {  	s24 =	simm.s32 $0x10000;
	s25 =	sadd.s32 $0x70, s22;
	s22 =	sadd.s32 $0xF4280, s22  }
0x42c: {  	[tilespmem:s31], [sflag:$0x1] =	stream.linear.gather [hbm4b:s30+s4], $0x10, $0x38;
	[tilespmem:$0x10600] =	vst v63  }
.LBB2_38:
0x42d: {  	[tilespmem:s26], [sflag:$0x1] =	stream.linear.gather [hbm4b:s25+s4], $0x10, $0x38;
	[tilespmem:$0x10600] =	vst v63  }
0x42e: {  	s25 =	smov.u32 s24  }
0x42f: {  	s28 =	sadd.s32 $0x8000, s24;
	s26 =	sadd.s32 s23, s21;
	s23 =	sshra.s32 s25, $0x2  }
0x430: {  	p0 =	sne.s32 s24, $0x18000;
	s24 =	sadd.s32 $0x400, s26  }
0x431: {  	[tilespmem:s24], [sflag:$0x1] =	stream.linear.gather [hbm4b:s22+s4], $0x10, $0x38;
	[tilespmem:$0x10600] =	vst v63  }
0x432: {  	s25 =	sadd.s32 $0x480, s26;
	s24 =	sadd.s32 $0x10, s22  }
0x433: {  	[tilespmem:s25], [sflag:$0x1] =	stream.linear.gather [hbm4b:s24+s4], $0x10, $0x38;
	[tilespmem:$0x10600] =	vst v63  }
0x434: {  	s24 =	sadd.s32 $0x20, s22;
	s25 =	sadd.s32 $0x500, s26  }
0x435: {  	[tilespmem:s25], [sflag:$0x1] =	stream.linear.gather [hbm4b:s24+s4], $0x10, $0x38;
	[tilespmem:$0x10600] =	vst v63  }
0x436: {  	s24 =	sadd.s32 $0x30, s22;
	s25 =	sadd.s32 $0x580, s26  }
0x437: {  	[tilespmem:s25], [sflag:$0x1] =	stream.linear.gather [hbm4b:s24+s4], $0x10, $0x38;
	[tilespmem:$0x10600] =	vst v63  }
0x438: {  	s24 =	sadd.s32 $0x40, s22;
	s25 =	sadd.s32 $0x600, s26  }
0x439: {  	[tilespmem:s25], [sflag:$0x1] =	stream.linear.gather [hbm4b:s24+s4], $0x10, $0x38;
	[tilespmem:$0x10600] =	vst v63  }
.Ltmp17:
0x43a: {  	s24 =	sadd.s32 $0x50, s22;
	s25 =	sadd.s32 $0x680, s26;
	(pc) =	sbr.rel @p0 .LBB2_38-.Ltmp17, $4  }
0x43b: {  	[tilespmem:s25], [sflag:$0x1] =	stream.linear.gather [hbm4b:s24+s4], $0x10, $0x38;
	[tilespmem:$0x10600] =	vst v63  }
0x43c: {  	s24 =	sadd.s32 $0x60, s22;
	s25 =	sadd.s32 $0x700, s26;
	s26 =	sadd.s32 $0x780, s26  }
0x43d: {  	[tilespmem:s25], [sflag:$0x1] =	stream.linear.gather [hbm4b:s24+s4], $0x10, $0x38;
	[tilespmem:$0x10600] =	vst v63  }
0x43e: {  	s25 =	sadd.s32 $0x70, s22;
	s22 =	sadd.s32 $0xF4280, s22;
	s24 =	smov.u32 s28  }
0x43f: {  	[tilespmem:s26], [sflag:$0x1] =	stream.linear.gather [hbm4b:s25+s4], $0x10, $0x38;
	[tilespmem:$0x10600] =	vst v63  }
0x440: {  	s23 =	sadd.s32 s23, s21;
	(v2sf) =	vpush v4, $0x9  }
0x441: {  	s24 =	sadd.s32 $0x400, s23  }
0x442: {  	[tilespmem:s24], [sflag:$0x1] =	stream.linear.gather [hbm4b:s22+s4], $0x10, $0x38;
	[tilespmem:$0x10600] =	vst v63  }
0x443: {  	s25 =	sadd.s32 $0x10, s22;
	s26 =	sadd.s32 $0x480, s23  }
0x444: {  	[tilespmem:s26], [sflag:$0x1] =	stream.linear.gather [hbm4b:s25+s4], $0x10, $0x38;
	[tilespmem:$0x10600] =	vst v63  }
0x445: {  	s28 =	sadd.s32 $0x20, s22;
	s29 =	sadd.s32 $0x500, s23  }
0x446: {  	[tilespmem:s29], [sflag:$0x1] =	stream.linear.gather [hbm4b:s28+s4], $0x10, $0x38;
	[tilespmem:$0x10600] =	vst v63  }
0x447: {  	s30 =	sadd.s32 $0x30, s22;
	s31 =	sadd.s32 $0x580, s23  }
0x448: {  	[tilespmem:s31], [sflag:$0x1] =	stream.linear.gather [hbm4b:s30+s4], $0x10, $0x38;
	[tilespmem:$0x10600] =	vst v63  }
0x449: {  	s25 =	sadd.s32 $0x40, s22;
	s26 =	sadd.s32 $0x600, s23  }
0x44a: {  	[tilespmem:s26], [sflag:$0x1] =	stream.linear.gather [hbm4b:s25+s4], $0x10, $0x38;
	[tilespmem:$0x10600] =	vst v63  }
0x44b: {  	s28 =	sadd.s32 $0x50, s22;
	s29 =	sadd.s32 $0x680, s23  }
0x44c: {  	[tilespmem:s29], [sflag:$0x1] =	stream.linear.gather [hbm4b:s28+s4], $0x10, $0x38;
	[tilespmem:$0x10600] =	vst v63  }
0x44d: {  	s30 =	sadd.s32 $0x60, s22;
	s31 =	sadd.s32 $0x700, s23  }
0x44e: {  	[tilespmem:s31], [sflag:$0x1] =	stream.linear.gather [hbm4b:s30+s4], $0x10, $0x38;
	[tilespmem:$0x10600] =	vst v63  }
0x44f: {  	s23 =	sadd.s32 $0x780, s23;
	s25 =	sadd.s32 $0x70, s22;
	s26 =	spop (v2sf)  }
0x450: {  	[tilespmem:s23], [sflag:$0x1] =	stream.linear.gather [hbm4b:s25+s4], $0x10, $0x38;
	[tilespmem:$0x10600] =	vst v63  }
0x451: {  	s28 =	sand.u32 $0xF, s26  }
0x452: {  	s29 =	sshra.s32 s26, $0x1F;
	p0 =	slt.s32 s26, $0x1;
	p1 =	sne.s32 s28, $0x0  }
0x453: {  	s30 =	sshrl.u32 s29, $0x1C;
	p0 =	por !p0, !p1  }
0x454: {  	s23 =	simm.s32 $0x1;
	s22 =	sadd.s32 s30, s26;
	p0 =	por !p0, !p0  }
0x455: {  	s22 =	sshra.s32 s22, $0x4;
	s23 =	simm.s32 @!p0 $0x0  }
0x456: {  	s22 =	ssub.s32 s22, s23  }
0x457: {  	s23 =	sshll.u32 s22, $0x7;
	s22 =	sshll.u32 s22, $0x4  }
0x458: {  	s23 =	sand.u32 $0xFFFFFC00, s23;
	s22 =	sand.u32 $0x70, s22  }
0x459: {  	s22 =	sor.u32 s22, s23  }
0x45a: {  	s26 =	sadd.s32 $0x0, s20;
	s22 =	sshrl.u32 s22, $0x3  }
0x45b: {  	s31 =	sadd.s32 $0x410, s26;
	s22 =	sadd.s32 s1, s22  }
0x45c: {  	[tilespmem:s31], [sflag:$0x1] =	stream.linear.gather [hbm4b:s22+s4], $0x10, $0x38;
	[tilespmem:$0x10600] =	vst v63  }
0x45d: {  	s25 =	sadd.s32 $0x490, s26;
	s24 =	sadd.s32 $0x10, s22  }
0x45e: {  	[tilespmem:s25], [sflag:$0x1] =	stream.linear.gather [hbm4b:s24+s4], $0x10, $0x38;
	[tilespmem:$0x10600] =	vst v63  }
0x45f: {  	s29 =	sadd.s32 $0x510, s26;
	s23 =	simm.s32 $0x2000;
	s28 =	sadd.s32 $0x20, s22  }
0x460: {  	[tilespmem:s29], [sflag:$0x1] =	stream.linear.gather [hbm4b:s28+s4], $0x10, $0x38;
	[tilespmem:$0x10600] =	vst v63  }
0x461: {  	s30 =	sadd.s32 $0x30, s22;
	s31 =	sadd.s32 $0x590, s26;
	s24 =	sadd.s32 $0x40, s22  }
0x462: {  	[tilespmem:s31], [sflag:$0x1] =	stream.linear.gather [hbm4b:s30+s4], $0x10, $0x38;
	[tilespmem:$0x10600] =	vst v63  }
0x463: {  	s25 =	sadd.s32 $0x610, s26;
	s28 =	sadd.s32 $0x50, s22;
	s29 =	sadd.s32 $0x690, s26  }
0x464: {  	[tilespmem:s25], [sflag:$0x1] =	stream.linear.gather [hbm4b:s24+s4], $0x10, $0x38;
	[tilespmem:$0x10600] =	vst v63  }
0x465: {  	s30 =	sadd.s32 $0x60, s22;
	s31 =	sadd.s32 $0x710, s26;
	s26 =	sadd.s32 $0x790, s26  }
0x466: {  	[tilespmem:s29], [sflag:$0x1] =	stream.linear.gather [hbm4b:s28+s4], $0x10, $0x38;
	[tilespmem:$0x10600] =	vst v63  }
0x467: {  	s24 =	simm.s32 $0x10000;
	s25 =	sadd.s32 $0x70, s22;
	s22 =	sadd.s32 $0xF4280, s22  }
0x468: {  	[tilespmem:s31], [sflag:$0x1] =	stream.linear.gather [hbm4b:s30+s4], $0x10, $0x38;
	[tilespmem:$0x10600] =	vst v63  }
.LBB2_40:
0x469: {  	[tilespmem:s26], [sflag:$0x1] =	stream.linear.gather [hbm4b:s25+s4], $0x10, $0x38;
	[tilespmem:$0x10600] =	vst v63  }
0x46a: {  	s25 =	smov.u32 s24  }
0x46b: {  	s28 =	sadd.s32 $0x8000, s24;
	s26 =	sadd.s32 s23, s20;
	s23 =	sshra.s32 s25, $0x2  }
0x46c: {  	p0 =	sne.s32 s24, $0x18000;
	s24 =	sadd.s32 $0x410, s26  }
0x46d: {  	[tilespmem:s24], [sflag:$0x1] =	stream.linear.gather [hbm4b:s22+s4], $0x10, $0x38;
	[tilespmem:$0x10600] =	vst v63  }
0x46e: {  	s25 =	sadd.s32 $0x490, s26;
	s24 =	sadd.s32 $0x10, s22  }
0x46f: {  	[tilespmem:s25], [sflag:$0x1] =	stream.linear.gather [hbm4b:s24+s4], $0x10, $0x38;
	[tilespmem:$0x10600] =	vst v63  }
0x470: {  	s24 =	sadd.s32 $0x20, s22;
	s25 =	sadd.s32 $0x510, s26  }
0x471: {  	[tilespmem:s25], [sflag:$0x1] =	stream.linear.gather [hbm4b:s24+s4], $0x10, $0x38;
	[tilespmem:$0x10600] =	vst v63  }
0x472: {  	s24 =	sadd.s32 $0x30, s22;
	s25 =	sadd.s32 $0x590, s26  }
0x473: {  	[tilespmem:s25], [sflag:$0x1] =	stream.linear.gather [hbm4b:s24+s4], $0x10, $0x38;
	[tilespmem:$0x10600] =	vst v63  }
0x474: {  	s24 =	sadd.s32 $0x40, s22;
	s25 =	sadd.s32 $0x610, s26  }
0x475: {  	[tilespmem:s25], [sflag:$0x1] =	stream.linear.gather [hbm4b:s24+s4], $0x10, $0x38;
	[tilespmem:$0x10600] =	vst v63  }
.Ltmp18:
0x476: {  	s24 =	sadd.s32 $0x50, s22;
	s25 =	sadd.s32 $0x690, s26;
	(pc) =	sbr.rel @p0 .LBB2_40-.Ltmp18, $4  }
0x477: {  	[tilespmem:s25], [sflag:$0x1] =	stream.linear.gather [hbm4b:s24+s4], $0x10, $0x38;
	[tilespmem:$0x10600] =	vst v63  }
0x478: {  	s24 =	sadd.s32 $0x60, s22;
	s25 =	sadd.s32 $0x710, s26;
	s26 =	sadd.s32 $0x790, s26  }
0x479: {  	[tilespmem:s25], [sflag:$0x1] =	stream.linear.gather [hbm4b:s24+s4], $0x10, $0x38;
	[tilespmem:$0x10600] =	vst v63  }
0x47a: {  	s25 =	sadd.s32 $0x70, s22;
	s22 =	sadd.s32 $0xF4280, s22;
	s24 =	smov.u32 s28  }
0x47b: {  	[tilespmem:s26], [sflag:$0x1] =	stream.linear.gather [hbm4b:s25+s4], $0x10, $0x38;
	[tilespmem:$0x10600] =	vst v63  }
0x47c: {  	s23 =	sadd.s32 s23, s20;
	(v2sf) =	vpush v3, $0x9  }
0x47d: {  	s24 =	sadd.s32 $0x410, s23  }
0x47e: {  	[tilespmem:s24], [sflag:$0x1] =	stream.linear.gather [hbm4b:s22+s4], $0x10, $0x38;
	[tilespmem:$0x10600] =	vst v63  }
0x47f: {  	s25 =	sadd.s32 $0x10, s22;
	s26 =	sadd.s32 $0x490, s23  }
0x480: {  	[tilespmem:s26], [sflag:$0x1] =	stream.linear.gather [hbm4b:s25+s4], $0x10, $0x38;
	[tilespmem:$0x10600] =	vst v63  }
0x481: {  	s28 =	sadd.s32 $0x20, s22;
	s29 =	sadd.s32 $0x510, s23  }
0x482: {  	[tilespmem:s29], [sflag:$0x1] =	stream.linear.gather [hbm4b:s28+s4], $0x10, $0x38;
	[tilespmem:$0x10600] =	vst v63  }
0x483: {  	s30 =	sadd.s32 $0x30, s22;
	s31 =	sadd.s32 $0x590, s23  }
0x484: {  	[tilespmem:s31], [sflag:$0x1] =	stream.linear.gather [hbm4b:s30+s4], $0x10, $0x38;
	[tilespmem:$0x10600] =	vst v63  }
0x485: {  	s25 =	sadd.s32 $0x40, s22;
	s26 =	sadd.s32 $0x610, s23  }
0x486: {  	[tilespmem:s26], [sflag:$0x1] =	stream.linear.gather [hbm4b:s25+s4], $0x10, $0x38;
	[tilespmem:$0x10600] =	vst v63  }
0x487: {  	s28 =	sadd.s32 $0x50, s22;
	s29 =	sadd.s32 $0x690, s23  }
0x488: {  	[tilespmem:s29], [sflag:$0x1] =	stream.linear.gather [hbm4b:s28+s4], $0x10, $0x38;
	[tilespmem:$0x10600] =	vst v63  }
0x489: {  	s30 =	sadd.s32 $0x60, s22;
	s31 =	sadd.s32 $0x710, s23  }
0x48a: {  	[tilespmem:s31], [sflag:$0x1] =	stream.linear.gather [hbm4b:s30+s4], $0x10, $0x38;
	[tilespmem:$0x10600] =	vst v63  }
0x48b: {  	s23 =	sadd.s32 $0x790, s23;
	s25 =	sadd.s32 $0x70, s22;
	s26 =	spop (v2sf)  }
0x48c: {  	[tilespmem:s23], [sflag:$0x1] =	stream.linear.gather [hbm4b:s25+s4], $0x10, $0x38;
	[tilespmem:$0x10600] =	vst v63  }
0x48d: {  	s28 =	sand.u32 $0xF, s26  }
0x48e: {  	s29 =	sshra.s32 s26, $0x1F;
	p0 =	slt.s32 s26, $0x1;
	p1 =	sne.s32 s28, $0x0  }
0x48f: {  	s30 =	sshrl.u32 s29, $0x1C;
	p0 =	por !p0, !p1  }
0x490: {  	s23 =	simm.s32 $0x1;
	s22 =	sadd.s32 s30, s26;
	p0 =	por !p0, !p0  }
0x491: {  	s22 =	sshra.s32 s22, $0x4;
	s23 =	simm.s32 @!p0 $0x0  }
0x492: {  	s22 =	ssub.s32 s22, s23  }
0x493: {  	s23 =	sshll.u32 s22, $0x4;
	s22 =	sshll.u32 s22, $0x7  }
0x494: {  	s22 =	sand.u32 $0xFFFFFC00, s22;
	s23 =	sand.u32 $0x70, s23  }
0x495: {  	s22 =	sor.u32 s23, s22  }
0x496: {  	s26 =	sadd.s32 $0x0, s21;
	s22 =	sshrl.u32 s22, $0x3  }
0x497: {  	s31 =	sadd.s32 $0x410, s26;
	s22 =	sadd.s32 s2, s22  }
0x498: {  	[tilespmem:s31], [sflag:$0x1] =	stream.linear.gather [hbm4b:s22+s4], $0x10, $0x38;
	[tilespmem:$0x10600] =	vst v63  }
0x499: {  	s25 =	sadd.s32 $0x490, s26;
	s24 =	sadd.s32 $0x10, s22  }
0x49a: {  	[tilespmem:s25], [sflag:$0x1] =	stream.linear.gather [hbm4b:s24+s4], $0x10, $0x38;
	[tilespmem:$0x10600] =	vst v63  }
0x49b: {  	s29 =	sadd.s32 $0x510, s26;
	s23 =	simm.s32 $0x2000;
	s28 =	sadd.s32 $0x20, s22  }
0x49c: {  	[tilespmem:s29], [sflag:$0x1] =	stream.linear.gather [hbm4b:s28+s4], $0x10, $0x38;
	[tilespmem:$0x10600] =	vst v63  }
0x49d: {  	s30 =	sadd.s32 $0x30, s22;
	s31 =	sadd.s32 $0x590, s26;
	s24 =	sadd.s32 $0x40, s22  }
0x49e: {  	[tilespmem:s31], [sflag:$0x1] =	stream.linear.gather [hbm4b:s30+s4], $0x10, $0x38;
	[tilespmem:$0x10600] =	vst v63  }
0x49f: {  	s25 =	sadd.s32 $0x610, s26;
	s28 =	sadd.s32 $0x50, s22;
	s29 =	sadd.s32 $0x690, s26  }
0x4a0: {  	[tilespmem:s25], [sflag:$0x1] =	stream.linear.gather [hbm4b:s24+s4], $0x10, $0x38;
	[tilespmem:$0x10600] =	vst v63  }
0x4a1: {  	s30 =	sadd.s32 $0x60, s22;
	s31 =	sadd.s32 $0x710, s26;
	s26 =	sadd.s32 $0x790, s26  }
0x4a2: {  	[tilespmem:s29], [sflag:$0x1] =	stream.linear.gather [hbm4b:s28+s4], $0x10, $0x38;
	[tilespmem:$0x10600] =	vst v63  }
0x4a3: {  	s24 =	simm.s32 $0x10000;
	s25 =	sadd.s32 $0x70, s22;
	s22 =	sadd.s32 $0xF4280, s22  }
0x4a4: {  	[tilespmem:s31], [sflag:$0x1] =	stream.linear.gather [hbm4b:s30+s4], $0x10, $0x38;
	[tilespmem:$0x10600] =	vst v63  }
.LBB2_42:
0x4a5: {  	[tilespmem:s26], [sflag:$0x1] =	stream.linear.gather [hbm4b:s25+s4], $0x10, $0x38;
	[tilespmem:$0x10600] =	vst v63  }
0x4a6: {  	s25 =	smov.u32 s24  }
0x4a7: {  	s28 =	sadd.s32 $0x8000, s24;
	s26 =	sadd.s32 s23, s21;
	s23 =	sshra.s32 s25, $0x2  }
0x4a8: {  	p0 =	sne.s32 s24, $0x18000;
	s24 =	sadd.s32 $0x410, s26  }
0x4a9: {  	[tilespmem:s24], [sflag:$0x1] =	stream.linear.gather [hbm4b:s22+s4], $0x10, $0x38;
	[tilespmem:$0x10600] =	vst v63  }
0x4aa: {  	s25 =	sadd.s32 $0x490, s26;
	s24 =	sadd.s32 $0x10, s22  }
0x4ab: {  	[tilespmem:s25], [sflag:$0x1] =	stream.linear.gather [hbm4b:s24+s4], $0x10, $0x38;
	[tilespmem:$0x10600] =	vst v63  }
0x4ac: {  	s24 =	sadd.s32 $0x20, s22;
	s25 =	sadd.s32 $0x510, s26  }
0x4ad: {  	[tilespmem:s25], [sflag:$0x1] =	stream.linear.gather [hbm4b:s24+s4], $0x10, $0x38;
	[tilespmem:$0x10600] =	vst v63  }
0x4ae: {  	s24 =	sadd.s32 $0x30, s22;
	s25 =	sadd.s32 $0x590, s26  }
0x4af: {  	[tilespmem:s25], [sflag:$0x1] =	stream.linear.gather [hbm4b:s24+s4], $0x10, $0x38;
	[tilespmem:$0x10600] =	vst v63  }
0x4b0: {  	s24 =	sadd.s32 $0x40, s22;
	s25 =	sadd.s32 $0x610, s26  }
0x4b1: {  	[tilespmem:s25], [sflag:$0x1] =	stream.linear.gather [hbm4b:s24+s4], $0x10, $0x38;
	[tilespmem:$0x10600] =	vst v63  }
.Ltmp19:
0x4b2: {  	s24 =	sadd.s32 $0x50, s22;
	s25 =	sadd.s32 $0x690, s26;
	(pc) =	sbr.rel @p0 .LBB2_42-.Ltmp19, $4  }
0x4b3: {  	[tilespmem:s25], [sflag:$0x1] =	stream.linear.gather [hbm4b:s24+s4], $0x10, $0x38;
	[tilespmem:$0x10600] =	vst v63  }
0x4b4: {  	s24 =	sadd.s32 $0x60, s22;
	s25 =	sadd.s32 $0x710, s26;
	s26 =	sadd.s32 $0x790, s26  }
0x4b5: {  	[tilespmem:s25], [sflag:$0x1] =	stream.linear.gather [hbm4b:s24+s4], $0x10, $0x38;
	[tilespmem:$0x10600] =	vst v63  }
0x4b6: {  	s25 =	sadd.s32 $0x70, s22;
	s22 =	sadd.s32 $0xF4280, s22;
	s24 =	smov.u32 s28  }
0x4b7: {  	[tilespmem:s26], [sflag:$0x1] =	stream.linear.gather [hbm4b:s25+s4], $0x10, $0x38;
	[tilespmem:$0x10600] =	vst v63  }
0x4b8: {  	s23 =	sadd.s32 s23, s21;
	(v2sf) =	vpush v4, $0xA  }
0x4b9: {  	s24 =	sadd.s32 $0x410, s23  }
0x4ba: {  	[tilespmem:s24], [sflag:$0x1] =	stream.linear.gather [hbm4b:s22+s4], $0x10, $0x38;
	[tilespmem:$0x10600] =	vst v63  }
0x4bb: {  	s25 =	sadd.s32 $0x10, s22;
	s26 =	sadd.s32 $0x490, s23  }
0x4bc: {  	[tilespmem:s26], [sflag:$0x1] =	stream.linear.gather [hbm4b:s25+s4], $0x10, $0x38;
	[tilespmem:$0x10600] =	vst v63  }
0x4bd: {  	s28 =	sadd.s32 $0x20, s22;
	s29 =	sadd.s32 $0x510, s23  }
0x4be: {  	[tilespmem:s29], [sflag:$0x1] =	stream.linear.gather [hbm4b:s28+s4], $0x10, $0x38;
	[tilespmem:$0x10600] =	vst v63  }
0x4bf: {  	s30 =	sadd.s32 $0x30, s22;
	s31 =	sadd.s32 $0x590, s23  }
0x4c0: {  	[tilespmem:s31], [sflag:$0x1] =	stream.linear.gather [hbm4b:s30+s4], $0x10, $0x38;
	[tilespmem:$0x10600] =	vst v63  }
0x4c1: {  	s25 =	sadd.s32 $0x40, s22;
	s26 =	sadd.s32 $0x610, s23  }
0x4c2: {  	[tilespmem:s26], [sflag:$0x1] =	stream.linear.gather [hbm4b:s25+s4], $0x10, $0x38;
	[tilespmem:$0x10600] =	vst v63  }
0x4c3: {  	s28 =	sadd.s32 $0x50, s22;
	s29 =	sadd.s32 $0x690, s23  }
0x4c4: {  	[tilespmem:s29], [sflag:$0x1] =	stream.linear.gather [hbm4b:s28+s4], $0x10, $0x38;
	[tilespmem:$0x10600] =	vst v63  }
0x4c5: {  	s30 =	sadd.s32 $0x60, s22;
	s31 =	sadd.s32 $0x710, s23  }
0x4c6: {  	[tilespmem:s31], [sflag:$0x1] =	stream.linear.gather [hbm4b:s30+s4], $0x10, $0x38;
	[tilespmem:$0x10600] =	vst v63  }
0x4c7: {  	s23 =	sadd.s32 $0x790, s23;
	s25 =	sadd.s32 $0x70, s22;
	s26 =	spop (v2sf)  }
0x4c8: {  	[tilespmem:s23], [sflag:$0x1] =	stream.linear.gather [hbm4b:s25+s4], $0x10, $0x38;
	[tilespmem:$0x10600] =	vst v63  }
0x4c9: {  	s28 =	sand.u32 $0xF, s26  }
0x4ca: {  	s29 =	sshra.s32 s26, $0x1F;
	p0 =	slt.s32 s26, $0x1;
	p1 =	sne.s32 s28, $0x0  }
0x4cb: {  	s30 =	sshrl.u32 s29, $0x1C;
	p0 =	por !p0, !p1  }
0x4cc: {  	s23 =	simm.s32 $0x1;
	s22 =	sadd.s32 s30, s26;
	p0 =	por !p0, !p0  }
0x4cd: {  	s22 =	sshra.s32 s22, $0x4;
	s23 =	simm.s32 @!p0 $0x0  }
0x4ce: {  	s22 =	ssub.s32 s22, s23  }
0x4cf: {  	s23 =	sshll.u32 s22, $0x7;
	s22 =	sshll.u32 s22, $0x4  }
0x4d0: {  	s23 =	sand.u32 $0xFFFFFC00, s23;
	s22 =	sand.u32 $0x70, s22  }
0x4d1: {  	s22 =	sor.u32 s22, s23  }
0x4d2: {  	s26 =	sadd.s32 $0x0, s20;
	s22 =	sshrl.u32 s22, $0x3  }
0x4d3: {  	s31 =	sadd.s32 $0x420, s26;
	s22 =	sadd.s32 s1, s22  }
0x4d4: {  	[tilespmem:s31], [sflag:$0x1] =	stream.linear.gather [hbm4b:s22+s4], $0x10, $0x38;
	[tilespmem:$0x10600] =	vst v63  }
0x4d5: {  	s25 =	sadd.s32 $0x4A0, s26;
	s24 =	sadd.s32 $0x10, s22  }
0x4d6: {  	[tilespmem:s25], [sflag:$0x1] =	stream.linear.gather [hbm4b:s24+s4], $0x10, $0x38;
	[tilespmem:$0x10600] =	vst v63  }
0x4d7: {  	s29 =	sadd.s32 $0x520, s26;
	s23 =	simm.s32 $0x2000;
	s28 =	sadd.s32 $0x20, s22  }
0x4d8: {  	[tilespmem:s29], [sflag:$0x1] =	stream.linear.gather [hbm4b:s28+s4], $0x10, $0x38;
	[tilespmem:$0x10600] =	vst v63  }
0x4d9: {  	s30 =	sadd.s32 $0x30, s22;
	s31 =	sadd.s32 $0x5A0, s26;
	s24 =	sadd.s32 $0x40, s22  }
0x4da: {  	[tilespmem:s31], [sflag:$0x1] =	stream.linear.gather [hbm4b:s30+s4], $0x10, $0x38;
	[tilespmem:$0x10600] =	vst v63  }
0x4db: {  	s25 =	sadd.s32 $0x620, s26;
	s28 =	sadd.s32 $0x50, s22;
	s29 =	sadd.s32 $0x6A0, s26  }
0x4dc: {  	[tilespmem:s25], [sflag:$0x1] =	stream.linear.gather [hbm4b:s24+s4], $0x10, $0x38;
	[tilespmem:$0x10600] =	vst v63  }
0x4dd: {  	s30 =	sadd.s32 $0x60, s22;
	s31 =	sadd.s32 $0x720, s26;
	s26 =	sadd.s32 $0x7A0, s26  }
0x4de: {  	[tilespmem:s29], [sflag:$0x1] =	stream.linear.gather [hbm4b:s28+s4], $0x10, $0x38;
	[tilespmem:$0x10600] =	vst v63  }
0x4df: {  	s24 =	simm.s32 $0x10000;
	s25 =	sadd.s32 $0x70, s22;
	s22 =	sadd.s32 $0xF4280, s22  }
0x4e0: {  	[tilespmem:s31], [sflag:$0x1] =	stream.linear.gather [hbm4b:s30+s4], $0x10, $0x38;
	[tilespmem:$0x10600] =	vst v63  }
.LBB2_44:
0x4e1: {  	[tilespmem:s26], [sflag:$0x1] =	stream.linear.gather [hbm4b:s25+s4], $0x10, $0x38;
	[tilespmem:$0x10600] =	vst v63  }
0x4e2: {  	s25 =	smov.u32 s24  }
0x4e3: {  	s28 =	sadd.s32 $0x8000, s24;
	s26 =	sadd.s32 s23, s20;
	s23 =	sshra.s32 s25, $0x2  }
0x4e4: {  	p0 =	sne.s32 s24, $0x18000;
	s24 =	sadd.s32 $0x420, s26  }
0x4e5: {  	[tilespmem:s24], [sflag:$0x1] =	stream.linear.gather [hbm4b:s22+s4], $0x10, $0x38;
	[tilespmem:$0x10600] =	vst v63  }
0x4e6: {  	s25 =	sadd.s32 $0x4A0, s26;
	s24 =	sadd.s32 $0x10, s22  }
0x4e7: {  	[tilespmem:s25], [sflag:$0x1] =	stream.linear.gather [hbm4b:s24+s4], $0x10, $0x38;
	[tilespmem:$0x10600] =	vst v63  }
0x4e8: {  	s24 =	sadd.s32 $0x20, s22;
	s25 =	sadd.s32 $0x520, s26  }
0x4e9: {  	[tilespmem:s25], [sflag:$0x1] =	stream.linear.gather [hbm4b:s24+s4], $0x10, $0x38;
	[tilespmem:$0x10600] =	vst v63  }
0x4ea: {  	s24 =	sadd.s32 $0x30, s22;
	s25 =	sadd.s32 $0x5A0, s26  }
0x4eb: {  	[tilespmem:s25], [sflag:$0x1] =	stream.linear.gather [hbm4b:s24+s4], $0x10, $0x38;
	[tilespmem:$0x10600] =	vst v63  }
0x4ec: {  	s24 =	sadd.s32 $0x40, s22;
	s25 =	sadd.s32 $0x620, s26  }
0x4ed: {  	[tilespmem:s25], [sflag:$0x1] =	stream.linear.gather [hbm4b:s24+s4], $0x10, $0x38;
	[tilespmem:$0x10600] =	vst v63  }
.Ltmp20:
0x4ee: {  	s24 =	sadd.s32 $0x50, s22;
	s25 =	sadd.s32 $0x6A0, s26;
	(pc) =	sbr.rel @p0 .LBB2_44-.Ltmp20, $4  }
0x4ef: {  	[tilespmem:s25], [sflag:$0x1] =	stream.linear.gather [hbm4b:s24+s4], $0x10, $0x38;
	[tilespmem:$0x10600] =	vst v63  }
0x4f0: {  	s24 =	sadd.s32 $0x60, s22;
	s25 =	sadd.s32 $0x720, s26;
	s26 =	sadd.s32 $0x7A0, s26  }
0x4f1: {  	[tilespmem:s25], [sflag:$0x1] =	stream.linear.gather [hbm4b:s24+s4], $0x10, $0x38;
	[tilespmem:$0x10600] =	vst v63  }
0x4f2: {  	s25 =	sadd.s32 $0x70, s22;
	s22 =	sadd.s32 $0xF4280, s22;
	s24 =	smov.u32 s28  }
0x4f3: {  	[tilespmem:s26], [sflag:$0x1] =	stream.linear.gather [hbm4b:s25+s4], $0x10, $0x38;
	[tilespmem:$0x10600] =	vst v63  }
0x4f4: {  	s23 =	sadd.s32 s23, s20;
	(v2sf) =	vpush v3, $0xA  }
0x4f5: {  	s24 =	sadd.s32 $0x420, s23  }
0x4f6: {  	[tilespmem:s24], [sflag:$0x1] =	stream.linear.gather [hbm4b:s22+s4], $0x10, $0x38;
	[tilespmem:$0x10600] =	vst v63  }
0x4f7: {  	s25 =	sadd.s32 $0x10, s22;
	s26 =	sadd.s32 $0x4A0, s23  }
0x4f8: {  	[tilespmem:s26], [sflag:$0x1] =	stream.linear.gather [hbm4b:s25+s4], $0x10, $0x38;
	[tilespmem:$0x10600] =	vst v63  }
0x4f9: {  	s28 =	sadd.s32 $0x20, s22;
	s29 =	sadd.s32 $0x520, s23  }
0x4fa: {  	[tilespmem:s29], [sflag:$0x1] =	stream.linear.gather [hbm4b:s28+s4], $0x10, $0x38;
	[tilespmem:$0x10600] =	vst v63  }
0x4fb: {  	s30 =	sadd.s32 $0x30, s22;
	s31 =	sadd.s32 $0x5A0, s23  }
0x4fc: {  	[tilespmem:s31], [sflag:$0x1] =	stream.linear.gather [hbm4b:s30+s4], $0x10, $0x38;
	[tilespmem:$0x10600] =	vst v63  }
0x4fd: {  	s25 =	sadd.s32 $0x40, s22;
	s26 =	sadd.s32 $0x620, s23  }
0x4fe: {  	[tilespmem:s26], [sflag:$0x1] =	stream.linear.gather [hbm4b:s25+s4], $0x10, $0x38;
	[tilespmem:$0x10600] =	vst v63  }
0x4ff: {  	s28 =	sadd.s32 $0x50, s22;
	s29 =	sadd.s32 $0x6A0, s23  }
0x500: {  	[tilespmem:s29], [sflag:$0x1] =	stream.linear.gather [hbm4b:s28+s4], $0x10, $0x38;
	[tilespmem:$0x10600] =	vst v63  }
0x501: {  	s30 =	sadd.s32 $0x60, s22;
	s31 =	sadd.s32 $0x720, s23  }
0x502: {  	[tilespmem:s31], [sflag:$0x1] =	stream.linear.gather [hbm4b:s30+s4], $0x10, $0x38;
	[tilespmem:$0x10600] =	vst v63  }
0x503: {  	s23 =	sadd.s32 $0x7A0, s23;
	s25 =	sadd.s32 $0x70, s22;
	s26 =	spop (v2sf)  }
0x504: {  	[tilespmem:s23], [sflag:$0x1] =	stream.linear.gather [hbm4b:s25+s4], $0x10, $0x38;
	[tilespmem:$0x10600] =	vst v63  }
0x505: {  	s28 =	sand.u32 $0xF, s26  }
0x506: {  	s29 =	sshra.s32 s26, $0x1F;
	p0 =	slt.s32 s26, $0x1;
	p1 =	sne.s32 s28, $0x0  }
0x507: {  	s30 =	sshrl.u32 s29, $0x1C;
	p0 =	por !p0, !p1  }
0x508: {  	s23 =	simm.s32 $0x1;
	s22 =	sadd.s32 s30, s26;
	p0 =	por !p0, !p0  }
0x509: {  	s22 =	sshra.s32 s22, $0x4;
	s23 =	simm.s32 @!p0 $0x0  }
0x50a: {  	s22 =	ssub.s32 s22, s23  }
0x50b: {  	s23 =	sshll.u32 s22, $0x4;
	s22 =	sshll.u32 s22, $0x7  }
0x50c: {  	s22 =	sand.u32 $0xFFFFFC00, s22;
	s23 =	sand.u32 $0x70, s23  }
0x50d: {  	s22 =	sor.u32 s23, s22  }
0x50e: {  	s26 =	sadd.s32 $0x0, s21;
	s22 =	sshrl.u32 s22, $0x3  }
0x50f: {  	s31 =	sadd.s32 $0x420, s26;
	s22 =	sadd.s32 s2, s22  }
0x510: {  	[tilespmem:s31], [sflag:$0x1] =	stream.linear.gather [hbm4b:s22+s4], $0x10, $0x38;
	[tilespmem:$0x10600] =	vst v63  }
0x511: {  	s25 =	sadd.s32 $0x4A0, s26;
	s24 =	sadd.s32 $0x10, s22  }
0x512: {  	[tilespmem:s25], [sflag:$0x1] =	stream.linear.gather [hbm4b:s24+s4], $0x10, $0x38;
	[tilespmem:$0x10600] =	vst v63  }
0x513: {  	s29 =	sadd.s32 $0x520, s26;
	s23 =	simm.s32 $0x2000;
	s28 =	sadd.s32 $0x20, s22  }
0x514: {  	[tilespmem:s29], [sflag:$0x1] =	stream.linear.gather [hbm4b:s28+s4], $0x10, $0x38;
	[tilespmem:$0x10600] =	vst v63  }
0x515: {  	s30 =	sadd.s32 $0x30, s22;
	s31 =	sadd.s32 $0x5A0, s26;
	s24 =	sadd.s32 $0x40, s22  }
0x516: {  	[tilespmem:s31], [sflag:$0x1] =	stream.linear.gather [hbm4b:s30+s4], $0x10, $0x38;
	[tilespmem:$0x10600] =	vst v63  }
0x517: {  	s25 =	sadd.s32 $0x620, s26;
	s28 =	sadd.s32 $0x50, s22;
	s29 =	sadd.s32 $0x6A0, s26  }
0x518: {  	[tilespmem:s25], [sflag:$0x1] =	stream.linear.gather [hbm4b:s24+s4], $0x10, $0x38;
	[tilespmem:$0x10600] =	vst v63  }
0x519: {  	s30 =	sadd.s32 $0x60, s22;
	s31 =	sadd.s32 $0x720, s26;
	s26 =	sadd.s32 $0x7A0, s26  }
0x51a: {  	[tilespmem:s29], [sflag:$0x1] =	stream.linear.gather [hbm4b:s28+s4], $0x10, $0x38;
	[tilespmem:$0x10600] =	vst v63  }
0x51b: {  	s24 =	simm.s32 $0x10000;
	s25 =	sadd.s32 $0x70, s22;
	s22 =	sadd.s32 $0xF4280, s22  }
0x51c: {  	[tilespmem:s31], [sflag:$0x1] =	stream.linear.gather [hbm4b:s30+s4], $0x10, $0x38;
	[tilespmem:$0x10600] =	vst v63  }
.LBB2_46:
0x51d: {  	[tilespmem:s26], [sflag:$0x1] =	stream.linear.gather [hbm4b:s25+s4], $0x10, $0x38;
	[tilespmem:$0x10600] =	vst v63  }
0x51e: {  	s25 =	smov.u32 s24  }
0x51f: {  	s28 =	sadd.s32 $0x8000, s24;
	s26 =	sadd.s32 s23, s21;
	s23 =	sshra.s32 s25, $0x2  }
0x520: {  	p0 =	sne.s32 s24, $0x18000;
	s24 =	sadd.s32 $0x420, s26  }
0x521: {  	[tilespmem:s24], [sflag:$0x1] =	stream.linear.gather [hbm4b:s22+s4], $0x10, $0x38;
	[tilespmem:$0x10600] =	vst v63  }
0x522: {  	s25 =	sadd.s32 $0x4A0, s26;
	s24 =	sadd.s32 $0x10, s22  }
0x523: {  	[tilespmem:s25], [sflag:$0x1] =	stream.linear.gather [hbm4b:s24+s4], $0x10, $0x38;
	[tilespmem:$0x10600] =	vst v63  }
0x524: {  	s24 =	sadd.s32 $0x20, s22;
	s25 =	sadd.s32 $0x520, s26  }
0x525: {  	[tilespmem:s25], [sflag:$0x1] =	stream.linear.gather [hbm4b:s24+s4], $0x10, $0x38;
	[tilespmem:$0x10600] =	vst v63  }
0x526: {  	s24 =	sadd.s32 $0x30, s22;
	s25 =	sadd.s32 $0x5A0, s26  }
0x527: {  	[tilespmem:s25], [sflag:$0x1] =	stream.linear.gather [hbm4b:s24+s4], $0x10, $0x38;
	[tilespmem:$0x10600] =	vst v63  }
0x528: {  	s24 =	sadd.s32 $0x40, s22;
	s25 =	sadd.s32 $0x620, s26  }
0x529: {  	[tilespmem:s25], [sflag:$0x1] =	stream.linear.gather [hbm4b:s24+s4], $0x10, $0x38;
	[tilespmem:$0x10600] =	vst v63  }
.Ltmp21:
0x52a: {  	s24 =	sadd.s32 $0x50, s22;
	s25 =	sadd.s32 $0x6A0, s26;
	(pc) =	sbr.rel @p0 .LBB2_46-.Ltmp21, $4  }
0x52b: {  	[tilespmem:s25], [sflag:$0x1] =	stream.linear.gather [hbm4b:s24+s4], $0x10, $0x38;
	[tilespmem:$0x10600] =	vst v63  }
0x52c: {  	s24 =	sadd.s32 $0x60, s22;
	s25 =	sadd.s32 $0x720, s26;
	s26 =	sadd.s32 $0x7A0, s26  }
0x52d: {  	[tilespmem:s25], [sflag:$0x1] =	stream.linear.gather [hbm4b:s24+s4], $0x10, $0x38;
	[tilespmem:$0x10600] =	vst v63  }
0x52e: {  	s25 =	sadd.s32 $0x70, s22;
	s22 =	sadd.s32 $0xF4280, s22;
	s24 =	smov.u32 s28  }
0x52f: {  	[tilespmem:s26], [sflag:$0x1] =	stream.linear.gather [hbm4b:s25+s4], $0x10, $0x38;
	[tilespmem:$0x10600] =	vst v63  }
0x530: {  	s23 =	sadd.s32 s23, s21;
	(v2sf) =	vpush v4, $0xB  }
0x531: {  	s24 =	sadd.s32 $0x420, s23  }
0x532: {  	[tilespmem:s24], [sflag:$0x1] =	stream.linear.gather [hbm4b:s22+s4], $0x10, $0x38;
	[tilespmem:$0x10600] =	vst v63  }
0x533: {  	s25 =	sadd.s32 $0x10, s22;
	s26 =	sadd.s32 $0x4A0, s23  }
0x534: {  	[tilespmem:s26], [sflag:$0x1] =	stream.linear.gather [hbm4b:s25+s4], $0x10, $0x38;
	[tilespmem:$0x10600] =	vst v63  }
0x535: {  	s28 =	sadd.s32 $0x20, s22;
	s29 =	sadd.s32 $0x520, s23  }
0x536: {  	[tilespmem:s29], [sflag:$0x1] =	stream.linear.gather [hbm4b:s28+s4], $0x10, $0x38;
	[tilespmem:$0x10600] =	vst v63  }
0x537: {  	s30 =	sadd.s32 $0x30, s22;
	s31 =	sadd.s32 $0x5A0, s23  }
0x538: {  	[tilespmem:s31], [sflag:$0x1] =	stream.linear.gather [hbm4b:s30+s4], $0x10, $0x38;
	[tilespmem:$0x10600] =	vst v63  }
0x539: {  	s25 =	sadd.s32 $0x40, s22;
	s26 =	sadd.s32 $0x620, s23  }
0x53a: {  	[tilespmem:s26], [sflag:$0x1] =	stream.linear.gather [hbm4b:s25+s4], $0x10, $0x38;
	[tilespmem:$0x10600] =	vst v63  }
0x53b: {  	s28 =	sadd.s32 $0x50, s22;
	s29 =	sadd.s32 $0x6A0, s23  }
0x53c: {  	[tilespmem:s29], [sflag:$0x1] =	stream.linear.gather [hbm4b:s28+s4], $0x10, $0x38;
	[tilespmem:$0x10600] =	vst v63  }
0x53d: {  	s30 =	sadd.s32 $0x60, s22;
	s31 =	sadd.s32 $0x720, s23  }
0x53e: {  	[tilespmem:s31], [sflag:$0x1] =	stream.linear.gather [hbm4b:s30+s4], $0x10, $0x38;
	[tilespmem:$0x10600] =	vst v63  }
0x53f: {  	s23 =	sadd.s32 $0x7A0, s23;
	s25 =	sadd.s32 $0x70, s22;
	s26 =	spop (v2sf)  }
0x540: {  	[tilespmem:s23], [sflag:$0x1] =	stream.linear.gather [hbm4b:s25+s4], $0x10, $0x38;
	[tilespmem:$0x10600] =	vst v63  }
0x541: {  	s28 =	sand.u32 $0xF, s26  }
0x542: {  	s29 =	sshra.s32 s26, $0x1F;
	p0 =	slt.s32 s26, $0x1;
	p1 =	sne.s32 s28, $0x0  }
0x543: {  	s30 =	sshrl.u32 s29, $0x1C;
	p0 =	por !p0, !p1  }
0x544: {  	s23 =	simm.s32 $0x1;
	s22 =	sadd.s32 s30, s26;
	p0 =	por !p0, !p0  }
0x545: {  	s22 =	sshra.s32 s22, $0x4;
	s23 =	simm.s32 @!p0 $0x0  }
0x546: {  	s22 =	ssub.s32 s22, s23  }
0x547: {  	s23 =	sshll.u32 s22, $0x7;
	s22 =	sshll.u32 s22, $0x4  }
0x548: {  	s23 =	sand.u32 $0xFFFFFC00, s23;
	s22 =	sand.u32 $0x70, s22  }
0x549: {  	s22 =	sor.u32 s22, s23  }
0x54a: {  	s26 =	sadd.s32 $0x0, s20;
	s22 =	sshrl.u32 s22, $0x3  }
0x54b: {  	s31 =	sadd.s32 $0x430, s26;
	s22 =	sadd.s32 s1, s22  }
0x54c: {  	[tilespmem:s31], [sflag:$0x1] =	stream.linear.gather [hbm4b:s22+s4], $0x10, $0x38;
	[tilespmem:$0x10600] =	vst v63  }
0x54d: {  	s25 =	sadd.s32 $0x4B0, s26;
	s24 =	sadd.s32 $0x10, s22  }
0x54e: {  	[tilespmem:s25], [sflag:$0x1] =	stream.linear.gather [hbm4b:s24+s4], $0x10, $0x38;
	[tilespmem:$0x10600] =	vst v63  }
0x54f: {  	s29 =	sadd.s32 $0x530, s26;
	s23 =	simm.s32 $0x2000;
	s28 =	sadd.s32 $0x20, s22  }
0x550: {  	[tilespmem:s29], [sflag:$0x1] =	stream.linear.gather [hbm4b:s28+s4], $0x10, $0x38;
	[tilespmem:$0x10600] =	vst v63  }
0x551: {  	s30 =	sadd.s32 $0x30, s22;
	s31 =	sadd.s32 $0x5B0, s26;
	s24 =	sadd.s32 $0x40, s22  }
0x552: {  	[tilespmem:s31], [sflag:$0x1] =	stream.linear.gather [hbm4b:s30+s4], $0x10, $0x38;
	[tilespmem:$0x10600] =	vst v63  }
0x553: {  	s25 =	sadd.s32 $0x630, s26;
	s28 =	sadd.s32 $0x50, s22;
	s29 =	sadd.s32 $0x6B0, s26  }
0x554: {  	[tilespmem:s25], [sflag:$0x1] =	stream.linear.gather [hbm4b:s24+s4], $0x10, $0x38;
	[tilespmem:$0x10600] =	vst v63  }
0x555: {  	s30 =	sadd.s32 $0x60, s22;
	s31 =	sadd.s32 $0x730, s26;
	s26 =	sadd.s32 $0x7B0, s26  }
0x556: {  	[tilespmem:s29], [sflag:$0x1] =	stream.linear.gather [hbm4b:s28+s4], $0x10, $0x38;
	[tilespmem:$0x10600] =	vst v63  }
0x557: {  	s24 =	simm.s32 $0x10000;
	s25 =	sadd.s32 $0x70, s22;
	s22 =	sadd.s32 $0xF4280, s22  }
0x558: {  	[tilespmem:s31], [sflag:$0x1] =	stream.linear.gather [hbm4b:s30+s4], $0x10, $0x38;
	[tilespmem:$0x10600] =	vst v63  }
.LBB2_48:
0x559: {  	[tilespmem:s26], [sflag:$0x1] =	stream.linear.gather [hbm4b:s25+s4], $0x10, $0x38;
	[tilespmem:$0x10600] =	vst v63  }
0x55a: {  	s25 =	smov.u32 s24  }
0x55b: {  	s28 =	sadd.s32 $0x8000, s24;
	s26 =	sadd.s32 s23, s20;
	s23 =	sshra.s32 s25, $0x2  }
0x55c: {  	p0 =	sne.s32 s24, $0x18000;
	s24 =	sadd.s32 $0x430, s26  }
0x55d: {  	[tilespmem:s24], [sflag:$0x1] =	stream.linear.gather [hbm4b:s22+s4], $0x10, $0x38;
	[tilespmem:$0x10600] =	vst v63  }
0x55e: {  	s25 =	sadd.s32 $0x4B0, s26;
	s24 =	sadd.s32 $0x10, s22  }
0x55f: {  	[tilespmem:s25], [sflag:$0x1] =	stream.linear.gather [hbm4b:s24+s4], $0x10, $0x38;
	[tilespmem:$0x10600] =	vst v63  }
0x560: {  	s24 =	sadd.s32 $0x20, s22;
	s25 =	sadd.s32 $0x530, s26  }
0x561: {  	[tilespmem:s25], [sflag:$0x1] =	stream.linear.gather [hbm4b:s24+s4], $0x10, $0x38;
	[tilespmem:$0x10600] =	vst v63  }
0x562: {  	s24 =	sadd.s32 $0x30, s22;
	s25 =	sadd.s32 $0x5B0, s26  }
0x563: {  	[tilespmem:s25], [sflag:$0x1] =	stream.linear.gather [hbm4b:s24+s4], $0x10, $0x38;
	[tilespmem:$0x10600] =	vst v63  }
0x564: {  	s24 =	sadd.s32 $0x40, s22;
	s25 =	sadd.s32 $0x630, s26  }
0x565: {  	[tilespmem:s25], [sflag:$0x1] =	stream.linear.gather [hbm4b:s24+s4], $0x10, $0x38;
	[tilespmem:$0x10600] =	vst v63  }
.Ltmp22:
0x566: {  	s24 =	sadd.s32 $0x50, s22;
	s25 =	sadd.s32 $0x6B0, s26;
	(pc) =	sbr.rel @p0 .LBB2_48-.Ltmp22, $4  }
0x567: {  	[tilespmem:s25], [sflag:$0x1] =	stream.linear.gather [hbm4b:s24+s4], $0x10, $0x38;
	[tilespmem:$0x10600] =	vst v63  }
0x568: {  	s24 =	sadd.s32 $0x60, s22;
	s25 =	sadd.s32 $0x730, s26;
	s26 =	sadd.s32 $0x7B0, s26  }
0x569: {  	[tilespmem:s25], [sflag:$0x1] =	stream.linear.gather [hbm4b:s24+s4], $0x10, $0x38;
	[tilespmem:$0x10600] =	vst v63  }
0x56a: {  	s25 =	sadd.s32 $0x70, s22;
	s22 =	sadd.s32 $0xF4280, s22;
	s24 =	smov.u32 s28  }
0x56b: {  	[tilespmem:s26], [sflag:$0x1] =	stream.linear.gather [hbm4b:s25+s4], $0x10, $0x38;
	[tilespmem:$0x10600] =	vst v63  }
0x56c: {  	s23 =	sadd.s32 s23, s20;
	(v2sf) =	vpush v3, $0xB  }
0x56d: {  	s24 =	sadd.s32 $0x430, s23  }
0x56e: {  	[tilespmem:s24], [sflag:$0x1] =	stream.linear.gather [hbm4b:s22+s4], $0x10, $0x38;
	[tilespmem:$0x10600] =	vst v63  }
0x56f: {  	s25 =	sadd.s32 $0x10, s22;
	s26 =	sadd.s32 $0x4B0, s23  }
0x570: {  	[tilespmem:s26], [sflag:$0x1] =	stream.linear.gather [hbm4b:s25+s4], $0x10, $0x38;
	[tilespmem:$0x10600] =	vst v63  }
0x571: {  	s28 =	sadd.s32 $0x20, s22;
	s29 =	sadd.s32 $0x530, s23  }
0x572: {  	[tilespmem:s29], [sflag:$0x1] =	stream.linear.gather [hbm4b:s28+s4], $0x10, $0x38;
	[tilespmem:$0x10600] =	vst v63  }
0x573: {  	s30 =	sadd.s32 $0x30, s22;
	s31 =	sadd.s32 $0x5B0, s23  }
0x574: {  	[tilespmem:s31], [sflag:$0x1] =	stream.linear.gather [hbm4b:s30+s4], $0x10, $0x38;
	[tilespmem:$0x10600] =	vst v63  }
0x575: {  	s25 =	sadd.s32 $0x40, s22;
	s26 =	sadd.s32 $0x630, s23  }
0x576: {  	[tilespmem:s26], [sflag:$0x1] =	stream.linear.gather [hbm4b:s25+s4], $0x10, $0x38;
	[tilespmem:$0x10600] =	vst v63  }
0x577: {  	s28 =	sadd.s32 $0x50, s22;
	s29 =	sadd.s32 $0x6B0, s23  }
0x578: {  	[tilespmem:s29], [sflag:$0x1] =	stream.linear.gather [hbm4b:s28+s4], $0x10, $0x38;
	[tilespmem:$0x10600] =	vst v63  }
0x579: {  	s30 =	sadd.s32 $0x60, s22;
	s31 =	sadd.s32 $0x730, s23  }
0x57a: {  	[tilespmem:s31], [sflag:$0x1] =	stream.linear.gather [hbm4b:s30+s4], $0x10, $0x38;
	[tilespmem:$0x10600] =	vst v63  }
0x57b: {  	s23 =	sadd.s32 $0x7B0, s23;
	s25 =	sadd.s32 $0x70, s22;
	s26 =	spop (v2sf)  }
0x57c: {  	[tilespmem:s23], [sflag:$0x1] =	stream.linear.gather [hbm4b:s25+s4], $0x10, $0x38;
	[tilespmem:$0x10600] =	vst v63  }
0x57d: {  	s28 =	sand.u32 $0xF, s26  }
0x57e: {  	s29 =	sshra.s32 s26, $0x1F;
	p0 =	slt.s32 s26, $0x1;
	p1 =	sne.s32 s28, $0x0  }
0x57f: {  	s30 =	sshrl.u32 s29, $0x1C;
	p0 =	por !p0, !p1  }
0x580: {  	s23 =	simm.s32 $0x1;
	s22 =	sadd.s32 s30, s26;
	p0 =	por !p0, !p0  }
0x581: {  	s22 =	sshra.s32 s22, $0x4;
	s23 =	simm.s32 @!p0 $0x0  }
0x582: {  	s22 =	ssub.s32 s22, s23  }
0x583: {  	s23 =	sshll.u32 s22, $0x4;
	s22 =	sshll.u32 s22, $0x7  }
0x584: {  	s22 =	sand.u32 $0xFFFFFC00, s22;
	s23 =	sand.u32 $0x70, s23  }
0x585: {  	s22 =	sor.u32 s23, s22  }
0x586: {  	s26 =	sadd.s32 $0x0, s21;
	s22 =	sshrl.u32 s22, $0x3  }
0x587: {  	s31 =	sadd.s32 $0x430, s26;
	s22 =	sadd.s32 s2, s22  }
0x588: {  	[tilespmem:s31], [sflag:$0x1] =	stream.linear.gather [hbm4b:s22+s4], $0x10, $0x38;
	[tilespmem:$0x10600] =	vst v63  }
0x589: {  	s25 =	sadd.s32 $0x4B0, s26;
	s24 =	sadd.s32 $0x10, s22  }
0x58a: {  	[tilespmem:s25], [sflag:$0x1] =	stream.linear.gather [hbm4b:s24+s4], $0x10, $0x38;
	[tilespmem:$0x10600] =	vst v63  }
0x58b: {  	s29 =	sadd.s32 $0x530, s26;
	s23 =	simm.s32 $0x2000;
	s28 =	sadd.s32 $0x20, s22  }
0x58c: {  	[tilespmem:s29], [sflag:$0x1] =	stream.linear.gather [hbm4b:s28+s4], $0x10, $0x38;
	[tilespmem:$0x10600] =	vst v63  }
0x58d: {  	s30 =	sadd.s32 $0x30, s22;
	s31 =	sadd.s32 $0x5B0, s26;
	s24 =	sadd.s32 $0x40, s22  }
0x58e: {  	[tilespmem:s31], [sflag:$0x1] =	stream.linear.gather [hbm4b:s30+s4], $0x10, $0x38;
	[tilespmem:$0x10600] =	vst v63  }
0x58f: {  	s25 =	sadd.s32 $0x630, s26;
	s28 =	sadd.s32 $0x50, s22;
	s29 =	sadd.s32 $0x6B0, s26  }
0x590: {  	[tilespmem:s25], [sflag:$0x1] =	stream.linear.gather [hbm4b:s24+s4], $0x10, $0x38;
	[tilespmem:$0x10600] =	vst v63  }
0x591: {  	s30 =	sadd.s32 $0x60, s22;
	s31 =	sadd.s32 $0x730, s26;
	s26 =	sadd.s32 $0x7B0, s26  }
0x592: {  	[tilespmem:s29], [sflag:$0x1] =	stream.linear.gather [hbm4b:s28+s4], $0x10, $0x38;
	[tilespmem:$0x10600] =	vst v63  }
0x593: {  	s24 =	simm.s32 $0x10000;
	s25 =	sadd.s32 $0x70, s22;
	s22 =	sadd.s32 $0xF4280, s22  }
0x594: {  	[tilespmem:s31], [sflag:$0x1] =	stream.linear.gather [hbm4b:s30+s4], $0x10, $0x38;
	[tilespmem:$0x10600] =	vst v63  }
.LBB2_50:
0x595: {  	[tilespmem:s26], [sflag:$0x1] =	stream.linear.gather [hbm4b:s25+s4], $0x10, $0x38;
	[tilespmem:$0x10600] =	vst v63  }
0x596: {  	s25 =	smov.u32 s24  }
0x597: {  	s28 =	sadd.s32 $0x8000, s24;
	s26 =	sadd.s32 s23, s21;
	s23 =	sshra.s32 s25, $0x2  }
0x598: {  	p0 =	sne.s32 s24, $0x18000;
	s24 =	sadd.s32 $0x430, s26  }
0x599: {  	[tilespmem:s24], [sflag:$0x1] =	stream.linear.gather [hbm4b:s22+s4], $0x10, $0x38;
	[tilespmem:$0x10600] =	vst v63  }
0x59a: {  	s25 =	sadd.s32 $0x4B0, s26;
	s24 =	sadd.s32 $0x10, s22  }
0x59b: {  	[tilespmem:s25], [sflag:$0x1] =	stream.linear.gather [hbm4b:s24+s4], $0x10, $0x38;
	[tilespmem:$0x10600] =	vst v63  }
0x59c: {  	s24 =	sadd.s32 $0x20, s22;
	s25 =	sadd.s32 $0x530, s26  }
0x59d: {  	[tilespmem:s25], [sflag:$0x1] =	stream.linear.gather [hbm4b:s24+s4], $0x10, $0x38;
	[tilespmem:$0x10600] =	vst v63  }
0x59e: {  	s24 =	sadd.s32 $0x30, s22;
	s25 =	sadd.s32 $0x5B0, s26  }
0x59f: {  	[tilespmem:s25], [sflag:$0x1] =	stream.linear.gather [hbm4b:s24+s4], $0x10, $0x38;
	[tilespmem:$0x10600] =	vst v63  }
0x5a0: {  	s24 =	sadd.s32 $0x40, s22;
	s25 =	sadd.s32 $0x630, s26  }
0x5a1: {  	[tilespmem:s25], [sflag:$0x1] =	stream.linear.gather [hbm4b:s24+s4], $0x10, $0x38;
	[tilespmem:$0x10600] =	vst v63  }
.Ltmp23:
0x5a2: {  	s24 =	sadd.s32 $0x50, s22;
	s25 =	sadd.s32 $0x6B0, s26;
	(pc) =	sbr.rel @p0 .LBB2_50-.Ltmp23, $4  }
0x5a3: {  	[tilespmem:s25], [sflag:$0x1] =	stream.linear.gather [hbm4b:s24+s4], $0x10, $0x38;
	[tilespmem:$0x10600] =	vst v63  }
0x5a4: {  	s24 =	sadd.s32 $0x60, s22;
	s25 =	sadd.s32 $0x730, s26;
	s26 =	sadd.s32 $0x7B0, s26  }
0x5a5: {  	[tilespmem:s25], [sflag:$0x1] =	stream.linear.gather [hbm4b:s24+s4], $0x10, $0x38;
	[tilespmem:$0x10600] =	vst v63  }
0x5a6: {  	s25 =	sadd.s32 $0x70, s22;
	s22 =	sadd.s32 $0xF4280, s22;
	s24 =	smov.u32 s28  }
0x5a7: {  	[tilespmem:s26], [sflag:$0x1] =	stream.linear.gather [hbm4b:s25+s4], $0x10, $0x38;
	[tilespmem:$0x10600] =	vst v63  }
0x5a8: {  	s23 =	sadd.s32 s23, s21;
	(v2sf) =	vpush v4, $0xC  }
0x5a9: {  	s24 =	sadd.s32 $0x430, s23  }
0x5aa: {  	[tilespmem:s24], [sflag:$0x1] =	stream.linear.gather [hbm4b:s22+s4], $0x10, $0x38;
	[tilespmem:$0x10600] =	vst v63  }
0x5ab: {  	s25 =	sadd.s32 $0x10, s22;
	s26 =	sadd.s32 $0x4B0, s23  }
0x5ac: {  	[tilespmem:s26], [sflag:$0x1] =	stream.linear.gather [hbm4b:s25+s4], $0x10, $0x38;
	[tilespmem:$0x10600] =	vst v63  }
0x5ad: {  	s28 =	sadd.s32 $0x20, s22;
	s29 =	sadd.s32 $0x530, s23  }
0x5ae: {  	[tilespmem:s29], [sflag:$0x1] =	stream.linear.gather [hbm4b:s28+s4], $0x10, $0x38;
	[tilespmem:$0x10600] =	vst v63  }
0x5af: {  	s30 =	sadd.s32 $0x30, s22;
	s31 =	sadd.s32 $0x5B0, s23  }
0x5b0: {  	[tilespmem:s31], [sflag:$0x1] =	stream.linear.gather [hbm4b:s30+s4], $0x10, $0x38;
	[tilespmem:$0x10600] =	vst v63  }
0x5b1: {  	s25 =	sadd.s32 $0x40, s22;
	s26 =	sadd.s32 $0x630, s23  }
0x5b2: {  	[tilespmem:s26], [sflag:$0x1] =	stream.linear.gather [hbm4b:s25+s4], $0x10, $0x38;
	[tilespmem:$0x10600] =	vst v63  }
0x5b3: {  	s28 =	sadd.s32 $0x50, s22;
	s29 =	sadd.s32 $0x6B0, s23  }
0x5b4: {  	[tilespmem:s29], [sflag:$0x1] =	stream.linear.gather [hbm4b:s28+s4], $0x10, $0x38;
	[tilespmem:$0x10600] =	vst v63  }
0x5b5: {  	s30 =	sadd.s32 $0x60, s22;
	s31 =	sadd.s32 $0x730, s23  }
0x5b6: {  	[tilespmem:s31], [sflag:$0x1] =	stream.linear.gather [hbm4b:s30+s4], $0x10, $0x38;
	[tilespmem:$0x10600] =	vst v63  }
0x5b7: {  	s23 =	sadd.s32 $0x7B0, s23;
	s25 =	sadd.s32 $0x70, s22;
	s26 =	spop (v2sf)  }
0x5b8: {  	[tilespmem:s23], [sflag:$0x1] =	stream.linear.gather [hbm4b:s25+s4], $0x10, $0x38;
	[tilespmem:$0x10600] =	vst v63  }
0x5b9: {  	s28 =	sand.u32 $0xF, s26  }
0x5ba: {  	s29 =	sshra.s32 s26, $0x1F;
	p0 =	slt.s32 s26, $0x1;
	p1 =	sne.s32 s28, $0x0  }
0x5bb: {  	s30 =	sshrl.u32 s29, $0x1C;
	p0 =	por !p0, !p1  }
0x5bc: {  	s23 =	simm.s32 $0x1;
	s22 =	sadd.s32 s30, s26;
	p0 =	por !p0, !p0  }
0x5bd: {  	s22 =	sshra.s32 s22, $0x4;
	s23 =	simm.s32 @!p0 $0x0  }
0x5be: {  	s22 =	ssub.s32 s22, s23  }
0x5bf: {  	s23 =	sshll.u32 s22, $0x7;
	s22 =	sshll.u32 s22, $0x4  }
0x5c0: {  	s23 =	sand.u32 $0xFFFFFC00, s23;
	s22 =	sand.u32 $0x70, s22  }
0x5c1: {  	s22 =	sor.u32 s22, s23  }
0x5c2: {  	s26 =	sadd.s32 $0x0, s20;
	s22 =	sshrl.u32 s22, $0x3  }
0x5c3: {  	s31 =	sadd.s32 $0x440, s26;
	s22 =	sadd.s32 s1, s22  }
0x5c4: {  	[tilespmem:s31], [sflag:$0x1] =	stream.linear.gather [hbm4b:s22+s4], $0x10, $0x38;
	[tilespmem:$0x10600] =	vst v63  }
0x5c5: {  	s25 =	sadd.s32 $0x4C0, s26;
	s24 =	sadd.s32 $0x10, s22  }
0x5c6: {  	[tilespmem:s25], [sflag:$0x1] =	stream.linear.gather [hbm4b:s24+s4], $0x10, $0x38;
	[tilespmem:$0x10600] =	vst v63  }
0x5c7: {  	s29 =	sadd.s32 $0x540, s26;
	s23 =	simm.s32 $0x2000;
	s28 =	sadd.s32 $0x20, s22  }
0x5c8: {  	[tilespmem:s29], [sflag:$0x1] =	stream.linear.gather [hbm4b:s28+s4], $0x10, $0x38;
	[tilespmem:$0x10600] =	vst v63  }
0x5c9: {  	s30 =	sadd.s32 $0x30, s22;
	s31 =	sadd.s32 $0x5C0, s26;
	s24 =	sadd.s32 $0x40, s22  }
0x5ca: {  	[tilespmem:s31], [sflag:$0x1] =	stream.linear.gather [hbm4b:s30+s4], $0x10, $0x38;
	[tilespmem:$0x10600] =	vst v63  }
0x5cb: {  	s25 =	sadd.s32 $0x640, s26;
	s28 =	sadd.s32 $0x50, s22;
	s29 =	sadd.s32 $0x6C0, s26  }
0x5cc: {  	[tilespmem:s25], [sflag:$0x1] =	stream.linear.gather [hbm4b:s24+s4], $0x10, $0x38;
	[tilespmem:$0x10600] =	vst v63  }
0x5cd: {  	s30 =	sadd.s32 $0x60, s22;
	s31 =	sadd.s32 $0x740, s26;
	s26 =	sadd.s32 $0x7C0, s26  }
0x5ce: {  	[tilespmem:s29], [sflag:$0x1] =	stream.linear.gather [hbm4b:s28+s4], $0x10, $0x38;
	[tilespmem:$0x10600] =	vst v63  }
0x5cf: {  	s24 =	simm.s32 $0x10000;
	s25 =	sadd.s32 $0x70, s22;
	s22 =	sadd.s32 $0xF4280, s22  }
0x5d0: {  	[tilespmem:s31], [sflag:$0x1] =	stream.linear.gather [hbm4b:s30+s4], $0x10, $0x38;
	[tilespmem:$0x10600] =	vst v63  }
.LBB2_52:
0x5d1: {  	[tilespmem:s26], [sflag:$0x1] =	stream.linear.gather [hbm4b:s25+s4], $0x10, $0x38;
	[tilespmem:$0x10600] =	vst v63  }
0x5d2: {  	s25 =	smov.u32 s24  }
0x5d3: {  	s28 =	sadd.s32 $0x8000, s24;
	s26 =	sadd.s32 s23, s20;
	s23 =	sshra.s32 s25, $0x2  }
0x5d4: {  	p0 =	sne.s32 s24, $0x18000;
	s24 =	sadd.s32 $0x440, s26  }
0x5d5: {  	[tilespmem:s24], [sflag:$0x1] =	stream.linear.gather [hbm4b:s22+s4], $0x10, $0x38;
	[tilespmem:$0x10600] =	vst v63  }
0x5d6: {  	s25 =	sadd.s32 $0x4C0, s26;
	s24 =	sadd.s32 $0x10, s22  }
0x5d7: {  	[tilespmem:s25], [sflag:$0x1] =	stream.linear.gather [hbm4b:s24+s4], $0x10, $0x38;
	[tilespmem:$0x10600] =	vst v63  }
0x5d8: {  	s24 =	sadd.s32 $0x20, s22;
	s25 =	sadd.s32 $0x540, s26  }
0x5d9: {  	[tilespmem:s25], [sflag:$0x1] =	stream.linear.gather [hbm4b:s24+s4], $0x10, $0x38;
	[tilespmem:$0x10600] =	vst v63  }
0x5da: {  	s24 =	sadd.s32 $0x30, s22;
	s25 =	sadd.s32 $0x5C0, s26  }
0x5db: {  	[tilespmem:s25], [sflag:$0x1] =	stream.linear.gather [hbm4b:s24+s4], $0x10, $0x38;
	[tilespmem:$0x10600] =	vst v63  }
0x5dc: {  	s24 =	sadd.s32 $0x40, s22;
	s25 =	sadd.s32 $0x640, s26  }
0x5dd: {  	[tilespmem:s25], [sflag:$0x1] =	stream.linear.gather [hbm4b:s24+s4], $0x10, $0x38;
	[tilespmem:$0x10600] =	vst v63  }
.Ltmp24:
0x5de: {  	s24 =	sadd.s32 $0x50, s22;
	s25 =	sadd.s32 $0x6C0, s26;
	(pc) =	sbr.rel @p0 .LBB2_52-.Ltmp24, $4  }
0x5df: {  	[tilespmem:s25], [sflag:$0x1] =	stream.linear.gather [hbm4b:s24+s4], $0x10, $0x38;
	[tilespmem:$0x10600] =	vst v63  }
0x5e0: {  	s24 =	sadd.s32 $0x60, s22;
	s25 =	sadd.s32 $0x740, s26;
	s26 =	sadd.s32 $0x7C0, s26  }
0x5e1: {  	[tilespmem:s25], [sflag:$0x1] =	stream.linear.gather [hbm4b:s24+s4], $0x10, $0x38;
	[tilespmem:$0x10600] =	vst v63  }
0x5e2: {  	s25 =	sadd.s32 $0x70, s22;
	s22 =	sadd.s32 $0xF4280, s22;
	s24 =	smov.u32 s28  }
0x5e3: {  	[tilespmem:s26], [sflag:$0x1] =	stream.linear.gather [hbm4b:s25+s4], $0x10, $0x38;
	[tilespmem:$0x10600] =	vst v63  }
0x5e4: {  	s23 =	sadd.s32 s23, s20;
	(v2sf) =	vpush v3, $0xC  }
0x5e5: {  	s24 =	sadd.s32 $0x440, s23  }
0x5e6: {  	[tilespmem:s24], [sflag:$0x1] =	stream.linear.gather [hbm4b:s22+s4], $0x10, $0x38;
	[tilespmem:$0x10600] =	vst v63  }
0x5e7: {  	s25 =	sadd.s32 $0x10, s22;
	s26 =	sadd.s32 $0x4C0, s23  }
0x5e8: {  	[tilespmem:s26], [sflag:$0x1] =	stream.linear.gather [hbm4b:s25+s4], $0x10, $0x38;
	[tilespmem:$0x10600] =	vst v63  }
0x5e9: {  	s28 =	sadd.s32 $0x20, s22;
	s29 =	sadd.s32 $0x540, s23  }
0x5ea: {  	[tilespmem:s29], [sflag:$0x1] =	stream.linear.gather [hbm4b:s28+s4], $0x10, $0x38;
	[tilespmem:$0x10600] =	vst v63  }
0x5eb: {  	s30 =	sadd.s32 $0x30, s22;
	s31 =	sadd.s32 $0x5C0, s23  }
0x5ec: {  	[tilespmem:s31], [sflag:$0x1] =	stream.linear.gather [hbm4b:s30+s4], $0x10, $0x38;
	[tilespmem:$0x10600] =	vst v63  }
0x5ed: {  	s25 =	sadd.s32 $0x40, s22;
	s26 =	sadd.s32 $0x640, s23  }
0x5ee: {  	[tilespmem:s26], [sflag:$0x1] =	stream.linear.gather [hbm4b:s25+s4], $0x10, $0x38;
	[tilespmem:$0x10600] =	vst v63  }
0x5ef: {  	s28 =	sadd.s32 $0x50, s22;
	s29 =	sadd.s32 $0x6C0, s23  }
0x5f0: {  	[tilespmem:s29], [sflag:$0x1] =	stream.linear.gather [hbm4b:s28+s4], $0x10, $0x38;
	[tilespmem:$0x10600] =	vst v63  }
0x5f1: {  	s30 =	sadd.s32 $0x60, s22;
	s31 =	sadd.s32 $0x740, s23  }
0x5f2: {  	[tilespmem:s31], [sflag:$0x1] =	stream.linear.gather [hbm4b:s30+s4], $0x10, $0x38;
	[tilespmem:$0x10600] =	vst v63  }
0x5f3: {  	s23 =	sadd.s32 $0x7C0, s23;
	s25 =	sadd.s32 $0x70, s22;
	s26 =	spop (v2sf)  }
0x5f4: {  	[tilespmem:s23], [sflag:$0x1] =	stream.linear.gather [hbm4b:s25+s4], $0x10, $0x38;
	[tilespmem:$0x10600] =	vst v63  }
0x5f5: {  	s28 =	sand.u32 $0xF, s26  }
0x5f6: {  	s29 =	sshra.s32 s26, $0x1F;
	p0 =	slt.s32 s26, $0x1;
	p1 =	sne.s32 s28, $0x0  }
0x5f7: {  	s30 =	sshrl.u32 s29, $0x1C;
	p0 =	por !p0, !p1  }
0x5f8: {  	s23 =	simm.s32 $0x1;
	s22 =	sadd.s32 s30, s26;
	p0 =	por !p0, !p0  }
0x5f9: {  	s22 =	sshra.s32 s22, $0x4;
	s23 =	simm.s32 @!p0 $0x0  }
0x5fa: {  	s22 =	ssub.s32 s22, s23  }
0x5fb: {  	s23 =	sshll.u32 s22, $0x4;
	s22 =	sshll.u32 s22, $0x7  }
0x5fc: {  	s22 =	sand.u32 $0xFFFFFC00, s22;
	s23 =	sand.u32 $0x70, s23  }
0x5fd: {  	s22 =	sor.u32 s23, s22  }
0x5fe: {  	s26 =	sadd.s32 $0x0, s21;
	s22 =	sshrl.u32 s22, $0x3  }
0x5ff: {  	s31 =	sadd.s32 $0x440, s26;
	s22 =	sadd.s32 s2, s22  }
0x600: {  	[tilespmem:s31], [sflag:$0x1] =	stream.linear.gather [hbm4b:s22+s4], $0x10, $0x38;
	[tilespmem:$0x10600] =	vst v63  }
0x601: {  	s25 =	sadd.s32 $0x4C0, s26;
	s24 =	sadd.s32 $0x10, s22  }
0x602: {  	[tilespmem:s25], [sflag:$0x1] =	stream.linear.gather [hbm4b:s24+s4], $0x10, $0x38;
	[tilespmem:$0x10600] =	vst v63  }
0x603: {  	s29 =	sadd.s32 $0x540, s26;
	s23 =	simm.s32 $0x2000;
	s28 =	sadd.s32 $0x20, s22  }
0x604: {  	[tilespmem:s29], [sflag:$0x1] =	stream.linear.gather [hbm4b:s28+s4], $0x10, $0x38;
	[tilespmem:$0x10600] =	vst v63  }
0x605: {  	s30 =	sadd.s32 $0x30, s22;
	s31 =	sadd.s32 $0x5C0, s26;
	s24 =	sadd.s32 $0x40, s22  }
0x606: {  	[tilespmem:s31], [sflag:$0x1] =	stream.linear.gather [hbm4b:s30+s4], $0x10, $0x38;
	[tilespmem:$0x10600] =	vst v63  }
0x607: {  	s25 =	sadd.s32 $0x640, s26;
	s28 =	sadd.s32 $0x50, s22;
	s29 =	sadd.s32 $0x6C0, s26  }
0x608: {  	[tilespmem:s25], [sflag:$0x1] =	stream.linear.gather [hbm4b:s24+s4], $0x10, $0x38;
	[tilespmem:$0x10600] =	vst v63  }
0x609: {  	s30 =	sadd.s32 $0x60, s22;
	s31 =	sadd.s32 $0x740, s26;
	s26 =	sadd.s32 $0x7C0, s26  }
0x60a: {  	[tilespmem:s29], [sflag:$0x1] =	stream.linear.gather [hbm4b:s28+s4], $0x10, $0x38;
	[tilespmem:$0x10600] =	vst v63  }
0x60b: {  	s24 =	simm.s32 $0x10000;
	s25 =	sadd.s32 $0x70, s22;
	s22 =	sadd.s32 $0xF4280, s22  }
0x60c: {  	[tilespmem:s31], [sflag:$0x1] =	stream.linear.gather [hbm4b:s30+s4], $0x10, $0x38;
	[tilespmem:$0x10600] =	vst v63  }
.LBB2_54:
0x60d: {  	[tilespmem:s26], [sflag:$0x1] =	stream.linear.gather [hbm4b:s25+s4], $0x10, $0x38;
	[tilespmem:$0x10600] =	vst v63  }
0x60e: {  	s25 =	smov.u32 s24  }
0x60f: {  	s28 =	sadd.s32 $0x8000, s24;
	s26 =	sadd.s32 s23, s21;
	s23 =	sshra.s32 s25, $0x2  }
0x610: {  	p0 =	sne.s32 s24, $0x18000;
	s24 =	sadd.s32 $0x440, s26  }
0x611: {  	[tilespmem:s24], [sflag:$0x1] =	stream.linear.gather [hbm4b:s22+s4], $0x10, $0x38;
	[tilespmem:$0x10600] =	vst v63  }
0x612: {  	s25 =	sadd.s32 $0x4C0, s26;
	s24 =	sadd.s32 $0x10, s22  }
0x613: {  	[tilespmem:s25], [sflag:$0x1] =	stream.linear.gather [hbm4b:s24+s4], $0x10, $0x38;
	[tilespmem:$0x10600] =	vst v63  }
0x614: {  	s24 =	sadd.s32 $0x20, s22;
	s25 =	sadd.s32 $0x540, s26  }
0x615: {  	[tilespmem:s25], [sflag:$0x1] =	stream.linear.gather [hbm4b:s24+s4], $0x10, $0x38;
	[tilespmem:$0x10600] =	vst v63  }
0x616: {  	s24 =	sadd.s32 $0x30, s22;
	s25 =	sadd.s32 $0x5C0, s26  }
0x617: {  	[tilespmem:s25], [sflag:$0x1] =	stream.linear.gather [hbm4b:s24+s4], $0x10, $0x38;
	[tilespmem:$0x10600] =	vst v63  }
0x618: {  	s24 =	sadd.s32 $0x40, s22;
	s25 =	sadd.s32 $0x640, s26  }
0x619: {  	[tilespmem:s25], [sflag:$0x1] =	stream.linear.gather [hbm4b:s24+s4], $0x10, $0x38;
	[tilespmem:$0x10600] =	vst v63  }
.Ltmp25:
0x61a: {  	s24 =	sadd.s32 $0x50, s22;
	s25 =	sadd.s32 $0x6C0, s26;
	(pc) =	sbr.rel @p0 .LBB2_54-.Ltmp25, $4  }
0x61b: {  	[tilespmem:s25], [sflag:$0x1] =	stream.linear.gather [hbm4b:s24+s4], $0x10, $0x38;
	[tilespmem:$0x10600] =	vst v63  }
0x61c: {  	s24 =	sadd.s32 $0x60, s22;
	s25 =	sadd.s32 $0x740, s26;
	s26 =	sadd.s32 $0x7C0, s26  }
0x61d: {  	[tilespmem:s25], [sflag:$0x1] =	stream.linear.gather [hbm4b:s24+s4], $0x10, $0x38;
	[tilespmem:$0x10600] =	vst v63  }
0x61e: {  	s25 =	sadd.s32 $0x70, s22;
	s22 =	sadd.s32 $0xF4280, s22;
	s24 =	smov.u32 s28  }
0x61f: {  	[tilespmem:s26], [sflag:$0x1] =	stream.linear.gather [hbm4b:s25+s4], $0x10, $0x38;
	[tilespmem:$0x10600] =	vst v63  }
0x620: {  	s23 =	sadd.s32 s23, s21;
	(v2sf) =	vpush v4, $0xD  }
0x621: {  	s24 =	sadd.s32 $0x440, s23  }
0x622: {  	[tilespmem:s24], [sflag:$0x1] =	stream.linear.gather [hbm4b:s22+s4], $0x10, $0x38;
	[tilespmem:$0x10600] =	vst v63  }
0x623: {  	s25 =	sadd.s32 $0x10, s22;
	s26 =	sadd.s32 $0x4C0, s23  }
0x624: {  	[tilespmem:s26], [sflag:$0x1] =	stream.linear.gather [hbm4b:s25+s4], $0x10, $0x38;
	[tilespmem:$0x10600] =	vst v63  }
0x625: {  	s28 =	sadd.s32 $0x20, s22;
	s29 =	sadd.s32 $0x540, s23  }
0x626: {  	[tilespmem:s29], [sflag:$0x1] =	stream.linear.gather [hbm4b:s28+s4], $0x10, $0x38;
	[tilespmem:$0x10600] =	vst v63  }
0x627: {  	s30 =	sadd.s32 $0x30, s22;
	s31 =	sadd.s32 $0x5C0, s23  }
0x628: {  	[tilespmem:s31], [sflag:$0x1] =	stream.linear.gather [hbm4b:s30+s4], $0x10, $0x38;
	[tilespmem:$0x10600] =	vst v63  }
0x629: {  	s25 =	sadd.s32 $0x40, s22;
	s26 =	sadd.s32 $0x640, s23  }
0x62a: {  	[tilespmem:s26], [sflag:$0x1] =	stream.linear.gather [hbm4b:s25+s4], $0x10, $0x38;
	[tilespmem:$0x10600] =	vst v63  }
0x62b: {  	s28 =	sadd.s32 $0x50, s22;
	s29 =	sadd.s32 $0x6C0, s23  }
0x62c: {  	[tilespmem:s29], [sflag:$0x1] =	stream.linear.gather [hbm4b:s28+s4], $0x10, $0x38;
	[tilespmem:$0x10600] =	vst v63  }
0x62d: {  	s30 =	sadd.s32 $0x60, s22;
	s31 =	sadd.s32 $0x740, s23  }
0x62e: {  	[tilespmem:s31], [sflag:$0x1] =	stream.linear.gather [hbm4b:s30+s4], $0x10, $0x38;
	[tilespmem:$0x10600] =	vst v63  }
0x62f: {  	s23 =	sadd.s32 $0x7C0, s23;
	s25 =	sadd.s32 $0x70, s22;
	s26 =	spop (v2sf)  }
0x630: {  	[tilespmem:s23], [sflag:$0x1] =	stream.linear.gather [hbm4b:s25+s4], $0x10, $0x38;
	[tilespmem:$0x10600] =	vst v63  }
0x631: {  	s28 =	sand.u32 $0xF, s26  }
0x632: {  	s29 =	sshra.s32 s26, $0x1F;
	p0 =	slt.s32 s26, $0x1;
	p1 =	sne.s32 s28, $0x0  }
0x633: {  	s30 =	sshrl.u32 s29, $0x1C;
	p0 =	por !p0, !p1  }
0x634: {  	s23 =	simm.s32 $0x1;
	s22 =	sadd.s32 s30, s26;
	p0 =	por !p0, !p0  }
0x635: {  	s22 =	sshra.s32 s22, $0x4;
	s23 =	simm.s32 @!p0 $0x0  }
0x636: {  	s22 =	ssub.s32 s22, s23  }
0x637: {  	s23 =	sshll.u32 s22, $0x7;
	s22 =	sshll.u32 s22, $0x4  }
0x638: {  	s23 =	sand.u32 $0xFFFFFC00, s23;
	s22 =	sand.u32 $0x70, s22  }
0x639: {  	s22 =	sor.u32 s22, s23  }
0x63a: {  	s26 =	sadd.s32 $0x0, s20;
	s22 =	sshrl.u32 s22, $0x3  }
0x63b: {  	s31 =	sadd.s32 $0x450, s26;
	s22 =	sadd.s32 s1, s22  }
0x63c: {  	[tilespmem:s31], [sflag:$0x1] =	stream.linear.gather [hbm4b:s22+s4], $0x10, $0x38;
	[tilespmem:$0x10600] =	vst v63  }
0x63d: {  	s25 =	sadd.s32 $0x4D0, s26;
	s24 =	sadd.s32 $0x10, s22  }
0x63e: {  	[tilespmem:s25], [sflag:$0x1] =	stream.linear.gather [hbm4b:s24+s4], $0x10, $0x38;
	[tilespmem:$0x10600] =	vst v63  }
0x63f: {  	s29 =	sadd.s32 $0x550, s26;
	s23 =	simm.s32 $0x2000;
	s28 =	sadd.s32 $0x20, s22  }
0x640: {  	[tilespmem:s29], [sflag:$0x1] =	stream.linear.gather [hbm4b:s28+s4], $0x10, $0x38;
	[tilespmem:$0x10600] =	vst v63  }
0x641: {  	s30 =	sadd.s32 $0x30, s22;
	s31 =	sadd.s32 $0x5D0, s26;
	s24 =	sadd.s32 $0x40, s22  }
0x642: {  	[tilespmem:s31], [sflag:$0x1] =	stream.linear.gather [hbm4b:s30+s4], $0x10, $0x38;
	[tilespmem:$0x10600] =	vst v63  }
0x643: {  	s25 =	sadd.s32 $0x650, s26;
	s28 =	sadd.s32 $0x50, s22;
	s29 =	sadd.s32 $0x6D0, s26  }
0x644: {  	[tilespmem:s25], [sflag:$0x1] =	stream.linear.gather [hbm4b:s24+s4], $0x10, $0x38;
	[tilespmem:$0x10600] =	vst v63  }
0x645: {  	s30 =	sadd.s32 $0x60, s22;
	s31 =	sadd.s32 $0x750, s26;
	s26 =	sadd.s32 $0x7D0, s26  }
0x646: {  	[tilespmem:s29], [sflag:$0x1] =	stream.linear.gather [hbm4b:s28+s4], $0x10, $0x38;
	[tilespmem:$0x10600] =	vst v63  }
0x647: {  	s24 =	simm.s32 $0x10000;
	s25 =	sadd.s32 $0x70, s22;
	s22 =	sadd.s32 $0xF4280, s22  }
0x648: {  	[tilespmem:s31], [sflag:$0x1] =	stream.linear.gather [hbm4b:s30+s4], $0x10, $0x38;
	[tilespmem:$0x10600] =	vst v63  }
.LBB2_56:
0x649: {  	[tilespmem:s26], [sflag:$0x1] =	stream.linear.gather [hbm4b:s25+s4], $0x10, $0x38;
	[tilespmem:$0x10600] =	vst v63  }
0x64a: {  	s25 =	smov.u32 s24  }
0x64b: {  	s28 =	sadd.s32 $0x8000, s24;
	s26 =	sadd.s32 s23, s20;
	s23 =	sshra.s32 s25, $0x2  }
0x64c: {  	p0 =	sne.s32 s24, $0x18000;
	s24 =	sadd.s32 $0x450, s26  }
0x64d: {  	[tilespmem:s24], [sflag:$0x1] =	stream.linear.gather [hbm4b:s22+s4], $0x10, $0x38;
	[tilespmem:$0x10600] =	vst v63  }
0x64e: {  	s25 =	sadd.s32 $0x4D0, s26;
	s24 =	sadd.s32 $0x10, s22  }
0x64f: {  	[tilespmem:s25], [sflag:$0x1] =	stream.linear.gather [hbm4b:s24+s4], $0x10, $0x38;
	[tilespmem:$0x10600] =	vst v63  }
0x650: {  	s24 =	sadd.s32 $0x20, s22;
	s25 =	sadd.s32 $0x550, s26  }
0x651: {  	[tilespmem:s25], [sflag:$0x1] =	stream.linear.gather [hbm4b:s24+s4], $0x10, $0x38;
	[tilespmem:$0x10600] =	vst v63  }
0x652: {  	s24 =	sadd.s32 $0x30, s22;
	s25 =	sadd.s32 $0x5D0, s26  }
0x653: {  	[tilespmem:s25], [sflag:$0x1] =	stream.linear.gather [hbm4b:s24+s4], $0x10, $0x38;
	[tilespmem:$0x10600] =	vst v63  }
0x654: {  	s24 =	sadd.s32 $0x40, s22;
	s25 =	sadd.s32 $0x650, s26  }
0x655: {  	[tilespmem:s25], [sflag:$0x1] =	stream.linear.gather [hbm4b:s24+s4], $0x10, $0x38;
	[tilespmem:$0x10600] =	vst v63  }
.Ltmp26:
0x656: {  	s24 =	sadd.s32 $0x50, s22;
	s25 =	sadd.s32 $0x6D0, s26;
	(pc) =	sbr.rel @p0 .LBB2_56-.Ltmp26, $4  }
0x657: {  	[tilespmem:s25], [sflag:$0x1] =	stream.linear.gather [hbm4b:s24+s4], $0x10, $0x38;
	[tilespmem:$0x10600] =	vst v63  }
0x658: {  	s24 =	sadd.s32 $0x60, s22;
	s25 =	sadd.s32 $0x750, s26;
	s26 =	sadd.s32 $0x7D0, s26  }
0x659: {  	[tilespmem:s25], [sflag:$0x1] =	stream.linear.gather [hbm4b:s24+s4], $0x10, $0x38;
	[tilespmem:$0x10600] =	vst v63  }
0x65a: {  	s25 =	sadd.s32 $0x70, s22;
	s22 =	sadd.s32 $0xF4280, s22;
	s24 =	smov.u32 s28  }
0x65b: {  	[tilespmem:s26], [sflag:$0x1] =	stream.linear.gather [hbm4b:s25+s4], $0x10, $0x38;
	[tilespmem:$0x10600] =	vst v63  }
0x65c: {  	s23 =	sadd.s32 s23, s20;
	(v2sf) =	vpush v3, $0xD  }
0x65d: {  	s24 =	sadd.s32 $0x450, s23  }
0x65e: {  	[tilespmem:s24], [sflag:$0x1] =	stream.linear.gather [hbm4b:s22+s4], $0x10, $0x38;
	[tilespmem:$0x10600] =	vst v63  }
0x65f: {  	s25 =	sadd.s32 $0x10, s22;
	s26 =	sadd.s32 $0x4D0, s23  }
0x660: {  	[tilespmem:s26], [sflag:$0x1] =	stream.linear.gather [hbm4b:s25+s4], $0x10, $0x38;
	[tilespmem:$0x10600] =	vst v63  }
0x661: {  	s28 =	sadd.s32 $0x20, s22;
	s29 =	sadd.s32 $0x550, s23  }
0x662: {  	[tilespmem:s29], [sflag:$0x1] =	stream.linear.gather [hbm4b:s28+s4], $0x10, $0x38;
	[tilespmem:$0x10600] =	vst v63  }
0x663: {  	s30 =	sadd.s32 $0x30, s22;
	s31 =	sadd.s32 $0x5D0, s23  }
0x664: {  	[tilespmem:s31], [sflag:$0x1] =	stream.linear.gather [hbm4b:s30+s4], $0x10, $0x38;
	[tilespmem:$0x10600] =	vst v63  }
0x665: {  	s25 =	sadd.s32 $0x40, s22;
	s26 =	sadd.s32 $0x650, s23  }
0x666: {  	[tilespmem:s26], [sflag:$0x1] =	stream.linear.gather [hbm4b:s25+s4], $0x10, $0x38;
	[tilespmem:$0x10600] =	vst v63  }
0x667: {  	s28 =	sadd.s32 $0x50, s22;
	s29 =	sadd.s32 $0x6D0, s23  }
0x668: {  	[tilespmem:s29], [sflag:$0x1] =	stream.linear.gather [hbm4b:s28+s4], $0x10, $0x38;
	[tilespmem:$0x10600] =	vst v63  }
0x669: {  	s30 =	sadd.s32 $0x60, s22;
	s31 =	sadd.s32 $0x750, s23  }
0x66a: {  	[tilespmem:s31], [sflag:$0x1] =	stream.linear.gather [hbm4b:s30+s4], $0x10, $0x38;
	[tilespmem:$0x10600] =	vst v63  }
0x66b: {  	s23 =	sadd.s32 $0x7D0, s23;
	s25 =	sadd.s32 $0x70, s22;
	s26 =	spop (v2sf)  }
0x66c: {  	[tilespmem:s23], [sflag:$0x1] =	stream.linear.gather [hbm4b:s25+s4], $0x10, $0x38;
	[tilespmem:$0x10600] =	vst v63  }
0x66d: {  	s28 =	sand.u32 $0xF, s26  }
0x66e: {  	s29 =	sshra.s32 s26, $0x1F;
	p0 =	slt.s32 s26, $0x1;
	p1 =	sne.s32 s28, $0x0  }
0x66f: {  	s30 =	sshrl.u32 s29, $0x1C;
	p0 =	por !p0, !p1  }
0x670: {  	s23 =	simm.s32 $0x1;
	s22 =	sadd.s32 s30, s26;
	p0 =	por !p0, !p0  }
0x671: {  	s22 =	sshra.s32 s22, $0x4;
	s23 =	simm.s32 @!p0 $0x0  }
0x672: {  	s22 =	ssub.s32 s22, s23  }
0x673: {  	s23 =	sshll.u32 s22, $0x4;
	s22 =	sshll.u32 s22, $0x7  }
0x674: {  	s22 =	sand.u32 $0xFFFFFC00, s22;
	s23 =	sand.u32 $0x70, s23  }
0x675: {  	s22 =	sor.u32 s23, s22  }
0x676: {  	s26 =	sadd.s32 $0x0, s21;
	s22 =	sshrl.u32 s22, $0x3  }
0x677: {  	s31 =	sadd.s32 $0x450, s26;
	s22 =	sadd.s32 s2, s22  }
0x678: {  	[tilespmem:s31], [sflag:$0x1] =	stream.linear.gather [hbm4b:s22+s4], $0x10, $0x38;
	[tilespmem:$0x10600] =	vst v63  }
0x679: {  	s25 =	sadd.s32 $0x4D0, s26;
	s24 =	sadd.s32 $0x10, s22  }
0x67a: {  	[tilespmem:s25], [sflag:$0x1] =	stream.linear.gather [hbm4b:s24+s4], $0x10, $0x38;
	[tilespmem:$0x10600] =	vst v63  }
0x67b: {  	s29 =	sadd.s32 $0x550, s26;
	s23 =	simm.s32 $0x2000;
	s28 =	sadd.s32 $0x20, s22  }
0x67c: {  	[tilespmem:s29], [sflag:$0x1] =	stream.linear.gather [hbm4b:s28+s4], $0x10, $0x38;
	[tilespmem:$0x10600] =	vst v63  }
0x67d: {  	s30 =	sadd.s32 $0x30, s22;
	s31 =	sadd.s32 $0x5D0, s26;
	s24 =	sadd.s32 $0x40, s22  }
0x67e: {  	[tilespmem:s31], [sflag:$0x1] =	stream.linear.gather [hbm4b:s30+s4], $0x10, $0x38;
	[tilespmem:$0x10600] =	vst v63  }
0x67f: {  	s25 =	sadd.s32 $0x650, s26;
	s28 =	sadd.s32 $0x50, s22;
	s29 =	sadd.s32 $0x6D0, s26  }
0x680: {  	[tilespmem:s25], [sflag:$0x1] =	stream.linear.gather [hbm4b:s24+s4], $0x10, $0x38;
	[tilespmem:$0x10600] =	vst v63  }
0x681: {  	s30 =	sadd.s32 $0x60, s22;
	s31 =	sadd.s32 $0x750, s26;
	s26 =	sadd.s32 $0x7D0, s26  }
0x682: {  	[tilespmem:s29], [sflag:$0x1] =	stream.linear.gather [hbm4b:s28+s4], $0x10, $0x38;
	[tilespmem:$0x10600] =	vst v63  }
0x683: {  	s24 =	simm.s32 $0x10000;
	s25 =	sadd.s32 $0x70, s22;
	s22 =	sadd.s32 $0xF4280, s22  }
0x684: {  	[tilespmem:s31], [sflag:$0x1] =	stream.linear.gather [hbm4b:s30+s4], $0x10, $0x38;
	[tilespmem:$0x10600] =	vst v63  }
.LBB2_58:
0x685: {  	[tilespmem:s26], [sflag:$0x1] =	stream.linear.gather [hbm4b:s25+s4], $0x10, $0x38;
	[tilespmem:$0x10600] =	vst v63  }
0x686: {  	s25 =	smov.u32 s24  }
0x687: {  	s28 =	sadd.s32 $0x8000, s24;
	s26 =	sadd.s32 s23, s21;
	s23 =	sshra.s32 s25, $0x2  }
0x688: {  	p0 =	sne.s32 s24, $0x18000;
	s24 =	sadd.s32 $0x450, s26  }
0x689: {  	[tilespmem:s24], [sflag:$0x1] =	stream.linear.gather [hbm4b:s22+s4], $0x10, $0x38;
	[tilespmem:$0x10600] =	vst v63  }
0x68a: {  	s25 =	sadd.s32 $0x4D0, s26;
	s24 =	sadd.s32 $0x10, s22  }
0x68b: {  	[tilespmem:s25], [sflag:$0x1] =	stream.linear.gather [hbm4b:s24+s4], $0x10, $0x38;
	[tilespmem:$0x10600] =	vst v63  }
0x68c: {  	s24 =	sadd.s32 $0x20, s22;
	s25 =	sadd.s32 $0x550, s26  }
0x68d: {  	[tilespmem:s25], [sflag:$0x1] =	stream.linear.gather [hbm4b:s24+s4], $0x10, $0x38;
	[tilespmem:$0x10600] =	vst v63  }
0x68e: {  	s24 =	sadd.s32 $0x30, s22;
	s25 =	sadd.s32 $0x5D0, s26  }
0x68f: {  	[tilespmem:s25], [sflag:$0x1] =	stream.linear.gather [hbm4b:s24+s4], $0x10, $0x38;
	[tilespmem:$0x10600] =	vst v63  }
0x690: {  	s24 =	sadd.s32 $0x40, s22;
	s25 =	sadd.s32 $0x650, s26  }
0x691: {  	[tilespmem:s25], [sflag:$0x1] =	stream.linear.gather [hbm4b:s24+s4], $0x10, $0x38;
	[tilespmem:$0x10600] =	vst v63  }
.Ltmp27:
0x692: {  	s24 =	sadd.s32 $0x50, s22;
	s25 =	sadd.s32 $0x6D0, s26;
	(pc) =	sbr.rel @p0 .LBB2_58-.Ltmp27, $4  }
0x693: {  	[tilespmem:s25], [sflag:$0x1] =	stream.linear.gather [hbm4b:s24+s4], $0x10, $0x38;
	[tilespmem:$0x10600] =	vst v63  }
0x694: {  	s24 =	sadd.s32 $0x60, s22;
	s25 =	sadd.s32 $0x750, s26;
	s26 =	sadd.s32 $0x7D0, s26  }
0x695: {  	[tilespmem:s25], [sflag:$0x1] =	stream.linear.gather [hbm4b:s24+s4], $0x10, $0x38;
	[tilespmem:$0x10600] =	vst v63  }
0x696: {  	s25 =	sadd.s32 $0x70, s22;
	s22 =	sadd.s32 $0xF4280, s22;
	s24 =	smov.u32 s28  }
0x697: {  	[tilespmem:s26], [sflag:$0x1] =	stream.linear.gather [hbm4b:s25+s4], $0x10, $0x38;
	[tilespmem:$0x10600] =	vst v63  }
0x698: {  	s23 =	sadd.s32 s23, s21;
	(v2sf) =	vpush v4, $0xE  }
0x699: {  	s24 =	sadd.s32 $0x450, s23  }
0x69a: {  	[tilespmem:s24], [sflag:$0x1] =	stream.linear.gather [hbm4b:s22+s4], $0x10, $0x38;
	[tilespmem:$0x10600] =	vst v63  }
0x69b: {  	s25 =	sadd.s32 $0x10, s22;
	s26 =	sadd.s32 $0x4D0, s23  }
0x69c: {  	[tilespmem:s26], [sflag:$0x1] =	stream.linear.gather [hbm4b:s25+s4], $0x10, $0x38;
	[tilespmem:$0x10600] =	vst v63  }
0x69d: {  	s28 =	sadd.s32 $0x20, s22;
	s29 =	sadd.s32 $0x550, s23  }
0x69e: {  	[tilespmem:s29], [sflag:$0x1] =	stream.linear.gather [hbm4b:s28+s4], $0x10, $0x38;
	[tilespmem:$0x10600] =	vst v63  }
0x69f: {  	s30 =	sadd.s32 $0x30, s22;
	s31 =	sadd.s32 $0x5D0, s23  }
0x6a0: {  	[tilespmem:s31], [sflag:$0x1] =	stream.linear.gather [hbm4b:s30+s4], $0x10, $0x38;
	[tilespmem:$0x10600] =	vst v63  }
0x6a1: {  	s25 =	sadd.s32 $0x40, s22;
	s26 =	sadd.s32 $0x650, s23  }
0x6a2: {  	[tilespmem:s26], [sflag:$0x1] =	stream.linear.gather [hbm4b:s25+s4], $0x10, $0x38;
	[tilespmem:$0x10600] =	vst v63  }
0x6a3: {  	s28 =	sadd.s32 $0x50, s22;
	s29 =	sadd.s32 $0x6D0, s23  }
0x6a4: {  	[tilespmem:s29], [sflag:$0x1] =	stream.linear.gather [hbm4b:s28+s4], $0x10, $0x38;
	[tilespmem:$0x10600] =	vst v63  }
0x6a5: {  	s30 =	sadd.s32 $0x60, s22;
	s31 =	sadd.s32 $0x750, s23  }
0x6a6: {  	[tilespmem:s31], [sflag:$0x1] =	stream.linear.gather [hbm4b:s30+s4], $0x10, $0x38;
	[tilespmem:$0x10600] =	vst v63  }
0x6a7: {  	s23 =	sadd.s32 $0x7D0, s23;
	s25 =	sadd.s32 $0x70, s22;
	s26 =	spop (v2sf)  }
0x6a8: {  	[tilespmem:s23], [sflag:$0x1] =	stream.linear.gather [hbm4b:s25+s4], $0x10, $0x38;
	[tilespmem:$0x10600] =	vst v63  }
0x6a9: {  	s28 =	sand.u32 $0xF, s26  }
0x6aa: {  	s29 =	sshra.s32 s26, $0x1F;
	p0 =	slt.s32 s26, $0x1;
	p1 =	sne.s32 s28, $0x0  }
0x6ab: {  	s30 =	sshrl.u32 s29, $0x1C;
	p0 =	por !p0, !p1  }
0x6ac: {  	s23 =	simm.s32 $0x1;
	s22 =	sadd.s32 s30, s26;
	p0 =	por !p0, !p0  }
0x6ad: {  	s22 =	sshra.s32 s22, $0x4;
	s23 =	simm.s32 @!p0 $0x0  }
0x6ae: {  	s22 =	ssub.s32 s22, s23  }
0x6af: {  	s23 =	sshll.u32 s22, $0x7;
	s22 =	sshll.u32 s22, $0x4  }
0x6b0: {  	s23 =	sand.u32 $0xFFFFFC00, s23;
	s22 =	sand.u32 $0x70, s22  }
0x6b1: {  	s22 =	sor.u32 s22, s23  }
0x6b2: {  	s26 =	sadd.s32 $0x0, s20;
	s22 =	sshrl.u32 s22, $0x3  }
0x6b3: {  	s31 =	sadd.s32 $0x460, s26;
	s22 =	sadd.s32 s1, s22  }
0x6b4: {  	[tilespmem:s31], [sflag:$0x1] =	stream.linear.gather [hbm4b:s22+s4], $0x10, $0x38;
	[tilespmem:$0x10600] =	vst v63  }
0x6b5: {  	s25 =	sadd.s32 $0x4E0, s26;
	s24 =	sadd.s32 $0x10, s22  }
0x6b6: {  	[tilespmem:s25], [sflag:$0x1] =	stream.linear.gather [hbm4b:s24+s4], $0x10, $0x38;
	[tilespmem:$0x10600] =	vst v63  }
0x6b7: {  	s29 =	sadd.s32 $0x560, s26;
	s23 =	simm.s32 $0x2000;
	s28 =	sadd.s32 $0x20, s22  }
0x6b8: {  	[tilespmem:s29], [sflag:$0x1] =	stream.linear.gather [hbm4b:s28+s4], $0x10, $0x38;
	[tilespmem:$0x10600] =	vst v63  }
0x6b9: {  	s30 =	sadd.s32 $0x30, s22;
	s31 =	sadd.s32 $0x5E0, s26;
	s24 =	sadd.s32 $0x40, s22  }
0x6ba: {  	[tilespmem:s31], [sflag:$0x1] =	stream.linear.gather [hbm4b:s30+s4], $0x10, $0x38;
	[tilespmem:$0x10600] =	vst v63  }
0x6bb: {  	s25 =	sadd.s32 $0x660, s26;
	s28 =	sadd.s32 $0x50, s22;
	s29 =	sadd.s32 $0x6E0, s26  }
0x6bc: {  	[tilespmem:s25], [sflag:$0x1] =	stream.linear.gather [hbm4b:s24+s4], $0x10, $0x38;
	[tilespmem:$0x10600] =	vst v63  }
0x6bd: {  	s30 =	sadd.s32 $0x60, s22;
	s31 =	sadd.s32 $0x760, s26;
	s26 =	sadd.s32 $0x7E0, s26  }
0x6be: {  	[tilespmem:s29], [sflag:$0x1] =	stream.linear.gather [hbm4b:s28+s4], $0x10, $0x38;
	[tilespmem:$0x10600] =	vst v63  }
0x6bf: {  	s24 =	simm.s32 $0x10000;
	s25 =	sadd.s32 $0x70, s22;
	s22 =	sadd.s32 $0xF4280, s22  }
0x6c0: {  	[tilespmem:s31], [sflag:$0x1] =	stream.linear.gather [hbm4b:s30+s4], $0x10, $0x38;
	[tilespmem:$0x10600] =	vst v63  }
.LBB2_60:
0x6c1: {  	[tilespmem:s26], [sflag:$0x1] =	stream.linear.gather [hbm4b:s25+s4], $0x10, $0x38;
	[tilespmem:$0x10600] =	vst v63  }
0x6c2: {  	s25 =	smov.u32 s24  }
0x6c3: {  	s28 =	sadd.s32 $0x8000, s24;
	s26 =	sadd.s32 s23, s20;
	s23 =	sshra.s32 s25, $0x2  }
0x6c4: {  	p0 =	sne.s32 s24, $0x18000;
	s24 =	sadd.s32 $0x460, s26  }
0x6c5: {  	[tilespmem:s24], [sflag:$0x1] =	stream.linear.gather [hbm4b:s22+s4], $0x10, $0x38;
	[tilespmem:$0x10600] =	vst v63  }
0x6c6: {  	s25 =	sadd.s32 $0x4E0, s26;
	s24 =	sadd.s32 $0x10, s22  }
0x6c7: {  	[tilespmem:s25], [sflag:$0x1] =	stream.linear.gather [hbm4b:s24+s4], $0x10, $0x38;
	[tilespmem:$0x10600] =	vst v63  }
0x6c8: {  	s24 =	sadd.s32 $0x20, s22;
	s25 =	sadd.s32 $0x560, s26  }
0x6c9: {  	[tilespmem:s25], [sflag:$0x1] =	stream.linear.gather [hbm4b:s24+s4], $0x10, $0x38;
	[tilespmem:$0x10600] =	vst v63  }
0x6ca: {  	s24 =	sadd.s32 $0x30, s22;
	s25 =	sadd.s32 $0x5E0, s26  }
0x6cb: {  	[tilespmem:s25], [sflag:$0x1] =	stream.linear.gather [hbm4b:s24+s4], $0x10, $0x38;
	[tilespmem:$0x10600] =	vst v63  }
0x6cc: {  	s24 =	sadd.s32 $0x40, s22;
	s25 =	sadd.s32 $0x660, s26  }
0x6cd: {  	[tilespmem:s25], [sflag:$0x1] =	stream.linear.gather [hbm4b:s24+s4], $0x10, $0x38;
	[tilespmem:$0x10600] =	vst v63  }
.Ltmp28:
0x6ce: {  	s24 =	sadd.s32 $0x50, s22;
	s25 =	sadd.s32 $0x6E0, s26;
	(pc) =	sbr.rel @p0 .LBB2_60-.Ltmp28, $4  }
0x6cf: {  	[tilespmem:s25], [sflag:$0x1] =	stream.linear.gather [hbm4b:s24+s4], $0x10, $0x38;
	[tilespmem:$0x10600] =	vst v63  }
0x6d0: {  	s24 =	sadd.s32 $0x60, s22;
	s25 =	sadd.s32 $0x760, s26;
	s26 =	sadd.s32 $0x7E0, s26  }
0x6d1: {  	[tilespmem:s25], [sflag:$0x1] =	stream.linear.gather [hbm4b:s24+s4], $0x10, $0x38;
	[tilespmem:$0x10600] =	vst v63  }
0x6d2: {  	s25 =	sadd.s32 $0x70, s22;
	s22 =	sadd.s32 $0xF4280, s22;
	s24 =	smov.u32 s28  }
0x6d3: {  	[tilespmem:s26], [sflag:$0x1] =	stream.linear.gather [hbm4b:s25+s4], $0x10, $0x38;
	[tilespmem:$0x10600] =	vst v63  }
0x6d4: {  	s23 =	sadd.s32 s23, s20;
	(v2sf) =	vpush v3, $0xE  }
0x6d5: {  	s24 =	sadd.s32 $0x460, s23  }
0x6d6: {  	[tilespmem:s24], [sflag:$0x1] =	stream.linear.gather [hbm4b:s22+s4], $0x10, $0x38;
	[tilespmem:$0x10600] =	vst v63  }
0x6d7: {  	s25 =	sadd.s32 $0x10, s22;
	s26 =	sadd.s32 $0x4E0, s23  }
0x6d8: {  	[tilespmem:s26], [sflag:$0x1] =	stream.linear.gather [hbm4b:s25+s4], $0x10, $0x38;
	[tilespmem:$0x10600] =	vst v63  }
0x6d9: {  	s28 =	sadd.s32 $0x20, s22;
	s29 =	sadd.s32 $0x560, s23  }
0x6da: {  	[tilespmem:s29], [sflag:$0x1] =	stream.linear.gather [hbm4b:s28+s4], $0x10, $0x38;
	[tilespmem:$0x10600] =	vst v63  }
0x6db: {  	s30 =	sadd.s32 $0x30, s22;
	s31 =	sadd.s32 $0x5E0, s23  }
0x6dc: {  	[tilespmem:s31], [sflag:$0x1] =	stream.linear.gather [hbm4b:s30+s4], $0x10, $0x38;
	[tilespmem:$0x10600] =	vst v63  }
0x6dd: {  	s25 =	sadd.s32 $0x40, s22;
	s26 =	sadd.s32 $0x660, s23  }
0x6de: {  	[tilespmem:s26], [sflag:$0x1] =	stream.linear.gather [hbm4b:s25+s4], $0x10, $0x38;
	[tilespmem:$0x10600] =	vst v63  }
0x6df: {  	s28 =	sadd.s32 $0x50, s22;
	s29 =	sadd.s32 $0x6E0, s23  }
0x6e0: {  	[tilespmem:s29], [sflag:$0x1] =	stream.linear.gather [hbm4b:s28+s4], $0x10, $0x38;
	[tilespmem:$0x10600] =	vst v63  }
0x6e1: {  	s30 =	sadd.s32 $0x60, s22;
	s31 =	sadd.s32 $0x760, s23  }
0x6e2: {  	[tilespmem:s31], [sflag:$0x1] =	stream.linear.gather [hbm4b:s30+s4], $0x10, $0x38;
	[tilespmem:$0x10600] =	vst v63  }
0x6e3: {  	s23 =	sadd.s32 $0x7E0, s23;
	s25 =	sadd.s32 $0x70, s22;
	s26 =	spop (v2sf)  }
0x6e4: {  	[tilespmem:s23], [sflag:$0x1] =	stream.linear.gather [hbm4b:s25+s4], $0x10, $0x38;
	[tilespmem:$0x10600] =	vst v63  }
0x6e5: {  	s28 =	sand.u32 $0xF, s26  }
0x6e6: {  	s29 =	sshra.s32 s26, $0x1F;
	p0 =	slt.s32 s26, $0x1;
	p1 =	sne.s32 s28, $0x0  }
0x6e7: {  	s30 =	sshrl.u32 s29, $0x1C;
	p0 =	por !p0, !p1  }
0x6e8: {  	s23 =	simm.s32 $0x1;
	s22 =	sadd.s32 s30, s26;
	p0 =	por !p0, !p0  }
0x6e9: {  	s22 =	sshra.s32 s22, $0x4;
	s23 =	simm.s32 @!p0 $0x0  }
0x6ea: {  	s22 =	ssub.s32 s22, s23  }
0x6eb: {  	s23 =	sshll.u32 s22, $0x4;
	s22 =	sshll.u32 s22, $0x7  }
0x6ec: {  	s22 =	sand.u32 $0xFFFFFC00, s22;
	s23 =	sand.u32 $0x70, s23  }
0x6ed: {  	s22 =	sor.u32 s23, s22  }
0x6ee: {  	s26 =	sadd.s32 $0x0, s21;
	s22 =	sshrl.u32 s22, $0x3  }
0x6ef: {  	s31 =	sadd.s32 $0x460, s26;
	s22 =	sadd.s32 s2, s22  }
0x6f0: {  	[tilespmem:s31], [sflag:$0x1] =	stream.linear.gather [hbm4b:s22+s4], $0x10, $0x38;
	[tilespmem:$0x10600] =	vst v63  }
0x6f1: {  	s25 =	sadd.s32 $0x4E0, s26;
	s24 =	sadd.s32 $0x10, s22  }
0x6f2: {  	[tilespmem:s25], [sflag:$0x1] =	stream.linear.gather [hbm4b:s24+s4], $0x10, $0x38;
	[tilespmem:$0x10600] =	vst v63  }
0x6f3: {  	s29 =	sadd.s32 $0x560, s26;
	s23 =	simm.s32 $0x2000;
	s28 =	sadd.s32 $0x20, s22  }
0x6f4: {  	[tilespmem:s29], [sflag:$0x1] =	stream.linear.gather [hbm4b:s28+s4], $0x10, $0x38;
	[tilespmem:$0x10600] =	vst v63  }
0x6f5: {  	s30 =	sadd.s32 $0x30, s22;
	s31 =	sadd.s32 $0x5E0, s26;
	s24 =	sadd.s32 $0x40, s22  }
0x6f6: {  	[tilespmem:s31], [sflag:$0x1] =	stream.linear.gather [hbm4b:s30+s4], $0x10, $0x38;
	[tilespmem:$0x10600] =	vst v63  }
0x6f7: {  	s25 =	sadd.s32 $0x660, s26;
	s28 =	sadd.s32 $0x50, s22;
	s29 =	sadd.s32 $0x6E0, s26  }
0x6f8: {  	[tilespmem:s25], [sflag:$0x1] =	stream.linear.gather [hbm4b:s24+s4], $0x10, $0x38;
	[tilespmem:$0x10600] =	vst v63  }
0x6f9: {  	s30 =	sadd.s32 $0x60, s22;
	s31 =	sadd.s32 $0x760, s26;
	s26 =	sadd.s32 $0x7E0, s26  }
0x6fa: {  	[tilespmem:s29], [sflag:$0x1] =	stream.linear.gather [hbm4b:s28+s4], $0x10, $0x38;
	[tilespmem:$0x10600] =	vst v63  }
0x6fb: {  	s24 =	simm.s32 $0x10000;
	s25 =	sadd.s32 $0x70, s22;
	s22 =	sadd.s32 $0xF4280, s22  }
0x6fc: {  	[tilespmem:s31], [sflag:$0x1] =	stream.linear.gather [hbm4b:s30+s4], $0x10, $0x38;
	[tilespmem:$0x10600] =	vst v63  }
.LBB2_62:
0x6fd: {  	[tilespmem:s26], [sflag:$0x1] =	stream.linear.gather [hbm4b:s25+s4], $0x10, $0x38;
	[tilespmem:$0x10600] =	vst v63  }
0x6fe: {  	s25 =	smov.u32 s24  }
0x6ff: {  	s28 =	sadd.s32 $0x8000, s24;
	s26 =	sadd.s32 s23, s21;
	s23 =	sshra.s32 s25, $0x2  }
0x700: {  	p0 =	sne.s32 s24, $0x18000;
	s24 =	sadd.s32 $0x460, s26  }
0x701: {  	[tilespmem:s24], [sflag:$0x1] =	stream.linear.gather [hbm4b:s22+s4], $0x10, $0x38;
	[tilespmem:$0x10600] =	vst v63  }
0x702: {  	s25 =	sadd.s32 $0x4E0, s26;
	s24 =	sadd.s32 $0x10, s22  }
0x703: {  	[tilespmem:s25], [sflag:$0x1] =	stream.linear.gather [hbm4b:s24+s4], $0x10, $0x38;
	[tilespmem:$0x10600] =	vst v63  }
0x704: {  	s24 =	sadd.s32 $0x20, s22;
	s25 =	sadd.s32 $0x560, s26  }
0x705: {  	[tilespmem:s25], [sflag:$0x1] =	stream.linear.gather [hbm4b:s24+s4], $0x10, $0x38;
	[tilespmem:$0x10600] =	vst v63  }
0x706: {  	s24 =	sadd.s32 $0x30, s22;
	s25 =	sadd.s32 $0x5E0, s26  }
0x707: {  	[tilespmem:s25], [sflag:$0x1] =	stream.linear.gather [hbm4b:s24+s4], $0x10, $0x38;
	[tilespmem:$0x10600] =	vst v63  }
0x708: {  	s24 =	sadd.s32 $0x40, s22;
	s25 =	sadd.s32 $0x660, s26  }
0x709: {  	[tilespmem:s25], [sflag:$0x1] =	stream.linear.gather [hbm4b:s24+s4], $0x10, $0x38;
	[tilespmem:$0x10600] =	vst v63  }
.Ltmp29:
0x70a: {  	s24 =	sadd.s32 $0x50, s22;
	s25 =	sadd.s32 $0x6E0, s26;
	(pc) =	sbr.rel @p0 .LBB2_62-.Ltmp29, $4  }
0x70b: {  	[tilespmem:s25], [sflag:$0x1] =	stream.linear.gather [hbm4b:s24+s4], $0x10, $0x38;
	[tilespmem:$0x10600] =	vst v63  }
0x70c: {  	s24 =	sadd.s32 $0x60, s22;
	s25 =	sadd.s32 $0x760, s26;
	s26 =	sadd.s32 $0x7E0, s26  }
0x70d: {  	[tilespmem:s25], [sflag:$0x1] =	stream.linear.gather [hbm4b:s24+s4], $0x10, $0x38;
	[tilespmem:$0x10600] =	vst v63  }
0x70e: {  	s25 =	sadd.s32 $0x70, s22;
	s22 =	sadd.s32 $0xF4280, s22;
	s24 =	smov.u32 s28  }
0x70f: {  	[tilespmem:s26], [sflag:$0x1] =	stream.linear.gather [hbm4b:s25+s4], $0x10, $0x38;
	[tilespmem:$0x10600] =	vst v63  }
0x710: {  	s23 =	sadd.s32 s23, s21;
	(v2sf) =	vpush v4, $0xF  }
0x711: {  	s24 =	sadd.s32 $0x460, s23  }
0x712: {  	[tilespmem:s24], [sflag:$0x1] =	stream.linear.gather [hbm4b:s22+s4], $0x10, $0x38;
	[tilespmem:$0x10600] =	vst v63  }
0x713: {  	s25 =	sadd.s32 $0x10, s22;
	s26 =	sadd.s32 $0x4E0, s23  }
0x714: {  	[tilespmem:s26], [sflag:$0x1] =	stream.linear.gather [hbm4b:s25+s4], $0x10, $0x38;
	[tilespmem:$0x10600] =	vst v63  }
0x715: {  	s28 =	sadd.s32 $0x20, s22;
	s29 =	sadd.s32 $0x560, s23  }
0x716: {  	[tilespmem:s29], [sflag:$0x1] =	stream.linear.gather [hbm4b:s28+s4], $0x10, $0x38;
	[tilespmem:$0x10600] =	vst v63  }
0x717: {  	s30 =	sadd.s32 $0x30, s22;
	s31 =	sadd.s32 $0x5E0, s23  }
0x718: {  	[tilespmem:s31], [sflag:$0x1] =	stream.linear.gather [hbm4b:s30+s4], $0x10, $0x38;
	[tilespmem:$0x10600] =	vst v63  }
0x719: {  	s25 =	sadd.s32 $0x40, s22;
	s26 =	sadd.s32 $0x660, s23  }
0x71a: {  	[tilespmem:s26], [sflag:$0x1] =	stream.linear.gather [hbm4b:s25+s4], $0x10, $0x38;
	[tilespmem:$0x10600] =	vst v63  }
0x71b: {  	s28 =	sadd.s32 $0x50, s22;
	s29 =	sadd.s32 $0x6E0, s23  }
0x71c: {  	[tilespmem:s29], [sflag:$0x1] =	stream.linear.gather [hbm4b:s28+s4], $0x10, $0x38;
	[tilespmem:$0x10600] =	vst v63  }
0x71d: {  	s30 =	sadd.s32 $0x60, s22;
	s31 =	sadd.s32 $0x760, s23  }
0x71e: {  	[tilespmem:s31], [sflag:$0x1] =	stream.linear.gather [hbm4b:s30+s4], $0x10, $0x38;
	[tilespmem:$0x10600] =	vst v63  }
0x71f: {  	s23 =	sadd.s32 $0x7E0, s23;
	s25 =	sadd.s32 $0x70, s22;
	s26 =	spop (v2sf)  }
0x720: {  	[tilespmem:s23], [sflag:$0x1] =	stream.linear.gather [hbm4b:s25+s4], $0x10, $0x38;
	[tilespmem:$0x10600] =	vst v63  }
0x721: {  	s28 =	sand.u32 $0xF, s26  }
0x722: {  	s29 =	sshra.s32 s26, $0x1F;
	p0 =	slt.s32 s26, $0x1;
	p1 =	sne.s32 s28, $0x0  }
0x723: {  	s30 =	sshrl.u32 s29, $0x1C;
	p0 =	por !p0, !p1  }
0x724: {  	s23 =	simm.s32 $0x1;
	s22 =	sadd.s32 s30, s26;
	p0 =	por !p0, !p0  }
0x725: {  	s22 =	sshra.s32 s22, $0x4;
	s23 =	simm.s32 @!p0 $0x0  }
0x726: {  	s22 =	ssub.s32 s22, s23  }
0x727: {  	s23 =	sshll.u32 s22, $0x7;
	s22 =	sshll.u32 s22, $0x4  }
0x728: {  	s23 =	sand.u32 $0xFFFFFC00, s23;
	s22 =	sand.u32 $0x70, s22  }
0x729: {  	s22 =	sor.u32 s22, s23  }
0x72a: {  	s26 =	sadd.s32 $0x0, s20;
	s22 =	sshrl.u32 s22, $0x3  }
0x72b: {  	s31 =	sadd.s32 $0x470, s26;
	s22 =	sadd.s32 s1, s22  }
0x72c: {  	[tilespmem:s31], [sflag:$0x1] =	stream.linear.gather [hbm4b:s22+s4], $0x10, $0x38;
	[tilespmem:$0x10600] =	vst v63  }
0x72d: {  	s25 =	sadd.s32 $0x4F0, s26;
	s24 =	sadd.s32 $0x10, s22  }
0x72e: {  	[tilespmem:s25], [sflag:$0x1] =	stream.linear.gather [hbm4b:s24+s4], $0x10, $0x38;
	[tilespmem:$0x10600] =	vst v63  }
0x72f: {  	s29 =	sadd.s32 $0x570, s26;
	s23 =	simm.s32 $0x2000;
	s28 =	sadd.s32 $0x20, s22  }
0x730: {  	[tilespmem:s29], [sflag:$0x1] =	stream.linear.gather [hbm4b:s28+s4], $0x10, $0x38;
	[tilespmem:$0x10600] =	vst v63  }
0x731: {  	s30 =	sadd.s32 $0x30, s22;
	s31 =	sadd.s32 $0x5F0, s26;
	s24 =	sadd.s32 $0x40, s22  }
0x732: {  	[tilespmem:s31], [sflag:$0x1] =	stream.linear.gather [hbm4b:s30+s4], $0x10, $0x38;
	[tilespmem:$0x10600] =	vst v63  }
0x733: {  	s25 =	sadd.s32 $0x670, s26;
	s28 =	sadd.s32 $0x50, s22;
	s29 =	sadd.s32 $0x6F0, s26  }
0x734: {  	[tilespmem:s25], [sflag:$0x1] =	stream.linear.gather [hbm4b:s24+s4], $0x10, $0x38;
	[tilespmem:$0x10600] =	vst v63  }
0x735: {  	s30 =	sadd.s32 $0x60, s22;
	s31 =	sadd.s32 $0x770, s26;
	s26 =	sadd.s32 $0x7F0, s26  }
0x736: {  	[tilespmem:s29], [sflag:$0x1] =	stream.linear.gather [hbm4b:s28+s4], $0x10, $0x38;
	[tilespmem:$0x10600] =	vst v63  }
0x737: {  	s24 =	simm.s32 $0x10000;
	s25 =	sadd.s32 $0x70, s22;
	s22 =	sadd.s32 $0xF4280, s22  }
0x738: {  	[tilespmem:s31], [sflag:$0x1] =	stream.linear.gather [hbm4b:s30+s4], $0x10, $0x38;
	[tilespmem:$0x10600] =	vst v63  }
.LBB2_64:
0x739: {  	[tilespmem:s26], [sflag:$0x1] =	stream.linear.gather [hbm4b:s25+s4], $0x10, $0x38;
	[tilespmem:$0x10600] =	vst v63  }
0x73a: {  	s25 =	smov.u32 s24  }
0x73b: {  	s28 =	sadd.s32 $0x8000, s24;
	s26 =	sadd.s32 s23, s20;
	s23 =	sshra.s32 s25, $0x2  }
0x73c: {  	p0 =	sne.s32 s24, $0x18000;
	s24 =	sadd.s32 $0x470, s26  }
0x73d: {  	[tilespmem:s24], [sflag:$0x1] =	stream.linear.gather [hbm4b:s22+s4], $0x10, $0x38;
	[tilespmem:$0x10600] =	vst v63  }
0x73e: {  	s25 =	sadd.s32 $0x4F0, s26;
	s24 =	sadd.s32 $0x10, s22  }
0x73f: {  	[tilespmem:s25], [sflag:$0x1] =	stream.linear.gather [hbm4b:s24+s4], $0x10, $0x38;
	[tilespmem:$0x10600] =	vst v63  }
0x740: {  	s24 =	sadd.s32 $0x20, s22;
	s25 =	sadd.s32 $0x570, s26  }
0x741: {  	[tilespmem:s25], [sflag:$0x1] =	stream.linear.gather [hbm4b:s24+s4], $0x10, $0x38;
	[tilespmem:$0x10600] =	vst v63  }
0x742: {  	s24 =	sadd.s32 $0x30, s22;
	s25 =	sadd.s32 $0x5F0, s26  }
0x743: {  	[tilespmem:s25], [sflag:$0x1] =	stream.linear.gather [hbm4b:s24+s4], $0x10, $0x38;
	[tilespmem:$0x10600] =	vst v63  }
0x744: {  	s24 =	sadd.s32 $0x40, s22;
	s25 =	sadd.s32 $0x670, s26  }
0x745: {  	[tilespmem:s25], [sflag:$0x1] =	stream.linear.gather [hbm4b:s24+s4], $0x10, $0x38;
	[tilespmem:$0x10600] =	vst v63  }
.Ltmp30:
0x746: {  	s24 =	sadd.s32 $0x50, s22;
	s25 =	sadd.s32 $0x6F0, s26;
	(pc) =	sbr.rel @p0 .LBB2_64-.Ltmp30, $4  }
0x747: {  	[tilespmem:s25], [sflag:$0x1] =	stream.linear.gather [hbm4b:s24+s4], $0x10, $0x38;
	[tilespmem:$0x10600] =	vst v63  }
0x748: {  	s24 =	sadd.s32 $0x60, s22;
	s25 =	sadd.s32 $0x770, s26;
	s26 =	sadd.s32 $0x7F0, s26  }
0x749: {  	[tilespmem:s25], [sflag:$0x1] =	stream.linear.gather [hbm4b:s24+s4], $0x10, $0x38;
	[tilespmem:$0x10600] =	vst v63  }
0x74a: {  	s25 =	sadd.s32 $0x70, s22;
	s22 =	sadd.s32 $0xF4280, s22;
	s24 =	smov.u32 s28  }
0x74b: {  	[tilespmem:s26], [sflag:$0x1] =	stream.linear.gather [hbm4b:s25+s4], $0x10, $0x38;
	[tilespmem:$0x10600] =	vst v63  }
0x74c: {  	s23 =	sadd.s32 s23, s20;
	(v2sf) =	vpush v3, $0xF  }
0x74d: {  	s24 =	sadd.s32 $0x470, s23  }
0x74e: {  	[tilespmem:s24], [sflag:$0x1] =	stream.linear.gather [hbm4b:s22+s4], $0x10, $0x38;
	[tilespmem:$0x10600] =	vst v63  }
0x74f: {  	s25 =	sadd.s32 $0x10, s22;
	s26 =	sadd.s32 $0x4F0, s23  }
0x750: {  	[tilespmem:s26], [sflag:$0x1] =	stream.linear.gather [hbm4b:s25+s4], $0x10, $0x38;
	[tilespmem:$0x10600] =	vst v63  }
0x751: {  	s28 =	sadd.s32 $0x20, s22;
	s29 =	sadd.s32 $0x570, s23  }
0x752: {  	[tilespmem:s29], [sflag:$0x1] =	stream.linear.gather [hbm4b:s28+s4], $0x10, $0x38;
	[tilespmem:$0x10600] =	vst v63  }
0x753: {  	s30 =	sadd.s32 $0x30, s22;
	s31 =	sadd.s32 $0x5F0, s23  }
0x754: {  	[tilespmem:s31], [sflag:$0x1] =	stream.linear.gather [hbm4b:s30+s4], $0x10, $0x38;
	[tilespmem:$0x10600] =	vst v63  }
0x755: {  	s25 =	sadd.s32 $0x40, s22;
	s26 =	sadd.s32 $0x670, s23  }
0x756: {  	[tilespmem:s26], [sflag:$0x1] =	stream.linear.gather [hbm4b:s25+s4], $0x10, $0x38;
	[tilespmem:$0x10600] =	vst v63  }
0x757: {  	s28 =	sadd.s32 $0x50, s22;
	s29 =	sadd.s32 $0x6F0, s23  }
0x758: {  	[tilespmem:s29], [sflag:$0x1] =	stream.linear.gather [hbm4b:s28+s4], $0x10, $0x38;
	[tilespmem:$0x10600] =	vst v63  }
0x759: {  	s30 =	sadd.s32 $0x60, s22;
	s31 =	sadd.s32 $0x770, s23  }
0x75a: {  	[tilespmem:s31], [sflag:$0x1] =	stream.linear.gather [hbm4b:s30+s4], $0x10, $0x38;
	[tilespmem:$0x10600] =	vst v63  }
0x75b: {  	s23 =	sadd.s32 $0x7F0, s23;
	s25 =	sadd.s32 $0x70, s22;
	s26 =	spop (v2sf)  }
0x75c: {  	[tilespmem:s23], [sflag:$0x1] =	stream.linear.gather [hbm4b:s25+s4], $0x10, $0x38;
	[tilespmem:$0x10600] =	vst v63  }
0x75d: {  	s28 =	sand.u32 $0xF, s26  }
0x75e: {  	s29 =	sshra.s32 s26, $0x1F;
	p0 =	slt.s32 s26, $0x1;
	p1 =	sne.s32 s28, $0x0  }
0x75f: {  	s30 =	sshrl.u32 s29, $0x1C;
	p0 =	por !p0, !p1  }
0x760: {  	s23 =	simm.s32 $0x1;
	s22 =	sadd.s32 s30, s26;
	p0 =	por !p0, !p0  }
0x761: {  	s22 =	sshra.s32 s22, $0x4;
	s23 =	simm.s32 @!p0 $0x0  }
0x762: {  	s22 =	ssub.s32 s22, s23  }
0x763: {  	s23 =	sshll.u32 s22, $0x4;
	s22 =	sshll.u32 s22, $0x7  }
0x764: {  	s22 =	sand.u32 $0xFFFFFC00, s22;
	s23 =	sand.u32 $0x70, s23  }
0x765: {  	s22 =	sor.u32 s23, s22  }
0x766: {  	s26 =	sadd.s32 $0x0, s21;
	s22 =	sshrl.u32 s22, $0x3  }
0x767: {  	s31 =	sadd.s32 $0x470, s26;
	s22 =	sadd.s32 s2, s22  }
0x768: {  	[tilespmem:s31], [sflag:$0x1] =	stream.linear.gather [hbm4b:s22+s4], $0x10, $0x38;
	[tilespmem:$0x10600] =	vst v63  }
0x769: {  	s25 =	sadd.s32 $0x4F0, s26;
	s24 =	sadd.s32 $0x10, s22  }
0x76a: {  	[tilespmem:s25], [sflag:$0x1] =	stream.linear.gather [hbm4b:s24+s4], $0x10, $0x38;
	[tilespmem:$0x10600] =	vst v63  }
0x76b: {  	s29 =	sadd.s32 $0x570, s26;
	s23 =	simm.s32 $0x2000;
	s28 =	sadd.s32 $0x20, s22  }
0x76c: {  	[tilespmem:s29], [sflag:$0x1] =	stream.linear.gather [hbm4b:s28+s4], $0x10, $0x38;
	[tilespmem:$0x10600] =	vst v63  }
0x76d: {  	s30 =	sadd.s32 $0x30, s22;
	s31 =	sadd.s32 $0x5F0, s26;
	s24 =	sadd.s32 $0x40, s22  }
0x76e: {  	[tilespmem:s31], [sflag:$0x1] =	stream.linear.gather [hbm4b:s30+s4], $0x10, $0x38;
	[tilespmem:$0x10600] =	vst v63  }
0x76f: {  	s25 =	sadd.s32 $0x670, s26;
	s28 =	sadd.s32 $0x50, s22;
	s29 =	sadd.s32 $0x6F0, s26  }
0x770: {  	[tilespmem:s25], [sflag:$0x1] =	stream.linear.gather [hbm4b:s24+s4], $0x10, $0x38;
	[tilespmem:$0x10600] =	vst v63  }
0x771: {  	s30 =	sadd.s32 $0x60, s22;
	s31 =	sadd.s32 $0x770, s26;
	s26 =	sadd.s32 $0x7F0, s26  }
0x772: {  	[tilespmem:s29], [sflag:$0x1] =	stream.linear.gather [hbm4b:s28+s4], $0x10, $0x38;
	[tilespmem:$0x10600] =	vst v63  }
0x773: {  	s24 =	simm.s32 $0x10000;
	s25 =	sadd.s32 $0x70, s22;
	s22 =	sadd.s32 $0xF4280, s22  }
0x774: {  	[tilespmem:s31], [sflag:$0x1] =	stream.linear.gather [hbm4b:s30+s4], $0x10, $0x38;
	[tilespmem:$0x10600] =	vst v63  }
.LBB2_66:
0x775: {  	[tilespmem:s26], [sflag:$0x1] =	stream.linear.gather [hbm4b:s25+s4], $0x10, $0x38;
	[tilespmem:$0x10600] =	vst v63  }
0x776: {  	s25 =	smov.u32 s24  }
0x777: {  	s28 =	sadd.s32 $0x8000, s24;
	s26 =	sadd.s32 s23, s21;
	s23 =	sshra.s32 s25, $0x2  }
0x778: {  	p0 =	sne.s32 s24, $0x18000;
	s24 =	sadd.s32 $0x470, s26  }
0x779: {  	[tilespmem:s24], [sflag:$0x1] =	stream.linear.gather [hbm4b:s22+s4], $0x10, $0x38;
	[tilespmem:$0x10600] =	vst v63  }
0x77a: {  	s25 =	sadd.s32 $0x4F0, s26;
	s24 =	sadd.s32 $0x10, s22  }
0x77b: {  	[tilespmem:s25], [sflag:$0x1] =	stream.linear.gather [hbm4b:s24+s4], $0x10, $0x38;
	[tilespmem:$0x10600] =	vst v63  }
0x77c: {  	s24 =	sadd.s32 $0x20, s22;
	s25 =	sadd.s32 $0x570, s26  }
0x77d: {  	[tilespmem:s25], [sflag:$0x1] =	stream.linear.gather [hbm4b:s24+s4], $0x10, $0x38;
	[tilespmem:$0x10600] =	vst v63  }
0x77e: {  	s24 =	sadd.s32 $0x30, s22;
	s25 =	sadd.s32 $0x5F0, s26  }
0x77f: {  	[tilespmem:s25], [sflag:$0x1] =	stream.linear.gather [hbm4b:s24+s4], $0x10, $0x38;
	[tilespmem:$0x10600] =	vst v63  }
0x780: {  	s24 =	sadd.s32 $0x40, s22;
	s25 =	sadd.s32 $0x670, s26  }
0x781: {  	[tilespmem:s25], [sflag:$0x1] =	stream.linear.gather [hbm4b:s24+s4], $0x10, $0x38;
	[tilespmem:$0x10600] =	vst v63  }
.Ltmp31:
0x782: {  	s24 =	sadd.s32 $0x50, s22;
	s25 =	sadd.s32 $0x6F0, s26;
	(pc) =	sbr.rel @p0 .LBB2_66-.Ltmp31, $4  }
0x783: {  	[tilespmem:s25], [sflag:$0x1] =	stream.linear.gather [hbm4b:s24+s4], $0x10, $0x38;
	[tilespmem:$0x10600] =	vst v63  }
0x784: {  	s24 =	sadd.s32 $0x60, s22;
	s25 =	sadd.s32 $0x770, s26;
	s26 =	sadd.s32 $0x7F0, s26  }
0x785: {  	[tilespmem:s25], [sflag:$0x1] =	stream.linear.gather [hbm4b:s24+s4], $0x10, $0x38;
	[tilespmem:$0x10600] =	vst v63  }
0x786: {  	s25 =	sadd.s32 $0x70, s22;
	s22 =	sadd.s32 $0xF4280, s22;
	s24 =	smov.u32 s28  }
0x787: {  	[tilespmem:s26], [sflag:$0x1] =	stream.linear.gather [hbm4b:s25+s4], $0x10, $0x38;
	[tilespmem:$0x10600] =	vst v63  }
0x788: {  	s23 =	sadd.s32 s23, s21  }
0x789: {  	s24 =	sadd.s32 $0x470, s23  }
0x78a: {  	[tilespmem:s24], [sflag:$0x1] =	stream.linear.gather [hbm4b:s22+s4], $0x10, $0x38;
	[tilespmem:$0x10600] =	vst v63  }
0x78b: {  	s30 =	sadd.s32 $0x10, s22;
	s31 =	sadd.s32 $0x4F0, s23  }
0x78c: {  	[tilespmem:s31], [sflag:$0x1] =	stream.linear.gather [hbm4b:s30+s4], $0x10, $0x38;
	[tilespmem:$0x10600] =	vst v63  }
0x78d: {  	s25 =	sadd.s32 $0x20, s22;
	s26 =	sadd.s32 $0x570, s23  }
0x78e: {  	[tilespmem:s26], [sflag:$0x1] =	stream.linear.gather [hbm4b:s25+s4], $0x10, $0x38;
	[tilespmem:$0x10600] =	vst v63  }
0x78f: {  	s28 =	sadd.s32 $0x30, s22;
	s29 =	sadd.s32 $0x5F0, s23  }
0x790: {  	[tilespmem:s29], [sflag:$0x1] =	stream.linear.gather [hbm4b:s28+s4], $0x10, $0x38;
	[tilespmem:$0x10600] =	vst v63  }
0x791: {  	s19 =	sadd.s32 $0x1, s19;
	s30 =	sadd.s32 $0x40, s22;
	s31 =	sadd.s32 $0x670, s23  }
0x792: {  	[tilespmem:s31], [sflag:$0x1] =	stream.linear.gather [hbm4b:s30+s4], $0x10, $0x38;
	[tilespmem:$0x10600] =	vst v63  }
0x793: {  	p0 =	sne.s32 s19, $0x4;
	s26 =	sadd.s32 $0x50, s22;
	s28 =	sadd.s32 $0x6F0, s23  }
0x794: {  	[tilespmem:s28], [sflag:$0x1] =	stream.linear.gather [hbm4b:s26+s4], $0x10, $0x38;
	[tilespmem:$0x10600] =	vst v63  }
.Ltmp32:
0x795: {  	_ = 	snop;
	(pc) =	sbr.rel @p0 .LBB2_3-.Ltmp32, $4  }
0x796: {  	s20 =	sadd.s32 $0x800, s20;
	s29 =	sadd.s32 $0x60, s22;
	s30 =	sadd.s32 $0x770, s23  }
0x797: {  	[tilespmem:s30], [sflag:$0x1] =	stream.linear.gather [hbm4b:s29+s4], $0x10, $0x38;
	[tilespmem:$0x10600] =	vst v63  }
0x798: {  	s21 =	sadd.s32 $0x800, s21;
	s31 =	sadd.s32 $0x70, s22;
	s23 =	sadd.s32 $0x7F0, s23  }
0x799: {  	[tilespmem:s23], [sflag:$0x1] =	stream.linear.gather [hbm4b:s31+s4], $0x10, $0x38;
	[tilespmem:$0x10600] =	vst v63  }
0x79a: {  	_ =	swait.ge [sflag:s10], $0x8000  }
0x79b: {  	[sflag:s10] =	ssyncset.done $0x0  }
0x79c: {  	[sflag:s10] =	ssyncadd.s32 $0xFFFF8000  }
0x79d: {  	_ =	swait.ge [sflag:s10], $0x8000  }
0x79e: {  	[sflag:s10] =	ssyncset.done $0x0  }
0x79f: {  	[sflag:s10] =	ssyncadd.s32 $0xFFFF8000  }
0x7a0: {  	v2 =	vld [tilespmem:s16+$0x0]  }
0x7a1: {  	v3 =	vld [tilespmem:s15+$0x0]  }
0x7a2: {  	s19 =	simm.s32 $0x0  }
0x7a3: {  	v4 =	vmov s19  }
0x7a4: {  	v4 =	vshll.u32 v4, $0x7  }
0x7a5: {  	v5 =	vor.u32 v1, v4;
	v2 =	vand.u32 $0xF, v2  }
0x7a6: {  	v4 =	vand.u32 $0x1C00, v5;
	v3 =	vand.u32 $0xF, v3;
	v2 =	vor.u32 v0, v2  }
0x7a7: {  	v3 =	vor.u32 v0, v3;
	v6 =	vor.u32 v4, v2  }
0x7a8: {  	v8 =	vor.u32 $0x80, v4;
	v7 =	vor.u32 v4, v3  }
0x7a9: {  	v9 =	vor.u32 v8, v2  }
0x7aa: {  	v10 =	vor.u32 $0x100, v4;
	v8 =	vor.u32 v8, v3  }
0x7ab: {  	v11 =	vor.u32 v10, v2  }
0x7ac: {  	v12 =	vor.u32 $0x180, v4;
	v10 =	vor.u32 v10, v3;
	v6 =	vld.idx.msk [tilespmem:v6+s11+$0x0], $0xffff  }
0x7ad: {  	v13 =	vor.u32 v12, v2;
	v7 =	vld.idx.msk [tilespmem:v7+s12+$0x0], $0xffff  }
0x7ae: {  	v14 =	vor.u32 $0x200, v4;
	v12 =	vor.u32 v12, v3;
	v9 =	vld.idx.msk [tilespmem:v9+s11+$0x0], $0xffff  }
0x7af: {  	v15 =	vor.u32 v14, v2;
	v8 =	vld.idx.msk [tilespmem:v8+s12+$0x0], $0xffff  }
0x7b0: {  	v16 =	vor.u32 $0x280, v4;
	v14 =	vor.u32 v14, v3;
	v11 =	vld.idx.msk [tilespmem:v11+s11+$0x0], $0xffff  }
0x7b1: {  	v17 =	vor.u32 v16, v2;
	v10 =	vld.idx.msk [tilespmem:v10+s12+$0x0], $0xffff  }
0x7b2: {  	v18 =	vor.u32 $0x300, v4;
	v16 =	vor.u32 v16, v3;
	v13 =	vld.idx.msk [tilespmem:v13+s11+$0x0], $0xffff  }
0x7b3: {  	v30 =	vor.u32 v18, v2;
	v29 =	vld.idx.msk [tilespmem:v12+s12+$0x0], $0xffff;
	v6 =	vmul.f32 v7, v6  }
0x7b4: {  	v5 =	vor.u32 $0x380, v5;
	v18 =	vor.u32 v18, v3;
	v15 =	vld.idx.msk [tilespmem:v15+s11+$0x0], $0xffff  }
0x7b5: {  	v32 =	vor.u32 v5, v2;
	v31 =	vld.idx.msk [tilespmem:v14+s12+$0x0], $0xffff;
	v8 =	vmul.f32 v8, v9;
	v6 =	vadd.f32 $0.0e+00, v6  }
0x7b6: {  	v19 =	vor.u32 $0x2000, v4;
	v37 =	vor.u32 $0x2080, v4;
	v5 =	vor.u32 v5, v3;
	v17 =	vld.idx.msk [tilespmem:v17+s11+$0x0], $0xffff  }
0x7b7: {  	v36 =	vor.u32 v19, v3;
	v34 =	vld.idx.msk [tilespmem:v16+s12+$0x0], $0xffff;
	v33 =	vmul.f32 v10, v11;
	v6 =	vadd.f32 v8, v6  }
0x7b8: {  	v41 =	vor.u32 $0x2100, v4;
	v40 =	vor.u32 v37, v3;
	v12 =	vld.idx.msk [tilespmem:v30+s11+$0x0], $0xffff  }
0x7b9: {  	v35 =	vor.u32 v19, v2;
	v38 =	vld.idx.msk [tilespmem:v18+s12+$0x0], $0xffff;
	v7 =	vmul.f32 v29, v13;
	v6 =	vadd.f32 v33, v6  }
0x7ba: {  	v45 =	vor.u32 $0x2180, v4;
	v44 =	vor.u32 v41, v3;
	v14 =	vld.idx.msk [tilespmem:v32+s11+$0x0], $0xffff  }
0x7bb: {  	v39 =	vor.u32 v37, v2;
	v5 =	vld.idx.msk [tilespmem:v5+s12+$0x0], $0xffff;
	v42 =	vmul.f32 v31, v15;
	v6 =	vadd.f32 v7, v6  }
0x7bc: {  	v48 =	vor.u32 v45, v2;
	v47 =	vld.idx.msk [tilespmem:v36+s12+$0x0], $0xffff  }
0x7bd: {  	v43 =	vor.u32 v41, v2;
	v52 =	vld.idx.msk [tilespmem:v40+s12+$0x0], $0xffff;
	v46 =	vmul.f32 v34, v17;
	v6 =	vadd.f32 v42, v6  }
0x7be: {  	v50 =	vor.u32 $0x2200, v4;
	v55 =	vor.u32 $0x2280, v4;
	v49 =	vor.u32 v45, v3;
	v11 =	vld.idx.msk [tilespmem:v35+s11+$0x0], $0xffff  }
0x7bf: {  	v54 =	vor.u32 v50, v3;
	v56 =	vld.idx.msk [tilespmem:v44+s12+$0x0], $0xffff;
	v51 =	vmul.f32 v38, v12;
	v6 =	vadd.f32 v46, v6  }
0x7c0: {  	v58 =	vor.u32 v55, v3;
	v13 =	vld.idx.msk [tilespmem:v39+s11+$0x0], $0xffff  }
0x7c1: {  	v53 =	vor.u32 v50, v2;
	v16 =	vld.idx.msk [tilespmem:v48+s11+$0x0], $0xffff;
	v5 =	vmul.f32 v5, v14;
	v6 =	vadd.f32 v51, v6  }
0x7c2: {  	v59 =	vor.u32 $0x2300, v4;
	v21 =	vor.u32 $0x2380, v4;
	v57 =	vor.u32 v55, v2;
	v9 =	vld.idx.msk [tilespmem:v43+s11+$0x0], $0xffff  }
0x7c3: {  	v25 =	vor.u32 v21, v3;
	v61 =	vld.idx.msk [tilespmem:v49+s12+$0x0], $0xffff;
	v60 =	vmul.f32 v47, v11;
	v5 =	vadd.f32 v5, v6  }
0x7c4: {  	v62 =	vor.u32 v59, v2;
	v23 =	vld.idx.msk [tilespmem:v54+s12+$0x0], $0xffff  }
0x7c5: {  	v63 =	vor.u32 v59, v3;
	v28 =	vld.idx.msk [tilespmem:v58+s12+$0x0], $0xffff;
	v22 =	vmul.f32 v52, v13;
	v5 =	vadd.f32 v60, v5  }
0x7c6: {  	v24 =	vor.u32 v21, v2;
	v12 =	vld.idx.msk [tilespmem:v53+s11+$0x0], $0xffff  }
0x7c7: {  	v26 =	vor.u32 $0x4000, v4;
	v14 =	vld.idx.msk [tilespmem:v57+s11+$0x0], $0xffff;
	v27 =	vmul.f32 v56, v9;
	v5 =	vadd.f32 v22, v5  }
0x7c8: {  	v30 =	vor.u32 v26, v3;
	v29 =	vor.u32 v26, v2;
	v38 =	vld.idx.msk [tilespmem:v25+s12+$0x0], $0xffff  }
0x7c9: {  	v31 =	vor.u32 $0x4080, v4;
	v32 =	vmul.f32 v61, v16;
	v11 =	vld.idx.msk [tilespmem:v62+s11+$0x0], $0xffff;
	v5 =	vadd.f32 v27, v5  }
0x7ca: {  	v36 =	vor.u32 $0x4100, v4;
	v34 =	vor.u32 v31, v2;
	v33 =	vld.idx.msk [tilespmem:v63+s12+$0x0], $0xffff  }
0x7cb: {  	v35 =	vor.u32 v31, v3;
	v13 =	vld.idx.msk [tilespmem:v24+s11+$0x0], $0xffff;
	v37 =	vmul.f32 v23, v12;
	v5 =	vadd.f32 v32, v5  }
0x7cc: {  	v41 =	vor.u32 $0x4180, v4;
	v40 =	vor.u32 v36, v3  }
0x7cd: {  	v39 =	vor.u32 v36, v2;
	v43 =	vld.idx.msk [tilespmem:v30+s12+$0x0], $0xffff;
	v42 =	vmul.f32 v28, v14;
	v5 =	vadd.f32 v37, v5  }
0x7ce: {  	v45 =	vor.u32 v41, v3;
	v44 =	vor.u32 v41, v2;
	v9 =	vld.idx.msk [tilespmem:v29+s11+$0x0], $0xffff  }
0x7cf: {  	v16 =	vld.idx.msk [tilespmem:v34+s11+$0x0], $0xffff;
	v47 =	vmul.f32 v33, v11;
	v46 =	vor.u32 $0x4200, v4;
	v5 =	vadd.f32 v42, v5  }
0x7d0: {  	v48 =	vld.idx.msk [tilespmem:v35+s12+$0x0], $0xffff;
	v52 =	vmul.f32 v38, v13;
	v49 =	vor.u32 v46, v2  }
0x7d1: {  	v53 =	vld.idx.msk [tilespmem:v40+s12+$0x0], $0xffff;
	v50 =	vor.u32 v46, v3;
	v51 =	vor.u32 $0x4280, v4;
	v5 =	vadd.f32 v47, v5  }
0x7d2: {  	v12 =	vld.idx.msk [tilespmem:v39+s11+$0x0], $0xffff;
	v56 =	vor.u32 $0x4300, v4;
	v54 =	vor.u32 v51, v2  }
0x7d3: {  	v58 =	vld.idx.msk [tilespmem:v45+s12+$0x0], $0xffff;
	v57 =	vmul.f32 v43, v9;
	v55 =	vor.u32 v51, v3;
	v5 =	vadd.f32 v52, v5  }
0x7d4: {  	v61 =	vor.u32 $0x4380, v4;
	v59 =	vor.u32 v56, v2;
	v14 =	vld.idx.msk [tilespmem:v44+s11+$0x0], $0xffff  }
0x7d5: {  	v62 =	vmul.f32 v48, v16;
	v60 =	vor.u32 v56, v3;
	v11 =	vld.idx.msk [tilespmem:v49+s11+$0x0], $0xffff;
	v5 =	vadd.f32 v57, v5  }
0x7d6: {  	v21 =	vor.u32 v61, v2;
	v23 =	vor.u32 $0x6000, v4;
	v63 =	vld.idx.msk [tilespmem:v50+s12+$0x0], $0xffff  }
0x7d7: {  	v24 =	vmul.f32 v53, v12;
	v22 =	vor.u32 v61, v3;
	v13 =	vld.idx.msk [tilespmem:v54+s11+$0x0], $0xffff;
	v5 =	vadd.f32 v62, v5  }
0x7d8: {  	v26 =	vor.u32 v23, v2;
	v28 =	vor.u32 $0x6080, v4;
	v25 =	vld.idx.msk [tilespmem:v55+s12+$0x0], $0xffff  }
0x7d9: {  	v9 =	vld.idx.msk [tilespmem:v59+s11+$0x0], $0xffff;
	v29 =	vmul.f32 v58, v14;
	v27 =	vor.u32 v23, v3;
	v5 =	vadd.f32 v24, v5  }
0x7da: {  	v31 =	vor.u32 v28, v2;
	v33 =	vor.u32 $0x6100, v4;
	v30 =	vld.idx.msk [tilespmem:v60+s12+$0x0], $0xffff  }
0x7db: {  	v16 =	vld.idx.msk [tilespmem:v21+s11+$0x0], $0xffff;
	v34 =	vmul.f32 v63, v11;
	v32 =	vor.u32 v28, v3;
	v5 =	vadd.f32 v29, v5  }
0x7dc: {  	v38 =	vor.u32 $0x6180, v4;
	v36 =	vor.u32 v33, v2;
	v35 =	vld.idx.msk [tilespmem:v22+s12+$0x0], $0xffff  }
0x7dd: {  	v12 =	vld.idx.msk [tilespmem:v26+s11+$0x0], $0xffff;
	v39 =	vmul.f32 v25, v13;
	v37 =	vor.u32 v33, v3;
	v5 =	vadd.f32 v34, v5  }
0x7de: {  	v43 =	vor.u32 $0x6200, v4;
	v41 =	vor.u32 v38, v2;
	v40 =	vld.idx.msk [tilespmem:v27+s12+$0x0], $0xffff  }
0x7df: {  	v14 =	vld.idx.msk [tilespmem:v31+s11+$0x0], $0xffff;
	v42 =	vor.u32 v38, v3;
	v44 =	vmul.f32 v30, v9;
	v5 =	vadd.f32 v39, v5  }
0x7e0: {  	v48 =	vor.u32 $0x6280, v4;
	v46 =	vor.u32 v43, v2;
	v45 =	vld.idx.msk [tilespmem:v32+s12+$0x0], $0xffff  }
0x7e1: {  	v11 =	vld.idx.msk [tilespmem:v36+s11+$0x0], $0xffff;
	v47 =	vor.u32 v43, v3;
	v49 =	vmul.f32 v35, v16;
	v5 =	vadd.f32 v44, v5  }
0x7e2: {  	v53 =	vor.u32 $0x6300, v4;
	v51 =	vor.u32 v48, v2;
	v50 =	vld.idx.msk [tilespmem:v37+s12+$0x0], $0xffff  }
0x7e3: {  	v13 =	vld.idx.msk [tilespmem:v41+s11+$0x0], $0xffff;
	v52 =	vor.u32 v48, v3;
	v54 =	vmul.f32 v40, v12;
	v5 =	vadd.f32 v49, v5  }
0x7e4: {  	v4 =	vor.u32 $0x6380, v4;
	v56 =	vor.u32 v53, v2;
	v55 =	vld.idx.msk [tilespmem:v42+s12+$0x0], $0xffff  }
0x7e5: {  	v9 =	vld.idx.msk [tilespmem:v46+s11+$0x0], $0xffff;
	v57 =	vor.u32 v53, v3;
	v58 =	vmul.f32 v45, v14;
	v5 =	vadd.f32 v54, v5  }
0x7e6: {  	v2 =	vor.u32 v4, v2;
	v59 =	vld.idx.msk [tilespmem:v47+s12+$0x0], $0xffff  }
0x7e7: {  	v60 =	vld.idx.msk [tilespmem:v51+s11+$0x0], $0xffff;
	v3 =	vor.u32 v4, v3;
	v4 =	vadd.f32 v58, v5;
	v5 =	vmul.f32 v50, v11  }
0x7e8: {  	v61 =	vld.idx.msk [tilespmem:v52+s12+$0x0], $0xffff  }
0x7e9: {  	v62 =	vld.idx.msk [tilespmem:v56+s11+$0x0], $0xffff;
	v4 =	vadd.f32 v5, v4;
	v5 =	vmul.f32 v55, v13  }
0x7ea: {  	v63 =	vld.idx.msk [tilespmem:v57+s12+$0x0], $0xffff  }
0x7eb: {  	v2 =	vld.idx.msk [tilespmem:v2+s11+$0x0], $0xffff;
	v4 =	vadd.f32 v5, v4;
	v5 =	vmul.f32 v59, v9  }
0x7ec: {  	v3 =	vld.idx.msk [tilespmem:v3+s12+$0x0], $0xffff  }
0x7ed: {  	v4 =	vadd.f32 v5, v4;
	v5 =	vmul.f32 v61, v60;
	_ =	sdelay $0x1  }
0x7ee: {  	v4 =	vadd.f32 v5, v4;
	v5 =	vmul.f32 v63, v62;
	_ =	sdelay $0x1  }
0x7ef: {  	v2 =	vmul.f32 v3, v2;
	v4 =	vadd.f32 v5, v4;
	_ =	sdelay $0x1  }
0x7f0: {  	v2 =	vadd.f32 v2, v4;
	_ =	sdelay $0x1  }
0x7f1: {  	s20 =	sadd.s32 $0x10, s16;
	[tilespmem:s17+$0x0] =	vst v2  }
0x7f2: {  	s21 =	sadd.s32 $0x10, s15;
	v2 =	vld [tilespmem:s20+$0x0]  }
0x7f3: {  	s22 =	simm.s32 $0x10;
	s23 =	simm.s32 $0x20;
	s19 =	smov.u32 s17;
	v3 =	vld [tilespmem:s21+$0x0]  }
.LBB2_69:
0x7f4: {  	p0 =	sne.s32 s23, $0x30  }
0x7f5: {  	v4 =	vmov s22;
	s22 =	smov.u32 s23  }
0x7f6: {  	v4 =	vshll.u32 v4, $0x7  }
0x7f7: {  	v5 =	vor.u32 v1, v4;
	v2 =	vand.u32 $0xF, v2  }
0x7f8: {  	v4 =	vand.u32 $0x1C00, v5;
	v3 =	vand.u32 $0xF, v3;
	v2 =	vor.u32 v0, v2  }
0x7f9: {  	v6 =	vor.u32 v4, v2;
	v3 =	vor.u32 v0, v3  }
0x7fa: {  	v8 =	vor.u32 $0x80, v4;
	v7 =	vor.u32 v4, v3  }
0x7fb: {  	v9 =	vor.u32 v8, v2  }
0x7fc: {  	v10 =	vor.u32 $0x100, v4;
	v8 =	vor.u32 v8, v3  }
0x7fd: {  	v11 =	vor.u32 v10, v2  }
0x7fe: {  	v12 =	vor.u32 $0x180, v4;
	v10 =	vor.u32 v10, v3;
	v6 =	vld.idx.msk [tilespmem:v6+s11+$0x0], $0xffff  }
0x7ff: {  	v13 =	vor.u32 v12, v2;
	v7 =	vld.idx.msk [tilespmem:v7+s12+$0x0], $0xffff  }
0x800: {  	v14 =	vor.u32 $0x200, v4;
	v12 =	vor.u32 v12, v3;
	v9 =	vld.idx.msk [tilespmem:v9+s11+$0x0], $0xffff  }
0x801: {  	v15 =	vor.u32 v14, v2;
	v8 =	vld.idx.msk [tilespmem:v8+s12+$0x0], $0xffff  }
0x802: {  	v16 =	vor.u32 $0x280, v4;
	v14 =	vor.u32 v14, v3;
	v11 =	vld.idx.msk [tilespmem:v11+s11+$0x0], $0xffff  }
0x803: {  	v17 =	vor.u32 v16, v2;
	v10 =	vld.idx.msk [tilespmem:v10+s12+$0x0], $0xffff  }
0x804: {  	v18 =	vor.u32 $0x300, v4;
	v16 =	vor.u32 v16, v3;
	v13 =	vld.idx.msk [tilespmem:v13+s11+$0x0], $0xffff  }
0x805: {  	v6 =	vmul.f32 v7, v6;
	v7 =	vld.idx.msk [tilespmem:v12+s12+$0x0], $0xffff;
	v12 =	vor.u32 v18, v2  }
0x806: {  	v5 =	vor.u32 $0x380, v5;
	v18 =	vor.u32 v18, v3;
	v15 =	vld.idx.msk [tilespmem:v15+s11+$0x0], $0xffff  }
0x807: {  	v6 =	vadd.f32 $0.0e+00, v6;
	v8 =	vmul.f32 v8, v9;
	v9 =	vld.idx.msk [tilespmem:v14+s12+$0x0], $0xffff;
	v14 =	vor.u32 v5, v2  }
0x808: {  	v19 =	vor.u32 $0x2000, v4;
	v5 =	vor.u32 v5, v3;
	v17 =	vld.idx.msk [tilespmem:v17+s11+$0x0], $0xffff  }
0x809: {  	v6 =	vadd.f32 v8, v6;
	v8 =	vmul.f32 v10, v11;
	v11 =	vor.u32 v19, v2;
	v10 =	vld.idx.msk [tilespmem:v16+s12+$0x0], $0xffff  }
0x80a: {  	v16 =	vor.u32 v19, v3;
	v19 =	vor.u32 $0x2080, v4;
	v12 =	vld.idx.msk [tilespmem:v12+s11+$0x0], $0xffff  }
0x80b: {  	v6 =	vadd.f32 v8, v6;
	v7 =	vmul.f32 v7, v13;
	v13 =	vor.u32 v19, v2;
	v8 =	vld.idx.msk [tilespmem:v18+s12+$0x0], $0xffff  }
0x80c: {  	v18 =	vor.u32 v19, v3;
	v19 =	vor.u32 $0x2100, v4;
	v14 =	vld.idx.msk [tilespmem:v14+s11+$0x0], $0xffff  }
0x80d: {  	v6 =	vadd.f32 v7, v6;
	v7 =	vmul.f32 v9, v15;
	v9 =	vor.u32 v19, v2;
	v5 =	vld.idx.msk [tilespmem:v5+s12+$0x0], $0xffff  }
0x80e: {  	v15 =	vor.u32 v19, v3;
	v19 =	vor.u32 $0x2180, v4;
	v11 =	vld.idx.msk [tilespmem:v11+s11+$0x0], $0xffff  }
0x80f: {  	v6 =	vadd.f32 v7, v6;
	v7 =	vmul.f32 v10, v17;
	v10 =	vld.idx.msk [tilespmem:v16+s12+$0x0], $0xffff;
	v16 =	vor.u32 v19, v2  }
0x810: {  	v17 =	vor.u32 v19, v3;
	v19 =	vor.u32 $0x2200, v4;
	v13 =	vld.idx.msk [tilespmem:v13+s11+$0x0], $0xffff  }
0x811: {  	v6 =	vadd.f32 v7, v6;
	v7 =	vmul.f32 v8, v12;
	v12 =	vor.u32 v19, v2;
	v8 =	vld.idx.msk [tilespmem:v18+s12+$0x0], $0xffff  }
0x812: {  	v18 =	vor.u32 v19, v3;
	v19 =	vor.u32 $0x2280, v4;
	v9 =	vld.idx.msk [tilespmem:v9+s11+$0x0], $0xffff  }
0x813: {  	v6 =	vadd.f32 v7, v6;
	v5 =	vmul.f32 v5, v14;
	v14 =	vor.u32 v19, v2;
	v7 =	vld.idx.msk [tilespmem:v15+s12+$0x0], $0xffff  }
0x814: {  	v15 =	vld.idx.msk [tilespmem:v16+s11+$0x0], $0xffff;
	v16 =	vor.u32 v19, v3;
	v19 =	vor.u32 $0x2300, v4  }
0x815: {  	v5 =	vadd.f32 v5, v6;
	v6 =	vmul.f32 v10, v11;
	v10 =	vld.idx.msk [tilespmem:v17+s12+$0x0], $0xffff;
	v11 =	vor.u32 v19, v2  }
0x816: {  	v17 =	vor.u32 v19, v3;
	v19 =	vor.u32 $0x2380, v4;
	v12 =	vld.idx.msk [tilespmem:v12+s11+$0x0], $0xffff  }
0x817: {  	v5 =	vadd.f32 v6, v5;
	v6 =	vmul.f32 v8, v13;
	v13 =	vor.u32 v19, v2;
	v8 =	vld.idx.msk [tilespmem:v18+s12+$0x0], $0xffff  }
0x818: {  	v18 =	vor.u32 v19, v3;
	v19 =	vor.u32 $0x4000, v4;
	v14 =	vld.idx.msk [tilespmem:v14+s11+$0x0], $0xffff  }
0x819: {  	v5 =	vadd.f32 v6, v5;
	v6 =	vmul.f32 v7, v9;
	v9 =	vor.u32 v19, v2;
	v7 =	vld.idx.msk [tilespmem:v16+s12+$0x0], $0xffff  }
0x81a: {  	v16 =	vor.u32 v19, v3;
	v19 =	vor.u32 $0x4080, v4;
	v11 =	vld.idx.msk [tilespmem:v11+s11+$0x0], $0xffff  }
0x81b: {  	v5 =	vadd.f32 v6, v5;
	v6 =	vmul.f32 v10, v15;
	v15 =	vor.u32 v19, v2;
	v10 =	vld.idx.msk [tilespmem:v17+s12+$0x0], $0xffff  }
0x81c: {  	v17 =	vor.u32 v19, v3;
	v19 =	vor.u32 $0x4100, v4;
	v13 =	vld.idx.msk [tilespmem:v13+s11+$0x0], $0xffff  }
0x81d: {  	v5 =	vadd.f32 v6, v5;
	v6 =	vmul.f32 v8, v12;
	v12 =	vor.u32 v19, v2;
	v8 =	vld.idx.msk [tilespmem:v18+s12+$0x0], $0xffff  }
0x81e: {  	v18 =	vor.u32 v19, v3;
	v19 =	vor.u32 $0x4180, v4;
	v9 =	vld.idx.msk [tilespmem:v9+s11+$0x0], $0xffff  }
0x81f: {  	v5 =	vadd.f32 v6, v5;
	v6 =	vmul.f32 v7, v14;
	v14 =	vor.u32 v19, v2;
	v7 =	vld.idx.msk [tilespmem:v16+s12+$0x0], $0xffff  }
0x820: {  	v16 =	vor.u32 v19, v3;
	v19 =	vor.u32 $0x4200, v4;
	v15 =	vld.idx.msk [tilespmem:v15+s11+$0x0], $0xffff  }
0x821: {  	v5 =	vadd.f32 v6, v5;
	v6 =	vmul.f32 v10, v11;
	v11 =	vor.u32 v19, v2;
	v10 =	vld.idx.msk [tilespmem:v17+s12+$0x0], $0xffff  }
0x822: {  	v17 =	vor.u32 v19, v3;
	v19 =	vor.u32 $0x4280, v4;
	v12 =	vld.idx.msk [tilespmem:v12+s11+$0x0], $0xffff  }
0x823: {  	v5 =	vadd.f32 v6, v5;
	v6 =	vmul.f32 v8, v13;
	v13 =	vor.u32 v19, v2;
	v8 =	vld.idx.msk [tilespmem:v18+s12+$0x0], $0xffff  }
0x824: {  	v18 =	vor.u32 v19, v3;
	v19 =	vor.u32 $0x4300, v4;
	v14 =	vld.idx.msk [tilespmem:v14+s11+$0x0], $0xffff  }
0x825: {  	v5 =	vadd.f32 v6, v5;
	v6 =	vmul.f32 v7, v9;
	v9 =	vor.u32 v19, v2;
	v7 =	vld.idx.msk [tilespmem:v16+s12+$0x0], $0xffff  }
0x826: {  	v16 =	vor.u32 v19, v3;
	v19 =	vor.u32 $0x4380, v4;
	v11 =	vld.idx.msk [tilespmem:v11+s11+$0x0], $0xffff  }
0x827: {  	v5 =	vadd.f32 v6, v5;
	v6 =	vmul.f32 v10, v15;
	v15 =	vor.u32 v19, v2;
	v10 =	vld.idx.msk [tilespmem:v17+s12+$0x0], $0xffff  }
0x828: {  	v17 =	vor.u32 v19, v3;
	v19 =	vor.u32 $0x6000, v4;
	v13 =	vld.idx.msk [tilespmem:v13+s11+$0x0], $0xffff  }
0x829: {  	v5 =	vadd.f32 v6, v5;
	v6 =	vmul.f32 v8, v12;
	v12 =	vor.u32 v19, v2;
	v8 =	vld.idx.msk [tilespmem:v18+s12+$0x0], $0xffff  }
0x82a: {  	v18 =	vor.u32 v19, v3;
	v19 =	vor.u32 $0x6080, v4;
	v9 =	vld.idx.msk [tilespmem:v9+s11+$0x0], $0xffff  }
0x82b: {  	v5 =	vadd.f32 v6, v5;
	v6 =	vmul.f32 v7, v14;
	v14 =	vor.u32 v19, v2;
	v7 =	vld.idx.msk [tilespmem:v16+s12+$0x0], $0xffff  }
0x82c: {  	v16 =	vor.u32 v19, v3;
	v19 =	vor.u32 $0x6100, v4;
	v15 =	vld.idx.msk [tilespmem:v15+s11+$0x0], $0xffff  }
0x82d: {  	v5 =	vadd.f32 v6, v5;
	v6 =	vmul.f32 v10, v11;
	v11 =	vor.u32 v19, v2;
	v10 =	vld.idx.msk [tilespmem:v17+s12+$0x0], $0xffff  }
0x82e: {  	v17 =	vor.u32 v19, v3;
	v19 =	vor.u32 $0x6180, v4;
	v12 =	vld.idx.msk [tilespmem:v12+s11+$0x0], $0xffff  }
0x82f: {  	v5 =	vadd.f32 v6, v5;
	v6 =	vmul.f32 v8, v13;
	v13 =	vor.u32 v19, v2;
	v8 =	vld.idx.msk [tilespmem:v18+s12+$0x0], $0xffff  }
0x830: {  	v18 =	vor.u32 v19, v3;
	v19 =	vor.u32 $0x6200, v4;
	v14 =	vld.idx.msk [tilespmem:v14+s11+$0x0], $0xffff  }
0x831: {  	v5 =	vadd.f32 v6, v5;
	v6 =	vmul.f32 v7, v9;
	v9 =	vor.u32 v19, v2;
	v7 =	vld.idx.msk [tilespmem:v16+s12+$0x0], $0xffff  }
0x832: {  	v16 =	vor.u32 v19, v3;
	v19 =	vor.u32 $0x6280, v4;
	v11 =	vld.idx.msk [tilespmem:v11+s11+$0x0], $0xffff  }
0x833: {  	v5 =	vadd.f32 v6, v5;
	v6 =	vmul.f32 v10, v15;
	v15 =	vor.u32 v19, v2;
	v10 =	vld.idx.msk [tilespmem:v17+s12+$0x0], $0xffff  }
0x834: {  	v17 =	vor.u32 v19, v3;
	v19 =	vor.u32 $0x6300, v4;
	v13 =	vld.idx.msk [tilespmem:v13+s11+$0x0], $0xffff  }
0x835: {  	v5 =	vadd.f32 v6, v5;
	v6 =	vmul.f32 v8, v12;
	v12 =	vor.u32 v19, v2;
	v8 =	vld.idx.msk [tilespmem:v18+s12+$0x0], $0xffff  }
0x836: {  	v4 =	vor.u32 $0x6380, v4;
	v18 =	vor.u32 v19, v3;
	v9 =	vld.idx.msk [tilespmem:v9+s11+$0x0], $0xffff  }
0x837: {  	v2 =	vor.u32 v4, v2;
	v5 =	vadd.f32 v6, v5;
	v6 =	vmul.f32 v7, v14;
	v7 =	vld.idx.msk [tilespmem:v16+s12+$0x0], $0xffff  }
0x838: {  	v3 =	vor.u32 v4, v3;
	v14 =	vld.idx.msk [tilespmem:v15+s11+$0x0], $0xffff  }
0x839: {  	v4 =	vadd.f32 v6, v5;
	v5 =	vmul.f32 v10, v11;
	v6 =	vld.idx.msk [tilespmem:v17+s12+$0x0], $0xffff  }
0x83a: {  	v10 =	vld.idx.msk [tilespmem:v12+s11+$0x0], $0xffff  }
0x83b: {  	v4 =	vadd.f32 v5, v4;
	v5 =	vmul.f32 v8, v13;
	v8 =	vld.idx.msk [tilespmem:v18+s12+$0x0], $0xffff  }
0x83c: {  	v2 =	vld.idx.msk [tilespmem:v2+s11+$0x0], $0xffff  }
0x83d: {  	v4 =	vadd.f32 v5, v4;
	v5 =	vmul.f32 v7, v9;
	v3 =	vld.idx.msk [tilespmem:v3+s12+$0x0], $0xffff;
	_ =	sdelay $0x1  }
0x83e: {  	v4 =	vadd.f32 v5, v4;
	v5 =	vmul.f32 v6, v14;
	_ =	sdelay $0x1  }
0x83f: {  	v4 =	vadd.f32 v5, v4;
	v5 =	vmul.f32 v8, v10;
	_ =	sdelay $0x1  }
0x840: {  	v4 =	vadd.f32 v5, v4;
	v2 =	vmul.f32 v3, v2;
	_ =	sdelay $0x1  }
.Ltmp33:
0x841: {  	v2 =	vadd.f32 v2, v4;
	(pc) =	sbr.rel @p0 .LBB2_69-.Ltmp33, $4  }
0x842: {  	s19 =	sadd.s32 $0x10, s19  }
0x843: {  	s20 =	sadd.s32 $0x10, s20;
	[tilespmem:s19+$0x0] =	vst v2  }
0x844: {  	s21 =	sadd.s32 $0x10, s21;
	v2 =	vld [tilespmem:s20+$0x0]  }
0x845: {  	s23 =	sadd.s32 $0x10, s23;
	v3 =	vld [tilespmem:s21+$0x0]  }
0x846: {  	_ = 	snop  }
0x847: {  	v4 =	vmov s22  }
0x848: {  	v4 =	vshll.u32 v4, $0x7  }
0x849: {  	v5 =	vor.u32 v1, v4;
	v2 =	vand.u32 $0xF, v2  }
0x84a: {  	v4 =	vand.u32 $0x1C00, v5;
	v2 =	vor.u32 v0, v2  }
0x84b: {  	v3 =	vand.u32 $0xF, v3;
	v8 =	vor.u32 $0x80, v4;
	v6 =	vor.u32 v4, v2  }
0x84c: {  	v3 =	vor.u32 v0, v3;
	v9 =	vor.u32 v8, v2  }
0x84d: {  	v10 =	vor.u32 $0x100, v4;
	v7 =	vor.u32 v4, v3  }
0x84e: {  	v11 =	vor.u32 v10, v2  }
0x84f: {  	v12 =	vor.u32 $0x180, v4;
	v8 =	vor.u32 v8, v3  }
0x850: {  	v13 =	vor.u32 v12, v2;
	v6 =	vld.idx.msk [tilespmem:v6+s11+$0x0], $0xffff  }
0x851: {  	v14 =	vor.u32 $0x200, v4;
	v10 =	vor.u32 v10, v3;
	v9 =	vld.idx.msk [tilespmem:v9+s11+$0x0], $0xffff  }
0x852: {  	v15 =	vor.u32 v14, v2;
	v7 =	vld.idx.msk [tilespmem:v7+s12+$0x0], $0xffff  }
0x853: {  	v16 =	vor.u32 $0x280, v4;
	v12 =	vor.u32 v12, v3;
	v11 =	vld.idx.msk [tilespmem:v11+s11+$0x0], $0xffff  }
0x854: {  	v17 =	vor.u32 v16, v2;
	v8 =	vld.idx.msk [tilespmem:v8+s12+$0x0], $0xffff  }
0x855: {  	v14 =	vor.u32 v14, v3;
	v13 =	vld.idx.msk [tilespmem:v13+s11+$0x0], $0xffff  }
0x856: {  	v18 =	vor.u32 $0x300, v4;
	v16 =	vor.u32 v16, v3;
	v10 =	vld.idx.msk [tilespmem:v10+s12+$0x0], $0xffff  }
0x857: {  	v24 =	vor.u32 v18, v2;
	v15 =	vld.idx.msk [tilespmem:v15+s11+$0x0], $0xffff;
	v6 =	vmul.f32 v7, v6  }
0x858: {  	v5 =	vor.u32 $0x380, v5;
	v18 =	vor.u32 v18, v3;
	v23 =	vld.idx.msk [tilespmem:v12+s12+$0x0], $0xffff  }
0x859: {  	v26 =	vor.u32 v5, v2;
	v17 =	vld.idx.msk [tilespmem:v17+s11+$0x0], $0xffff;
	v8 =	vmul.f32 v8, v9;
	v6 =	vadd.f32 $0.0e+00, v6  }
0x85a: {  	v19 =	vor.u32 $0x2000, v4;
	v31 =	vor.u32 $0x2080, v4;
	v5 =	vor.u32 v5, v3;
	v25 =	vld.idx.msk [tilespmem:v14+s12+$0x0], $0xffff  }
0x85b: {  	v30 =	vor.u32 v19, v3;
	v28 =	vld.idx.msk [tilespmem:v16+s12+$0x0], $0xffff;
	v27 =	vmul.f32 v10, v11;
	v6 =	vadd.f32 v8, v6  }
0x85c: {  	v35 =	vor.u32 $0x2100, v4;
	v34 =	vor.u32 v31, v3;
	v12 =	vld.idx.msk [tilespmem:v24+s11+$0x0], $0xffff  }
0x85d: {  	v29 =	vor.u32 v19, v2;
	v32 =	vld.idx.msk [tilespmem:v18+s12+$0x0], $0xffff;
	v7 =	vmul.f32 v23, v13;
	v6 =	vadd.f32 v27, v6  }
0x85e: {  	v39 =	vor.u32 $0x2180, v4;
	v38 =	vor.u32 v35, v3;
	v14 =	vld.idx.msk [tilespmem:v26+s11+$0x0], $0xffff  }
0x85f: {  	v33 =	vor.u32 v31, v2;
	v5 =	vld.idx.msk [tilespmem:v5+s12+$0x0], $0xffff;
	v36 =	vmul.f32 v25, v15;
	v6 =	vadd.f32 v7, v6  }
0x860: {  	v42 =	vor.u32 v39, v2;
	v41 =	vld.idx.msk [tilespmem:v30+s12+$0x0], $0xffff  }
0x861: {  	v37 =	vor.u32 v35, v2;
	v46 =	vld.idx.msk [tilespmem:v34+s12+$0x0], $0xffff;
	v40 =	vmul.f32 v28, v17;
	v6 =	vadd.f32 v36, v6  }
0x862: {  	v44 =	vor.u32 $0x2200, v4;
	v49 =	vor.u32 $0x2280, v4;
	v43 =	vor.u32 v39, v3;
	v11 =	vld.idx.msk [tilespmem:v29+s11+$0x0], $0xffff  }
0x863: {  	v48 =	vor.u32 v44, v3;
	v50 =	vld.idx.msk [tilespmem:v38+s12+$0x0], $0xffff;
	v45 =	vmul.f32 v32, v12;
	v6 =	vadd.f32 v40, v6  }
0x864: {  	v52 =	vor.u32 v49, v3;
	v13 =	vld.idx.msk [tilespmem:v33+s11+$0x0], $0xffff  }
0x865: {  	v47 =	vor.u32 v44, v2;
	v16 =	vld.idx.msk [tilespmem:v42+s11+$0x0], $0xffff;
	v5 =	vmul.f32 v5, v14;
	v6 =	vadd.f32 v45, v6  }
0x866: {  	v53 =	vor.u32 $0x2300, v4;
	v58 =	vor.u32 $0x2380, v4;
	v51 =	vor.u32 v49, v2;
	v9 =	vld.idx.msk [tilespmem:v37+s11+$0x0], $0xffff  }
0x867: {  	v62 =	vor.u32 v58, v3;
	v55 =	vld.idx.msk [tilespmem:v43+s12+$0x0], $0xffff;
	v54 =	vmul.f32 v41, v11;
	v5 =	vadd.f32 v5, v6  }
0x868: {  	v56 =	vor.u32 v53, v2;
	v60 =	vld.idx.msk [tilespmem:v48+s12+$0x0], $0xffff  }
0x869: {  	v57 =	vor.u32 v53, v3;
	v22 =	vld.idx.msk [tilespmem:v52+s12+$0x0], $0xffff;
	v59 =	vmul.f32 v46, v13;
	v5 =	vadd.f32 v54, v5  }
0x86a: {  	v61 =	vor.u32 v58, v2;
	v12 =	vld.idx.msk [tilespmem:v47+s11+$0x0], $0xffff  }
0x86b: {  	v63 =	vor.u32 $0x4000, v4;
	v14 =	vld.idx.msk [tilespmem:v51+s11+$0x0], $0xffff;
	v21 =	vmul.f32 v50, v9;
	v5 =	vadd.f32 v59, v5  }
0x86c: {  	v24 =	vor.u32 v63, v3;
	v23 =	vor.u32 v63, v2;
	v32 =	vld.idx.msk [tilespmem:v62+s12+$0x0], $0xffff  }
0x86d: {  	v25 =	vor.u32 $0x4080, v4;
	v26 =	vmul.f32 v55, v16;
	v11 =	vld.idx.msk [tilespmem:v56+s11+$0x0], $0xffff;
	v5 =	vadd.f32 v21, v5  }
0x86e: {  	v30 =	vor.u32 $0x4100, v4;
	v28 =	vor.u32 v25, v2;
	v27 =	vld.idx.msk [tilespmem:v57+s12+$0x0], $0xffff  }
0x86f: {  	v29 =	vor.u32 v25, v3;
	v13 =	vld.idx.msk [tilespmem:v61+s11+$0x0], $0xffff;
	v31 =	vmul.f32 v60, v12;
	v5 =	vadd.f32 v26, v5  }
0x870: {  	v35 =	vor.u32 $0x4180, v4;
	v34 =	vor.u32 v30, v3  }
0x871: {  	v33 =	vor.u32 v30, v2;
	v37 =	vld.idx.msk [tilespmem:v24+s12+$0x0], $0xffff;
	v36 =	vmul.f32 v22, v14;
	v5 =	vadd.f32 v31, v5  }
0x872: {  	v39 =	vor.u32 v35, v3;
	v38 =	vor.u32 v35, v2;
	v9 =	vld.idx.msk [tilespmem:v23+s11+$0x0], $0xffff  }
0x873: {  	v16 =	vld.idx.msk [tilespmem:v28+s11+$0x0], $0xffff;
	v41 =	vmul.f32 v27, v11;
	v40 =	vor.u32 $0x4200, v4;
	v5 =	vadd.f32 v36, v5  }
0x874: {  	v42 =	vld.idx.msk [tilespmem:v29+s12+$0x0], $0xffff;
	v46 =	vmul.f32 v32, v13;
	v43 =	vor.u32 v40, v2  }
0x875: {  	v47 =	vld.idx.msk [tilespmem:v34+s12+$0x0], $0xffff;
	v44 =	vor.u32 v40, v3;
	v45 =	vor.u32 $0x4280, v4;
	v5 =	vadd.f32 v41, v5  }
0x876: {  	v12 =	vld.idx.msk [tilespmem:v33+s11+$0x0], $0xffff;
	v50 =	vor.u32 $0x4300, v4;
	v48 =	vor.u32 v45, v2  }
0x877: {  	v52 =	vld.idx.msk [tilespmem:v39+s12+$0x0], $0xffff;
	v51 =	vmul.f32 v37, v9;
	v49 =	vor.u32 v45, v3;
	v5 =	vadd.f32 v46, v5  }
0x878: {  	v55 =	vor.u32 $0x4380, v4;
	v53 =	vor.u32 v50, v2;
	v14 =	vld.idx.msk [tilespmem:v38+s11+$0x0], $0xffff  }
0x879: {  	v56 =	vmul.f32 v42, v16;
	v54 =	vor.u32 v50, v3;
	v11 =	vld.idx.msk [tilespmem:v43+s11+$0x0], $0xffff;
	v5 =	vadd.f32 v51, v5  }
0x87a: {  	v58 =	vor.u32 v55, v2;
	v60 =	vor.u32 $0x6000, v4;
	v57 =	vld.idx.msk [tilespmem:v44+s12+$0x0], $0xffff  }
0x87b: {  	v61 =	vmul.f32 v47, v12;
	v59 =	vor.u32 v55, v3;
	v13 =	vld.idx.msk [tilespmem:v48+s11+$0x0], $0xffff;
	v5 =	vadd.f32 v56, v5  }
0x87c: {  	v63 =	vor.u32 v60, v2;
	v22 =	vor.u32 $0x6080, v4;
	v62 =	vld.idx.msk [tilespmem:v49+s12+$0x0], $0xffff  }
0x87d: {  	v9 =	vld.idx.msk [tilespmem:v53+s11+$0x0], $0xffff;
	v23 =	vmul.f32 v52, v14;
	v21 =	vor.u32 v60, v3;
	v5 =	vadd.f32 v61, v5  }
0x87e: {  	v25 =	vor.u32 v22, v2;
	v27 =	vor.u32 $0x6100, v4;
	v24 =	vld.idx.msk [tilespmem:v54+s12+$0x0], $0xffff  }
0x87f: {  	v16 =	vld.idx.msk [tilespmem:v58+s11+$0x0], $0xffff;
	v28 =	vmul.f32 v57, v11;
	v26 =	vor.u32 v22, v3;
	v5 =	vadd.f32 v23, v5  }
0x880: {  	v32 =	vor.u32 $0x6180, v4;
	v30 =	vor.u32 v27, v2;
	v29 =	vld.idx.msk [tilespmem:v59+s12+$0x0], $0xffff  }
0x881: {  	v12 =	vld.idx.msk [tilespmem:v63+s11+$0x0], $0xffff;
	v33 =	vmul.f32 v62, v13;
	v31 =	vor.u32 v27, v3;
	v5 =	vadd.f32 v28, v5  }
0x882: {  	v37 =	vor.u32 $0x6200, v4;
	v35 =	vor.u32 v32, v2;
	v34 =	vld.idx.msk [tilespmem:v21+s12+$0x0], $0xffff  }
0x883: {  	v14 =	vld.idx.msk [tilespmem:v25+s11+$0x0], $0xffff;
	v36 =	vor.u32 v32, v3;
	v38 =	vmul.f32 v24, v9;
	v5 =	vadd.f32 v33, v5  }
0x884: {  	v42 =	vor.u32 $0x6280, v4;
	v40 =	vor.u32 v37, v2;
	v39 =	vld.idx.msk [tilespmem:v26+s12+$0x0], $0xffff  }
0x885: {  	v11 =	vld.idx.msk [tilespmem:v30+s11+$0x0], $0xffff;
	v41 =	vor.u32 v37, v3;
	v43 =	vmul.f32 v29, v16;
	v5 =	vadd.f32 v38, v5  }
0x886: {  	v47 =	vor.u32 $0x6300, v4;
	v45 =	vor.u32 v42, v2;
	v44 =	vld.idx.msk [tilespmem:v31+s12+$0x0], $0xffff  }
0x887: {  	v13 =	vld.idx.msk [tilespmem:v35+s11+$0x0], $0xffff;
	v46 =	vor.u32 v42, v3;
	v48 =	vmul.f32 v34, v12;
	v5 =	vadd.f32 v43, v5  }
0x888: {  	v4 =	vor.u32 $0x6380, v4;
	v50 =	vor.u32 v47, v2;
	v49 =	vld.idx.msk [tilespmem:v36+s12+$0x0], $0xffff  }
0x889: {  	v9 =	vld.idx.msk [tilespmem:v40+s11+$0x0], $0xffff;
	v51 =	vor.u32 v47, v3;
	v52 =	vmul.f32 v39, v14;
	v5 =	vadd.f32 v48, v5  }
0x88a: {  	v2 =	vor.u32 v4, v2;
	v53 =	vld.idx.msk [tilespmem:v41+s12+$0x0], $0xffff  }
0x88b: {  	v54 =	vld.idx.msk [tilespmem:v45+s11+$0x0], $0xffff;
	v3 =	vor.u32 v4, v3;
	v56 =	vmul.f32 v44, v11;
	v55 =	vadd.f32 v52, v5  }
0x88c: {  	v57 =	vld.idx.msk [tilespmem:v46+s12+$0x0], $0xffff  }
0x88d: {  	v58 =	vld.idx.msk [tilespmem:v50+s11+$0x0], $0xffff;
	v59 =	vmul.f32 v49, v13;
	v4 =	vadd.f32 v56, v55  }
0x88e: {  	v60 =	vld.idx.msk [tilespmem:v51+s12+$0x0], $0xffff  }
0x88f: {  	v2 =	vld.idx.msk [tilespmem:v2+s11+$0x0], $0xffff;
	v61 =	vmul.f32 v53, v9;
	v4 =	vadd.f32 v59, v4  }
0x890: {  	v3 =	vld.idx.msk [tilespmem:v3+s12+$0x0], $0xffff  }
0x891: {  	v62 =	vmul.f32 v57, v54;
	v4 =	vadd.f32 v61, v4;
	_ =	sdelay $0x1  }
0x892: {  	s18 =	sadd.s32 $0x1, s18;
	v63 =	vmul.f32 v60, v58;
	v4 =	vadd.f32 v62, v4  }
0x893: {  	p0 =	sne.s32 s18, $0x8  }
.Ltmp34:
0x894: {  	v2 =	vmul.f32 v3, v2;
	v4 =	vadd.f32 v63, v4;
	(pc) =	sbr.rel @p0 .LBB2_2-.Ltmp34, $4  }
0x895: {  	_ = 	snop  }
0x896: {  	v2 =	vadd.f32 v2, v4  }
0x897: {  	s19 =	sadd.s32 $0x10, s19  }
0x898: {  	s17 =	sadd.s32 $0x40, s17;
	s15 =	sadd.s32 $0x40, s15;
	s16 =	sadd.s32 $0x40, s16;
	[tilespmem:s19+$0x0] =	vst v2  }
0x899: {  	s14 =	sadd.s32 $0x1, s14  }
0x89a: {  	p0 =	sne.s32 s14, s8  }
.Ltmp35:
0x89b: {  	_ = 	snop;
	(pc) =	sbr.rel @p0 .LBB2_1-.Ltmp35, $4  }
0x89c: {  	[hbm4b:s7+s4] =	stream.linear.scatter [tilespmem:s13], [sflag:$0x2], $0x200, $0x38;
	[tilespmem:$0x10600] =	vst v63  }
0x89d: {  	_ =	swait.ge [sflag:s9], $0x200  }
0x89e: {  	[sflag:s9] =	ssyncset.done $0x0  }
0x89f: {  	[sflag:s9] =	ssyncadd.s32 $0xFFFFFE00  }
0x8a0: {  	_ =	sfence.sel $0x180000  }
0x8a1: {  	[bflag:$0x0] =	sbarrier.arrive $0xFFFF  }
0x8a2: {  	p0 =	sne.s32 s3, $0x0;
	_ =	strace $0x90000047  }
0x8a3: {  	s0 =	sadd.s32 @!p0 $0x100000, s0;
	[bflag:$0x2] =	sbarrier.arrive $0xFFFF  }
0x8a4: {  	[sflag:s0] =	ssyncadd.tile.s32 @!p0 $0x1;
	_ =	shalt  }
.Lfunc_end2:
_tile_overlayer_lowered:
.L_overlay_start_2:
0x8a5: {  	(tag) =	ssettag $0x2  }
0x8a6: {  	s0 =	rddreg [dreg:$0x0];
	s2 =	stileid.u32  }
0x8a7: {  	s1 =	rddreg [dreg:$0x1];
	p0 =	sne.s32 s2, $0x0  }
0x8a8: {  	s3 =	rddreg [dreg:$0x2];
	[bflag:$0x3] =	sbarrier.arrive $0xFFFF;
	s2 =	simm.s32 @!p0 $0x1C02  }
0x8a9: {  	[timem:s3], [sflag:s2] =	dma.local @!p0 [hbm:s0], s1  }
0x8aa: {  	s0 =	simm.s32 @!p0 $0x2  }
0x8ab: {  	_ =	swait.ge @!p0 [sflag:s0], s1  }
0x8ac: {  	s1 =	ssub.s32 @!p0 $0x0, s1;
	[sflag:s0] =	ssyncset.done @!p0 $0x0  }
0x8ad: {  	[sflag:s0] =	ssyncadd.s32 @!p0 s1  }
0x8ae: {  	[bflag:$0x3] =	sbarrier.arrive $0xFFFF  }
0x8af: {  	_ =	shalt  }

</sc_bundles>
